<compile_context>
chip_gen: v7x
topology: tpu7x:2x2x1
jax: 0.10.2.dev20260603
libtpu: 0.0.44.dev20260713+nightly
codegen_flags: <defaults>
</compile_context>

<pallas_src>
import functools
import jax
import jax.numpy as jnp
from jax import lax
from jax.experimental import pallas as pl
from jax.experimental.pallas import tpu as pltpu
from jax.experimental.pallas import tpu_sc as plsc

B, S, D, V = 4096, 200, 128, 100000
NC, NS = 2, 16
NW = NC * NS
RPW = B // NW
NG = (S + 15) // 16
SP = 256
NR = 4
NI = 8

_mesh = plsc.VectorSubcoreMesh(core_axis_name="c", subcore_axis_name="s")

_scratch = (
    [pltpu.VMEM((RPW, D), jnp.float32)]
    + [pltpu.VMEM((SP,), jnp.int32) for _ in range(NI)]
    + [pltpu.VMEM((S, D), jnp.float32) for _ in range(NR)]
    + [pltpu.VMEM((NG * 16,), jnp.float32) for _ in range(NR)]
    + [pltpu.VMEM((SP,), jnp.float32) for _ in range(2)]
    + [pltpu.SemaphoreType.DMA for _ in range(NI + 2 * NR + 2)]
)


@functools.partial(
    pl.kernel,
    out_type=jax.ShapeDtypeStruct((B, SP), jnp.float32),
    mesh=_mesh,
    compiler_params=pltpu.CompilerParams(needs_layout_passes=False),
    scratch_types=_scratch,
)
def _sparse_linear(embed, shortlist, weight, bias, out, emb_c, *bufs):
    ivs = bufs[0:NI]
    rvs = bufs[NI:NI + NR]
    bvs = bufs[NI + NR:NI + 2 * NR]
    ovs = bufs[NI + 2 * NR:NI + 2 * NR + 2]
    sems = bufs[NI + 2 * NR + 2:]
    sis = sems[0:NI]
    sgs = sems[NI:NI + NR]
    sbs = sems[NI + NR:NI + 2 * NR]
    sos = sems[NI + 2 * NR:]

    wid = lax.axis_index("s") * NC + lax.axis_index("c")
    base = wid * RPW
    iota = lax.iota(jnp.int32, 16)
    sidx = [jnp.minimum(iota + 16 * g, S - 1) for g in range(NG)]

    pltpu.sync_copy(embed.at[pl.ds(base, RPW)], emb_c)

    def fire_idx(i, k):
        ii = jnp.minimum(i, RPW - 1)
        pltpu.async_copy(shortlist.at[pl.ds((base + ii) * SP, SP)],
                         ivs[k], sis[k])

    def wait_idx(k):
        pltpu.make_async_copy(shortlist.at[pl.ds(0, SP)], ivs[k],
                              sis[k]).wait()

    def fire_gather(ik, rk):
        idx = ivs[ik].at[pl.ds(0, S)]
        pltpu.async_copy(bias.at[idx], bvs[rk].at[pl.ds(0, S)], sbs[rk])
        pltpu.async_copy(weight.at[idx], rvs[rk], sgs[rk])

    def wait_gather(rk):
        idx = ivs[0].at[pl.ds(0, S)]
        pltpu.make_async_copy(weight.at[idx], rvs[rk], sgs[rk]).wait()
        pltpu.make_async_copy(bias.at[idx], bvs[rk].at[pl.ds(0, S)],
                              sbs[rk]).wait()

    def compute_accs(i, rk):
        accs0 = tuple(bvs[rk][pl.ds(16 * g, 16)] for g in range(NG))
        irow = jnp.full((16,), i, jnp.int32)

        def dstep(d, accs):
            dd = (jnp.full((16,), d, jnp.int32) + iota) & (D - 1)
            e = plsc.load_gather(emb_c, [irow, dd])
            return tuple(a + plsc.load_gather(rvs[rk], [sidx[g], dd]) * e
                         for g, a in enumerate(accs))

        return lax.fori_loop(0, D, dstep, accs0, unroll=2)

    for k in range(NI):
        fire_idx(k, k)
    for k in range(NR - 1):
        wait_idx(k)
        fire_gather(k, k)

    @pl.loop(0, RPW // NI)
    def _oct(j):
        for k in range(NI):
            i = NI * j + k
            rk = k % NR
            ok = k % 2

            wait_gather(rk)
            accs = compute_accs(i, rk)
            fire_idx(i + NI, k)
            wait_idx((k + NR - 1) % NI)
            fire_gather((k + NR - 1) % NI, (k + NR - 1) % NR)

            @pl.when(j > 0)
            def _drain():
                pltpu.make_async_copy(ovs[ok], out.at[base], sos[ok]).wait()

            for g in range(NG):
                ovs[ok][pl.ds(16 * g, 16)] = accs[g]
            pltpu.async_copy(ovs[ok], out.at[base + i], sos[ok])

    for ok in range(2):
        pltpu.make_async_copy(ovs[ok], out.at[base], sos[ok]).wait()
    for k in range(NR - 1):
        wait_gather(k)
    for k in range(NR - 1, NI):
        wait_idx(k)


def kernel(embed, shortlist, weight, bias):
    sl = jnp.pad(shortlist.astype(jnp.int32), ((0, 0), (0, SP - S)))
    out = _sparse_linear(embed, sl.reshape(B * SP), weight, bias.reshape(V))
    return out[:, :S]

# --- scband reference (transcript-rebuilt; emitter-appended) ---
"""Pipeline reference for scband-sparse-linear-38869454029630 (READ-ONLY COPY).

The authoritative reference and input builder live on the scoring server;
editing this copy changes nothing except your own understanding.
"""

import jax, jax.numpy as jnp
import numpy as np
import math

B = 4096
S = 200
D = 128
V = 100000

def setup_inputs(seed: int = 0) -> dict:
    key = jax.random.key(seed)
    k1, k2, k3, k4 = jax.random.split(key, 4)
    embed = jax.random.normal(k1, (B, D), dtype=jnp.float32)
    shortlist = jax.random.randint(k2, (B, S), 0, V, dtype=jnp.int64)
    stdv = 1.0 / math.sqrt(D)
    weight = jax.random.uniform(k3, (V, D), dtype=jnp.float32, minval=-stdv, maxval=stdv)
    bias = jax.random.uniform(k4, (V, 1), dtype=jnp.float32, minval=-stdv, maxval=stdv)
    return {"embed": embed, "shortlist": shortlist, "weight": weight, "bias": bias}

def reference(embed, shortlist, weight, bias):
    # F.embedding(shortlist, weight) -> gather rows: [B, S, D]
    short_weights = jnp.take(weight, shortlist, axis=0)
    # embed.unsqueeze(1) @ short_weights.permute(0, 2, 1): [B,1,D] @ [B,D,S] -> [B,1,S]
    out = jnp.matmul(embed[:, None, :], jnp.transpose(short_weights, (0, 2, 1)))
    # F.embedding(shortlist, bias) -> [B, S, 1]; permute -> [B, 1, S]
    short_bias = jnp.take(bias, shortlist, axis=0)
    out = out + jnp.transpose(short_bias, (0, 2, 1))
    # .squeeze() -> [B, S]
    return jnp.squeeze(out)

if __name__ == "__main__":
    import jax
    _d = setup_inputs()
    print(jax.jit(kernel)(*tuple(_d.values())))

</pallas_src>

<mosaic_0001>
#map = affine_map<(d0, d1) -> (0, 0)>
#map1 = affine_map<(d0, d1) -> (0)>
module attributes {stable_mosaic.version = 14 : i64} {
  func.func @_sparse_linear(%arg0: i32, %arg1: i32, %arg2: memref<4096x128xf32, #tpu.memory_space<hbm>>, %arg3: memref<1048576xi32, #tpu.memory_space<hbm>>, %arg4: memref<100000x128xf32, #tpu.memory_space<hbm>>, %arg5: memref<100000xf32, #tpu.memory_space<hbm>>, %arg6: memref<4096x256xf32, #tpu.memory_space<hbm>>, %arg7: memref<128x128xf32, #tpu.memory_space<vmem>>, %arg8: memref<256xi32, #tpu.memory_space<vmem>>, %arg9: memref<256xi32, #tpu.memory_space<vmem>>, %arg10: memref<256xi32, #tpu.memory_space<vmem>>, %arg11: memref<256xi32, #tpu.memory_space<vmem>>, %arg12: memref<256xi32, #tpu.memory_space<vmem>>, %arg13: memref<256xi32, #tpu.memory_space<vmem>>, %arg14: memref<256xi32, #tpu.memory_space<vmem>>, %arg15: memref<256xi32, #tpu.memory_space<vmem>>, %arg16: memref<200x128xf32, #tpu.memory_space<vmem>>, %arg17: memref<200x128xf32, #tpu.memory_space<vmem>>, %arg18: memref<200x128xf32, #tpu.memory_space<vmem>>, %arg19: memref<200x128xf32, #tpu.memory_space<vmem>>, %arg20: memref<208xf32, #tpu.memory_space<vmem>>, %arg21: memref<208xf32, #tpu.memory_space<vmem>>, %arg22: memref<208xf32, #tpu.memory_space<vmem>>, %arg23: memref<208xf32, #tpu.memory_space<vmem>>, %arg24: memref<256xf32, #tpu.memory_space<vmem>>, %arg25: memref<256xf32, #tpu.memory_space<vmem>>, %arg26: memref<!tpu.dma_semaphore, #tpu.memory_space<semaphore_mem>>, %arg27: memref<!tpu.dma_semaphore, #tpu.memory_space<semaphore_mem>>, %arg28: memref<!tpu.dma_semaphore, #tpu.memory_space<semaphore_mem>>, %arg29: memref<!tpu.dma_semaphore, #tpu.memory_space<semaphore_mem>>, %arg30: memref<!tpu.dma_semaphore, #tpu.memory_space<semaphore_mem>>, %arg31: memref<!tpu.dma_semaphore, #tpu.memory_space<semaphore_mem>>, %arg32: memref<!tpu.dma_semaphore, #tpu.memory_space<semaphore_mem>>, %arg33: memref<!tpu.dma_semaphore, #tpu.memory_space<semaphore_mem>>, %arg34: memref<!tpu.dma_semaphore, #tpu.memory_space<semaphore_mem>>, %arg35: memref<!tpu.dma_semaphore, #tpu.memory_space<semaphore_mem>>, %arg36: memref<!tpu.dma_semaphore, #tpu.memory_space<semaphore_mem>>, %arg37: memref<!tpu.dma_semaphore, #tpu.memory_space<semaphore_mem>>, %arg38: memref<!tpu.dma_semaphore, #tpu.memory_space<semaphore_mem>>, %arg39: memref<!tpu.dma_semaphore, #tpu.memory_space<semaphore_mem>>, %arg40: memref<!tpu.dma_semaphore, #tpu.memory_space<semaphore_mem>>, %arg41: memref<!tpu.dma_semaphore, #tpu.memory_space<semaphore_mem>>, %arg42: memref<!tpu.dma_semaphore, #tpu.memory_space<semaphore_mem>>, %arg43: memref<!tpu.dma_semaphore, #tpu.memory_space<semaphore_mem>>) attributes {dimension_semantics = [#tpu.dimension_semantics<core_parallel>, #tpu.dimension_semantics<subcore_parallel>], iteration_bounds = array<i64: 2, 16>, scalar_prefetch = 0 : i64, scratch_operands = 37 : i64, tpu.core_type = #tpu.core_type<sc_vector_subcore>, window_params = [{transform_indices = #map}, {transform_indices = #map1}, {transform_indices = #map}, {transform_indices = #map1}, {transform_indices = #map}]} {
    %mul3A = arith.constant 2 : i32
    %mul3A_0 = arith.muli %arg1, %mul3A : i32
    %add3A = arith.addi %mul3A_0, %arg0 : i32
    %mul3A_1 = arith.constant 128 : i32
    %mul3A_2 = arith.muli %add3A, %mul3A_1 : i32
    %iota3A = tpu.iota {dimensions = array<i32: 0>} : vector<16xi32>
    %add3A_3 = arith.constant 0 : i32
    %add3A_4 = vector.broadcast %add3A_3 : i32 to vector<16xi32>
    %add3A_5 = arith.addi %iota3A, %add3A_4 : vector<16xi32>
    %min3A = arith.constant 199 : i32
    %min3A_6 = vector.broadcast %min3A : i32 to vector<16xi32>
    %min3A_7 = arith.minsi %add3A_5, %min3A_6 : vector<16xi32>
    %add3A_8 = arith.constant 16 : i32
    %add3A_9 = vector.broadcast %add3A_8 : i32 to vector<16xi32>
    %add3A_10 = arith.addi %iota3A, %add3A_9 : vector<16xi32>
    %min3A_11 = arith.constant 199 : i32
    %min3A_12 = vector.broadcast %min3A_11 : i32 to vector<16xi32>
    %min3A_13 = arith.minsi %add3A_10, %min3A_12 : vector<16xi32>
    %add3A_14 = arith.constant 32 : i32
    %add3A_15 = vector.broadcast %add3A_14 : i32 to vector<16xi32>
    %add3A_16 = arith.addi %iota3A, %add3A_15 : vector<16xi32>
    %min3A_17 = arith.constant 199 : i32
    %min3A_18 = vector.broadcast %min3A_17 : i32 to vector<16xi32>
    %min3A_19 = arith.minsi %add3A_16, %min3A_18 : vector<16xi32>
    %add3A_20 = arith.constant 48 : i32
    %add3A_21 = vector.broadcast %add3A_20 : i32 to vector<16xi32>
    %add3A_22 = arith.addi %iota3A, %add3A_21 : vector<16xi32>
    %min3A_23 = arith.constant 199 : i32
    %min3A_24 = vector.broadcast %min3A_23 : i32 to vector<16xi32>
    %min3A_25 = arith.minsi %add3A_22, %min3A_24 : vector<16xi32>
    %add3A_26 = arith.constant 64 : i32
    %add3A_27 = vector.broadcast %add3A_26 : i32 to vector<16xi32>
    %add3A_28 = arith.addi %iota3A, %add3A_27 : vector<16xi32>
    %min3A_29 = arith.constant 199 : i32
    %min3A_30 = vector.broadcast %min3A_29 : i32 to vector<16xi32>
    %min3A_31 = arith.minsi %add3A_28, %min3A_30 : vector<16xi32>
    %add3A_32 = arith.constant 80 : i32
    %add3A_33 = vector.broadcast %add3A_32 : i32 to vector<16xi32>
    %add3A_34 = arith.addi %iota3A, %add3A_33 : vector<16xi32>
    %min3A_35 = arith.constant 199 : i32
    %min3A_36 = vector.broadcast %min3A_35 : i32 to vector<16xi32>
    %min3A_37 = arith.minsi %add3A_34, %min3A_36 : vector<16xi32>
    %add3A_38 = arith.constant 96 : i32
    %add3A_39 = vector.broadcast %add3A_38 : i32 to vector<16xi32>
    %add3A_40 = arith.addi %iota3A, %add3A_39 : vector<16xi32>
    %min3A_41 = arith.constant 199 : i32
    %min3A_42 = vector.broadcast %min3A_41 : i32 to vector<16xi32>
    %min3A_43 = arith.minsi %add3A_40, %min3A_42 : vector<16xi32>
    %add3A_44 = arith.constant 112 : i32
    %add3A_45 = vector.broadcast %add3A_44 : i32 to vector<16xi32>
    %add3A_46 = arith.addi %iota3A, %add3A_45 : vector<16xi32>
    %min3A_47 = arith.constant 199 : i32
    %min3A_48 = vector.broadcast %min3A_47 : i32 to vector<16xi32>
    %min3A_49 = arith.minsi %add3A_46, %min3A_48 : vector<16xi32>
    %add3A_50 = arith.constant 128 : i32
    %add3A_51 = vector.broadcast %add3A_50 : i32 to vector<16xi32>
    %add3A_52 = arith.addi %iota3A, %add3A_51 : vector<16xi32>
    %min3A_53 = arith.constant 199 : i32
    %min3A_54 = vector.broadcast %min3A_53 : i32 to vector<16xi32>
    %min3A_55 = arith.minsi %add3A_52, %min3A_54 : vector<16xi32>
    %add3A_56 = arith.constant 144 : i32
    %add3A_57 = vector.broadcast %add3A_56 : i32 to vector<16xi32>
    %add3A_58 = arith.addi %iota3A, %add3A_57 : vector<16xi32>
    %min3A_59 = arith.constant 199 : i32
    %min3A_60 = vector.broadcast %min3A_59 : i32 to vector<16xi32>
    %min3A_61 = arith.minsi %add3A_58, %min3A_60 : vector<16xi32>
    %add3A_62 = arith.constant 160 : i32
    %add3A_63 = vector.broadcast %add3A_62 : i32 to vector<16xi32>
    %add3A_64 = arith.addi %iota3A, %add3A_63 : vector<16xi32>
    %min3A_65 = arith.constant 199 : i32
    %min3A_66 = vector.broadcast %min3A_65 : i32 to vector<16xi32>
    %min3A_67 = arith.minsi %add3A_64, %min3A_66 : vector<16xi32>
    %add3A_68 = arith.constant 176 : i32
    %add3A_69 = vector.broadcast %add3A_68 : i32 to vector<16xi32>
    %add3A_70 = arith.addi %iota3A, %add3A_69 : vector<16xi32>
    %min3A_71 = arith.constant 199 : i32
    %min3A_72 = vector.broadcast %min3A_71 : i32 to vector<16xi32>
    %min3A_73 = arith.minsi %add3A_70, %min3A_72 : vector<16xi32>
    %add3A_74 = arith.constant 192 : i32
    %add3A_75 = vector.broadcast %add3A_74 : i32 to vector<16xi32>
    %add3A_76 = arith.addi %iota3A, %add3A_75 : vector<16xi32>
    %min3A_77 = arith.constant 199 : i32
    %min3A_78 = vector.broadcast %min3A_77 : i32 to vector<16xi32>
    %min3A_79 = arith.minsi %add3A_76, %min3A_78 : vector<16xi32>
    "tpu.region"() ({
      %run_scoped3A = tpu.sem_alloc : memref<!tpu.dma_semaphore, #tpu.memory_space<semaphore_mem>>
      %dma_start3A_256 = arith.constant 0 : i32
      %dma_start3A_257 = tpu.memref_slice %arg2[%mul3A_2, %dma_start3A_256] : memref<4096x128xf32, #tpu.memory_space<hbm>> -> memref<128x128xf32, #tpu.memory_space<hbm>>
      %dma_start3A_258 = arith.constant 0 : i32
      %dma_start3A_259 = tpu.memref_slice %arg2[%mul3A_2, %dma_start3A_258] : memref<4096x128xf32, #tpu.memory_space<hbm>> -> memref<128x128xf32, #tpu.memory_space<hbm>>
      tpu.enqueue_dma source(%dma_start3A_259 : memref<128x128xf32, #tpu.memory_space<hbm>>) target(%arg7 : memref<128x128xf32, #tpu.memory_space<vmem>>) target_semaphore(%run_scoped3A : memref<!tpu.dma_semaphore, #tpu.memory_space<semaphore_mem>>)
      %dma_wait3A_260 = arith.constant 0 : i32
      %dma_wait3A_261 = tpu.memref_slice %arg2[%mul3A_2, %dma_wait3A_260] : memref<4096x128xf32, #tpu.memory_space<hbm>> -> memref<128x128xf32, #tpu.memory_space<hbm>>
      %dma_wait3A_262 = arith.constant 0 : i32
      %dma_wait3A_263 = tpu.memref_slice %arg2[%mul3A_2, %dma_wait3A_262] : memref<4096x128xf32, #tpu.memory_space<hbm>> -> memref<128x128xf32, #tpu.memory_space<hbm>>
      tpu.wait_dma2 semaphore(%run_scoped3A : memref<!tpu.dma_semaphore, #tpu.memory_space<semaphore_mem>>) src(%dma_wait3A_263 : memref<128x128xf32, #tpu.memory_space<hbm>>) dst(%arg7 : memref<128x128xf32, #tpu.memory_space<vmem>>)
      tpu.yield
    }) : () -> ()
    %min3A_80 = arith.constant 0 : i32
    %min3A_81 = arith.constant 127 : i32
    %min3A_82 = arith.minsi %min3A_80, %min3A_81 : i32
    %add3A_83 = arith.addi %mul3A_2, %min3A_82 : i32
    %mul3A_84 = arith.constant 256 : i32
    %mul3A_85 = arith.muli %add3A_83, %mul3A_84 : i32
    %dma_start3A = tpu.memref_slice %arg3[%mul3A_85] : memref<1048576xi32, #tpu.memory_space<hbm>> -> memref<256xi32, #tpu.memory_space<hbm>>
    %dma_start3A_86 = tpu.memref_slice %arg3[%mul3A_85] : memref<1048576xi32, #tpu.memory_space<hbm>> -> memref<256xi32, #tpu.memory_space<hbm>>
    tpu.enqueue_dma source(%dma_start3A_86 : memref<256xi32, #tpu.memory_space<hbm>>) target(%arg8 : memref<256xi32, #tpu.memory_space<vmem>>) target_semaphore(%arg26 : memref<!tpu.dma_semaphore, #tpu.memory_space<semaphore_mem>>)
    %min3A_87 = arith.constant 1 : i32
    %min3A_88 = arith.constant 127 : i32
    %min3A_89 = arith.minsi %min3A_87, %min3A_88 : i32
    %add3A_90 = arith.addi %mul3A_2, %min3A_89 : i32
    %mul3A_91 = arith.constant 256 : i32
    %mul3A_92 = arith.muli %add3A_90, %mul3A_91 : i32
    %dma_start3A_93 = tpu.memref_slice %arg3[%mul3A_92] : memref<1048576xi32, #tpu.memory_space<hbm>> -> memref<256xi32, #tpu.memory_space<hbm>>
    %dma_start3A_94 = tpu.memref_slice %arg3[%mul3A_92] : memref<1048576xi32, #tpu.memory_space<hbm>> -> memref<256xi32, #tpu.memory_space<hbm>>
    tpu.enqueue_dma source(%dma_start3A_94 : memref<256xi32, #tpu.memory_space<hbm>>) target(%arg9 : memref<256xi32, #tpu.memory_space<vmem>>) target_semaphore(%arg27 : memref<!tpu.dma_semaphore, #tpu.memory_space<semaphore_mem>>)
    %min3A_95 = arith.constant 2 : i32
    %min3A_96 = arith.constant 127 : i32
    %min3A_97 = arith.minsi %min3A_95, %min3A_96 : i32
    %add3A_98 = arith.addi %mul3A_2, %min3A_97 : i32
    %mul3A_99 = arith.constant 256 : i32
    %mul3A_100 = arith.muli %add3A_98, %mul3A_99 : i32
    %dma_start3A_101 = tpu.memref_slice %arg3[%mul3A_100] : memref<1048576xi32, #tpu.memory_space<hbm>> -> memref<256xi32, #tpu.memory_space<hbm>>
    %dma_start3A_102 = tpu.memref_slice %arg3[%mul3A_100] : memref<1048576xi32, #tpu.memory_space<hbm>> -> memref<256xi32, #tpu.memory_space<hbm>>
    tpu.enqueue_dma source(%dma_start3A_102 : memref<256xi32, #tpu.memory_space<hbm>>) target(%arg10 : memref<256xi32, #tpu.memory_space<vmem>>) target_semaphore(%arg28 : memref<!tpu.dma_semaphore, #tpu.memory_space<semaphore_mem>>)
    %min3A_103 = arith.constant 3 : i32
    %min3A_104 = arith.constant 127 : i32
    %min3A_105 = arith.minsi %min3A_103, %min3A_104 : i32
    %add3A_106 = arith.addi %mul3A_2, %min3A_105 : i32
    %mul3A_107 = arith.constant 256 : i32
    %mul3A_108 = arith.muli %add3A_106, %mul3A_107 : i32
    %dma_start3A_109 = tpu.memref_slice %arg3[%mul3A_108] : memref<1048576xi32, #tpu.memory_space<hbm>> -> memref<256xi32, #tpu.memory_space<hbm>>
    %dma_start3A_110 = tpu.memref_slice %arg3[%mul3A_108] : memref<1048576xi32, #tpu.memory_space<hbm>> -> memref<256xi32, #tpu.memory_space<hbm>>
    tpu.enqueue_dma source(%dma_start3A_110 : memref<256xi32, #tpu.memory_space<hbm>>) target(%arg11 : memref<256xi32, #tpu.memory_space<vmem>>) target_semaphore(%arg29 : memref<!tpu.dma_semaphore, #tpu.memory_space<semaphore_mem>>)
    %min3A_111 = arith.constant 4 : i32
    %min3A_112 = arith.constant 127 : i32
    %min3A_113 = arith.minsi %min3A_111, %min3A_112 : i32
    %add3A_114 = arith.addi %mul3A_2, %min3A_113 : i32
    %mul3A_115 = arith.constant 256 : i32
    %mul3A_116 = arith.muli %add3A_114, %mul3A_115 : i32
    %dma_start3A_117 = tpu.memref_slice %arg3[%mul3A_116] : memref<1048576xi32, #tpu.memory_space<hbm>> -> memref<256xi32, #tpu.memory_space<hbm>>
    %dma_start3A_118 = tpu.memref_slice %arg3[%mul3A_116] : memref<1048576xi32, #tpu.memory_space<hbm>> -> memref<256xi32, #tpu.memory_space<hbm>>
    tpu.enqueue_dma source(%dma_start3A_118 : memref<256xi32, #tpu.memory_space<hbm>>) target(%arg12 : memref<256xi32, #tpu.memory_space<vmem>>) target_semaphore(%arg30 : memref<!tpu.dma_semaphore, #tpu.memory_space<semaphore_mem>>)
    %min3A_119 = arith.constant 5 : i32
    %min3A_120 = arith.constant 127 : i32
    %min3A_121 = arith.minsi %min3A_119, %min3A_120 : i32
    %add3A_122 = arith.addi %mul3A_2, %min3A_121 : i32
    %mul3A_123 = arith.constant 256 : i32
    %mul3A_124 = arith.muli %add3A_122, %mul3A_123 : i32
    %dma_start3A_125 = tpu.memref_slice %arg3[%mul3A_124] : memref<1048576xi32, #tpu.memory_space<hbm>> -> memref<256xi32, #tpu.memory_space<hbm>>
    %dma_start3A_126 = tpu.memref_slice %arg3[%mul3A_124] : memref<1048576xi32, #tpu.memory_space<hbm>> -> memref<256xi32, #tpu.memory_space<hbm>>
    tpu.enqueue_dma source(%dma_start3A_126 : memref<256xi32, #tpu.memory_space<hbm>>) target(%arg13 : memref<256xi32, #tpu.memory_space<vmem>>) target_semaphore(%arg31 : memref<!tpu.dma_semaphore, #tpu.memory_space<semaphore_mem>>)
    %min3A_127 = arith.constant 6 : i32
    %min3A_128 = arith.constant 127 : i32
    %min3A_129 = arith.minsi %min3A_127, %min3A_128 : i32
    %add3A_130 = arith.addi %mul3A_2, %min3A_129 : i32
    %mul3A_131 = arith.constant 256 : i32
    %mul3A_132 = arith.muli %add3A_130, %mul3A_131 : i32
    %dma_start3A_133 = tpu.memref_slice %arg3[%mul3A_132] : memref<1048576xi32, #tpu.memory_space<hbm>> -> memref<256xi32, #tpu.memory_space<hbm>>
    %dma_start3A_134 = tpu.memref_slice %arg3[%mul3A_132] : memref<1048576xi32, #tpu.memory_space<hbm>> -> memref<256xi32, #tpu.memory_space<hbm>>
    tpu.enqueue_dma source(%dma_start3A_134 : memref<256xi32, #tpu.memory_space<hbm>>) target(%arg14 : memref<256xi32, #tpu.memory_space<vmem>>) target_semaphore(%arg32 : memref<!tpu.dma_semaphore, #tpu.memory_space<semaphore_mem>>)
    %min3A_135 = arith.constant 7 : i32
    %min3A_136 = arith.constant 127 : i32
    %min3A_137 = arith.minsi %min3A_135, %min3A_136 : i32
    %add3A_138 = arith.addi %mul3A_2, %min3A_137 : i32
    %mul3A_139 = arith.constant 256 : i32
    %mul3A_140 = arith.muli %add3A_138, %mul3A_139 : i32
    %dma_start3A_141 = tpu.memref_slice %arg3[%mul3A_140] : memref<1048576xi32, #tpu.memory_space<hbm>> -> memref<256xi32, #tpu.memory_space<hbm>>
    %dma_start3A_142 = tpu.memref_slice %arg3[%mul3A_140] : memref<1048576xi32, #tpu.memory_space<hbm>> -> memref<256xi32, #tpu.memory_space<hbm>>
    tpu.enqueue_dma source(%dma_start3A_142 : memref<256xi32, #tpu.memory_space<hbm>>) target(%arg15 : memref<256xi32, #tpu.memory_space<vmem>>) target_semaphore(%arg33 : memref<!tpu.dma_semaphore, #tpu.memory_space<semaphore_mem>>)
    %dma_wait3A = arith.constant 0 : i32
    %dma_wait3A_143 = tpu.memref_slice %arg3[%dma_wait3A] : memref<1048576xi32, #tpu.memory_space<hbm>> -> memref<256xi32, #tpu.memory_space<hbm>>
    %dma_wait3A_144 = arith.constant 0 : i32
    %dma_wait3A_145 = tpu.memref_slice %arg3[%dma_wait3A_144] : memref<1048576xi32, #tpu.memory_space<hbm>> -> memref<256xi32, #tpu.memory_space<hbm>>
    tpu.wait_dma2 semaphore(%arg26 : memref<!tpu.dma_semaphore, #tpu.memory_space<semaphore_mem>>) src(%dma_wait3A_145 : memref<256xi32, #tpu.memory_space<hbm>>) dst(%arg8 : memref<256xi32, #tpu.memory_space<vmem>>)
    %dma_start3A_146 = arith.constant 0 : i32
    %dma_start3A_147 = tpu.memref_slice %arg20[%dma_start3A_146] : memref<208xf32, #tpu.memory_space<vmem>> -> memref<200xf32, #tpu.memory_space<vmem>>
    %dma_start3A_148 = arith.constant 0 : i32
    %dma_start3A_149 = tpu.memref_slice %arg8[%dma_start3A_148] : memref<256xi32, #tpu.memory_space<vmem>> -> memref<200xi32, #tpu.memory_space<vmem>>
    %dma_start3A_150 = arith.constant 0 : i32
    %dma_start3A_151 = tpu.memref_slice %arg5[%dma_start3A_150] : memref<100000xf32, #tpu.memory_space<hbm>> -> memref<100000xf32, #tpu.memory_space<hbm>>
    tpu.enqueue_indirect_dma source(%dma_start3A_151 : memref<100000xf32, #tpu.memory_space<hbm>>) target(%dma_start3A_147 : memref<200xf32, #tpu.memory_space<vmem>>) offsets(%dma_start3A_149 : memref<200xi32, #tpu.memory_space<vmem>>) semaphore(%arg38 : memref<!tpu.dma_semaphore, #tpu.memory_space<semaphore_mem>>)
    %dma_start3A_152 = arith.constant 0 : i32
    %dma_start3A_153 = tpu.memref_slice %arg8[%dma_start3A_152] : memref<256xi32, #tpu.memory_space<vmem>> -> memref<200xi32, #tpu.memory_space<vmem>>
    %dma_start3A_154 = arith.constant 0 : i32
    %dma_start3A_155 = arith.constant 0 : i32
    %dma_start3A_156 = tpu.memref_slice %arg4[%dma_start3A_154, %dma_start3A_155] : memref<100000x128xf32, #tpu.memory_space<hbm>> -> memref<100000x128xf32, #tpu.memory_space<hbm>>
    tpu.enqueue_indirect_dma source(%dma_start3A_156 : memref<100000x128xf32, #tpu.memory_space<hbm>>) target(%arg16 : memref<200x128xf32, #tpu.memory_space<vmem>>) offsets(%dma_start3A_153 : memref<200xi32, #tpu.memory_space<vmem>>) semaphore(%arg34 : memref<!tpu.dma_semaphore, #tpu.memory_space<semaphore_mem>>)
    %dma_wait3A_157 = arith.constant 0 : i32
    %dma_wait3A_158 = tpu.memref_slice %arg3[%dma_wait3A_157] : memref<1048576xi32, #tpu.memory_space<hbm>> -> memref<256xi32, #tpu.memory_space<hbm>>
    %dma_wait3A_159 = arith.constant 0 : i32
    %dma_wait3A_160 = tpu.memref_slice %arg3[%dma_wait3A_159] : memref<1048576xi32, #tpu.memory_space<hbm>> -> memref<256xi32, #tpu.memory_space<hbm>>
    tpu.wait_dma2 semaphore(%arg27 : memref<!tpu.dma_semaphore, #tpu.memory_space<semaphore_mem>>) src(%dma_wait3A_160 : memref<256xi32, #tpu.memory_space<hbm>>) dst(%arg9 : memref<256xi32, #tpu.memory_space<vmem>>)
    %dma_start3A_161 = arith.constant 0 : i32
    %dma_start3A_162 = tpu.memref_slice %arg21[%dma_start3A_161] : memref<208xf32, #tpu.memory_space<vmem>> -> memref<200xf32, #tpu.memory_space<vmem>>
    %dma_start3A_163 = arith.constant 0 : i32
    %dma_start3A_164 = tpu.memref_slice %arg9[%dma_start3A_163] : memref<256xi32, #tpu.memory_space<vmem>> -> memref<200xi32, #tpu.memory_space<vmem>>
    %dma_start3A_165 = arith.constant 0 : i32
    %dma_start3A_166 = tpu.memref_slice %arg5[%dma_start3A_165] : memref<100000xf32, #tpu.memory_space<hbm>> -> memref<100000xf32, #tpu.memory_space<hbm>>
    tpu.enqueue_indirect_dma source(%dma_start3A_166 : memref<100000xf32, #tpu.memory_space<hbm>>) target(%dma_start3A_162 : memref<200xf32, #tpu.memory_space<vmem>>) offsets(%dma_start3A_164 : memref<200xi32, #tpu.memory_space<vmem>>) semaphore(%arg39 : memref<!tpu.dma_semaphore, #tpu.memory_space<semaphore_mem>>)
    %dma_start3A_167 = arith.constant 0 : i32
    %dma_start3A_168 = tpu.memref_slice %arg9[%dma_start3A_167] : memref<256xi32, #tpu.memory_space<vmem>> -> memref<200xi32, #tpu.memory_space<vmem>>
    %dma_start3A_169 = arith.constant 0 : i32
    %dma_start3A_170 = arith.constant 0 : i32
    %dma_start3A_171 = tpu.memref_slice %arg4[%dma_start3A_169, %dma_start3A_170] : memref<100000x128xf32, #tpu.memory_space<hbm>> -> memref<100000x128xf32, #tpu.memory_space<hbm>>
    tpu.enqueue_indirect_dma source(%dma_start3A_171 : memref<100000x128xf32, #tpu.memory_space<hbm>>) target(%arg17 : memref<200x128xf32, #tpu.memory_space<vmem>>) offsets(%dma_start3A_168 : memref<200xi32, #tpu.memory_space<vmem>>) semaphore(%arg35 : memref<!tpu.dma_semaphore, #tpu.memory_space<semaphore_mem>>)
    %dma_wait3A_172 = arith.constant 0 : i32
    %dma_wait3A_173 = tpu.memref_slice %arg3[%dma_wait3A_172] : memref<1048576xi32, #tpu.memory_space<hbm>> -> memref<256xi32, #tpu.memory_space<hbm>>
    %dma_wait3A_174 = arith.constant 0 : i32
    %dma_wait3A_175 = tpu.memref_slice %arg3[%dma_wait3A_174] : memref<1048576xi32, #tpu.memory_space<hbm>> -> memref<256xi32, #tpu.memory_space<hbm>>
    tpu.wait_dma2 semaphore(%arg28 : memref<!tpu.dma_semaphore, #tpu.memory_space<semaphore_mem>>) src(%dma_wait3A_175 : memref<256xi32, #tpu.memory_space<hbm>>) dst(%arg10 : memref<256xi32, #tpu.memory_space<vmem>>)
    %dma_start3A_176 = arith.constant 0 : i32
    %dma_start3A_177 = tpu.memref_slice %arg22[%dma_start3A_176] : memref<208xf32, #tpu.memory_space<vmem>> -> memref<200xf32, #tpu.memory_space<vmem>>
    %dma_start3A_178 = arith.constant 0 : i32
    %dma_start3A_179 = tpu.memref_slice %arg10[%dma_start3A_178] : memref<256xi32, #tpu.memory_space<vmem>> -> memref<200xi32, #tpu.memory_space<vmem>>
    %dma_start3A_180 = arith.constant 0 : i32
    %dma_start3A_181 = tpu.memref_slice %arg5[%dma_start3A_180] : memref<100000xf32, #tpu.memory_space<hbm>> -> memref<100000xf32, #tpu.memory_space<hbm>>
    tpu.enqueue_indirect_dma source(%dma_start3A_181 : memref<100000xf32, #tpu.memory_space<hbm>>) target(%dma_start3A_177 : memref<200xf32, #tpu.memory_space<vmem>>) offsets(%dma_start3A_179 : memref<200xi32, #tpu.memory_space<vmem>>) semaphore(%arg40 : memref<!tpu.dma_semaphore, #tpu.memory_space<semaphore_mem>>)
    %dma_start3A_182 = arith.constant 0 : i32
    %dma_start3A_183 = tpu.memref_slice %arg10[%dma_start3A_182] : memref<256xi32, #tpu.memory_space<vmem>> -> memref<200xi32, #tpu.memory_space<vmem>>
    %dma_start3A_184 = arith.constant 0 : i32
    %dma_start3A_185 = arith.constant 0 : i32
    %dma_start3A_186 = tpu.memref_slice %arg4[%dma_start3A_184, %dma_start3A_185] : memref<100000x128xf32, #tpu.memory_space<hbm>> -> memref<100000x128xf32, #tpu.memory_space<hbm>>
    tpu.enqueue_indirect_dma source(%dma_start3A_186 : memref<100000x128xf32, #tpu.memory_space<hbm>>) target(%arg18 : memref<200x128xf32, #tpu.memory_space<vmem>>) offsets(%dma_start3A_183 : memref<200xi32, #tpu.memory_space<vmem>>) semaphore(%arg36 : memref<!tpu.dma_semaphore, #tpu.memory_space<semaphore_mem>>)
    %scan3A = arith.constant 0 : i32
    %scan3A_187 = arith.constant 16 : i32
    %scan3A_188 = arith.addi %scan3A, %scan3A_187 : i32
    %scan3A_189 = arith.constant 1 : i32
    scf.for %scan3A_256 = %scan3A to %scan3A_188 step %scan3A_189  : i32 {
      %mul3A_257 = arith.constant 1 : i32
      %mul3A_258 = arith.muli %scan3A_256, %mul3A_257 : i32
      %add3A_259 = arith.constant 0 : i32
      %add3A_260 = arith.addi %add3A_259, %mul3A_258 : i32
      %mul3A_261 = arith.constant 8 : i32
      %mul3A_262 = arith.muli %mul3A_261, %add3A_260 : i32
      %add3A_263 = arith.constant 0 : i32
      %add3A_264 = arith.addi %mul3A_262, %add3A_263 : i32
      %dma_wait3A_265 = arith.constant 0 : i32
      %dma_wait3A_266 = tpu.memref_slice %arg8[%dma_wait3A_265] : memref<256xi32, #tpu.memory_space<vmem>> -> memref<200xi32, #tpu.memory_space<vmem>>
      %dma_wait3A_267 = arith.constant 0 : i32
      %dma_wait3A_268 = arith.constant 0 : i32
      %dma_wait3A_269 = tpu.memref_slice %arg4[%dma_wait3A_267, %dma_wait3A_268] : memref<100000x128xf32, #tpu.memory_space<hbm>> -> memref<100000x128xf32, #tpu.memory_space<hbm>>
      tpu.wait_indirect_dma semaphore(%arg34 : memref<!tpu.dma_semaphore, #tpu.memory_space<semaphore_mem>>) src(%dma_wait3A_269 : memref<100000x128xf32, #tpu.memory_space<hbm>>) dst(%arg16 : memref<200x128xf32, #tpu.memory_space<vmem>>)
      %dma_wait3A_270 = arith.constant 0 : i32
      %dma_wait3A_271 = tpu.memref_slice %arg20[%dma_wait3A_270] : memref<208xf32, #tpu.memory_space<vmem>> -> memref<200xf32, #tpu.memory_space<vmem>>
      %dma_wait3A_272 = arith.constant 0 : i32
      %dma_wait3A_273 = tpu.memref_slice %arg8[%dma_wait3A_272] : memref<256xi32, #tpu.memory_space<vmem>> -> memref<200xi32, #tpu.memory_space<vmem>>
      %dma_wait3A_274 = arith.constant 0 : i32
      %dma_wait3A_275 = tpu.memref_slice %arg5[%dma_wait3A_274] : memref<100000xf32, #tpu.memory_space<hbm>> -> memref<100000xf32, #tpu.memory_space<hbm>>
      tpu.wait_indirect_dma semaphore(%arg38 : memref<!tpu.dma_semaphore, #tpu.memory_space<semaphore_mem>>) src(%dma_wait3A_275 : memref<100000xf32, #tpu.memory_space<hbm>>) dst(%dma_wait3A_271 : memref<200xf32, #tpu.memory_space<vmem>>)
      %get3A = arith.constant 0 : index
      %get3A_276 = tpu.vector_load %arg20[%get3A] {strides = array<i32>} : memref<208xf32, #tpu.memory_space<vmem>>, vector<16xf32>,
      %get3A_277 = arith.constant 16 : index
      %get3A_278 = tpu.vector_load %arg20[%get3A_277] {strides = array<i32>} : memref<208xf32, #tpu.memory_space<vmem>>, vector<16xf32>,
      %get3A_279 = arith.constant 32 : index
      %get3A_280 = tpu.vector_load %arg20[%get3A_279] {strides = array<i32>} : memref<208xf32, #tpu.memory_space<vmem>>, vector<16xf32>,
      %get3A_281 = arith.constant 48 : index
      %get3A_282 = tpu.vector_load %arg20[%get3A_281] {strides = array<i32>} : memref<208xf32, #tpu.memory_space<vmem>>, vector<16xf32>,
      %get3A_283 = arith.constant 64 : index
      %get3A_284 = tpu.vector_load %arg20[%get3A_283] {strides = array<i32>} : memref<208xf32, #tpu.memory_space<vmem>>, vector<16xf32>,
      %get3A_285 = arith.constant 80 : index
      %get3A_286 = tpu.vector_load %arg20[%get3A_285] {strides = array<i32>} : memref<208xf32, #tpu.memory_space<vmem>>, vector<16xf32>,
      %get3A_287 = arith.constant 96 : index
      %get3A_288 = tpu.vector_load %arg20[%get3A_287] {strides = array<i32>} : memref<208xf32, #tpu.memory_space<vmem>>, vector<16xf32>,
      %get3A_289 = arith.constant 112 : index
      %get3A_290 = tpu.vector_load %arg20[%get3A_289] {strides = array<i32>} : memref<208xf32, #tpu.memory_space<vmem>>, vector<16xf32>,
      %get3A_291 = arith.constant 128 : index
      %get3A_292 = tpu.vector_load %arg20[%get3A_291] {strides = array<i32>} : memref<208xf32, #tpu.memory_space<vmem>>, vector<16xf32>,
      %get3A_293 = arith.constant 144 : index
      %get3A_294 = tpu.vector_load %arg20[%get3A_293] {strides = array<i32>} : memref<208xf32, #tpu.memory_space<vmem>>, vector<16xf32>,
      %get3A_295 = arith.constant 160 : index
      %get3A_296 = tpu.vector_load %arg20[%get3A_295] {strides = array<i32>} : memref<208xf32, #tpu.memory_space<vmem>>, vector<16xf32>,
      %get3A_297 = arith.constant 176 : index
      %get3A_298 = tpu.vector_load %arg20[%get3A_297] {strides = array<i32>} : memref<208xf32, #tpu.memory_space<vmem>>, vector<16xf32>,
      %get3A_299 = arith.constant 192 : index
      %get3A_300 = tpu.vector_load %arg20[%get3A_299] {strides = array<i32>} : memref<208xf32, #tpu.memory_space<vmem>>, vector<16xf32>,
      %broadcast_in_dim3A = vector.broadcast %add3A_264 : i32 to vector<16xi32>
      %scan3A_301 = arith.constant 0 : i32
      %scan3A_302 = arith.constant 128 : i32
      %scan3A_303 = arith.addi %scan3A_301, %scan3A_302 : i32
      %scan3A_304 = arith.constant 2 : i32
      %scan3A_305:13 = scf.for %scan3A_1135 = %scan3A_301 to %scan3A_303 step %scan3A_304 iter_args(%scan3A_1136 = %get3A_276, %scan3A_1137 = %get3A_278, %scan3A_1138 = %get3A_280, %scan3A_1139 = %get3A_282, %scan3A_1140 = %get3A_284, %scan3A_1141 = %get3A_286, %scan3A_1142 = %get3A_288, %scan3A_1143 = %get3A_290, %scan3A_1144 = %get3A_292, %scan3A_1145 = %get3A_294, %scan3A_1146 = %get3A_296, %scan3A_1147 = %get3A_298, %scan3A_1148 = %get3A_300) -> (vector<16xf32>, vector<16xf32>, vector<16xf32>, vector<16xf32>, vector<16xf32>, vector<16xf32>, vector<16xf32>, vector<16xf32>, vector<16xf32>, vector<16xf32>, vector<16xf32>, vector<16xf32>, vector<16xf32>)  : i32 {
        %broadcast_in_dim3A_1149 = vector.broadcast %scan3A_1135 : i32 to vector<16xi32>
        %add3A_1150 = arith.addi %broadcast_in_dim3A_1149, %iota3A : vector<16xi32>
        %and3A = arith.constant 127 : i32
        %and3A_1151 = vector.broadcast %and3A : i32 to vector<16xi32>
        %and3A_1152 = arith.andi %add3A_1150, %and3A_1151 : vector<16xi32>
        %gather3A = tpu.vector_load_idx %arg7[%broadcast_in_dim3A, %and3A_1152] : memref<128x128xf32, #tpu.memory_space<vmem>>[vector<16xi32>, vector<16xi32>], vector<16xf32>,
        %gather3A_1153 = tpu.vector_load_idx %arg16[%min3A_7, %and3A_1152] : memref<200x128xf32, #tpu.memory_space<vmem>>[vector<16xi32>, vector<16xi32>], vector<16xf32>,
        %mul3A_1154 = arith.mulf %gather3A_1153, %gather3A : vector<16xf32>
        %add3A_1155 = arith.addf %scan3A_1136, %mul3A_1154 : vector<16xf32>
        %gather3A_1156 = tpu.vector_load_idx %arg16[%min3A_13, %and3A_1152] : memref<200x128xf32, #tpu.memory_space<vmem>>[vector<16xi32>, vector<16xi32>], vector<16xf32>,
        %mul3A_1157 = arith.mulf %gather3A_1156, %gather3A : vector<16xf32>
        %add3A_1158 = arith.addf %scan3A_1137, %mul3A_1157 : vector<16xf32>
        %gather3A_1159 = tpu.vector_load_idx %arg16[%min3A_19, %and3A_1152] : memref<200x128xf32, #tpu.memory_space<vmem>>[vector<16xi32>, vector<16xi32>], vector<16xf32>,
        %mul3A_1160 = arith.mulf %gather3A_1159, %gather3A : vector<16xf32>
        %add3A_1161 = arith.addf %scan3A_1138, %mul3A_1160 : vector<16xf32>
        %gather3A_1162 = tpu.vector_load_idx %arg16[%min3A_25, %and3A_1152] : memref<200x128xf32, #tpu.memory_space<vmem>>[vector<16xi32>, vector<16xi32>], vector<16xf32>,
        %mul3A_1163 = arith.mulf %gather3A_1162, %gather3A : vector<16xf32>
        %add3A_1164 = arith.addf %scan3A_1139, %mul3A_1163 : vector<16xf32>
        %gather3A_1165 = tpu.vector_load_idx %arg16[%min3A_31, %and3A_1152] : memref<200x128xf32, #tpu.memory_space<vmem>>[vector<16xi32>, vector<16xi32>], vector<16xf32>,
        %mul3A_1166 = arith.mulf %gather3A_1165, %gather3A : vector<16xf32>
        %add3A_1167 = arith.addf %scan3A_1140, %mul3A_1166 : vector<16xf32>
        %gather3A_1168 = tpu.vector_load_idx %arg16[%min3A_37, %and3A_1152] : memref<200x128xf32, #tpu.memory_space<vmem>>[vector<16xi32>, vector<16xi32>], vector<16xf32>,
        %mul3A_1169 = arith.mulf %gather3A_1168, %gather3A : vector<16xf32>
        %add3A_1170 = arith.addf %scan3A_1141, %mul3A_1169 : vector<16xf32>
        %gather3A_1171 = tpu.vector_load_idx %arg16[%min3A_43, %and3A_1152] : memref<200x128xf32, #tpu.memory_space<vmem>>[vector<16xi32>, vector<16xi32>], vector<16xf32>,
        %mul3A_1172 = arith.mulf %gather3A_1171, %gather3A : vector<16xf32>
        %add3A_1173 = arith.addf %scan3A_1142, %mul3A_1172 : vector<16xf32>
        %gather3A_1174 = tpu.vector_load_idx %arg16[%min3A_49, %and3A_1152] : memref<200x128xf32, #tpu.memory_space<vmem>>[vector<16xi32>, vector<16xi32>], vector<16xf32>,
        %mul3A_1175 = arith.mulf %gather3A_1174, %gather3A : vector<16xf32>
        %add3A_1176 = arith.addf %scan3A_1143, %mul3A_1175 : vector<16xf32>
        %gather3A_1177 = tpu.vector_load_idx %arg16[%min3A_55, %and3A_1152] : memref<200x128xf32, #tpu.memory_space<vmem>>[vector<16xi32>, vector<16xi32>], vector<16xf32>,
        %mul3A_1178 = arith.mulf %gather3A_1177, %gather3A : vector<16xf32>
        %add3A_1179 = arith.addf %scan3A_1144, %mul3A_1178 : vector<16xf32>
        %gather3A_1180 = tpu.vector_load_idx %arg16[%min3A_61, %and3A_1152] : memref<200x128xf32, #tpu.memory_space<vmem>>[vector<16xi32>, vector<16xi32>], vector<16xf32>,
        %mul3A_1181 = arith.mulf %gather3A_1180, %gather3A : vector<16xf32>
        %add3A_1182 = arith.addf %scan3A_1145, %mul3A_1181 : vector<16xf32>
        %gather3A_1183 = tpu.vector_load_idx %arg16[%min3A_67, %and3A_1152] : memref<200x128xf32, #tpu.memory_space<vmem>>[vector<16xi32>, vector<16xi32>], vector<16xf32>,
        %mul3A_1184 = arith.mulf %gather3A_1183, %gather3A : vector<16xf32>
        %add3A_1185 = arith.addf %scan3A_1146, %mul3A_1184 : vector<16xf32>
        %gather3A_1186 = tpu.vector_load_idx %arg16[%min3A_73, %and3A_1152] : memref<200x128xf32, #tpu.memory_space<vmem>>[vector<16xi32>, vector<16xi32>], vector<16xf32>,
        %mul3A_1187 = arith.mulf %gather3A_1186, %gather3A : vector<16xf32>
        %add3A_1188 = arith.addf %scan3A_1147, %mul3A_1187 : vector<16xf32>
        %gather3A_1189 = tpu.vector_load_idx %arg16[%min3A_79, %and3A_1152] : memref<200x128xf32, #tpu.memory_space<vmem>>[vector<16xi32>, vector<16xi32>], vector<16xf32>,
        %mul3A_1190 = arith.mulf %gather3A_1189, %gather3A : vector<16xf32>
        %add3A_1191 = arith.addf %scan3A_1148, %mul3A_1190 : vector<16xf32>
        %scan3A_1192 = arith.constant 1 : i32
        %scan3A_1193 = arith.addi %scan3A_1135, %scan3A_1192 : i32
        %broadcast_in_dim3A_1194 = vector.broadcast %scan3A_1193 : i32 to vector<16xi32>
        %add3A_1195 = arith.addi %broadcast_in_dim3A_1194, %iota3A : vector<16xi32>
        %and3A_1196 = arith.constant 127 : i32
        %and3A_1197 = vector.broadcast %and3A_1196 : i32 to vector<16xi32>
        %and3A_1198 = arith.andi %add3A_1195, %and3A_1197 : vector<16xi32>
        %gather3A_1199 = tpu.vector_load_idx %arg7[%broadcast_in_dim3A, %and3A_1198] : memref<128x128xf32, #tpu.memory_space<vmem>>[vector<16xi32>, vector<16xi32>], vector<16xf32>,
        %gather3A_1200 = tpu.vector_load_idx %arg16[%min3A_7, %and3A_1198] : memref<200x128xf32, #tpu.memory_space<vmem>>[vector<16xi32>, vector<16xi32>], vector<16xf32>,
        %mul3A_1201 = arith.mulf %gather3A_1200, %gather3A_1199 : vector<16xf32>
        %add3A_1202 = arith.addf %add3A_1155, %mul3A_1201 : vector<16xf32>
        %gather3A_1203 = tpu.vector_load_idx %arg16[%min3A_13, %and3A_1198] : memref<200x128xf32, #tpu.memory_space<vmem>>[vector<16xi32>, vector<16xi32>], vector<16xf32>,
        %mul3A_1204 = arith.mulf %gather3A_1203, %gather3A_1199 : vector<16xf32>
        %add3A_1205 = arith.addf %add3A_1158, %mul3A_1204 : vector<16xf32>
        %gather3A_1206 = tpu.vector_load_idx %arg16[%min3A_19, %and3A_1198] : memref<200x128xf32, #tpu.memory_space<vmem>>[vector<16xi32>, vector<16xi32>], vector<16xf32>,
        %mul3A_1207 = arith.mulf %gather3A_1206, %gather3A_1199 : vector<16xf32>
        %add3A_1208 = arith.addf %add3A_1161, %mul3A_1207 : vector<16xf32>
        %gather3A_1209 = tpu.vector_load_idx %arg16[%min3A_25, %and3A_1198] : memref<200x128xf32, #tpu.memory_space<vmem>>[vector<16xi32>, vector<16xi32>], vector<16xf32>,
        %mul3A_1210 = arith.mulf %gather3A_1209, %gather3A_1199 : vector<16xf32>
        %add3A_1211 = arith.addf %add3A_1164, %mul3A_1210 : vector<16xf32>
        %gather3A_1212 = tpu.vector_load_idx %arg16[%min3A_31, %and3A_1198] : memref<200x128xf32, #tpu.memory_space<vmem>>[vector<16xi32>, vector<16xi32>], vector<16xf32>,
        %mul3A_1213 = arith.mulf %gather3A_1212, %gather3A_1199 : vector<16xf32>
        %add3A_1214 = arith.addf %add3A_1167, %mul3A_1213 : vector<16xf32>
        %gather3A_1215 = tpu.vector_load_idx %arg16[%min3A_37, %and3A_1198] : memref<200x128xf32, #tpu.memory_space<vmem>>[vector<16xi32>, vector<16xi32>], vector<16xf32>,
        %mul3A_1216 = arith.mulf %gather3A_1215, %gather3A_1199 : vector<16xf32>
        %add3A_1217 = arith.addf %add3A_1170, %mul3A_1216 : vector<16xf32>
        %gather3A_1218 = tpu.vector_load_idx %arg16[%min3A_43, %and3A_1198] : memref<200x128xf32, #tpu.memory_space<vmem>>[vector<16xi32>, vector<16xi32>], vector<16xf32>,
        %mul3A_1219 = arith.mulf %gather3A_1218, %gather3A_1199 : vector<16xf32>
        %add3A_1220 = arith.addf %add3A_1173, %mul3A_1219 : vector<16xf32>
        %gather3A_1221 = tpu.vector_load_idx %arg16[%min3A_49, %and3A_1198] : memref<200x128xf32, #tpu.memory_space<vmem>>[vector<16xi32>, vector<16xi32>], vector<16xf32>,
        %mul3A_1222 = arith.mulf %gather3A_1221, %gather3A_1199 : vector<16xf32>
        %add3A_1223 = arith.addf %add3A_1176, %mul3A_1222 : vector<16xf32>
        %gather3A_1224 = tpu.vector_load_idx %arg16[%min3A_55, %and3A_1198] : memref<200x128xf32, #tpu.memory_space<vmem>>[vector<16xi32>, vector<16xi32>], vector<16xf32>,
        %mul3A_1225 = arith.mulf %gather3A_1224, %gather3A_1199 : vector<16xf32>
        %add3A_1226 = arith.addf %add3A_1179, %mul3A_1225 : vector<16xf32>
        %gather3A_1227 = tpu.vector_load_idx %arg16[%min3A_61, %and3A_1198] : memref<200x128xf32, #tpu.memory_space<vmem>>[vector<16xi32>, vector<16xi32>], vector<16xf32>,
        %mul3A_1228 = arith.mulf %gather3A_1227, %gather3A_1199 : vector<16xf32>
        %add3A_1229 = arith.addf %add3A_1182, %mul3A_1228 : vector<16xf32>
        %gather3A_1230 = tpu.vector_load_idx %arg16[%min3A_67, %and3A_1198] : memref<200x128xf32, #tpu.memory_space<vmem>>[vector<16xi32>, vector<16xi32>], vector<16xf32>,
        %mul3A_1231 = arith.mulf %gather3A_1230, %gather3A_1199 : vector<16xf32>
        %add3A_1232 = arith.addf %add3A_1185, %mul3A_1231 : vector<16xf32>
        %gather3A_1233 = tpu.vector_load_idx %arg16[%min3A_73, %and3A_1198] : memref<200x128xf32, #tpu.memory_space<vmem>>[vector<16xi32>, vector<16xi32>], vector<16xf32>,
        %mul3A_1234 = arith.mulf %gather3A_1233, %gather3A_1199 : vector<16xf32>
        %add3A_1235 = arith.addf %add3A_1188, %mul3A_1234 : vector<16xf32>
        %gather3A_1236 = tpu.vector_load_idx %arg16[%min3A_79, %and3A_1198] : memref<200x128xf32, #tpu.memory_space<vmem>>[vector<16xi32>, vector<16xi32>], vector<16xf32>,
        %mul3A_1237 = arith.mulf %gather3A_1236, %gather3A_1199 : vector<16xf32>
        %add3A_1238 = arith.addf %add3A_1191, %mul3A_1237 : vector<16xf32>
        scf.yield %add3A_1202, %add3A_1205, %add3A_1208, %add3A_1211, %add3A_1214, %add3A_1217, %add3A_1220, %add3A_1223, %add3A_1226, %add3A_1229, %add3A_1232, %add3A_1235, %add3A_1238 : vector<16xf32>, vector<16xf32>, vector<16xf32>, vector<16xf32>, vector<16xf32>, vector<16xf32>, vector<16xf32>, vector<16xf32>, vector<16xf32>, vector<16xf32>, vector<16xf32>, vector<16xf32>, vector<16xf32>
      }
      %scan3A_306 = arith.constant 128 : i32
      %add3A_307 = arith.constant 8 : i32
      %add3A_308 = arith.addi %add3A_264, %add3A_307 : i32
      %min3A_309 = arith.constant 127 : i32
      %min3A_310 = arith.minsi %add3A_308, %min3A_309 : i32
      %add3A_311 = arith.addi %mul3A_2, %min3A_310 : i32
      %mul3A_312 = arith.constant 256 : i32
      %mul3A_313 = arith.muli %add3A_311, %mul3A_312 : i32
      %dma_start3A_314 = tpu.memref_slice %arg3[%mul3A_313] : memref<1048576xi32, #tpu.memory_space<hbm>> -> memref<256xi32, #tpu.memory_space<hbm>>
      %dma_start3A_315 = tpu.memref_slice %arg3[%mul3A_313] : memref<1048576xi32, #tpu.memory_space<hbm>> -> memref<256xi32, #tpu.memory_space<hbm>>
      tpu.enqueue_dma source(%dma_start3A_315 : memref<256xi32, #tpu.memory_space<hbm>>) target(%arg8 : memref<256xi32, #tpu.memory_space<vmem>>) target_semaphore(%arg26 : memref<!tpu.dma_semaphore, #tpu.memory_space<semaphore_mem>>)
      %dma_wait3A_316 = arith.constant 0 : i32
      %dma_wait3A_317 = tpu.memref_slice %arg3[%dma_wait3A_316] : memref<1048576xi32, #tpu.memory_space<hbm>> -> memref<256xi32, #tpu.memory_space<hbm>>
      %dma_wait3A_318 = arith.constant 0 : i32
      %dma_wait3A_319 = tpu.memref_slice %arg3[%dma_wait3A_318] : memref<1048576xi32, #tpu.memory_space<hbm>> -> memref<256xi32, #tpu.memory_space<hbm>>
      tpu.wait_dma2 semaphore(%arg29 : memref<!tpu.dma_semaphore, #tpu.memory_space<semaphore_mem>>) src(%dma_wait3A_319 : memref<256xi32, #tpu.memory_space<hbm>>) dst(%arg11 : memref<256xi32, #tpu.memory_space<vmem>>)
      %dma_start3A_320 = arith.constant 0 : i32
      %dma_start3A_321 = tpu.memref_slice %arg23[%dma_start3A_320] : memref<208xf32, #tpu.memory_space<vmem>> -> memref<200xf32, #tpu.memory_space<vmem>>
      %dma_start3A_322 = arith.constant 0 : i32
      %dma_start3A_323 = tpu.memref_slice %arg11[%dma_start3A_322] : memref<256xi32, #tpu.memory_space<vmem>> -> memref<200xi32, #tpu.memory_space<vmem>>
      %dma_start3A_324 = arith.constant 0 : i32
      %dma_start3A_325 = tpu.memref_slice %arg5[%dma_start3A_324] : memref<100000xf32, #tpu.memory_space<hbm>> -> memref<100000xf32, #tpu.memory_space<hbm>>
      tpu.enqueue_indirect_dma source(%dma_start3A_325 : memref<100000xf32, #tpu.memory_space<hbm>>) target(%dma_start3A_321 : memref<200xf32, #tpu.memory_space<vmem>>) offsets(%dma_start3A_323 : memref<200xi32, #tpu.memory_space<vmem>>) semaphore(%arg41 : memref<!tpu.dma_semaphore, #tpu.memory_space<semaphore_mem>>)
      %dma_start3A_326 = arith.constant 0 : i32
      %dma_start3A_327 = tpu.memref_slice %arg11[%dma_start3A_326] : memref<256xi32, #tpu.memory_space<vmem>> -> memref<200xi32, #tpu.memory_space<vmem>>
      %dma_start3A_328 = arith.constant 0 : i32
      %dma_start3A_329 = arith.constant 0 : i32
      %dma_start3A_330 = tpu.memref_slice %arg4[%dma_start3A_328, %dma_start3A_329] : memref<100000x128xf32, #tpu.memory_space<hbm>> -> memref<100000x128xf32, #tpu.memory_space<hbm>>
      tpu.enqueue_indirect_dma source(%dma_start3A_330 : memref<100000x128xf32, #tpu.memory_space<hbm>>) target(%arg19 : memref<200x128xf32, #tpu.memory_space<vmem>>) offsets(%dma_start3A_327 : memref<200xi32, #tpu.memory_space<vmem>>) semaphore(%arg37 : memref<!tpu.dma_semaphore, #tpu.memory_space<semaphore_mem>>)
      %gt3A = arith.constant 0 : i32
      %gt3A_331 = arith.cmpi sgt, %add3A_260, %gt3A : i32
      %convert_element_type3A = arith.extui %gt3A_331 : i1 to i32
      %cond3A = arith.constant 0 : i32
      %cond3A_332 = arith.cmpi ne, %convert_element_type3A, %cond3A : i32
      scf.if %cond3A_332 {
        %dma_wait3A_1135 = arith.constant 0 : i32
        %dma_wait3A_1136 = tpu.memref_slice %arg6[%mul3A_2, %dma_wait3A_1135] : memref<4096x256xf32, #tpu.memory_space<hbm>> -> memref<1x256xf32, #tpu.memory_space<hbm>>
        %dma_wait3A_1137 = tpu.memref_squeeze %dma_wait3A_1136 : memref<1x256xf32, #tpu.memory_space<hbm>> -> memref<256xf32, #tpu.memory_space<hbm>>
        %dma_wait3A_1138 = arith.constant 0 : i32
        %dma_wait3A_1139 = tpu.memref_slice %arg6[%mul3A_2, %dma_wait3A_1138] : memref<4096x256xf32, #tpu.memory_space<hbm>> -> memref<1x256xf32, #tpu.memory_space<hbm>>
        %dma_wait3A_1140 = tpu.memref_squeeze %dma_wait3A_1139 : memref<1x256xf32, #tpu.memory_space<hbm>> -> memref<256xf32, #tpu.memory_space<hbm>>
        tpu.wait_dma2 semaphore(%arg42 : memref<!tpu.dma_semaphore, #tpu.memory_space<semaphore_mem>>) src(%arg24 : memref<256xf32, #tpu.memory_space<vmem>>) dst(%dma_wait3A_1140 : memref<256xf32, #tpu.memory_space<hbm>>)
      } else {
      }
      %swap3A = arith.constant 0 : index
      %swap3A_333 = tpu.vector_load %arg24[%swap3A] {strides = array<i32>} : memref<256xf32, #tpu.memory_space<vmem>>, vector<16xf32>,
      tpu.vector_store %arg24[%swap3A], %scan3A_305#0 {strides = array<i32>} : memref<256xf32, #tpu.memory_space<vmem>>, vector<16xf32>,
      %swap3A_334 = arith.constant 16 : index
      %swap3A_335 = tpu.vector_load %arg24[%swap3A_334] {strides = array<i32>} : memref<256xf32, #tpu.memory_space<vmem>>, vector<16xf32>,
      tpu.vector_store %arg24[%swap3A_334], %scan3A_305#1 {strides = array<i32>} : memref<256xf32, #tpu.memory_space<vmem>>, vector<16xf32>,
      %swap3A_336 = arith.constant 32 : index
      %swap3A_337 = tpu.vector_load %arg24[%swap3A_336] {strides = array<i32>} : memref<256xf32, #tpu.memory_space<vmem>>, vector<16xf32>,
      tpu.vector_store %arg24[%swap3A_336], %scan3A_305#2 {strides = array<i32>} : memref<256xf32, #tpu.memory_space<vmem>>, vector<16xf32>,
      %swap3A_338 = arith.constant 48 : index
      %swap3A_339 = tpu.vector_load %arg24[%swap3A_338] {strides = array<i32>} : memref<256xf32, #tpu.memory_space<vmem>>, vector<16xf32>,
      tpu.vector_store %arg24[%swap3A_338], %scan3A_305#3 {strides = array<i32>} : memref<256xf32, #tpu.memory_space<vmem>>, vector<16xf32>,
      %swap3A_340 = arith.constant 64 : index
      %swap3A_341 = tpu.vector_load %arg24[%swap3A_340] {strides = array<i32>} : memref<256xf32, #tpu.memory_space<vmem>>, vector<16xf32>,
      tpu.vector_store %arg24[%swap3A_340], %scan3A_305#4 {strides = array<i32>} : memref<256xf32, #tpu.memory_space<vmem>>, vector<16xf32>,
      %swap3A_342 = arith.constant 80 : index
      %swap3A_343 = tpu.vector_load %arg24[%swap3A_342] {strides = array<i32>} : memref<256xf32, #tpu.memory_space<vmem>>, vector<16xf32>,
      tpu.vector_store %arg24[%swap3A_342], %scan3A_305#5 {strides = array<i32>} : memref<256xf32, #tpu.memory_space<vmem>>, vector<16xf32>,
      %swap3A_344 = arith.constant 96 : index
      %swap3A_345 = tpu.vector_load %arg24[%swap3A_344] {strides = array<i32>} : memref<256xf32, #tpu.memory_space<vmem>>, vector<16xf32>,
      tpu.vector_store %arg24[%swap3A_344], %scan3A_305#6 {strides = array<i32>} : memref<256xf32, #tpu.memory_space<vmem>>, vector<16xf32>,
      %swap3A_346 = arith.constant 112 : index
      %swap3A_347 = tpu.vector_load %arg24[%swap3A_346] {strides = array<i32>} : memref<256xf32, #tpu.memory_space<vmem>>, vector<16xf32>,
      tpu.vector_store %arg24[%swap3A_346], %scan3A_305#7 {strides = array<i32>} : memref<256xf32, #tpu.memory_space<vmem>>, vector<16xf32>,
      %swap3A_348 = arith.constant 128 : index
      %swap3A_349 = tpu.vector_load %arg24[%swap3A_348] {strides = array<i32>} : memref<256xf32, #tpu.memory_space<vmem>>, vector<16xf32>,
      tpu.vector_store %arg24[%swap3A_348], %scan3A_305#8 {strides = array<i32>} : memref<256xf32, #tpu.memory_space<vmem>>, vector<16xf32>,
      %swap3A_350 = arith.constant 144 : index
      %swap3A_351 = tpu.vector_load %arg24[%swap3A_350] {strides = array<i32>} : memref<256xf32, #tpu.memory_space<vmem>>, vector<16xf32>,
      tpu.vector_store %arg24[%swap3A_350], %scan3A_305#9 {strides = array<i32>} : memref<256xf32, #tpu.memory_space<vmem>>, vector<16xf32>,
      %swap3A_352 = arith.constant 160 : index
      %swap3A_353 = tpu.vector_load %arg24[%swap3A_352] {strides = array<i32>} : memref<256xf32, #tpu.memory_space<vmem>>, vector<16xf32>,
      tpu.vector_store %arg24[%swap3A_352], %scan3A_305#10 {strides = array<i32>} : memref<256xf32, #tpu.memory_space<vmem>>, vector<16xf32>,
      %swap3A_354 = arith.constant 176 : index
      %swap3A_355 = tpu.vector_load %arg24[%swap3A_354] {strides = array<i32>} : memref<256xf32, #tpu.memory_space<vmem>>, vector<16xf32>,
      tpu.vector_store %arg24[%swap3A_354], %scan3A_305#11 {strides = array<i32>} : memref<256xf32, #tpu.memory_space<vmem>>, vector<16xf32>,
      %swap3A_356 = arith.constant 192 : index
      %swap3A_357 = tpu.vector_load %arg24[%swap3A_356] {strides = array<i32>} : memref<256xf32, #tpu.memory_space<vmem>>, vector<16xf32>,
      tpu.vector_store %arg24[%swap3A_356], %scan3A_305#12 {strides = array<i32>} : memref<256xf32, #tpu.memory_space<vmem>>, vector<16xf32>,
      %add3A_358 = arith.addi %mul3A_2, %add3A_264 : i32
      %dma_start3A_359 = arith.constant 0 : i32
      %dma_start3A_360 = tpu.memref_slice %arg6[%add3A_358, %dma_start3A_359] : memref<4096x256xf32, #tpu.memory_space<hbm>> -> memref<1x256xf32, #tpu.memory_space<hbm>>
      %dma_start3A_361 = tpu.memref_squeeze %dma_start3A_360 : memref<1x256xf32, #tpu.memory_space<hbm>> -> memref<256xf32, #tpu.memory_space<hbm>>
      %dma_start3A_362 = arith.constant 0 : i32
      %dma_start3A_363 = tpu.memref_slice %arg6[%add3A_358, %dma_start3A_362] : memref<4096x256xf32, #tpu.memory_space<hbm>> -> memref<1x256xf32, #tpu.memory_space<hbm>>
      %dma_start3A_364 = tpu.memref_squeeze %dma_start3A_363 : memref<1x256xf32, #tpu.memory_space<hbm>> -> memref<256xf32, #tpu.memory_space<hbm>>
      tpu.enqueue_dma source(%arg24 : memref<256xf32, #tpu.memory_space<vmem>>) target(%dma_start3A_364 : memref<256xf32, #tpu.memory_space<hbm>>) target_semaphore(%arg42 : memref<!tpu.dma_semaphore, #tpu.memory_space<semaphore_mem>>)
      %mul3A_365 = arith.constant 8 : i32
      %mul3A_366 = arith.muli %mul3A_365, %add3A_260 : i32
      %add3A_367 = arith.constant 1 : i32
      %add3A_368 = arith.addi %mul3A_366, %add3A_367 : i32
      %dma_wait3A_369 = arith.constant 0 : i32
      %dma_wait3A_370 = tpu.memref_slice %arg8[%dma_wait3A_369] : memref<256xi32, #tpu.memory_space<vmem>> -> memref<200xi32, #tpu.memory_space<vmem>>
      %dma_wait3A_371 = arith.constant 0 : i32
      %dma_wait3A_372 = arith.constant 0 : i32
      %dma_wait3A_373 = tpu.memref_slice %arg4[%dma_wait3A_371, %dma_wait3A_372] : memref<100000x128xf32, #tpu.memory_space<hbm>> -> memref<100000x128xf32, #tpu.memory_space<hbm>>
      tpu.wait_indirect_dma semaphore(%arg35 : memref<!tpu.dma_semaphore, #tpu.memory_space<semaphore_mem>>) src(%dma_wait3A_373 : memref<100000x128xf32, #tpu.memory_space<hbm>>) dst(%arg17 : memref<200x128xf32, #tpu.memory_space<vmem>>)
      %dma_wait3A_374 = arith.constant 0 : i32
      %dma_wait3A_375 = tpu.memref_slice %arg21[%dma_wait3A_374] : memref<208xf32, #tpu.memory_space<vmem>> -> memref<200xf32, #tpu.memory_space<vmem>>
      %dma_wait3A_376 = arith.constant 0 : i32
      %dma_wait3A_377 = tpu.memref_slice %arg8[%dma_wait3A_376] : memref<256xi32, #tpu.memory_space<vmem>> -> memref<200xi32, #tpu.memory_space<vmem>>
      %dma_wait3A_378 = arith.constant 0 : i32
      %dma_wait3A_379 = tpu.memref_slice %arg5[%dma_wait3A_378] : memref<100000xf32, #tpu.memory_space<hbm>> -> memref<100000xf32, #tpu.memory_space<hbm>>
      tpu.wait_indirect_dma semaphore(%arg39 : memref<!tpu.dma_semaphore, #tpu.memory_space<semaphore_mem>>) src(%dma_wait3A_379 : memref<100000xf32, #tpu.memory_space<hbm>>) dst(%dma_wait3A_375 : memref<200xf32, #tpu.memory_space<vmem>>)
      %get3A_380 = arith.constant 0 : index
      %get3A_381 = tpu.vector_load %arg21[%get3A_380] {strides = array<i32>} : memref<208xf32, #tpu.memory_space<vmem>>, vector<16xf32>,
      %get3A_382 = arith.constant 16 : index
      %get3A_383 = tpu.vector_load %arg21[%get3A_382] {strides = array<i32>} : memref<208xf32, #tpu.memory_space<vmem>>, vector<16xf32>,
      %get3A_384 = arith.constant 32 : index
      %get3A_385 = tpu.vector_load %arg21[%get3A_384] {strides = array<i32>} : memref<208xf32, #tpu.memory_space<vmem>>, vector<16xf32>,
      %get3A_386 = arith.constant 48 : index
      %get3A_387 = tpu.vector_load %arg21[%get3A_386] {strides = array<i32>} : memref<208xf32, #tpu.memory_space<vmem>>, vector<16xf32>,
      %get3A_388 = arith.constant 64 : index
      %get3A_389 = tpu.vector_load %arg21[%get3A_388] {strides = array<i32>} : memref<208xf32, #tpu.memory_space<vmem>>, vector<16xf32>,
      %get3A_390 = arith.constant 80 : index
      %get3A_391 = tpu.vector_load %arg21[%get3A_390] {strides = array<i32>} : memref<208xf32, #tpu.memory_space<vmem>>, vector<16xf32>,
      %get3A_392 = arith.constant 96 : index
      %get3A_393 = tpu.vector_load %arg21[%get3A_392] {strides = array<i32>} : memref<208xf32, #tpu.memory_space<vmem>>, vector<16xf32>,
      %get3A_394 = arith.constant 112 : index
      %get3A_395 = tpu.vector_load %arg21[%get3A_394] {strides = array<i32>} : memref<208xf32, #tpu.memory_space<vmem>>, vector<16xf32>,
      %get3A_396 = arith.constant 128 : index
      %get3A_397 = tpu.vector_load %arg21[%get3A_396] {strides = array<i32>} : memref<208xf32, #tpu.memory_space<vmem>>, vector<16xf32>,
      %get3A_398 = arith.constant 144 : index
      %get3A_399 = tpu.vector_load %arg21[%get3A_398] {strides = array<i32>} : memref<208xf32, #tpu.memory_space<vmem>>, vector<16xf32>,
      %get3A_400 = arith.constant 160 : index
      %get3A_401 = tpu.vector_load %arg21[%get3A_400] {strides = array<i32>} : memref<208xf32, #tpu.memory_space<vmem>>, vector<16xf32>,
      %get3A_402 = arith.constant 176 : index
      %get3A_403 = tpu.vector_load %arg21[%get3A_402] {strides = array<i32>} : memref<208xf32, #tpu.memory_space<vmem>>, vector<16xf32>,
      %get3A_404 = arith.constant 192 : index
      %get3A_405 = tpu.vector_load %arg21[%get3A_404] {strides = array<i32>} : memref<208xf32, #tpu.memory_space<vmem>>, vector<16xf32>,
      %broadcast_in_dim3A_406 = vector.broadcast %add3A_368 : i32 to vector<16xi32>
      %scan3A_407 = arith.constant 0 : i32
      %scan3A_408 = arith.constant 128 : i32
      %scan3A_409 = arith.addi %scan3A_407, %scan3A_408 : i32
      %scan3A_410 = arith.constant 2 : i32
      %scan3A_411:13 = scf.for %scan3A_1135 = %scan3A_407 to %scan3A_409 step %scan3A_410 iter_args(%scan3A_1136 = %get3A_381, %scan3A_1137 = %get3A_383, %scan3A_1138 = %get3A_385, %scan3A_1139 = %get3A_387, %scan3A_1140 = %get3A_389, %scan3A_1141 = %get3A_391, %scan3A_1142 = %get3A_393, %scan3A_1143 = %get3A_395, %scan3A_1144 = %get3A_397, %scan3A_1145 = %get3A_399, %scan3A_1146 = %get3A_401, %scan3A_1147 = %get3A_403, %scan3A_1148 = %get3A_405) -> (vector<16xf32>, vector<16xf32>, vector<16xf32>, vector<16xf32>, vector<16xf32>, vector<16xf32>, vector<16xf32>, vector<16xf32>, vector<16xf32>, vector<16xf32>, vector<16xf32>, vector<16xf32>, vector<16xf32>)  : i32 {
        %broadcast_in_dim3A_1149 = vector.broadcast %scan3A_1135 : i32 to vector<16xi32>
        %add3A_1150 = arith.addi %broadcast_in_dim3A_1149, %iota3A : vector<16xi32>
        %and3A = arith.constant 127 : i32
        %and3A_1151 = vector.broadcast %and3A : i32 to vector<16xi32>
        %and3A_1152 = arith.andi %add3A_1150, %and3A_1151 : vector<16xi32>
        %gather3A = tpu.vector_load_idx %arg7[%broadcast_in_dim3A_406, %and3A_1152] : memref<128x128xf32, #tpu.memory_space<vmem>>[vector<16xi32>, vector<16xi32>], vector<16xf32>,
        %gather3A_1153 = tpu.vector_load_idx %arg17[%min3A_7, %and3A_1152] : memref<200x128xf32, #tpu.memory_space<vmem>>[vector<16xi32>, vector<16xi32>], vector<16xf32>,
        %mul3A_1154 = arith.mulf %gather3A_1153, %gather3A : vector<16xf32>
        %add3A_1155 = arith.addf %scan3A_1136, %mul3A_1154 : vector<16xf32>
        %gather3A_1156 = tpu.vector_load_idx %arg17[%min3A_13, %and3A_1152] : memref<200x128xf32, #tpu.memory_space<vmem>>[vector<16xi32>, vector<16xi32>], vector<16xf32>,
        %mul3A_1157 = arith.mulf %gather3A_1156, %gather3A : vector<16xf32>
        %add3A_1158 = arith.addf %scan3A_1137, %mul3A_1157 : vector<16xf32>
        %gather3A_1159 = tpu.vector_load_idx %arg17[%min3A_19, %and3A_1152] : memref<200x128xf32, #tpu.memory_space<vmem>>[vector<16xi32>, vector<16xi32>], vector<16xf32>,
        %mul3A_1160 = arith.mulf %gather3A_1159, %gather3A : vector<16xf32>
        %add3A_1161 = arith.addf %scan3A_1138, %mul3A_1160 : vector<16xf32>
        %gather3A_1162 = tpu.vector_load_idx %arg17[%min3A_25, %and3A_1152] : memref<200x128xf32, #tpu.memory_space<vmem>>[vector<16xi32>, vector<16xi32>], vector<16xf32>,
        %mul3A_1163 = arith.mulf %gather3A_1162, %gather3A : vector<16xf32>
        %add3A_1164 = arith.addf %scan3A_1139, %mul3A_1163 : vector<16xf32>
        %gather3A_1165 = tpu.vector_load_idx %arg17[%min3A_31, %and3A_1152] : memref<200x128xf32, #tpu.memory_space<vmem>>[vector<16xi32>, vector<16xi32>], vector<16xf32>,
        %mul3A_1166 = arith.mulf %gather3A_1165, %gather3A : vector<16xf32>
        %add3A_1167 = arith.addf %scan3A_1140, %mul3A_1166 : vector<16xf32>
        %gather3A_1168 = tpu.vector_load_idx %arg17[%min3A_37, %and3A_1152] : memref<200x128xf32, #tpu.memory_space<vmem>>[vector<16xi32>, vector<16xi32>], vector<16xf32>,
        %mul3A_1169 = arith.mulf %gather3A_1168, %gather3A : vector<16xf32>
        %add3A_1170 = arith.addf %scan3A_1141, %mul3A_1169 : vector<16xf32>
        %gather3A_1171 = tpu.vector_load_idx %arg17[%min3A_43, %and3A_1152] : memref<200x128xf32, #tpu.memory_space<vmem>>[vector<16xi32>, vector<16xi32>], vector<16xf32>,
        %mul3A_1172 = arith.mulf %gather3A_1171, %gather3A : vector<16xf32>
        %add3A_1173 = arith.addf %scan3A_1142, %mul3A_1172 : vector<16xf32>
        %gather3A_1174 = tpu.vector_load_idx %arg17[%min3A_49, %and3A_1152] : memref<200x128xf32, #tpu.memory_space<vmem>>[vector<16xi32>, vector<16xi32>], vector<16xf32>,
        %mul3A_1175 = arith.mulf %gather3A_1174, %gather3A : vector<16xf32>
        %add3A_1176 = arith.addf %scan3A_1143, %mul3A_1175 : vector<16xf32>
        %gather3A_1177 = tpu.vector_load_idx %arg17[%min3A_55, %and3A_1152] : memref<200x128xf32, #tpu.memory_space<vmem>>[vector<16xi32>, vector<16xi32>], vector<16xf32>,
        %mul3A_1178 = arith.mulf %gather3A_1177, %gather3A : vector<16xf32>
        %add3A_1179 = arith.addf %scan3A_1144, %mul3A_1178 : vector<16xf32>
        %gather3A_1180 = tpu.vector_load_idx %arg17[%min3A_61, %and3A_1152] : memref<200x128xf32, #tpu.memory_space<vmem>>[vector<16xi32>, vector<16xi32>], vector<16xf32>,
        %mul3A_1181 = arith.mulf %gather3A_1180, %gather3A : vector<16xf32>
        %add3A_1182 = arith.addf %scan3A_1145, %mul3A_1181 : vector<16xf32>
        %gather3A_1183 = tpu.vector_load_idx %arg17[%min3A_67, %and3A_1152] : memref<200x128xf32, #tpu.memory_space<vmem>>[vector<16xi32>, vector<16xi32>], vector<16xf32>,
        %mul3A_1184 = arith.mulf %gather3A_1183, %gather3A : vector<16xf32>
        %add3A_1185 = arith.addf %scan3A_1146, %mul3A_1184 : vector<16xf32>
        %gather3A_1186 = tpu.vector_load_idx %arg17[%min3A_73, %and3A_1152] : memref<200x128xf32, #tpu.memory_space<vmem>>[vector<16xi32>, vector<16xi32>], vector<16xf32>,
        %mul3A_1187 = arith.mulf %gather3A_1186, %gather3A : vector<16xf32>
        %add3A_1188 = arith.addf %scan3A_1147, %mul3A_1187 : vector<16xf32>
        %gather3A_1189 = tpu.vector_load_idx %arg17[%min3A_79, %and3A_1152] : memref<200x128xf32, #tpu.memory_space<vmem>>[vector<16xi32>, vector<16xi32>], vector<16xf32>,
        %mul3A_1190 = arith.mulf %gather3A_1189, %gather3A : vector<16xf32>
        %add3A_1191 = arith.addf %scan3A_1148, %mul3A_1190 : vector<16xf32>
        %scan3A_1192 = arith.constant 1 : i32
        %scan3A_1193 = arith.addi %scan3A_1135, %scan3A_1192 : i32
        %broadcast_in_dim3A_1194 = vector.broadcast %scan3A_1193 : i32 to vector<16xi32>
        %add3A_1195 = arith.addi %broadcast_in_dim3A_1194, %iota3A : vector<16xi32>
        %and3A_1196 = arith.constant 127 : i32
        %and3A_1197 = vector.broadcast %and3A_1196 : i32 to vector<16xi32>
        %and3A_1198 = arith.andi %add3A_1195, %and3A_1197 : vector<16xi32>
        %gather3A_1199 = tpu.vector_load_idx %arg7[%broadcast_in_dim3A_406, %and3A_1198] : memref<128x128xf32, #tpu.memory_space<vmem>>[vector<16xi32>, vector<16xi32>], vector<16xf32>,
        %gather3A_1200 = tpu.vector_load_idx %arg17[%min3A_7, %and3A_1198] : memref<200x128xf32, #tpu.memory_space<vmem>>[vector<16xi32>, vector<16xi32>], vector<16xf32>,
        %mul3A_1201 = arith.mulf %gather3A_1200, %gather3A_1199 : vector<16xf32>
        %add3A_1202 = arith.addf %add3A_1155, %mul3A_1201 : vector<16xf32>
        %gather3A_1203 = tpu.vector_load_idx %arg17[%min3A_13, %and3A_1198] : memref<200x128xf32, #tpu.memory_space<vmem>>[vector<16xi32>, vector<16xi32>], vector<16xf32>,
        %mul3A_1204 = arith.mulf %gather3A_1203, %gather3A_1199 : vector<16xf32>
        %add3A_1205 = arith.addf %add3A_1158, %mul3A_1204 : vector<16xf32>
        %gather3A_1206 = tpu.vector_load_idx %arg17[%min3A_19, %and3A_1198] : memref<200x128xf32, #tpu.memory_space<vmem>>[vector<16xi32>, vector<16xi32>], vector<16xf32>,
        %mul3A_1207 = arith.mulf %gather3A_1206, %gather3A_1199 : vector<16xf32>
        %add3A_1208 = arith.addf %add3A_1161, %mul3A_1207 : vector<16xf32>
        %gather3A_1209 = tpu.vector_load_idx %arg17[%min3A_25, %and3A_1198] : memref<200x128xf32, #tpu.memory_space<vmem>>[vector<16xi32>, vector<16xi32>], vector<16xf32>,
        %mul3A_1210 = arith.mulf %gather3A_1209, %gather3A_1199 : vector<16xf32>
        %add3A_1211 = arith.addf %add3A_1164, %mul3A_1210 : vector<16xf32>
        %gather3A_1212 = tpu.vector_load_idx %arg17[%min3A_31, %and3A_1198] : memref<200x128xf32, #tpu.memory_space<vmem>>[vector<16xi32>, vector<16xi32>], vector<16xf32>,
        %mul3A_1213 = arith.mulf %gather3A_1212, %gather3A_1199 : vector<16xf32>
        %add3A_1214 = arith.addf %add3A_1167, %mul3A_1213 : vector<16xf32>
        %gather3A_1215 = tpu.vector_load_idx %arg17[%min3A_37, %and3A_1198] : memref<200x128xf32, #tpu.memory_space<vmem>>[vector<16xi32>, vector<16xi32>], vector<16xf32>,
        %mul3A_1216 = arith.mulf %gather3A_1215, %gather3A_1199 : vector<16xf32>
        %add3A_1217 = arith.addf %add3A_1170, %mul3A_1216 : vector<16xf32>
        %gather3A_1218 = tpu.vector_load_idx %arg17[%min3A_43, %and3A_1198] : memref<200x128xf32, #tpu.memory_space<vmem>>[vector<16xi32>, vector<16xi32>], vector<16xf32>,
        %mul3A_1219 = arith.mulf %gather3A_1218, %gather3A_1199 : vector<16xf32>
        %add3A_1220 = arith.addf %add3A_1173, %mul3A_1219 : vector<16xf32>
        %gather3A_1221 = tpu.vector_load_idx %arg17[%min3A_49, %and3A_1198] : memref<200x128xf32, #tpu.memory_space<vmem>>[vector<16xi32>, vector<16xi32>], vector<16xf32>,
        %mul3A_1222 = arith.mulf %gather3A_1221, %gather3A_1199 : vector<16xf32>
        %add3A_1223 = arith.addf %add3A_1176, %mul3A_1222 : vector<16xf32>
        %gather3A_1224 = tpu.vector_load_idx %arg17[%min3A_55, %and3A_1198] : memref<200x128xf32, #tpu.memory_space<vmem>>[vector<16xi32>, vector<16xi32>], vector<16xf32>,
        %mul3A_1225 = arith.mulf %gather3A_1224, %gather3A_1199 : vector<16xf32>
        %add3A_1226 = arith.addf %add3A_1179, %mul3A_1225 : vector<16xf32>
        %gather3A_1227 = tpu.vector_load_idx %arg17[%min3A_61, %and3A_1198] : memref<200x128xf32, #tpu.memory_space<vmem>>[vector<16xi32>, vector<16xi32>], vector<16xf32>,
        %mul3A_1228 = arith.mulf %gather3A_1227, %gather3A_1199 : vector<16xf32>
        %add3A_1229 = arith.addf %add3A_1182, %mul3A_1228 : vector<16xf32>
        %gather3A_1230 = tpu.vector_load_idx %arg17[%min3A_67, %and3A_1198] : memref<200x128xf32, #tpu.memory_space<vmem>>[vector<16xi32>, vector<16xi32>], vector<16xf32>,
        %mul3A_1231 = arith.mulf %gather3A_1230, %gather3A_1199 : vector<16xf32>
        %add3A_1232 = arith.addf %add3A_1185, %mul3A_1231 : vector<16xf32>
        %gather3A_1233 = tpu.vector_load_idx %arg17[%min3A_73, %and3A_1198] : memref<200x128xf32, #tpu.memory_space<vmem>>[vector<16xi32>, vector<16xi32>], vector<16xf32>,
        %mul3A_1234 = arith.mulf %gather3A_1233, %gather3A_1199 : vector<16xf32>
        %add3A_1235 = arith.addf %add3A_1188, %mul3A_1234 : vector<16xf32>
        %gather3A_1236 = tpu.vector_load_idx %arg17[%min3A_79, %and3A_1198] : memref<200x128xf32, #tpu.memory_space<vmem>>[vector<16xi32>, vector<16xi32>], vector<16xf32>,
        %mul3A_1237 = arith.mulf %gather3A_1236, %gather3A_1199 : vector<16xf32>
        %add3A_1238 = arith.addf %add3A_1191, %mul3A_1237 : vector<16xf32>
        scf.yield %add3A_1202, %add3A_1205, %add3A_1208, %add3A_1211, %add3A_1214, %add3A_1217, %add3A_1220, %add3A_1223, %add3A_1226, %add3A_1229, %add3A_1232, %add3A_1235, %add3A_1238 : vector<16xf32>, vector<16xf32>, vector<16xf32>, vector<16xf32>, vector<16xf32>, vector<16xf32>, vector<16xf32>, vector<16xf32>, vector<16xf32>, vector<16xf32>, vector<16xf32>, vector<16xf32>, vector<16xf32>
      }
      %scan3A_412 = arith.constant 128 : i32
      %add3A_413 = arith.constant 8 : i32
      %add3A_414 = arith.addi %add3A_368, %add3A_413 : i32
      %min3A_415 = arith.constant 127 : i32
      %min3A_416 = arith.minsi %add3A_414, %min3A_415 : i32
      %add3A_417 = arith.addi %mul3A_2, %min3A_416 : i32
      %mul3A_418 = arith.constant 256 : i32
      %mul3A_419 = arith.muli %add3A_417, %mul3A_418 : i32
      %dma_start3A_420 = tpu.memref_slice %arg3[%mul3A_419] : memref<1048576xi32, #tpu.memory_space<hbm>> -> memref<256xi32, #tpu.memory_space<hbm>>
      %dma_start3A_421 = tpu.memref_slice %arg3[%mul3A_419] : memref<1048576xi32, #tpu.memory_space<hbm>> -> memref<256xi32, #tpu.memory_space<hbm>>
      tpu.enqueue_dma source(%dma_start3A_421 : memref<256xi32, #tpu.memory_space<hbm>>) target(%arg9 : memref<256xi32, #tpu.memory_space<vmem>>) target_semaphore(%arg27 : memref<!tpu.dma_semaphore, #tpu.memory_space<semaphore_mem>>)
      %dma_wait3A_422 = arith.constant 0 : i32
      %dma_wait3A_423 = tpu.memref_slice %arg3[%dma_wait3A_422] : memref<1048576xi32, #tpu.memory_space<hbm>> -> memref<256xi32, #tpu.memory_space<hbm>>
      %dma_wait3A_424 = arith.constant 0 : i32
      %dma_wait3A_425 = tpu.memref_slice %arg3[%dma_wait3A_424] : memref<1048576xi32, #tpu.memory_space<hbm>> -> memref<256xi32, #tpu.memory_space<hbm>>
      tpu.wait_dma2 semaphore(%arg30 : memref<!tpu.dma_semaphore, #tpu.memory_space<semaphore_mem>>) src(%dma_wait3A_425 : memref<256xi32, #tpu.memory_space<hbm>>) dst(%arg12 : memref<256xi32, #tpu.memory_space<vmem>>)
      %dma_start3A_426 = arith.constant 0 : i32
      %dma_start3A_427 = tpu.memref_slice %arg20[%dma_start3A_426] : memref<208xf32, #tpu.memory_space<vmem>> -> memref<200xf32, #tpu.memory_space<vmem>>
      %dma_start3A_428 = arith.constant 0 : i32
      %dma_start3A_429 = tpu.memref_slice %arg12[%dma_start3A_428] : memref<256xi32, #tpu.memory_space<vmem>> -> memref<200xi32, #tpu.memory_space<vmem>>
      %dma_start3A_430 = arith.constant 0 : i32
      %dma_start3A_431 = tpu.memref_slice %arg5[%dma_start3A_430] : memref<100000xf32, #tpu.memory_space<hbm>> -> memref<100000xf32, #tpu.memory_space<hbm>>
      tpu.enqueue_indirect_dma source(%dma_start3A_431 : memref<100000xf32, #tpu.memory_space<hbm>>) target(%dma_start3A_427 : memref<200xf32, #tpu.memory_space<vmem>>) offsets(%dma_start3A_429 : memref<200xi32, #tpu.memory_space<vmem>>) semaphore(%arg38 : memref<!tpu.dma_semaphore, #tpu.memory_space<semaphore_mem>>)
      %dma_start3A_432 = arith.constant 0 : i32
      %dma_start3A_433 = tpu.memref_slice %arg12[%dma_start3A_432] : memref<256xi32, #tpu.memory_space<vmem>> -> memref<200xi32, #tpu.memory_space<vmem>>
      %dma_start3A_434 = arith.constant 0 : i32
      %dma_start3A_435 = arith.constant 0 : i32
      %dma_start3A_436 = tpu.memref_slice %arg4[%dma_start3A_434, %dma_start3A_435] : memref<100000x128xf32, #tpu.memory_space<hbm>> -> memref<100000x128xf32, #tpu.memory_space<hbm>>
      tpu.enqueue_indirect_dma source(%dma_start3A_436 : memref<100000x128xf32, #tpu.memory_space<hbm>>) target(%arg16 : memref<200x128xf32, #tpu.memory_space<vmem>>) offsets(%dma_start3A_433 : memref<200xi32, #tpu.memory_space<vmem>>) semaphore(%arg34 : memref<!tpu.dma_semaphore, #tpu.memory_space<semaphore_mem>>)
      %gt3A_437 = arith.constant 0 : i32
      %gt3A_438 = arith.cmpi sgt, %add3A_260, %gt3A_437 : i32
      %convert_element_type3A_439 = arith.extui %gt3A_438 : i1 to i32
      %cond3A_440 = arith.constant 0 : i32
      %cond3A_441 = arith.cmpi ne, %convert_element_type3A_439, %cond3A_440 : i32
      scf.if %cond3A_441 {
        %dma_wait3A_1135 = arith.constant 0 : i32
        %dma_wait3A_1136 = tpu.memref_slice %arg6[%mul3A_2, %dma_wait3A_1135] : memref<4096x256xf32, #tpu.memory_space<hbm>> -> memref<1x256xf32, #tpu.memory_space<hbm>>
        %dma_wait3A_1137 = tpu.memref_squeeze %dma_wait3A_1136 : memref<1x256xf32, #tpu.memory_space<hbm>> -> memref<256xf32, #tpu.memory_space<hbm>>
        %dma_wait3A_1138 = arith.constant 0 : i32
        %dma_wait3A_1139 = tpu.memref_slice %arg6[%mul3A_2, %dma_wait3A_1138] : memref<4096x256xf32, #tpu.memory_space<hbm>> -> memref<1x256xf32, #tpu.memory_space<hbm>>
        %dma_wait3A_1140 = tpu.memref_squeeze %dma_wait3A_1139 : memref<1x256xf32, #tpu.memory_space<hbm>> -> memref<256xf32, #tpu.memory_space<hbm>>
        tpu.wait_dma2 semaphore(%arg43 : memref<!tpu.dma_semaphore, #tpu.memory_space<semaphore_mem>>) src(%arg25 : memref<256xf32, #tpu.memory_space<vmem>>) dst(%dma_wait3A_1140 : memref<256xf32, #tpu.memory_space<hbm>>)
      } else {
      }
      %swap3A_442 = arith.constant 0 : index
      %swap3A_443 = tpu.vector_load %arg25[%swap3A_442] {strides = array<i32>} : memref<256xf32, #tpu.memory_space<vmem>>, vector<16xf32>,
      tpu.vector_store %arg25[%swap3A_442], %scan3A_411#0 {strides = array<i32>} : memref<256xf32, #tpu.memory_space<vmem>>, vector<16xf32>,
      %swap3A_444 = arith.constant 16 : index
      %swap3A_445 = tpu.vector_load %arg25[%swap3A_444] {strides = array<i32>} : memref<256xf32, #tpu.memory_space<vmem>>, vector<16xf32>,
      tpu.vector_store %arg25[%swap3A_444], %scan3A_411#1 {strides = array<i32>} : memref<256xf32, #tpu.memory_space<vmem>>, vector<16xf32>,
      %swap3A_446 = arith.constant 32 : index
      %swap3A_447 = tpu.vector_load %arg25[%swap3A_446] {strides = array<i32>} : memref<256xf32, #tpu.memory_space<vmem>>, vector<16xf32>,
      tpu.vector_store %arg25[%swap3A_446], %scan3A_411#2 {strides = array<i32>} : memref<256xf32, #tpu.memory_space<vmem>>, vector<16xf32>,
      %swap3A_448 = arith.constant 48 : index
      %swap3A_449 = tpu.vector_load %arg25[%swap3A_448] {strides = array<i32>} : memref<256xf32, #tpu.memory_space<vmem>>, vector<16xf32>,
      tpu.vector_store %arg25[%swap3A_448], %scan3A_411#3 {strides = array<i32>} : memref<256xf32, #tpu.memory_space<vmem>>, vector<16xf32>,
      %swap3A_450 = arith.constant 64 : index
      %swap3A_451 = tpu.vector_load %arg25[%swap3A_450] {strides = array<i32>} : memref<256xf32, #tpu.memory_space<vmem>>, vector<16xf32>,
      tpu.vector_store %arg25[%swap3A_450], %scan3A_411#4 {strides = array<i32>} : memref<256xf32, #tpu.memory_space<vmem>>, vector<16xf32>,
      %swap3A_452 = arith.constant 80 : index
      %swap3A_453 = tpu.vector_load %arg25[%swap3A_452] {strides = array<i32>} : memref<256xf32, #tpu.memory_space<vmem>>, vector<16xf32>,
      tpu.vector_store %arg25[%swap3A_452], %scan3A_411#5 {strides = array<i32>} : memref<256xf32, #tpu.memory_space<vmem>>, vector<16xf32>,
      %swap3A_454 = arith.constant 96 : index
      %swap3A_455 = tpu.vector_load %arg25[%swap3A_454] {strides = array<i32>} : memref<256xf32, #tpu.memory_space<vmem>>, vector<16xf32>,
      tpu.vector_store %arg25[%swap3A_454], %scan3A_411#6 {strides = array<i32>} : memref<256xf32, #tpu.memory_space<vmem>>, vector<16xf32>,
      %swap3A_456 = arith.constant 112 : index
      %swap3A_457 = tpu.vector_load %arg25[%swap3A_456] {strides = array<i32>} : memref<256xf32, #tpu.memory_space<vmem>>, vector<16xf32>,
      tpu.vector_store %arg25[%swap3A_456], %scan3A_411#7 {strides = array<i32>} : memref<256xf32, #tpu.memory_space<vmem>>, vector<16xf32>,
      %swap3A_458 = arith.constant 128 : index
      %swap3A_459 = tpu.vector_load %arg25[%swap3A_458] {strides = array<i32>} : memref<256xf32, #tpu.memory_space<vmem>>, vector<16xf32>,
      tpu.vector_store %arg25[%swap3A_458], %scan3A_411#8 {strides = array<i32>} : memref<256xf32, #tpu.memory_space<vmem>>, vector<16xf32>,
      %swap3A_460 = arith.constant 144 : index
      %swap3A_461 = tpu.vector_load %arg25[%swap3A_460] {strides = array<i32>} : memref<256xf32, #tpu.memory_space<vmem>>, vector<16xf32>,
      tpu.vector_store %arg25[%swap3A_460], %scan3A_411#9 {strides = array<i32>} : memref<256xf32, #tpu.memory_space<vmem>>, vector<16xf32>,
      %swap3A_462 = arith.constant 160 : index
      %swap3A_463 = tpu.vector_load %arg25[%swap3A_462] {strides = array<i32>} : memref<256xf32, #tpu.memory_space<vmem>>, vector<16xf32>,
      tpu.vector_store %arg25[%swap3A_462], %scan3A_411#10 {strides = array<i32>} : memref<256xf32, #tpu.memory_space<vmem>>, vector<16xf32>,
      %swap3A_464 = arith.constant 176 : index
      %swap3A_465 = tpu.vector_load %arg25[%swap3A_464] {strides = array<i32>} : memref<256xf32, #tpu.memory_space<vmem>>, vector<16xf32>,
      tpu.vector_store %arg25[%swap3A_464], %scan3A_411#11 {strides = array<i32>} : memref<256xf32, #tpu.memory_space<vmem>>, vector<16xf32>,
      %swap3A_466 = arith.constant 192 : index
      %swap3A_467 = tpu.vector_load %arg25[%swap3A_466] {strides = array<i32>} : memref<256xf32, #tpu.memory_space<vmem>>, vector<16xf32>,
      tpu.vector_store %arg25[%swap3A_466], %scan3A_411#12 {strides = array<i32>} : memref<256xf32, #tpu.memory_space<vmem>>, vector<16xf32>,
      %add3A_468 = arith.addi %mul3A_2, %add3A_368 : i32
      %dma_start3A_469 = arith.constant 0 : i32
      %dma_start3A_470 = tpu.memref_slice %arg6[%add3A_468, %dma_start3A_469] : memref<4096x256xf32, #tpu.memory_space<hbm>> -> memref<1x256xf32, #tpu.memory_space<hbm>>
      %dma_start3A_471 = tpu.memref_squeeze %dma_start3A_470 : memref<1x256xf32, #tpu.memory_space<hbm>> -> memref<256xf32, #tpu.memory_space<hbm>>
      %dma_start3A_472 = arith.constant 0 : i32
      %dma_start3A_473 = tpu.memref_slice %arg6[%add3A_468, %dma_start3A_472] : memref<4096x256xf32, #tpu.memory_space<hbm>> -> memref<1x256xf32, #tpu.memory_space<hbm>>
      %dma_start3A_474 = tpu.memref_squeeze %dma_start3A_473 : memref<1x256xf32, #tpu.memory_space<hbm>> -> memref<256xf32, #tpu.memory_space<hbm>>
      tpu.enqueue_dma source(%arg25 : memref<256xf32, #tpu.memory_space<vmem>>) target(%dma_start3A_474 : memref<256xf32, #tpu.memory_space<hbm>>) target_semaphore(%arg43 : memref<!tpu.dma_semaphore, #tpu.memory_space<semaphore_mem>>)
      %mul3A_475 = arith.constant 8 : i32
      %mul3A_476 = arith.muli %mul3A_475, %add3A_260 : i32
      %add3A_477 = arith.constant 2 : i32
      %add3A_478 = arith.addi %mul3A_476, %add3A_477 : i32
      %dma_wait3A_479 = arith.constant 0 : i32
      %dma_wait3A_480 = tpu.memref_slice %arg8[%dma_wait3A_479] : memref<256xi32, #tpu.memory_space<vmem>> -> memref<200xi32, #tpu.memory_space<vmem>>
      %dma_wait3A_481 = arith.constant 0 : i32
      %dma_wait3A_482 = arith.constant 0 : i32
      %dma_wait3A_483 = tpu.memref_slice %arg4[%dma_wait3A_481, %dma_wait3A_482] : memref<100000x128xf32, #tpu.memory_space<hbm>> -> memref<100000x128xf32, #tpu.memory_space<hbm>>
      tpu.wait_indirect_dma semaphore(%arg36 : memref<!tpu.dma_semaphore, #tpu.memory_space<semaphore_mem>>) src(%dma_wait3A_483 : memref<100000x128xf32, #tpu.memory_space<hbm>>) dst(%arg18 : memref<200x128xf32, #tpu.memory_space<vmem>>)
      %dma_wait3A_484 = arith.constant 0 : i32
      %dma_wait3A_485 = tpu.memref_slice %arg22[%dma_wait3A_484] : memref<208xf32, #tpu.memory_space<vmem>> -> memref<200xf32, #tpu.memory_space<vmem>>
      %dma_wait3A_486 = arith.constant 0 : i32
      %dma_wait3A_487 = tpu.memref_slice %arg8[%dma_wait3A_486] : memref<256xi32, #tpu.memory_space<vmem>> -> memref<200xi32, #tpu.memory_space<vmem>>
      %dma_wait3A_488 = arith.constant 0 : i32
      %dma_wait3A_489 = tpu.memref_slice %arg5[%dma_wait3A_488] : memref<100000xf32, #tpu.memory_space<hbm>> -> memref<100000xf32, #tpu.memory_space<hbm>>
      tpu.wait_indirect_dma semaphore(%arg40 : memref<!tpu.dma_semaphore, #tpu.memory_space<semaphore_mem>>) src(%dma_wait3A_489 : memref<100000xf32, #tpu.memory_space<hbm>>) dst(%dma_wait3A_485 : memref<200xf32, #tpu.memory_space<vmem>>)
      %get3A_490 = arith.constant 0 : index
      %get3A_491 = tpu.vector_load %arg22[%get3A_490] {strides = array<i32>} : memref<208xf32, #tpu.memory_space<vmem>>, vector<16xf32>,
      %get3A_492 = arith.constant 16 : index
      %get3A_493 = tpu.vector_load %arg22[%get3A_492] {strides = array<i32>} : memref<208xf32, #tpu.memory_space<vmem>>, vector<16xf32>,
      %get3A_494 = arith.constant 32 : index
      %get3A_495 = tpu.vector_load %arg22[%get3A_494] {strides = array<i32>} : memref<208xf32, #tpu.memory_space<vmem>>, vector<16xf32>,
      %get3A_496 = arith.constant 48 : index
      %get3A_497 = tpu.vector_load %arg22[%get3A_496] {strides = array<i32>} : memref<208xf32, #tpu.memory_space<vmem>>, vector<16xf32>,
      %get3A_498 = arith.constant 64 : index
      %get3A_499 = tpu.vector_load %arg22[%get3A_498] {strides = array<i32>} : memref<208xf32, #tpu.memory_space<vmem>>, vector<16xf32>,
      %get3A_500 = arith.constant 80 : index
      %get3A_501 = tpu.vector_load %arg22[%get3A_500] {strides = array<i32>} : memref<208xf32, #tpu.memory_space<vmem>>, vector<16xf32>,
      %get3A_502 = arith.constant 96 : index
      %get3A_503 = tpu.vector_load %arg22[%get3A_502] {strides = array<i32>} : memref<208xf32, #tpu.memory_space<vmem>>, vector<16xf32>,
      %get3A_504 = arith.constant 112 : index
      %get3A_505 = tpu.vector_load %arg22[%get3A_504] {strides = array<i32>} : memref<208xf32, #tpu.memory_space<vmem>>, vector<16xf32>,
      %get3A_506 = arith.constant 128 : index
      %get3A_507 = tpu.vector_load %arg22[%get3A_506] {strides = array<i32>} : memref<208xf32, #tpu.memory_space<vmem>>, vector<16xf32>,
      %get3A_508 = arith.constant 144 : index
      %get3A_509 = tpu.vector_load %arg22[%get3A_508] {strides = array<i32>} : memref<208xf32, #tpu.memory_space<vmem>>, vector<16xf32>,
      %get3A_510 = arith.constant 160 : index
      %get3A_511 = tpu.vector_load %arg22[%get3A_510] {strides = array<i32>} : memref<208xf32, #tpu.memory_space<vmem>>, vector<16xf32>,
      %get3A_512 = arith.constant 176 : index
      %get3A_513 = tpu.vector_load %arg22[%get3A_512] {strides = array<i32>} : memref<208xf32, #tpu.memory_space<vmem>>, vector<16xf32>,
      %get3A_514 = arith.constant 192 : index
      %get3A_515 = tpu.vector_load %arg22[%get3A_514] {strides = array<i32>} : memref<208xf32, #tpu.memory_space<vmem>>, vector<16xf32>,
      %broadcast_in_dim3A_516 = vector.broadcast %add3A_478 : i32 to vector<16xi32>
      %scan3A_517 = arith.constant 0 : i32
      %scan3A_518 = arith.constant 128 : i32
      %scan3A_519 = arith.addi %scan3A_517, %scan3A_518 : i32
      %scan3A_520 = arith.constant 2 : i32
      %scan3A_521:13 = scf.for %scan3A_1135 = %scan3A_517 to %scan3A_519 step %scan3A_520 iter_args(%scan3A_1136 = %get3A_491, %scan3A_1137 = %get3A_493, %scan3A_1138 = %get3A_495, %scan3A_1139 = %get3A_497, %scan3A_1140 = %get3A_499, %scan3A_1141 = %get3A_501, %scan3A_1142 = %get3A_503, %scan3A_1143 = %get3A_505, %scan3A_1144 = %get3A_507, %scan3A_1145 = %get3A_509, %scan3A_1146 = %get3A_511, %scan3A_1147 = %get3A_513, %scan3A_1148 = %get3A_515) -> (vector<16xf32>, vector<16xf32>, vector<16xf32>, vector<16xf32>, vector<16xf32>, vector<16xf32>, vector<16xf32>, vector<16xf32>, vector<16xf32>, vector<16xf32>, vector<16xf32>, vector<16xf32>, vector<16xf32>)  : i32 {
        %broadcast_in_dim3A_1149 = vector.broadcast %scan3A_1135 : i32 to vector<16xi32>
        %add3A_1150 = arith.addi %broadcast_in_dim3A_1149, %iota3A : vector<16xi32>
        %and3A = arith.constant 127 : i32
        %and3A_1151 = vector.broadcast %and3A : i32 to vector<16xi32>
        %and3A_1152 = arith.andi %add3A_1150, %and3A_1151 : vector<16xi32>
        %gather3A = tpu.vector_load_idx %arg7[%broadcast_in_dim3A_516, %and3A_1152] : memref<128x128xf32, #tpu.memory_space<vmem>>[vector<16xi32>, vector<16xi32>], vector<16xf32>,
        %gather3A_1153 = tpu.vector_load_idx %arg18[%min3A_7, %and3A_1152] : memref<200x128xf32, #tpu.memory_space<vmem>>[vector<16xi32>, vector<16xi32>], vector<16xf32>,
        %mul3A_1154 = arith.mulf %gather3A_1153, %gather3A : vector<16xf32>
        %add3A_1155 = arith.addf %scan3A_1136, %mul3A_1154 : vector<16xf32>
        %gather3A_1156 = tpu.vector_load_idx %arg18[%min3A_13, %and3A_1152] : memref<200x128xf32, #tpu.memory_space<vmem>>[vector<16xi32>, vector<16xi32>], vector<16xf32>,
        %mul3A_1157 = arith.mulf %gather3A_1156, %gather3A : vector<16xf32>
        %add3A_1158 = arith.addf %scan3A_1137, %mul3A_1157 : vector<16xf32>
        %gather3A_1159 = tpu.vector_load_idx %arg18[%min3A_19, %and3A_1152] : memref<200x128xf32, #tpu.memory_space<vmem>>[vector<16xi32>, vector<16xi32>], vector<16xf32>,
        %mul3A_1160 = arith.mulf %gather3A_1159, %gather3A : vector<16xf32>
        %add3A_1161 = arith.addf %scan3A_1138, %mul3A_1160 : vector<16xf32>
        %gather3A_1162 = tpu.vector_load_idx %arg18[%min3A_25, %and3A_1152] : memref<200x128xf32, #tpu.memory_space<vmem>>[vector<16xi32>, vector<16xi32>], vector<16xf32>,
        %mul3A_1163 = arith.mulf %gather3A_1162, %gather3A : vector<16xf32>
        %add3A_1164 = arith.addf %scan3A_1139, %mul3A_1163 : vector<16xf32>
        %gather3A_1165 = tpu.vector_load_idx %arg18[%min3A_31, %and3A_1152] : memref<200x128xf32, #tpu.memory_space<vmem>>[vector<16xi32>, vector<16xi32>], vector<16xf32>,
        %mul3A_1166 = arith.mulf %gather3A_1165, %gather3A : vector<16xf32>
        %add3A_1167 = arith.addf %scan3A_1140, %mul3A_1166 : vector<16xf32>
        %gather3A_1168 = tpu.vector_load_idx %arg18[%min3A_37, %and3A_1152] : memref<200x128xf32, #tpu.memory_space<vmem>>[vector<16xi32>, vector<16xi32>], vector<16xf32>,
        %mul3A_1169 = arith.mulf %gather3A_1168, %gather3A : vector<16xf32>
        %add3A_1170 = arith.addf %scan3A_1141, %mul3A_1169 : vector<16xf32>
        %gather3A_1171 = tpu.vector_load_idx %arg18[%min3A_43, %and3A_1152] : memref<200x128xf32, #tpu.memory_space<vmem>>[vector<16xi32>, vector<16xi32>], vector<16xf32>,
        %mul3A_1172 = arith.mulf %gather3A_1171, %gather3A : vector<16xf32>
        %add3A_1173 = arith.addf %scan3A_1142, %mul3A_1172 : vector<16xf32>
        %gather3A_1174 = tpu.vector_load_idx %arg18[%min3A_49, %and3A_1152] : memref<200x128xf32, #tpu.memory_space<vmem>>[vector<16xi32>, vector<16xi32>], vector<16xf32>,
        %mul3A_1175 = arith.mulf %gather3A_1174, %gather3A : vector<16xf32>
        %add3A_1176 = arith.addf %scan3A_1143, %mul3A_1175 : vector<16xf32>
        %gather3A_1177 = tpu.vector_load_idx %arg18[%min3A_55, %and3A_1152] : memref<200x128xf32, #tpu.memory_space<vmem>>[vector<16xi32>, vector<16xi32>], vector<16xf32>,
        %mul3A_1178 = arith.mulf %gather3A_1177, %gather3A : vector<16xf32>
        %add3A_1179 = arith.addf %scan3A_1144, %mul3A_1178 : vector<16xf32>
        %gather3A_1180 = tpu.vector_load_idx %arg18[%min3A_61, %and3A_1152] : memref<200x128xf32, #tpu.memory_space<vmem>>[vector<16xi32>, vector<16xi32>], vector<16xf32>,
        %mul3A_1181 = arith.mulf %gather3A_1180, %gather3A : vector<16xf32>
        %add3A_1182 = arith.addf %scan3A_1145, %mul3A_1181 : vector<16xf32>
        %gather3A_1183 = tpu.vector_load_idx %arg18[%min3A_67, %and3A_1152] : memref<200x128xf32, #tpu.memory_space<vmem>>[vector<16xi32>, vector<16xi32>], vector<16xf32>,
        %mul3A_1184 = arith.mulf %gather3A_1183, %gather3A : vector<16xf32>
        %add3A_1185 = arith.addf %scan3A_1146, %mul3A_1184 : vector<16xf32>
        %gather3A_1186 = tpu.vector_load_idx %arg18[%min3A_73, %and3A_1152] : memref<200x128xf32, #tpu.memory_space<vmem>>[vector<16xi32>, vector<16xi32>], vector<16xf32>,
        %mul3A_1187 = arith.mulf %gather3A_1186, %gather3A : vector<16xf32>
        %add3A_1188 = arith.addf %scan3A_1147, %mul3A_1187 : vector<16xf32>
        %gather3A_1189 = tpu.vector_load_idx %arg18[%min3A_79, %and3A_1152] : memref<200x128xf32, #tpu.memory_space<vmem>>[vector<16xi32>, vector<16xi32>], vector<16xf32>,
        %mul3A_1190 = arith.mulf %gather3A_1189, %gather3A : vector<16xf32>
        %add3A_1191 = arith.addf %scan3A_1148, %mul3A_1190 : vector<16xf32>
        %scan3A_1192 = arith.constant 1 : i32
        %scan3A_1193 = arith.addi %scan3A_1135, %scan3A_1192 : i32
        %broadcast_in_dim3A_1194 = vector.broadcast %scan3A_1193 : i32 to vector<16xi32>
        %add3A_1195 = arith.addi %broadcast_in_dim3A_1194, %iota3A : vector<16xi32>
        %and3A_1196 = arith.constant 127 : i32
        %and3A_1197 = vector.broadcast %and3A_1196 : i32 to vector<16xi32>
        %and3A_1198 = arith.andi %add3A_1195, %and3A_1197 : vector<16xi32>
        %gather3A_1199 = tpu.vector_load_idx %arg7[%broadcast_in_dim3A_516, %and3A_1198] : memref<128x128xf32, #tpu.memory_space<vmem>>[vector<16xi32>, vector<16xi32>], vector<16xf32>,
        %gather3A_1200 = tpu.vector_load_idx %arg18[%min3A_7, %and3A_1198] : memref<200x128xf32, #tpu.memory_space<vmem>>[vector<16xi32>, vector<16xi32>], vector<16xf32>,
        %mul3A_1201 = arith.mulf %gather3A_1200, %gather3A_1199 : vector<16xf32>
        %add3A_1202 = arith.addf %add3A_1155, %mul3A_1201 : vector<16xf32>
        %gather3A_1203 = tpu.vector_load_idx %arg18[%min3A_13, %and3A_1198] : memref<200x128xf32, #tpu.memory_space<vmem>>[vector<16xi32>, vector<16xi32>], vector<16xf32>,
        %mul3A_1204 = arith.mulf %gather3A_1203, %gather3A_1199 : vector<16xf32>
        %add3A_1205 = arith.addf %add3A_1158, %mul3A_1204 : vector<16xf32>
        %gather3A_1206 = tpu.vector_load_idx %arg18[%min3A_19, %and3A_1198] : memref<200x128xf32, #tpu.memory_space<vmem>>[vector<16xi32>, vector<16xi32>], vector<16xf32>,
        %mul3A_1207 = arith.mulf %gather3A_1206, %gather3A_1199 : vector<16xf32>
        %add3A_1208 = arith.addf %add3A_1161, %mul3A_1207 : vector<16xf32>
        %gather3A_1209 = tpu.vector_load_idx %arg18[%min3A_25, %and3A_1198] : memref<200x128xf32, #tpu.memory_space<vmem>>[vector<16xi32>, vector<16xi32>], vector<16xf32>,
        %mul3A_1210 = arith.mulf %gather3A_1209, %gather3A_1199 : vector<16xf32>
        %add3A_1211 = arith.addf %add3A_1164, %mul3A_1210 : vector<16xf32>
        %gather3A_1212 = tpu.vector_load_idx %arg18[%min3A_31, %and3A_1198] : memref<200x128xf32, #tpu.memory_space<vmem>>[vector<16xi32>, vector<16xi32>], vector<16xf32>,
        %mul3A_1213 = arith.mulf %gather3A_1212, %gather3A_1199 : vector<16xf32>
        %add3A_1214 = arith.addf %add3A_1167, %mul3A_1213 : vector<16xf32>
        %gather3A_1215 = tpu.vector_load_idx %arg18[%min3A_37, %and3A_1198] : memref<200x128xf32, #tpu.memory_space<vmem>>[vector<16xi32>, vector<16xi32>], vector<16xf32>,
        %mul3A_1216 = arith.mulf %gather3A_1215, %gather3A_1199 : vector<16xf32>
        %add3A_1217 = arith.addf %add3A_1170, %mul3A_1216 : vector<16xf32>
        %gather3A_1218 = tpu.vector_load_idx %arg18[%min3A_43, %and3A_1198] : memref<200x128xf32, #tpu.memory_space<vmem>>[vector<16xi32>, vector<16xi32>], vector<16xf32>,
        %mul3A_1219 = arith.mulf %gather3A_1218, %gather3A_1199 : vector<16xf32>
        %add3A_1220 = arith.addf %add3A_1173, %mul3A_1219 : vector<16xf32>
        %gather3A_1221 = tpu.vector_load_idx %arg18[%min3A_49, %and3A_1198] : memref<200x128xf32, #tpu.memory_space<vmem>>[vector<16xi32>, vector<16xi32>], vector<16xf32>,
        %mul3A_1222 = arith.mulf %gather3A_1221, %gather3A_1199 : vector<16xf32>
        %add3A_1223 = arith.addf %add3A_1176, %mul3A_1222 : vector<16xf32>
        %gather3A_1224 = tpu.vector_load_idx %arg18[%min3A_55, %and3A_1198] : memref<200x128xf32, #tpu.memory_space<vmem>>[vector<16xi32>, vector<16xi32>], vector<16xf32>,
        %mul3A_1225 = arith.mulf %gather3A_1224, %gather3A_1199 : vector<16xf32>
        %add3A_1226 = arith.addf %add3A_1179, %mul3A_1225 : vector<16xf32>
        %gather3A_1227 = tpu.vector_load_idx %arg18[%min3A_61, %and3A_1198] : memref<200x128xf32, #tpu.memory_space<vmem>>[vector<16xi32>, vector<16xi32>], vector<16xf32>,
        %mul3A_1228 = arith.mulf %gather3A_1227, %gather3A_1199 : vector<16xf32>
        %add3A_1229 = arith.addf %add3A_1182, %mul3A_1228 : vector<16xf32>
        %gather3A_1230 = tpu.vector_load_idx %arg18[%min3A_67, %and3A_1198] : memref<200x128xf32, #tpu.memory_space<vmem>>[vector<16xi32>, vector<16xi32>], vector<16xf32>,
        %mul3A_1231 = arith.mulf %gather3A_1230, %gather3A_1199 : vector<16xf32>
        %add3A_1232 = arith.addf %add3A_1185, %mul3A_1231 : vector<16xf32>
        %gather3A_1233 = tpu.vector_load_idx %arg18[%min3A_73, %and3A_1198] : memref<200x128xf32, #tpu.memory_space<vmem>>[vector<16xi32>, vector<16xi32>], vector<16xf32>,
        %mul3A_1234 = arith.mulf %gather3A_1233, %gather3A_1199 : vector<16xf32>
        %add3A_1235 = arith.addf %add3A_1188, %mul3A_1234 : vector<16xf32>
        %gather3A_1236 = tpu.vector_load_idx %arg18[%min3A_79, %and3A_1198] : memref<200x128xf32, #tpu.memory_space<vmem>>[vector<16xi32>, vector<16xi32>], vector<16xf32>,
        %mul3A_1237 = arith.mulf %gather3A_1236, %gather3A_1199 : vector<16xf32>
        %add3A_1238 = arith.addf %add3A_1191, %mul3A_1237 : vector<16xf32>
        scf.yield %add3A_1202, %add3A_1205, %add3A_1208, %add3A_1211, %add3A_1214, %add3A_1217, %add3A_1220, %add3A_1223, %add3A_1226, %add3A_1229, %add3A_1232, %add3A_1235, %add3A_1238 : vector<16xf32>, vector<16xf32>, vector<16xf32>, vector<16xf32>, vector<16xf32>, vector<16xf32>, vector<16xf32>, vector<16xf32>, vector<16xf32>, vector<16xf32>, vector<16xf32>, vector<16xf32>, vector<16xf32>
      }
      %scan3A_522 = arith.constant 128 : i32
      %add3A_523 = arith.constant 8 : i32
      %add3A_524 = arith.addi %add3A_478, %add3A_523 : i32
      %min3A_525 = arith.constant 127 : i32
      %min3A_526 = arith.minsi %add3A_524, %min3A_525 : i32
      %add3A_527 = arith.addi %mul3A_2, %min3A_526 : i32
      %mul3A_528 = arith.constant 256 : i32
      %mul3A_529 = arith.muli %add3A_527, %mul3A_528 : i32
      %dma_start3A_530 = tpu.memref_slice %arg3[%mul3A_529] : memref<1048576xi32, #tpu.memory_space<hbm>> -> memref<256xi32, #tpu.memory_space<hbm>>
      %dma_start3A_531 = tpu.memref_slice %arg3[%mul3A_529] : memref<1048576xi32, #tpu.memory_space<hbm>> -> memref<256xi32, #tpu.memory_space<hbm>>
      tpu.enqueue_dma source(%dma_start3A_531 : memref<256xi32, #tpu.memory_space<hbm>>) target(%arg10 : memref<256xi32, #tpu.memory_space<vmem>>) target_semaphore(%arg28 : memref<!tpu.dma_semaphore, #tpu.memory_space<semaphore_mem>>)
      %dma_wait3A_532 = arith.constant 0 : i32
      %dma_wait3A_533 = tpu.memref_slice %arg3[%dma_wait3A_532] : memref<1048576xi32, #tpu.memory_space<hbm>> -> memref<256xi32, #tpu.memory_space<hbm>>
      %dma_wait3A_534 = arith.constant 0 : i32
      %dma_wait3A_535 = tpu.memref_slice %arg3[%dma_wait3A_534] : memref<1048576xi32, #tpu.memory_space<hbm>> -> memref<256xi32, #tpu.memory_space<hbm>>
      tpu.wait_dma2 semaphore(%arg31 : memref<!tpu.dma_semaphore, #tpu.memory_space<semaphore_mem>>) src(%dma_wait3A_535 : memref<256xi32, #tpu.memory_space<hbm>>) dst(%arg13 : memref<256xi32, #tpu.memory_space<vmem>>)
      %dma_start3A_536 = arith.constant 0 : i32
      %dma_start3A_537 = tpu.memref_slice %arg21[%dma_start3A_536] : memref<208xf32, #tpu.memory_space<vmem>> -> memref<200xf32, #tpu.memory_space<vmem>>
      %dma_start3A_538 = arith.constant 0 : i32
      %dma_start3A_539 = tpu.memref_slice %arg13[%dma_start3A_538] : memref<256xi32, #tpu.memory_space<vmem>> -> memref<200xi32, #tpu.memory_space<vmem>>
      %dma_start3A_540 = arith.constant 0 : i32
      %dma_start3A_541 = tpu.memref_slice %arg5[%dma_start3A_540] : memref<100000xf32, #tpu.memory_space<hbm>> -> memref<100000xf32, #tpu.memory_space<hbm>>
      tpu.enqueue_indirect_dma source(%dma_start3A_541 : memref<100000xf32, #tpu.memory_space<hbm>>) target(%dma_start3A_537 : memref<200xf32, #tpu.memory_space<vmem>>) offsets(%dma_start3A_539 : memref<200xi32, #tpu.memory_space<vmem>>) semaphore(%arg39 : memref<!tpu.dma_semaphore, #tpu.memory_space<semaphore_mem>>)
      %dma_start3A_542 = arith.constant 0 : i32
      %dma_start3A_543 = tpu.memref_slice %arg13[%dma_start3A_542] : memref<256xi32, #tpu.memory_space<vmem>> -> memref<200xi32, #tpu.memory_space<vmem>>
      %dma_start3A_544 = arith.constant 0 : i32
      %dma_start3A_545 = arith.constant 0 : i32
      %dma_start3A_546 = tpu.memref_slice %arg4[%dma_start3A_544, %dma_start3A_545] : memref<100000x128xf32, #tpu.memory_space<hbm>> -> memref<100000x128xf32, #tpu.memory_space<hbm>>
      tpu.enqueue_indirect_dma source(%dma_start3A_546 : memref<100000x128xf32, #tpu.memory_space<hbm>>) target(%arg17 : memref<200x128xf32, #tpu.memory_space<vmem>>) offsets(%dma_start3A_543 : memref<200xi32, #tpu.memory_space<vmem>>) semaphore(%arg35 : memref<!tpu.dma_semaphore, #tpu.memory_space<semaphore_mem>>)
      %gt3A_547 = arith.constant 0 : i32
      %gt3A_548 = arith.cmpi sgt, %add3A_260, %gt3A_547 : i32
      %convert_element_type3A_549 = arith.extui %gt3A_548 : i1 to i32
      %cond3A_550 = arith.constant 0 : i32
      %cond3A_551 = arith.cmpi ne, %convert_element_type3A_549, %cond3A_550 : i32
      scf.if %cond3A_551 {
        %dma_wait3A_1135 = arith.constant 0 : i32
        %dma_wait3A_1136 = tpu.memref_slice %arg6[%mul3A_2, %dma_wait3A_1135] : memref<4096x256xf32, #tpu.memory_space<hbm>> -> memref<1x256xf32, #tpu.memory_space<hbm>>
        %dma_wait3A_1137 = tpu.memref_squeeze %dma_wait3A_1136 : memref<1x256xf32, #tpu.memory_space<hbm>> -> memref<256xf32, #tpu.memory_space<hbm>>
        %dma_wait3A_1138 = arith.constant 0 : i32
        %dma_wait3A_1139 = tpu.memref_slice %arg6[%mul3A_2, %dma_wait3A_1138] : memref<4096x256xf32, #tpu.memory_space<hbm>> -> memref<1x256xf32, #tpu.memory_space<hbm>>
        %dma_wait3A_1140 = tpu.memref_squeeze %dma_wait3A_1139 : memref<1x256xf32, #tpu.memory_space<hbm>> -> memref<256xf32, #tpu.memory_space<hbm>>
        tpu.wait_dma2 semaphore(%arg42 : memref<!tpu.dma_semaphore, #tpu.memory_space<semaphore_mem>>) src(%arg24 : memref<256xf32, #tpu.memory_space<vmem>>) dst(%dma_wait3A_1140 : memref<256xf32, #tpu.memory_space<hbm>>)
      } else {
      }
      %swap3A_552 = arith.constant 0 : index
      %swap3A_553 = tpu.vector_load %arg24[%swap3A_552] {strides = array<i32>} : memref<256xf32, #tpu.memory_space<vmem>>, vector<16xf32>,
      tpu.vector_store %arg24[%swap3A_552], %scan3A_521#0 {strides = array<i32>} : memref<256xf32, #tpu.memory_space<vmem>>, vector<16xf32>,
      %swap3A_554 = arith.constant 16 : index
      %swap3A_555 = tpu.vector_load %arg24[%swap3A_554] {strides = array<i32>} : memref<256xf32, #tpu.memory_space<vmem>>, vector<16xf32>,
      tpu.vector_store %arg24[%swap3A_554], %scan3A_521#1 {strides = array<i32>} : memref<256xf32, #tpu.memory_space<vmem>>, vector<16xf32>,
      %swap3A_556 = arith.constant 32 : index
      %swap3A_557 = tpu.vector_load %arg24[%swap3A_556] {strides = array<i32>} : memref<256xf32, #tpu.memory_space<vmem>>, vector<16xf32>,
      tpu.vector_store %arg24[%swap3A_556], %scan3A_521#2 {strides = array<i32>} : memref<256xf32, #tpu.memory_space<vmem>>, vector<16xf32>,
      %swap3A_558 = arith.constant 48 : index
      %swap3A_559 = tpu.vector_load %arg24[%swap3A_558] {strides = array<i32>} : memref<256xf32, #tpu.memory_space<vmem>>, vector<16xf32>,
      tpu.vector_store %arg24[%swap3A_558], %scan3A_521#3 {strides = array<i32>} : memref<256xf32, #tpu.memory_space<vmem>>, vector<16xf32>,
      %swap3A_560 = arith.constant 64 : index
      %swap3A_561 = tpu.vector_load %arg24[%swap3A_560] {strides = array<i32>} : memref<256xf32, #tpu.memory_space<vmem>>, vector<16xf32>,
      tpu.vector_store %arg24[%swap3A_560], %scan3A_521#4 {strides = array<i32>} : memref<256xf32, #tpu.memory_space<vmem>>, vector<16xf32>,
      %swap3A_562 = arith.constant 80 : index
      %swap3A_563 = tpu.vector_load %arg24[%swap3A_562] {strides = array<i32>} : memref<256xf32, #tpu.memory_space<vmem>>, vector<16xf32>,
      tpu.vector_store %arg24[%swap3A_562], %scan3A_521#5 {strides = array<i32>} : memref<256xf32, #tpu.memory_space<vmem>>, vector<16xf32>,
      %swap3A_564 = arith.constant 96 : index
      %swap3A_565 = tpu.vector_load %arg24[%swap3A_564] {strides = array<i32>} : memref<256xf32, #tpu.memory_space<vmem>>, vector<16xf32>,
      tpu.vector_store %arg24[%swap3A_564], %scan3A_521#6 {strides = array<i32>} : memref<256xf32, #tpu.memory_space<vmem>>, vector<16xf32>,
      %swap3A_566 = arith.constant 112 : index
      %swap3A_567 = tpu.vector_load %arg24[%swap3A_566] {strides = array<i32>} : memref<256xf32, #tpu.memory_space<vmem>>, vector<16xf32>,
      tpu.vector_store %arg24[%swap3A_566], %scan3A_521#7 {strides = array<i32>} : memref<256xf32, #tpu.memory_space<vmem>>, vector<16xf32>,
      %swap3A_568 = arith.constant 128 : index
      %swap3A_569 = tpu.vector_load %arg24[%swap3A_568] {strides = array<i32>} : memref<256xf32, #tpu.memory_space<vmem>>, vector<16xf32>,
      tpu.vector_store %arg24[%swap3A_568], %scan3A_521#8 {strides = array<i32>} : memref<256xf32, #tpu.memory_space<vmem>>, vector<16xf32>,
      %swap3A_570 = arith.constant 144 : index
      %swap3A_571 = tpu.vector_load %arg24[%swap3A_570] {strides = array<i32>} : memref<256xf32, #tpu.memory_space<vmem>>, vector<16xf32>,
      tpu.vector_store %arg24[%swap3A_570], %scan3A_521#9 {strides = array<i32>} : memref<256xf32, #tpu.memory_space<vmem>>, vector<16xf32>,
      %swap3A_572 = arith.constant 160 : index
      %swap3A_573 = tpu.vector_load %arg24[%swap3A_572] {strides = array<i32>} : memref<256xf32, #tpu.memory_space<vmem>>, vector<16xf32>,
      tpu.vector_store %arg24[%swap3A_572], %scan3A_521#10 {strides = array<i32>} : memref<256xf32, #tpu.memory_space<vmem>>, vector<16xf32>,
      %swap3A_574 = arith.constant 176 : index
      %swap3A_575 = tpu.vector_load %arg24[%swap3A_574] {strides = array<i32>} : memref<256xf32, #tpu.memory_space<vmem>>, vector<16xf32>,
      tpu.vector_store %arg24[%swap3A_574], %scan3A_521#11 {strides = array<i32>} : memref<256xf32, #tpu.memory_space<vmem>>, vector<16xf32>,
      %swap3A_576 = arith.constant 192 : index
      %swap3A_577 = tpu.vector_load %arg24[%swap3A_576] {strides = array<i32>} : memref<256xf32, #tpu.memory_space<vmem>>, vector<16xf32>,
      tpu.vector_store %arg24[%swap3A_576], %scan3A_521#12 {strides = array<i32>} : memref<256xf32, #tpu.memory_space<vmem>>, vector<16xf32>,
      %add3A_578 = arith.addi %mul3A_2, %add3A_478 : i32
      %dma_start3A_579 = arith.constant 0 : i32
      %dma_start3A_580 = tpu.memref_slice %arg6[%add3A_578, %dma_start3A_579] : memref<4096x256xf32, #tpu.memory_space<hbm>> -> memref<1x256xf32, #tpu.memory_space<hbm>>
      %dma_start3A_581 = tpu.memref_squeeze %dma_start3A_580 : memref<1x256xf32, #tpu.memory_space<hbm>> -> memref<256xf32, #tpu.memory_space<hbm>>
      %dma_start3A_582 = arith.constant 0 : i32
      %dma_start3A_583 = tpu.memref_slice %arg6[%add3A_578, %dma_start3A_582] : memref<4096x256xf32, #tpu.memory_space<hbm>> -> memref<1x256xf32, #tpu.memory_space<hbm>>
      %dma_start3A_584 = tpu.memref_squeeze %dma_start3A_583 : memref<1x256xf32, #tpu.memory_space<hbm>> -> memref<256xf32, #tpu.memory_space<hbm>>
      tpu.enqueue_dma source(%arg24 : memref<256xf32, #tpu.memory_space<vmem>>) target(%dma_start3A_584 : memref<256xf32, #tpu.memory_space<hbm>>) target_semaphore(%arg42 : memref<!tpu.dma_semaphore, #tpu.memory_space<semaphore_mem>>)
      %mul3A_585 = arith.constant 8 : i32
      %mul3A_586 = arith.muli %mul3A_585, %add3A_260 : i32
      %add3A_587 = arith.constant 3 : i32
      %add3A_588 = arith.addi %mul3A_586, %add3A_587 : i32
      %dma_wait3A_589 = arith.constant 0 : i32
      %dma_wait3A_590 = tpu.memref_slice %arg8[%dma_wait3A_589] : memref<256xi32, #tpu.memory_space<vmem>> -> memref<200xi32, #tpu.memory_space<vmem>>
      %dma_wait3A_591 = arith.constant 0 : i32
      %dma_wait3A_592 = arith.constant 0 : i32
      %dma_wait3A_593 = tpu.memref_slice %arg4[%dma_wait3A_591, %dma_wait3A_592] : memref<100000x128xf32, #tpu.memory_space<hbm>> -> memref<100000x128xf32, #tpu.memory_space<hbm>>
      tpu.wait_indirect_dma semaphore(%arg37 : memref<!tpu.dma_semaphore, #tpu.memory_space<semaphore_mem>>) src(%dma_wait3A_593 : memref<100000x128xf32, #tpu.memory_space<hbm>>) dst(%arg19 : memref<200x128xf32, #tpu.memory_space<vmem>>)
      %dma_wait3A_594 = arith.constant 0 : i32
      %dma_wait3A_595 = tpu.memref_slice %arg23[%dma_wait3A_594] : memref<208xf32, #tpu.memory_space<vmem>> -> memref<200xf32, #tpu.memory_space<vmem>>
      %dma_wait3A_596 = arith.constant 0 : i32
      %dma_wait3A_597 = tpu.memref_slice %arg8[%dma_wait3A_596] : memref<256xi32, #tpu.memory_space<vmem>> -> memref<200xi32, #tpu.memory_space<vmem>>
      %dma_wait3A_598 = arith.constant 0 : i32
      %dma_wait3A_599 = tpu.memref_slice %arg5[%dma_wait3A_598] : memref<100000xf32, #tpu.memory_space<hbm>> -> memref<100000xf32, #tpu.memory_space<hbm>>
      tpu.wait_indirect_dma semaphore(%arg41 : memref<!tpu.dma_semaphore, #tpu.memory_space<semaphore_mem>>) src(%dma_wait3A_599 : memref<100000xf32, #tpu.memory_space<hbm>>) dst(%dma_wait3A_595 : memref<200xf32, #tpu.memory_space<vmem>>)
      %get3A_600 = arith.constant 0 : index
      %get3A_601 = tpu.vector_load %arg23[%get3A_600] {strides = array<i32>} : memref<208xf32, #tpu.memory_space<vmem>>, vector<16xf32>,
      %get3A_602 = arith.constant 16 : index
      %get3A_603 = tpu.vector_load %arg23[%get3A_602] {strides = array<i32>} : memref<208xf32, #tpu.memory_space<vmem>>, vector<16xf32>,
      %get3A_604 = arith.constant 32 : index
      %get3A_605 = tpu.vector_load %arg23[%get3A_604] {strides = array<i32>} : memref<208xf32, #tpu.memory_space<vmem>>, vector<16xf32>,
      %get3A_606 = arith.constant 48 : index
      %get3A_607 = tpu.vector_load %arg23[%get3A_606] {strides = array<i32>} : memref<208xf32, #tpu.memory_space<vmem>>, vector<16xf32>,
      %get3A_608 = arith.constant 64 : index
      %get3A_609 = tpu.vector_load %arg23[%get3A_608] {strides = array<i32>} : memref<208xf32, #tpu.memory_space<vmem>>, vector<16xf32>,
      %get3A_610 = arith.constant 80 : index
      %get3A_611 = tpu.vector_load %arg23[%get3A_610] {strides = array<i32>} : memref<208xf32, #tpu.memory_space<vmem>>, vector<16xf32>,
      %get3A_612 = arith.constant 96 : index
      %get3A_613 = tpu.vector_load %arg23[%get3A_612] {strides = array<i32>} : memref<208xf32, #tpu.memory_space<vmem>>, vector<16xf32>,
      %get3A_614 = arith.constant 112 : index
      %get3A_615 = tpu.vector_load %arg23[%get3A_614] {strides = array<i32>} : memref<208xf32, #tpu.memory_space<vmem>>, vector<16xf32>,
      %get3A_616 = arith.constant 128 : index
      %get3A_617 = tpu.vector_load %arg23[%get3A_616] {strides = array<i32>} : memref<208xf32, #tpu.memory_space<vmem>>, vector<16xf32>,
      %get3A_618 = arith.constant 144 : index
      %get3A_619 = tpu.vector_load %arg23[%get3A_618] {strides = array<i32>} : memref<208xf32, #tpu.memory_space<vmem>>, vector<16xf32>,
      %get3A_620 = arith.constant 160 : index
      %get3A_621 = tpu.vector_load %arg23[%get3A_620] {strides = array<i32>} : memref<208xf32, #tpu.memory_space<vmem>>, vector<16xf32>,
      %get3A_622 = arith.constant 176 : index
      %get3A_623 = tpu.vector_load %arg23[%get3A_622] {strides = array<i32>} : memref<208xf32, #tpu.memory_space<vmem>>, vector<16xf32>,
      %get3A_624 = arith.constant 192 : index
      %get3A_625 = tpu.vector_load %arg23[%get3A_624] {strides = array<i32>} : memref<208xf32, #tpu.memory_space<vmem>>, vector<16xf32>,
      %broadcast_in_dim3A_626 = vector.broadcast %add3A_588 : i32 to vector<16xi32>
      %scan3A_627 = arith.constant 0 : i32
      %scan3A_628 = arith.constant 128 : i32
      %scan3A_629 = arith.addi %scan3A_627, %scan3A_628 : i32
      %scan3A_630 = arith.constant 2 : i32
      %scan3A_631:13 = scf.for %scan3A_1135 = %scan3A_627 to %scan3A_629 step %scan3A_630 iter_args(%scan3A_1136 = %get3A_601, %scan3A_1137 = %get3A_603, %scan3A_1138 = %get3A_605, %scan3A_1139 = %get3A_607, %scan3A_1140 = %get3A_609, %scan3A_1141 = %get3A_611, %scan3A_1142 = %get3A_613, %scan3A_1143 = %get3A_615, %scan3A_1144 = %get3A_617, %scan3A_1145 = %get3A_619, %scan3A_1146 = %get3A_621, %scan3A_1147 = %get3A_623, %scan3A_1148 = %get3A_625) -> (vector<16xf32>, vector<16xf32>, vector<16xf32>, vector<16xf32>, vector<16xf32>, vector<16xf32>, vector<16xf32>, vector<16xf32>, vector<16xf32>, vector<16xf32>, vector<16xf32>, vector<16xf32>, vector<16xf32>)  : i32 {
        %broadcast_in_dim3A_1149 = vector.broadcast %scan3A_1135 : i32 to vector<16xi32>
        %add3A_1150 = arith.addi %broadcast_in_dim3A_1149, %iota3A : vector<16xi32>
        %and3A = arith.constant 127 : i32
        %and3A_1151 = vector.broadcast %and3A : i32 to vector<16xi32>
        %and3A_1152 = arith.andi %add3A_1150, %and3A_1151 : vector<16xi32>
        %gather3A = tpu.vector_load_idx %arg7[%broadcast_in_dim3A_626, %and3A_1152] : memref<128x128xf32, #tpu.memory_space<vmem>>[vector<16xi32>, vector<16xi32>], vector<16xf32>,
        %gather3A_1153 = tpu.vector_load_idx %arg19[%min3A_7, %and3A_1152] : memref<200x128xf32, #tpu.memory_space<vmem>>[vector<16xi32>, vector<16xi32>], vector<16xf32>,
        %mul3A_1154 = arith.mulf %gather3A_1153, %gather3A : vector<16xf32>
        %add3A_1155 = arith.addf %scan3A_1136, %mul3A_1154 : vector<16xf32>
        %gather3A_1156 = tpu.vector_load_idx %arg19[%min3A_13, %and3A_1152] : memref<200x128xf32, #tpu.memory_space<vmem>>[vector<16xi32>, vector<16xi32>], vector<16xf32>,
        %mul3A_1157 = arith.mulf %gather3A_1156, %gather3A : vector<16xf32>
        %add3A_1158 = arith.addf %scan3A_1137, %mul3A_1157 : vector<16xf32>
        %gather3A_1159 = tpu.vector_load_idx %arg19[%min3A_19, %and3A_1152] : memref<200x128xf32, #tpu.memory_space<vmem>>[vector<16xi32>, vector<16xi32>], vector<16xf32>,
        %mul3A_1160 = arith.mulf %gather3A_1159, %gather3A : vector<16xf32>
        %add3A_1161 = arith.addf %scan3A_1138, %mul3A_1160 : vector<16xf32>
        %gather3A_1162 = tpu.vector_load_idx %arg19[%min3A_25, %and3A_1152] : memref<200x128xf32, #tpu.memory_space<vmem>>[vector<16xi32>, vector<16xi32>], vector<16xf32>,
        %mul3A_1163 = arith.mulf %gather3A_1162, %gather3A : vector<16xf32>
        %add3A_1164 = arith.addf %scan3A_1139, %mul3A_1163 : vector<16xf32>
        %gather3A_1165 = tpu.vector_load_idx %arg19[%min3A_31, %and3A_1152] : memref<200x128xf32, #tpu.memory_space<vmem>>[vector<16xi32>, vector<16xi32>], vector<16xf32>,
        %mul3A_1166 = arith.mulf %gather3A_1165, %gather3A : vector<16xf32>
        %add3A_1167 = arith.addf %scan3A_1140, %mul3A_1166 : vector<16xf32>
        %gather3A_1168 = tpu.vector_load_idx %arg19[%min3A_37, %and3A_1152] : memref<200x128xf32, #tpu.memory_space<vmem>>[vector<16xi32>, vector<16xi32>], vector<16xf32>,
        %mul3A_1169 = arith.mulf %gather3A_1168, %gather3A : vector<16xf32>
        %add3A_1170 = arith.addf %scan3A_1141, %mul3A_1169 : vector<16xf32>
        %gather3A_1171 = tpu.vector_load_idx %arg19[%min3A_43, %and3A_1152] : memref<200x128xf32, #tpu.memory_space<vmem>>[vector<16xi32>, vector<16xi32>], vector<16xf32>,
        %mul3A_1172 = arith.mulf %gather3A_1171, %gather3A : vector<16xf32>
        %add3A_1173 = arith.addf %scan3A_1142, %mul3A_1172 : vector<16xf32>
        %gather3A_1174 = tpu.vector_load_idx %arg19[%min3A_49, %and3A_1152] : memref<200x128xf32, #tpu.memory_space<vmem>>[vector<16xi32>, vector<16xi32>], vector<16xf32>,
        %mul3A_1175 = arith.mulf %gather3A_1174, %gather3A : vector<16xf32>
        %add3A_1176 = arith.addf %scan3A_1143, %mul3A_1175 : vector<16xf32>
        %gather3A_1177 = tpu.vector_load_idx %arg19[%min3A_55, %and3A_1152] : memref<200x128xf32, #tpu.memory_space<vmem>>[vector<16xi32>, vector<16xi32>], vector<16xf32>,
        %mul3A_1178 = arith.mulf %gather3A_1177, %gather3A : vector<16xf32>
        %add3A_1179 = arith.addf %scan3A_1144, %mul3A_1178 : vector<16xf32>
        %gather3A_1180 = tpu.vector_load_idx %arg19[%min3A_61, %and3A_1152] : memref<200x128xf32, #tpu.memory_space<vmem>>[vector<16xi32>, vector<16xi32>], vector<16xf32>,
        %mul3A_1181 = arith.mulf %gather3A_1180, %gather3A : vector<16xf32>
        %add3A_1182 = arith.addf %scan3A_1145, %mul3A_1181 : vector<16xf32>
        %gather3A_1183 = tpu.vector_load_idx %arg19[%min3A_67, %and3A_1152] : memref<200x128xf32, #tpu.memory_space<vmem>>[vector<16xi32>, vector<16xi32>], vector<16xf32>,
        %mul3A_1184 = arith.mulf %gather3A_1183, %gather3A : vector<16xf32>
        %add3A_1185 = arith.addf %scan3A_1146, %mul3A_1184 : vector<16xf32>
        %gather3A_1186 = tpu.vector_load_idx %arg19[%min3A_73, %and3A_1152] : memref<200x128xf32, #tpu.memory_space<vmem>>[vector<16xi32>, vector<16xi32>], vector<16xf32>,
        %mul3A_1187 = arith.mulf %gather3A_1186, %gather3A : vector<16xf32>
        %add3A_1188 = arith.addf %scan3A_1147, %mul3A_1187 : vector<16xf32>
        %gather3A_1189 = tpu.vector_load_idx %arg19[%min3A_79, %and3A_1152] : memref<200x128xf32, #tpu.memory_space<vmem>>[vector<16xi32>, vector<16xi32>], vector<16xf32>,
        %mul3A_1190 = arith.mulf %gather3A_1189, %gather3A : vector<16xf32>
        %add3A_1191 = arith.addf %scan3A_1148, %mul3A_1190 : vector<16xf32>
        %scan3A_1192 = arith.constant 1 : i32
        %scan3A_1193 = arith.addi %scan3A_1135, %scan3A_1192 : i32
        %broadcast_in_dim3A_1194 = vector.broadcast %scan3A_1193 : i32 to vector<16xi32>
        %add3A_1195 = arith.addi %broadcast_in_dim3A_1194, %iota3A : vector<16xi32>
        %and3A_1196 = arith.constant 127 : i32
        %and3A_1197 = vector.broadcast %and3A_1196 : i32 to vector<16xi32>
        %and3A_1198 = arith.andi %add3A_1195, %and3A_1197 : vector<16xi32>
        %gather3A_1199 = tpu.vector_load_idx %arg7[%broadcast_in_dim3A_626, %and3A_1198] : memref<128x128xf32, #tpu.memory_space<vmem>>[vector<16xi32>, vector<16xi32>], vector<16xf32>,
        %gather3A_1200 = tpu.vector_load_idx %arg19[%min3A_7, %and3A_1198] : memref<200x128xf32, #tpu.memory_space<vmem>>[vector<16xi32>, vector<16xi32>], vector<16xf32>,
        %mul3A_1201 = arith.mulf %gather3A_1200, %gather3A_1199 : vector<16xf32>
        %add3A_1202 = arith.addf %add3A_1155, %mul3A_1201 : vector<16xf32>
        %gather3A_1203 = tpu.vector_load_idx %arg19[%min3A_13, %and3A_1198] : memref<200x128xf32, #tpu.memory_space<vmem>>[vector<16xi32>, vector<16xi32>], vector<16xf32>,
        %mul3A_1204 = arith.mulf %gather3A_1203, %gather3A_1199 : vector<16xf32>
        %add3A_1205 = arith.addf %add3A_1158, %mul3A_1204 : vector<16xf32>
        %gather3A_1206 = tpu.vector_load_idx %arg19[%min3A_19, %and3A_1198] : memref<200x128xf32, #tpu.memory_space<vmem>>[vector<16xi32>, vector<16xi32>], vector<16xf32>,
        %mul3A_1207 = arith.mulf %gather3A_1206, %gather3A_1199 : vector<16xf32>
        %add3A_1208 = arith.addf %add3A_1161, %mul3A_1207 : vector<16xf32>
        %gather3A_1209 = tpu.vector_load_idx %arg19[%min3A_25, %and3A_1198] : memref<200x128xf32, #tpu.memory_space<vmem>>[vector<16xi32>, vector<16xi32>], vector<16xf32>,
        %mul3A_1210 = arith.mulf %gather3A_1209, %gather3A_1199 : vector<16xf32>
        %add3A_1211 = arith.addf %add3A_1164, %mul3A_1210 : vector<16xf32>
        %gather3A_1212 = tpu.vector_load_idx %arg19[%min3A_31, %and3A_1198] : memref<200x128xf32, #tpu.memory_space<vmem>>[vector<16xi32>, vector<16xi32>], vector<16xf32>,
        %mul3A_1213 = arith.mulf %gather3A_1212, %gather3A_1199 : vector<16xf32>
        %add3A_1214 = arith.addf %add3A_1167, %mul3A_1213 : vector<16xf32>
        %gather3A_1215 = tpu.vector_load_idx %arg19[%min3A_37, %and3A_1198] : memref<200x128xf32, #tpu.memory_space<vmem>>[vector<16xi32>, vector<16xi32>], vector<16xf32>,
        %mul3A_1216 = arith.mulf %gather3A_1215, %gather3A_1199 : vector<16xf32>
        %add3A_1217 = arith.addf %add3A_1170, %mul3A_1216 : vector<16xf32>
        %gather3A_1218 = tpu.vector_load_idx %arg19[%min3A_43, %and3A_1198] : memref<200x128xf32, #tpu.memory_space<vmem>>[vector<16xi32>, vector<16xi32>], vector<16xf32>,
        %mul3A_1219 = arith.mulf %gather3A_1218, %gather3A_1199 : vector<16xf32>
        %add3A_1220 = arith.addf %add3A_1173, %mul3A_1219 : vector<16xf32>
        %gather3A_1221 = tpu.vector_load_idx %arg19[%min3A_49, %and3A_1198] : memref<200x128xf32, #tpu.memory_space<vmem>>[vector<16xi32>, vector<16xi32>], vector<16xf32>,
        %mul3A_1222 = arith.mulf %gather3A_1221, %gather3A_1199 : vector<16xf32>
        %add3A_1223 = arith.addf %add3A_1176, %mul3A_1222 : vector<16xf32>
        %gather3A_1224 = tpu.vector_load_idx %arg19[%min3A_55, %and3A_1198] : memref<200x128xf32, #tpu.memory_space<vmem>>[vector<16xi32>, vector<16xi32>], vector<16xf32>,
        %mul3A_1225 = arith.mulf %gather3A_1224, %gather3A_1199 : vector<16xf32>
        %add3A_1226 = arith.addf %add3A_1179, %mul3A_1225 : vector<16xf32>
        %gather3A_1227 = tpu.vector_load_idx %arg19[%min3A_61, %and3A_1198] : memref<200x128xf32, #tpu.memory_space<vmem>>[vector<16xi32>, vector<16xi32>], vector<16xf32>,
        %mul3A_1228 = arith.mulf %gather3A_1227, %gather3A_1199 : vector<16xf32>
        %add3A_1229 = arith.addf %add3A_1182, %mul3A_1228 : vector<16xf32>
        %gather3A_1230 = tpu.vector_load_idx %arg19[%min3A_67, %and3A_1198] : memref<200x128xf32, #tpu.memory_space<vmem>>[vector<16xi32>, vector<16xi32>], vector<16xf32>,
        %mul3A_1231 = arith.mulf %gather3A_1230, %gather3A_1199 : vector<16xf32>
        %add3A_1232 = arith.addf %add3A_1185, %mul3A_1231 : vector<16xf32>
        %gather3A_1233 = tpu.vector_load_idx %arg19[%min3A_73, %and3A_1198] : memref<200x128xf32, #tpu.memory_space<vmem>>[vector<16xi32>, vector<16xi32>], vector<16xf32>,
        %mul3A_1234 = arith.mulf %gather3A_1233, %gather3A_1199 : vector<16xf32>
        %add3A_1235 = arith.addf %add3A_1188, %mul3A_1234 : vector<16xf32>
        %gather3A_1236 = tpu.vector_load_idx %arg19[%min3A_79, %and3A_1198] : memref<200x128xf32, #tpu.memory_space<vmem>>[vector<16xi32>, vector<16xi32>], vector<16xf32>,
        %mul3A_1237 = arith.mulf %gather3A_1236, %gather3A_1199 : vector<16xf32>
        %add3A_1238 = arith.addf %add3A_1191, %mul3A_1237 : vector<16xf32>
        scf.yield %add3A_1202, %add3A_1205, %add3A_1208, %add3A_1211, %add3A_1214, %add3A_1217, %add3A_1220, %add3A_1223, %add3A_1226, %add3A_1229, %add3A_1232, %add3A_1235, %add3A_1238 : vector<16xf32>, vector<16xf32>, vector<16xf32>, vector<16xf32>, vector<16xf32>, vector<16xf32>, vector<16xf32>, vector<16xf32>, vector<16xf32>, vector<16xf32>, vector<16xf32>, vector<16xf32>, vector<16xf32>
      }
      %scan3A_632 = arith.constant 128 : i32
      %add3A_633 = arith.constant 8 : i32
      %add3A_634 = arith.addi %add3A_588, %add3A_633 : i32
      %min3A_635 = arith.constant 127 : i32
      %min3A_636 = arith.minsi %add3A_634, %min3A_635 : i32
      %add3A_637 = arith.addi %mul3A_2, %min3A_636 : i32
      %mul3A_638 = arith.constant 256 : i32
      %mul3A_639 = arith.muli %add3A_637, %mul3A_638 : i32
      %dma_start3A_640 = tpu.memref_slice %arg3[%mul3A_639] : memref<1048576xi32, #tpu.memory_space<hbm>> -> memref<256xi32, #tpu.memory_space<hbm>>
      %dma_start3A_641 = tpu.memref_slice %arg3[%mul3A_639] : memref<1048576xi32, #tpu.memory_space<hbm>> -> memref<256xi32, #tpu.memory_space<hbm>>
      tpu.enqueue_dma source(%dma_start3A_641 : memref<256xi32, #tpu.memory_space<hbm>>) target(%arg11 : memref<256xi32, #tpu.memory_space<vmem>>) target_semaphore(%arg29 : memref<!tpu.dma_semaphore, #tpu.memory_space<semaphore_mem>>)
      %dma_wait3A_642 = arith.constant 0 : i32
      %dma_wait3A_643 = tpu.memref_slice %arg3[%dma_wait3A_642] : memref<1048576xi32, #tpu.memory_space<hbm>> -> memref<256xi32, #tpu.memory_space<hbm>>
      %dma_wait3A_644 = arith.constant 0 : i32
      %dma_wait3A_645 = tpu.memref_slice %arg3[%dma_wait3A_644] : memref<1048576xi32, #tpu.memory_space<hbm>> -> memref<256xi32, #tpu.memory_space<hbm>>
      tpu.wait_dma2 semaphore(%arg32 : memref<!tpu.dma_semaphore, #tpu.memory_space<semaphore_mem>>) src(%dma_wait3A_645 : memref<256xi32, #tpu.memory_space<hbm>>) dst(%arg14 : memref<256xi32, #tpu.memory_space<vmem>>)
      %dma_start3A_646 = arith.constant 0 : i32
      %dma_start3A_647 = tpu.memref_slice %arg22[%dma_start3A_646] : memref<208xf32, #tpu.memory_space<vmem>> -> memref<200xf32, #tpu.memory_space<vmem>>
      %dma_start3A_648 = arith.constant 0 : i32
      %dma_start3A_649 = tpu.memref_slice %arg14[%dma_start3A_648] : memref<256xi32, #tpu.memory_space<vmem>> -> memref<200xi32, #tpu.memory_space<vmem>>
      %dma_start3A_650 = arith.constant 0 : i32
      %dma_start3A_651 = tpu.memref_slice %arg5[%dma_start3A_650] : memref<100000xf32, #tpu.memory_space<hbm>> -> memref<100000xf32, #tpu.memory_space<hbm>>
      tpu.enqueue_indirect_dma source(%dma_start3A_651 : memref<100000xf32, #tpu.memory_space<hbm>>) target(%dma_start3A_647 : memref<200xf32, #tpu.memory_space<vmem>>) offsets(%dma_start3A_649 : memref<200xi32, #tpu.memory_space<vmem>>) semaphore(%arg40 : memref<!tpu.dma_semaphore, #tpu.memory_space<semaphore_mem>>)
      %dma_start3A_652 = arith.constant 0 : i32
      %dma_start3A_653 = tpu.memref_slice %arg14[%dma_start3A_652] : memref<256xi32, #tpu.memory_space<vmem>> -> memref<200xi32, #tpu.memory_space<vmem>>
      %dma_start3A_654 = arith.constant 0 : i32
      %dma_start3A_655 = arith.constant 0 : i32
      %dma_start3A_656 = tpu.memref_slice %arg4[%dma_start3A_654, %dma_start3A_655] : memref<100000x128xf32, #tpu.memory_space<hbm>> -> memref<100000x128xf32, #tpu.memory_space<hbm>>
      tpu.enqueue_indirect_dma source(%dma_start3A_656 : memref<100000x128xf32, #tpu.memory_space<hbm>>) target(%arg18 : memref<200x128xf32, #tpu.memory_space<vmem>>) offsets(%dma_start3A_653 : memref<200xi32, #tpu.memory_space<vmem>>) semaphore(%arg36 : memref<!tpu.dma_semaphore, #tpu.memory_space<semaphore_mem>>)
      %gt3A_657 = arith.constant 0 : i32
      %gt3A_658 = arith.cmpi sgt, %add3A_260, %gt3A_657 : i32
      %convert_element_type3A_659 = arith.extui %gt3A_658 : i1 to i32
      %cond3A_660 = arith.constant 0 : i32
      %cond3A_661 = arith.cmpi ne, %convert_element_type3A_659, %cond3A_660 : i32
      scf.if %cond3A_661 {
        %dma_wait3A_1135 = arith.constant 0 : i32
        %dma_wait3A_1136 = tpu.memref_slice %arg6[%mul3A_2, %dma_wait3A_1135] : memref<4096x256xf32, #tpu.memory_space<hbm>> -> memref<1x256xf32, #tpu.memory_space<hbm>>
        %dma_wait3A_1137 = tpu.memref_squeeze %dma_wait3A_1136 : memref<1x256xf32, #tpu.memory_space<hbm>> -> memref<256xf32, #tpu.memory_space<hbm>>
        %dma_wait3A_1138 = arith.constant 0 : i32
        %dma_wait3A_1139 = tpu.memref_slice %arg6[%mul3A_2, %dma_wait3A_1138] : memref<4096x256xf32, #tpu.memory_space<hbm>> -> memref<1x256xf32, #tpu.memory_space<hbm>>
        %dma_wait3A_1140 = tpu.memref_squeeze %dma_wait3A_1139 : memref<1x256xf32, #tpu.memory_space<hbm>> -> memref<256xf32, #tpu.memory_space<hbm>>
        tpu.wait_dma2 semaphore(%arg43 : memref<!tpu.dma_semaphore, #tpu.memory_space<semaphore_mem>>) src(%arg25 : memref<256xf32, #tpu.memory_space<vmem>>) dst(%dma_wait3A_1140 : memref<256xf32, #tpu.memory_space<hbm>>)
      } else {
      }
      %swap3A_662 = arith.constant 0 : index
      %swap3A_663 = tpu.vector_load %arg25[%swap3A_662] {strides = array<i32>} : memref<256xf32, #tpu.memory_space<vmem>>, vector<16xf32>,
      tpu.vector_store %arg25[%swap3A_662], %scan3A_631#0 {strides = array<i32>} : memref<256xf32, #tpu.memory_space<vmem>>, vector<16xf32>,
      %swap3A_664 = arith.constant 16 : index
      %swap3A_665 = tpu.vector_load %arg25[%swap3A_664] {strides = array<i32>} : memref<256xf32, #tpu.memory_space<vmem>>, vector<16xf32>,
      tpu.vector_store %arg25[%swap3A_664], %scan3A_631#1 {strides = array<i32>} : memref<256xf32, #tpu.memory_space<vmem>>, vector<16xf32>,
      %swap3A_666 = arith.constant 32 : index
      %swap3A_667 = tpu.vector_load %arg25[%swap3A_666] {strides = array<i32>} : memref<256xf32, #tpu.memory_space<vmem>>, vector<16xf32>,
      tpu.vector_store %arg25[%swap3A_666], %scan3A_631#2 {strides = array<i32>} : memref<256xf32, #tpu.memory_space<vmem>>, vector<16xf32>,
      %swap3A_668 = arith.constant 48 : index
      %swap3A_669 = tpu.vector_load %arg25[%swap3A_668] {strides = array<i32>} : memref<256xf32, #tpu.memory_space<vmem>>, vector<16xf32>,
      tpu.vector_store %arg25[%swap3A_668], %scan3A_631#3 {strides = array<i32>} : memref<256xf32, #tpu.memory_space<vmem>>, vector<16xf32>,
      %swap3A_670 = arith.constant 64 : index
      %swap3A_671 = tpu.vector_load %arg25[%swap3A_670] {strides = array<i32>} : memref<256xf32, #tpu.memory_space<vmem>>, vector<16xf32>,
      tpu.vector_store %arg25[%swap3A_670], %scan3A_631#4 {strides = array<i32>} : memref<256xf32, #tpu.memory_space<vmem>>, vector<16xf32>,
      %swap3A_672 = arith.constant 80 : index
      %swap3A_673 = tpu.vector_load %arg25[%swap3A_672] {strides = array<i32>} : memref<256xf32, #tpu.memory_space<vmem>>, vector<16xf32>,
      tpu.vector_store %arg25[%swap3A_672], %scan3A_631#5 {strides = array<i32>} : memref<256xf32, #tpu.memory_space<vmem>>, vector<16xf32>,
      %swap3A_674 = arith.constant 96 : index
      %swap3A_675 = tpu.vector_load %arg25[%swap3A_674] {strides = array<i32>} : memref<256xf32, #tpu.memory_space<vmem>>, vector<16xf32>,
      tpu.vector_store %arg25[%swap3A_674], %scan3A_631#6 {strides = array<i32>} : memref<256xf32, #tpu.memory_space<vmem>>, vector<16xf32>,
      %swap3A_676 = arith.constant 112 : index
      %swap3A_677 = tpu.vector_load %arg25[%swap3A_676] {strides = array<i32>} : memref<256xf32, #tpu.memory_space<vmem>>, vector<16xf32>,
      tpu.vector_store %arg25[%swap3A_676], %scan3A_631#7 {strides = array<i32>} : memref<256xf32, #tpu.memory_space<vmem>>, vector<16xf32>,
      %swap3A_678 = arith.constant 128 : index
      %swap3A_679 = tpu.vector_load %arg25[%swap3A_678] {strides = array<i32>} : memref<256xf32, #tpu.memory_space<vmem>>, vector<16xf32>,
      tpu.vector_store %arg25[%swap3A_678], %scan3A_631#8 {strides = array<i32>} : memref<256xf32, #tpu.memory_space<vmem>>, vector<16xf32>,
      %swap3A_680 = arith.constant 144 : index
      %swap3A_681 = tpu.vector_load %arg25[%swap3A_680] {strides = array<i32>} : memref<256xf32, #tpu.memory_space<vmem>>, vector<16xf32>,
      tpu.vector_store %arg25[%swap3A_680], %scan3A_631#9 {strides = array<i32>} : memref<256xf32, #tpu.memory_space<vmem>>, vector<16xf32>,
      %swap3A_682 = arith.constant 160 : index
      %swap3A_683 = tpu.vector_load %arg25[%swap3A_682] {strides = array<i32>} : memref<256xf32, #tpu.memory_space<vmem>>, vector<16xf32>,
      tpu.vector_store %arg25[%swap3A_682], %scan3A_631#10 {strides = array<i32>} : memref<256xf32, #tpu.memory_space<vmem>>, vector<16xf32>,
      %swap3A_684 = arith.constant 176 : index
      %swap3A_685 = tpu.vector_load %arg25[%swap3A_684] {strides = array<i32>} : memref<256xf32, #tpu.memory_space<vmem>>, vector<16xf32>,
      tpu.vector_store %arg25[%swap3A_684], %scan3A_631#11 {strides = array<i32>} : memref<256xf32, #tpu.memory_space<vmem>>, vector<16xf32>,
      %swap3A_686 = arith.constant 192 : index
      %swap3A_687 = tpu.vector_load %arg25[%swap3A_686] {strides = array<i32>} : memref<256xf32, #tpu.memory_space<vmem>>, vector<16xf32>,
      tpu.vector_store %arg25[%swap3A_686], %scan3A_631#12 {strides = array<i32>} : memref<256xf32, #tpu.memory_space<vmem>>, vector<16xf32>,
      %add3A_688 = arith.addi %mul3A_2, %add3A_588 : i32
      %dma_start3A_689 = arith.constant 0 : i32
      %dma_start3A_690 = tpu.memref_slice %arg6[%add3A_688, %dma_start3A_689] : memref<4096x256xf32, #tpu.memory_space<hbm>> -> memref<1x256xf32, #tpu.memory_space<hbm>>
      %dma_start3A_691 = tpu.memref_squeeze %dma_start3A_690 : memref<1x256xf32, #tpu.memory_space<hbm>> -> memref<256xf32, #tpu.memory_space<hbm>>
      %dma_start3A_692 = arith.constant 0 : i32
      %dma_start3A_693 = tpu.memref_slice %arg6[%add3A_688, %dma_start3A_692] : memref<4096x256xf32, #tpu.memory_space<hbm>> -> memref<1x256xf32, #tpu.memory_space<hbm>>
      %dma_start3A_694 = tpu.memref_squeeze %dma_start3A_693 : memref<1x256xf32, #tpu.memory_space<hbm>> -> memref<256xf32, #tpu.memory_space<hbm>>
      tpu.enqueue_dma source(%arg25 : memref<256xf32, #tpu.memory_space<vmem>>) target(%dma_start3A_694 : memref<256xf32, #tpu.memory_space<hbm>>) target_semaphore(%arg43 : memref<!tpu.dma_semaphore, #tpu.memory_space<semaphore_mem>>)
      %mul3A_695 = arith.constant 8 : i32
      %mul3A_696 = arith.muli %mul3A_695, %add3A_260 : i32
      %add3A_697 = arith.constant 4 : i32
      %add3A_698 = arith.addi %mul3A_696, %add3A_697 : i32
      %dma_wait3A_699 = arith.constant 0 : i32
      %dma_wait3A_700 = tpu.memref_slice %arg8[%dma_wait3A_699] : memref<256xi32, #tpu.memory_space<vmem>> -> memref<200xi32, #tpu.memory_space<vmem>>
      %dma_wait3A_701 = arith.constant 0 : i32
      %dma_wait3A_702 = arith.constant 0 : i32
      %dma_wait3A_703 = tpu.memref_slice %arg4[%dma_wait3A_701, %dma_wait3A_702] : memref<100000x128xf32, #tpu.memory_space<hbm>> -> memref<100000x128xf32, #tpu.memory_space<hbm>>
      tpu.wait_indirect_dma semaphore(%arg34 : memref<!tpu.dma_semaphore, #tpu.memory_space<semaphore_mem>>) src(%dma_wait3A_703 : memref<100000x128xf32, #tpu.memory_space<hbm>>) dst(%arg16 : memref<200x128xf32, #tpu.memory_space<vmem>>)
      %dma_wait3A_704 = arith.constant 0 : i32
      %dma_wait3A_705 = tpu.memref_slice %arg20[%dma_wait3A_704] : memref<208xf32, #tpu.memory_space<vmem>> -> memref<200xf32, #tpu.memory_space<vmem>>
      %dma_wait3A_706 = arith.constant 0 : i32
      %dma_wait3A_707 = tpu.memref_slice %arg8[%dma_wait3A_706] : memref<256xi32, #tpu.memory_space<vmem>> -> memref<200xi32, #tpu.memory_space<vmem>>
      %dma_wait3A_708 = arith.constant 0 : i32
      %dma_wait3A_709 = tpu.memref_slice %arg5[%dma_wait3A_708] : memref<100000xf32, #tpu.memory_space<hbm>> -> memref<100000xf32, #tpu.memory_space<hbm>>
      tpu.wait_indirect_dma semaphore(%arg38 : memref<!tpu.dma_semaphore, #tpu.memory_space<semaphore_mem>>) src(%dma_wait3A_709 : memref<100000xf32, #tpu.memory_space<hbm>>) dst(%dma_wait3A_705 : memref<200xf32, #tpu.memory_space<vmem>>)
      %get3A_710 = arith.constant 0 : index
      %get3A_711 = tpu.vector_load %arg20[%get3A_710] {strides = array<i32>} : memref<208xf32, #tpu.memory_space<vmem>>, vector<16xf32>,
      %get3A_712 = arith.constant 16 : index
      %get3A_713 = tpu.vector_load %arg20[%get3A_712] {strides = array<i32>} : memref<208xf32, #tpu.memory_space<vmem>>, vector<16xf32>,
      %get3A_714 = arith.constant 32 : index
      %get3A_715 = tpu.vector_load %arg20[%get3A_714] {strides = array<i32>} : memref<208xf32, #tpu.memory_space<vmem>>, vector<16xf32>,
      %get3A_716 = arith.constant 48 : index
      %get3A_717 = tpu.vector_load %arg20[%get3A_716] {strides = array<i32>} : memref<208xf32, #tpu.memory_space<vmem>>, vector<16xf32>,
      %get3A_718 = arith.constant 64 : index
      %get3A_719 = tpu.vector_load %arg20[%get3A_718] {strides = array<i32>} : memref<208xf32, #tpu.memory_space<vmem>>, vector<16xf32>,
      %get3A_720 = arith.constant 80 : index
      %get3A_721 = tpu.vector_load %arg20[%get3A_720] {strides = array<i32>} : memref<208xf32, #tpu.memory_space<vmem>>, vector<16xf32>,
      %get3A_722 = arith.constant 96 : index
      %get3A_723 = tpu.vector_load %arg20[%get3A_722] {strides = array<i32>} : memref<208xf32, #tpu.memory_space<vmem>>, vector<16xf32>,
      %get3A_724 = arith.constant 112 : index
      %get3A_725 = tpu.vector_load %arg20[%get3A_724] {strides = array<i32>} : memref<208xf32, #tpu.memory_space<vmem>>, vector<16xf32>,
      %get3A_726 = arith.constant 128 : index
      %get3A_727 = tpu.vector_load %arg20[%get3A_726] {strides = array<i32>} : memref<208xf32, #tpu.memory_space<vmem>>, vector<16xf32>,
      %get3A_728 = arith.constant 144 : index
      %get3A_729 = tpu.vector_load %arg20[%get3A_728] {strides = array<i32>} : memref<208xf32, #tpu.memory_space<vmem>>, vector<16xf32>,
      %get3A_730 = arith.constant 160 : index
      %get3A_731 = tpu.vector_load %arg20[%get3A_730] {strides = array<i32>} : memref<208xf32, #tpu.memory_space<vmem>>, vector<16xf32>,
      %get3A_732 = arith.constant 176 : index
      %get3A_733 = tpu.vector_load %arg20[%get3A_732] {strides = array<i32>} : memref<208xf32, #tpu.memory_space<vmem>>, vector<16xf32>,
      %get3A_734 = arith.constant 192 : index
      %get3A_735 = tpu.vector_load %arg20[%get3A_734] {strides = array<i32>} : memref<208xf32, #tpu.memory_space<vmem>>, vector<16xf32>,
      %broadcast_in_dim3A_736 = vector.broadcast %add3A_698 : i32 to vector<16xi32>
      %scan3A_737 = arith.constant 0 : i32
      %scan3A_738 = arith.constant 128 : i32
      %scan3A_739 = arith.addi %scan3A_737, %scan3A_738 : i32
      %scan3A_740 = arith.constant 2 : i32
      %scan3A_741:13 = scf.for %scan3A_1135 = %scan3A_737 to %scan3A_739 step %scan3A_740 iter_args(%scan3A_1136 = %get3A_711, %scan3A_1137 = %get3A_713, %scan3A_1138 = %get3A_715, %scan3A_1139 = %get3A_717, %scan3A_1140 = %get3A_719, %scan3A_1141 = %get3A_721, %scan3A_1142 = %get3A_723, %scan3A_1143 = %get3A_725, %scan3A_1144 = %get3A_727, %scan3A_1145 = %get3A_729, %scan3A_1146 = %get3A_731, %scan3A_1147 = %get3A_733, %scan3A_1148 = %get3A_735) -> (vector<16xf32>, vector<16xf32>, vector<16xf32>, vector<16xf32>, vector<16xf32>, vector<16xf32>, vector<16xf32>, vector<16xf32>, vector<16xf32>, vector<16xf32>, vector<16xf32>, vector<16xf32>, vector<16xf32>)  : i32 {
        %broadcast_in_dim3A_1149 = vector.broadcast %scan3A_1135 : i32 to vector<16xi32>
        %add3A_1150 = arith.addi %broadcast_in_dim3A_1149, %iota3A : vector<16xi32>
        %and3A = arith.constant 127 : i32
        %and3A_1151 = vector.broadcast %and3A : i32 to vector<16xi32>
        %and3A_1152 = arith.andi %add3A_1150, %and3A_1151 : vector<16xi32>
        %gather3A = tpu.vector_load_idx %arg7[%broadcast_in_dim3A_736, %and3A_1152] : memref<128x128xf32, #tpu.memory_space<vmem>>[vector<16xi32>, vector<16xi32>], vector<16xf32>,
        %gather3A_1153 = tpu.vector_load_idx %arg16[%min3A_7, %and3A_1152] : memref<200x128xf32, #tpu.memory_space<vmem>>[vector<16xi32>, vector<16xi32>], vector<16xf32>,
        %mul3A_1154 = arith.mulf %gather3A_1153, %gather3A : vector<16xf32>
        %add3A_1155 = arith.addf %scan3A_1136, %mul3A_1154 : vector<16xf32>
        %gather3A_1156 = tpu.vector_load_idx %arg16[%min3A_13, %and3A_1152] : memref<200x128xf32, #tpu.memory_space<vmem>>[vector<16xi32>, vector<16xi32>], vector<16xf32>,
        %mul3A_1157 = arith.mulf %gather3A_1156, %gather3A : vector<16xf32>
        %add3A_1158 = arith.addf %scan3A_1137, %mul3A_1157 : vector<16xf32>
        %gather3A_1159 = tpu.vector_load_idx %arg16[%min3A_19, %and3A_1152] : memref<200x128xf32, #tpu.memory_space<vmem>>[vector<16xi32>, vector<16xi32>], vector<16xf32>,
        %mul3A_1160 = arith.mulf %gather3A_1159, %gather3A : vector<16xf32>
        %add3A_1161 = arith.addf %scan3A_1138, %mul3A_1160 : vector<16xf32>
        %gather3A_1162 = tpu.vector_load_idx %arg16[%min3A_25, %and3A_1152] : memref<200x128xf32, #tpu.memory_space<vmem>>[vector<16xi32>, vector<16xi32>], vector<16xf32>,
        %mul3A_1163 = arith.mulf %gather3A_1162, %gather3A : vector<16xf32>
        %add3A_1164 = arith.addf %scan3A_1139, %mul3A_1163 : vector<16xf32>
        %gather3A_1165 = tpu.vector_load_idx %arg16[%min3A_31, %and3A_1152] : memref<200x128xf32, #tpu.memory_space<vmem>>[vector<16xi32>, vector<16xi32>], vector<16xf32>,
        %mul3A_1166 = arith.mulf %gather3A_1165, %gather3A : vector<16xf32>
        %add3A_1167 = arith.addf %scan3A_1140, %mul3A_1166 : vector<16xf32>
        %gather3A_1168 = tpu.vector_load_idx %arg16[%min3A_37, %and3A_1152] : memref<200x128xf32, #tpu.memory_space<vmem>>[vector<16xi32>, vector<16xi32>], vector<16xf32>,
        %mul3A_1169 = arith.mulf %gather3A_1168, %gather3A : vector<16xf32>
        %add3A_1170 = arith.addf %scan3A_1141, %mul3A_1169 : vector<16xf32>
        %gather3A_1171 = tpu.vector_load_idx %arg16[%min3A_43, %and3A_1152] : memref<200x128xf32, #tpu.memory_space<vmem>>[vector<16xi32>, vector<16xi32>], vector<16xf32>,
        %mul3A_1172 = arith.mulf %gather3A_1171, %gather3A : vector<16xf32>
        %add3A_1173 = arith.addf %scan3A_1142, %mul3A_1172 : vector<16xf32>
        %gather3A_1174 = tpu.vector_load_idx %arg16[%min3A_49, %and3A_1152] : memref<200x128xf32, #tpu.memory_space<vmem>>[vector<16xi32>, vector<16xi32>], vector<16xf32>,
        %mul3A_1175 = arith.mulf %gather3A_1174, %gather3A : vector<16xf32>
        %add3A_1176 = arith.addf %scan3A_1143, %mul3A_1175 : vector<16xf32>
        %gather3A_1177 = tpu.vector_load_idx %arg16[%min3A_55, %and3A_1152] : memref<200x128xf32, #tpu.memory_space<vmem>>[vector<16xi32>, vector<16xi32>], vector<16xf32>,
        %mul3A_1178 = arith.mulf %gather3A_1177, %gather3A : vector<16xf32>
        %add3A_1179 = arith.addf %scan3A_1144, %mul3A_1178 : vector<16xf32>
        %gather3A_1180 = tpu.vector_load_idx %arg16[%min3A_61, %and3A_1152] : memref<200x128xf32, #tpu.memory_space<vmem>>[vector<16xi32>, vector<16xi32>], vector<16xf32>,
        %mul3A_1181 = arith.mulf %gather3A_1180, %gather3A : vector<16xf32>
        %add3A_1182 = arith.addf %scan3A_1145, %mul3A_1181 : vector<16xf32>
        %gather3A_1183 = tpu.vector_load_idx %arg16[%min3A_67, %and3A_1152] : memref<200x128xf32, #tpu.memory_space<vmem>>[vector<16xi32>, vector<16xi32>], vector<16xf32>,
        %mul3A_1184 = arith.mulf %gather3A_1183, %gather3A : vector<16xf32>
        %add3A_1185 = arith.addf %scan3A_1146, %mul3A_1184 : vector<16xf32>
        %gather3A_1186 = tpu.vector_load_idx %arg16[%min3A_73, %and3A_1152] : memref<200x128xf32, #tpu.memory_space<vmem>>[vector<16xi32>, vector<16xi32>], vector<16xf32>,
        %mul3A_1187 = arith.mulf %gather3A_1186, %gather3A : vector<16xf32>
        %add3A_1188 = arith.addf %scan3A_1147, %mul3A_1187 : vector<16xf32>
        %gather3A_1189 = tpu.vector_load_idx %arg16[%min3A_79, %and3A_1152] : memref<200x128xf32, #tpu.memory_space<vmem>>[vector<16xi32>, vector<16xi32>], vector<16xf32>,
        %mul3A_1190 = arith.mulf %gather3A_1189, %gather3A : vector<16xf32>
        %add3A_1191 = arith.addf %scan3A_1148, %mul3A_1190 : vector<16xf32>
        %scan3A_1192 = arith.constant 1 : i32
        %scan3A_1193 = arith.addi %scan3A_1135, %scan3A_1192 : i32
        %broadcast_in_dim3A_1194 = vector.broadcast %scan3A_1193 : i32 to vector<16xi32>
        %add3A_1195 = arith.addi %broadcast_in_dim3A_1194, %iota3A : vector<16xi32>
        %and3A_1196 = arith.constant 127 : i32
        %and3A_1197 = vector.broadcast %and3A_1196 : i32 to vector<16xi32>
        %and3A_1198 = arith.andi %add3A_1195, %and3A_1197 : vector<16xi32>
        %gather3A_1199 = tpu.vector_load_idx %arg7[%broadcast_in_dim3A_736, %and3A_1198] : memref<128x128xf32, #tpu.memory_space<vmem>>[vector<16xi32>, vector<16xi32>], vector<16xf32>,
        %gather3A_1200 = tpu.vector_load_idx %arg16[%min3A_7, %and3A_1198] : memref<200x128xf32, #tpu.memory_space<vmem>>[vector<16xi32>, vector<16xi32>], vector<16xf32>,
        %mul3A_1201 = arith.mulf %gather3A_1200, %gather3A_1199 : vector<16xf32>
        %add3A_1202 = arith.addf %add3A_1155, %mul3A_1201 : vector<16xf32>
        %gather3A_1203 = tpu.vector_load_idx %arg16[%min3A_13, %and3A_1198] : memref<200x128xf32, #tpu.memory_space<vmem>>[vector<16xi32>, vector<16xi32>], vector<16xf32>,
        %mul3A_1204 = arith.mulf %gather3A_1203, %gather3A_1199 : vector<16xf32>
        %add3A_1205 = arith.addf %add3A_1158, %mul3A_1204 : vector<16xf32>
        %gather3A_1206 = tpu.vector_load_idx %arg16[%min3A_19, %and3A_1198] : memref<200x128xf32, #tpu.memory_space<vmem>>[vector<16xi32>, vector<16xi32>], vector<16xf32>,
        %mul3A_1207 = arith.mulf %gather3A_1206, %gather3A_1199 : vector<16xf32>
        %add3A_1208 = arith.addf %add3A_1161, %mul3A_1207 : vector<16xf32>
        %gather3A_1209 = tpu.vector_load_idx %arg16[%min3A_25, %and3A_1198] : memref<200x128xf32, #tpu.memory_space<vmem>>[vector<16xi32>, vector<16xi32>], vector<16xf32>,
        %mul3A_1210 = arith.mulf %gather3A_1209, %gather3A_1199 : vector<16xf32>
        %add3A_1211 = arith.addf %add3A_1164, %mul3A_1210 : vector<16xf32>
        %gather3A_1212 = tpu.vector_load_idx %arg16[%min3A_31, %and3A_1198] : memref<200x128xf32, #tpu.memory_space<vmem>>[vector<16xi32>, vector<16xi32>], vector<16xf32>,
        %mul3A_1213 = arith.mulf %gather3A_1212, %gather3A_1199 : vector<16xf32>
        %add3A_1214 = arith.addf %add3A_1167, %mul3A_1213 : vector<16xf32>
        %gather3A_1215 = tpu.vector_load_idx %arg16[%min3A_37, %and3A_1198] : memref<200x128xf32, #tpu.memory_space<vmem>>[vector<16xi32>, vector<16xi32>], vector<16xf32>,
        %mul3A_1216 = arith.mulf %gather3A_1215, %gather3A_1199 : vector<16xf32>
        %add3A_1217 = arith.addf %add3A_1170, %mul3A_1216 : vector<16xf32>
        %gather3A_1218 = tpu.vector_load_idx %arg16[%min3A_43, %and3A_1198] : memref<200x128xf32, #tpu.memory_space<vmem>>[vector<16xi32>, vector<16xi32>], vector<16xf32>,
        %mul3A_1219 = arith.mulf %gather3A_1218, %gather3A_1199 : vector<16xf32>
        %add3A_1220 = arith.addf %add3A_1173, %mul3A_1219 : vector<16xf32>
        %gather3A_1221 = tpu.vector_load_idx %arg16[%min3A_49, %and3A_1198] : memref<200x128xf32, #tpu.memory_space<vmem>>[vector<16xi32>, vector<16xi32>], vector<16xf32>,
        %mul3A_1222 = arith.mulf %gather3A_1221, %gather3A_1199 : vector<16xf32>
        %add3A_1223 = arith.addf %add3A_1176, %mul3A_1222 : vector<16xf32>
        %gather3A_1224 = tpu.vector_load_idx %arg16[%min3A_55, %and3A_1198] : memref<200x128xf32, #tpu.memory_space<vmem>>[vector<16xi32>, vector<16xi32>], vector<16xf32>,
        %mul3A_1225 = arith.mulf %gather3A_1224, %gather3A_1199 : vector<16xf32>
        %add3A_1226 = arith.addf %add3A_1179, %mul3A_1225 : vector<16xf32>
        %gather3A_1227 = tpu.vector_load_idx %arg16[%min3A_61, %and3A_1198] : memref<200x128xf32, #tpu.memory_space<vmem>>[vector<16xi32>, vector<16xi32>], vector<16xf32>,
        %mul3A_1228 = arith.mulf %gather3A_1227, %gather3A_1199 : vector<16xf32>
        %add3A_1229 = arith.addf %add3A_1182, %mul3A_1228 : vector<16xf32>
        %gather3A_1230 = tpu.vector_load_idx %arg16[%min3A_67, %and3A_1198] : memref<200x128xf32, #tpu.memory_space<vmem>>[vector<16xi32>, vector<16xi32>], vector<16xf32>,
        %mul3A_1231 = arith.mulf %gather3A_1230, %gather3A_1199 : vector<16xf32>
        %add3A_1232 = arith.addf %add3A_1185, %mul3A_1231 : vector<16xf32>
        %gather3A_1233 = tpu.vector_load_idx %arg16[%min3A_73, %and3A_1198] : memref<200x128xf32, #tpu.memory_space<vmem>>[vector<16xi32>, vector<16xi32>], vector<16xf32>,
        %mul3A_1234 = arith.mulf %gather3A_1233, %gather3A_1199 : vector<16xf32>
        %add3A_1235 = arith.addf %add3A_1188, %mul3A_1234 : vector<16xf32>
        %gather3A_1236 = tpu.vector_load_idx %arg16[%min3A_79, %and3A_1198] : memref<200x128xf32, #tpu.memory_space<vmem>>[vector<16xi32>, vector<16xi32>], vector<16xf32>,
        %mul3A_1237 = arith.mulf %gather3A_1236, %gather3A_1199 : vector<16xf32>
        %add3A_1238 = arith.addf %add3A_1191, %mul3A_1237 : vector<16xf32>
        scf.yield %add3A_1202, %add3A_1205, %add3A_1208, %add3A_1211, %add3A_1214, %add3A_1217, %add3A_1220, %add3A_1223, %add3A_1226, %add3A_1229, %add3A_1232, %add3A_1235, %add3A_1238 : vector<16xf32>, vector<16xf32>, vector<16xf32>, vector<16xf32>, vector<16xf32>, vector<16xf32>, vector<16xf32>, vector<16xf32>, vector<16xf32>, vector<16xf32>, vector<16xf32>, vector<16xf32>, vector<16xf32>
      }
      %scan3A_742 = arith.constant 128 : i32
      %add3A_743 = arith.constant 8 : i32
      %add3A_744 = arith.addi %add3A_698, %add3A_743 : i32
      %min3A_745 = arith.constant 127 : i32
      %min3A_746 = arith.minsi %add3A_744, %min3A_745 : i32
      %add3A_747 = arith.addi %mul3A_2, %min3A_746 : i32
      %mul3A_748 = arith.constant 256 : i32
      %mul3A_749 = arith.muli %add3A_747, %mul3A_748 : i32
      %dma_start3A_750 = tpu.memref_slice %arg3[%mul3A_749] : memref<1048576xi32, #tpu.memory_space<hbm>> -> memref<256xi32, #tpu.memory_space<hbm>>
      %dma_start3A_751 = tpu.memref_slice %arg3[%mul3A_749] : memref<1048576xi32, #tpu.memory_space<hbm>> -> memref<256xi32, #tpu.memory_space<hbm>>
      tpu.enqueue_dma source(%dma_start3A_751 : memref<256xi32, #tpu.memory_space<hbm>>) target(%arg12 : memref<256xi32, #tpu.memory_space<vmem>>) target_semaphore(%arg30 : memref<!tpu.dma_semaphore, #tpu.memory_space<semaphore_mem>>)
      %dma_wait3A_752 = arith.constant 0 : i32
      %dma_wait3A_753 = tpu.memref_slice %arg3[%dma_wait3A_752] : memref<1048576xi32, #tpu.memory_space<hbm>> -> memref<256xi32, #tpu.memory_space<hbm>>
      %dma_wait3A_754 = arith.constant 0 : i32
      %dma_wait3A_755 = tpu.memref_slice %arg3[%dma_wait3A_754] : memref<1048576xi32, #tpu.memory_space<hbm>> -> memref<256xi32, #tpu.memory_space<hbm>>
      tpu.wait_dma2 semaphore(%arg33 : memref<!tpu.dma_semaphore, #tpu.memory_space<semaphore_mem>>) src(%dma_wait3A_755 : memref<256xi32, #tpu.memory_space<hbm>>) dst(%arg15 : memref<256xi32, #tpu.memory_space<vmem>>)
      %dma_start3A_756 = arith.constant 0 : i32
      %dma_start3A_757 = tpu.memref_slice %arg23[%dma_start3A_756] : memref<208xf32, #tpu.memory_space<vmem>> -> memref<200xf32, #tpu.memory_space<vmem>>
      %dma_start3A_758 = arith.constant 0 : i32
      %dma_start3A_759 = tpu.memref_slice %arg15[%dma_start3A_758] : memref<256xi32, #tpu.memory_space<vmem>> -> memref<200xi32, #tpu.memory_space<vmem>>
      %dma_start3A_760 = arith.constant 0 : i32
      %dma_start3A_761 = tpu.memref_slice %arg5[%dma_start3A_760] : memref<100000xf32, #tpu.memory_space<hbm>> -> memref<100000xf32, #tpu.memory_space<hbm>>
      tpu.enqueue_indirect_dma source(%dma_start3A_761 : memref<100000xf32, #tpu.memory_space<hbm>>) target(%dma_start3A_757 : memref<200xf32, #tpu.memory_space<vmem>>) offsets(%dma_start3A_759 : memref<200xi32, #tpu.memory_space<vmem>>) semaphore(%arg41 : memref<!tpu.dma_semaphore, #tpu.memory_space<semaphore_mem>>)
      %dma_start3A_762 = arith.constant 0 : i32
      %dma_start3A_763 = tpu.memref_slice %arg15[%dma_start3A_762] : memref<256xi32, #tpu.memory_space<vmem>> -> memref<200xi32, #tpu.memory_space<vmem>>
      %dma_start3A_764 = arith.constant 0 : i32
      %dma_start3A_765 = arith.constant 0 : i32
      %dma_start3A_766 = tpu.memref_slice %arg4[%dma_start3A_764, %dma_start3A_765] : memref<100000x128xf32, #tpu.memory_space<hbm>> -> memref<100000x128xf32, #tpu.memory_space<hbm>>
      tpu.enqueue_indirect_dma source(%dma_start3A_766 : memref<100000x128xf32, #tpu.memory_space<hbm>>) target(%arg19 : memref<200x128xf32, #tpu.memory_space<vmem>>) offsets(%dma_start3A_763 : memref<200xi32, #tpu.memory_space<vmem>>) semaphore(%arg37 : memref<!tpu.dma_semaphore, #tpu.memory_space<semaphore_mem>>)
      %gt3A_767 = arith.constant 0 : i32
      %gt3A_768 = arith.cmpi sgt, %add3A_260, %gt3A_767 : i32
      %convert_element_type3A_769 = arith.extui %gt3A_768 : i1 to i32
      %cond3A_770 = arith.constant 0 : i32
      %cond3A_771 = arith.cmpi ne, %convert_element_type3A_769, %cond3A_770 : i32
      scf.if %cond3A_771 {
        %dma_wait3A_1135 = arith.constant 0 : i32
        %dma_wait3A_1136 = tpu.memref_slice %arg6[%mul3A_2, %dma_wait3A_1135] : memref<4096x256xf32, #tpu.memory_space<hbm>> -> memref<1x256xf32, #tpu.memory_space<hbm>>
        %dma_wait3A_1137 = tpu.memref_squeeze %dma_wait3A_1136 : memref<1x256xf32, #tpu.memory_space<hbm>> -> memref<256xf32, #tpu.memory_space<hbm>>
        %dma_wait3A_1138 = arith.constant 0 : i32
        %dma_wait3A_1139 = tpu.memref_slice %arg6[%mul3A_2, %dma_wait3A_1138] : memref<4096x256xf32, #tpu.memory_space<hbm>> -> memref<1x256xf32, #tpu.memory_space<hbm>>
        %dma_wait3A_1140 = tpu.memref_squeeze %dma_wait3A_1139 : memref<1x256xf32, #tpu.memory_space<hbm>> -> memref<256xf32, #tpu.memory_space<hbm>>
        tpu.wait_dma2 semaphore(%arg42 : memref<!tpu.dma_semaphore, #tpu.memory_space<semaphore_mem>>) src(%arg24 : memref<256xf32, #tpu.memory_space<vmem>>) dst(%dma_wait3A_1140 : memref<256xf32, #tpu.memory_space<hbm>>)
      } else {
      }
      %swap3A_772 = arith.constant 0 : index
      %swap3A_773 = tpu.vector_load %arg24[%swap3A_772] {strides = array<i32>} : memref<256xf32, #tpu.memory_space<vmem>>, vector<16xf32>,
      tpu.vector_store %arg24[%swap3A_772], %scan3A_741#0 {strides = array<i32>} : memref<256xf32, #tpu.memory_space<vmem>>, vector<16xf32>,
      %swap3A_774 = arith.constant 16 : index
      %swap3A_775 = tpu.vector_load %arg24[%swap3A_774] {strides = array<i32>} : memref<256xf32, #tpu.memory_space<vmem>>, vector<16xf32>,
      tpu.vector_store %arg24[%swap3A_774], %scan3A_741#1 {strides = array<i32>} : memref<256xf32, #tpu.memory_space<vmem>>, vector<16xf32>,
      %swap3A_776 = arith.constant 32 : index
      %swap3A_777 = tpu.vector_load %arg24[%swap3A_776] {strides = array<i32>} : memref<256xf32, #tpu.memory_space<vmem>>, vector<16xf32>,
      tpu.vector_store %arg24[%swap3A_776], %scan3A_741#2 {strides = array<i32>} : memref<256xf32, #tpu.memory_space<vmem>>, vector<16xf32>,
      %swap3A_778 = arith.constant 48 : index
      %swap3A_779 = tpu.vector_load %arg24[%swap3A_778] {strides = array<i32>} : memref<256xf32, #tpu.memory_space<vmem>>, vector<16xf32>,
      tpu.vector_store %arg24[%swap3A_778], %scan3A_741#3 {strides = array<i32>} : memref<256xf32, #tpu.memory_space<vmem>>, vector<16xf32>,
      %swap3A_780 = arith.constant 64 : index
      %swap3A_781 = tpu.vector_load %arg24[%swap3A_780] {strides = array<i32>} : memref<256xf32, #tpu.memory_space<vmem>>, vector<16xf32>,
      tpu.vector_store %arg24[%swap3A_780], %scan3A_741#4 {strides = array<i32>} : memref<256xf32, #tpu.memory_space<vmem>>, vector<16xf32>,
      %swap3A_782 = arith.constant 80 : index
      %swap3A_783 = tpu.vector_load %arg24[%swap3A_782] {strides = array<i32>} : memref<256xf32, #tpu.memory_space<vmem>>, vector<16xf32>,
      tpu.vector_store %arg24[%swap3A_782], %scan3A_741#5 {strides = array<i32>} : memref<256xf32, #tpu.memory_space<vmem>>, vector<16xf32>,
      %swap3A_784 = arith.constant 96 : index
      %swap3A_785 = tpu.vector_load %arg24[%swap3A_784] {strides = array<i32>} : memref<256xf32, #tpu.memory_space<vmem>>, vector<16xf32>,
      tpu.vector_store %arg24[%swap3A_784], %scan3A_741#6 {strides = array<i32>} : memref<256xf32, #tpu.memory_space<vmem>>, vector<16xf32>,
      %swap3A_786 = arith.constant 112 : index
      %swap3A_787 = tpu.vector_load %arg24[%swap3A_786] {strides = array<i32>} : memref<256xf32, #tpu.memory_space<vmem>>, vector<16xf32>,
      tpu.vector_store %arg24[%swap3A_786], %scan3A_741#7 {strides = array<i32>} : memref<256xf32, #tpu.memory_space<vmem>>, vector<16xf32>,
      %swap3A_788 = arith.constant 128 : index
      %swap3A_789 = tpu.vector_load %arg24[%swap3A_788] {strides = array<i32>} : memref<256xf32, #tpu.memory_space<vmem>>, vector<16xf32>,
      tpu.vector_store %arg24[%swap3A_788], %scan3A_741#8 {strides = array<i32>} : memref<256xf32, #tpu.memory_space<vmem>>, vector<16xf32>,
      %swap3A_790 = arith.constant 144 : index
      %swap3A_791 = tpu.vector_load %arg24[%swap3A_790] {strides = array<i32>} : memref<256xf32, #tpu.memory_space<vmem>>, vector<16xf32>,
      tpu.vector_store %arg24[%swap3A_790], %scan3A_741#9 {strides = array<i32>} : memref<256xf32, #tpu.memory_space<vmem>>, vector<16xf32>,
      %swap3A_792 = arith.constant 160 : index
      %swap3A_793 = tpu.vector_load %arg24[%swap3A_792] {strides = array<i32>} : memref<256xf32, #tpu.memory_space<vmem>>, vector<16xf32>,
      tpu.vector_store %arg24[%swap3A_792], %scan3A_741#10 {strides = array<i32>} : memref<256xf32, #tpu.memory_space<vmem>>, vector<16xf32>,
      %swap3A_794 = arith.constant 176 : index
      %swap3A_795 = tpu.vector_load %arg24[%swap3A_794] {strides = array<i32>} : memref<256xf32, #tpu.memory_space<vmem>>, vector<16xf32>,
      tpu.vector_store %arg24[%swap3A_794], %scan3A_741#11 {strides = array<i32>} : memref<256xf32, #tpu.memory_space<vmem>>, vector<16xf32>,
      %swap3A_796 = arith.constant 192 : index
      %swap3A_797 = tpu.vector_load %arg24[%swap3A_796] {strides = array<i32>} : memref<256xf32, #tpu.memory_space<vmem>>, vector<16xf32>,
      tpu.vector_store %arg24[%swap3A_796], %scan3A_741#12 {strides = array<i32>} : memref<256xf32, #tpu.memory_space<vmem>>, vector<16xf32>,
      %add3A_798 = arith.addi %mul3A_2, %add3A_698 : i32
      %dma_start3A_799 = arith.constant 0 : i32
      %dma_start3A_800 = tpu.memref_slice %arg6[%add3A_798, %dma_start3A_799] : memref<4096x256xf32, #tpu.memory_space<hbm>> -> memref<1x256xf32, #tpu.memory_space<hbm>>
      %dma_start3A_801 = tpu.memref_squeeze %dma_start3A_800 : memref<1x256xf32, #tpu.memory_space<hbm>> -> memref<256xf32, #tpu.memory_space<hbm>>
      %dma_start3A_802 = arith.constant 0 : i32
      %dma_start3A_803 = tpu.memref_slice %arg6[%add3A_798, %dma_start3A_802] : memref<4096x256xf32, #tpu.memory_space<hbm>> -> memref<1x256xf32, #tpu.memory_space<hbm>>
      %dma_start3A_804 = tpu.memref_squeeze %dma_start3A_803 : memref<1x256xf32, #tpu.memory_space<hbm>> -> memref<256xf32, #tpu.memory_space<hbm>>
      tpu.enqueue_dma source(%arg24 : memref<256xf32, #tpu.memory_space<vmem>>) target(%dma_start3A_804 : memref<256xf32, #tpu.memory_space<hbm>>) target_semaphore(%arg42 : memref<!tpu.dma_semaphore, #tpu.memory_space<semaphore_mem>>)
      %mul3A_805 = arith.constant 8 : i32
      %mul3A_806 = arith.muli %mul3A_805, %add3A_260 : i32
      %add3A_807 = arith.constant 5 : i32
      %add3A_808 = arith.addi %mul3A_806, %add3A_807 : i32
      %dma_wait3A_809 = arith.constant 0 : i32
      %dma_wait3A_810 = tpu.memref_slice %arg8[%dma_wait3A_809] : memref<256xi32, #tpu.memory_space<vmem>> -> memref<200xi32, #tpu.memory_space<vmem>>
      %dma_wait3A_811 = arith.constant 0 : i32
      %dma_wait3A_812 = arith.constant 0 : i32
      %dma_wait3A_813 = tpu.memref_slice %arg4[%dma_wait3A_811, %dma_wait3A_812] : memref<100000x128xf32, #tpu.memory_space<hbm>> -> memref<100000x128xf32, #tpu.memory_space<hbm>>
      tpu.wait_indirect_dma semaphore(%arg35 : memref<!tpu.dma_semaphore, #tpu.memory_space<semaphore_mem>>) src(%dma_wait3A_813 : memref<100000x128xf32, #tpu.memory_space<hbm>>) dst(%arg17 : memref<200x128xf32, #tpu.memory_space<vmem>>)
      %dma_wait3A_814 = arith.constant 0 : i32
      %dma_wait3A_815 = tpu.memref_slice %arg21[%dma_wait3A_814] : memref<208xf32, #tpu.memory_space<vmem>> -> memref<200xf32, #tpu.memory_space<vmem>>
      %dma_wait3A_816 = arith.constant 0 : i32
      %dma_wait3A_817 = tpu.memref_slice %arg8[%dma_wait3A_816] : memref<256xi32, #tpu.memory_space<vmem>> -> memref<200xi32, #tpu.memory_space<vmem>>
      %dma_wait3A_818 = arith.constant 0 : i32
      %dma_wait3A_819 = tpu.memref_slice %arg5[%dma_wait3A_818] : memref<100000xf32, #tpu.memory_space<hbm>> -> memref<100000xf32, #tpu.memory_space<hbm>>
      tpu.wait_indirect_dma semaphore(%arg39 : memref<!tpu.dma_semaphore, #tpu.memory_space<semaphore_mem>>) src(%dma_wait3A_819 : memref<100000xf32, #tpu.memory_space<hbm>>) dst(%dma_wait3A_815 : memref<200xf32, #tpu.memory_space<vmem>>)
      %get3A_820 = arith.constant 0 : index
      %get3A_821 = tpu.vector_load %arg21[%get3A_820] {strides = array<i32>} : memref<208xf32, #tpu.memory_space<vmem>>, vector<16xf32>,
      %get3A_822 = arith.constant 16 : index
      %get3A_823 = tpu.vector_load %arg21[%get3A_822] {strides = array<i32>} : memref<208xf32, #tpu.memory_space<vmem>>, vector<16xf32>,
      %get3A_824 = arith.constant 32 : index
      %get3A_825 = tpu.vector_load %arg21[%get3A_824] {strides = array<i32>} : memref<208xf32, #tpu.memory_space<vmem>>, vector<16xf32>,
      %get3A_826 = arith.constant 48 : index
      %get3A_827 = tpu.vector_load %arg21[%get3A_826] {strides = array<i32>} : memref<208xf32, #tpu.memory_space<vmem>>, vector<16xf32>,
      %get3A_828 = arith.constant 64 : index
      %get3A_829 = tpu.vector_load %arg21[%get3A_828] {strides = array<i32>} : memref<208xf32, #tpu.memory_space<vmem>>, vector<16xf32>,
      %get3A_830 = arith.constant 80 : index
      %get3A_831 = tpu.vector_load %arg21[%get3A_830] {strides = array<i32>} : memref<208xf32, #tpu.memory_space<vmem>>, vector<16xf32>,
      %get3A_832 = arith.constant 96 : index
      %get3A_833 = tpu.vector_load %arg21[%get3A_832] {strides = array<i32>} : memref<208xf32, #tpu.memory_space<vmem>>, vector<16xf32>,
      %get3A_834 = arith.constant 112 : index
      %get3A_835 = tpu.vector_load %arg21[%get3A_834] {strides = array<i32>} : memref<208xf32, #tpu.memory_space<vmem>>, vector<16xf32>,
      %get3A_836 = arith.constant 128 : index
      %get3A_837 = tpu.vector_load %arg21[%get3A_836] {strides = array<i32>} : memref<208xf32, #tpu.memory_space<vmem>>, vector<16xf32>,
      %get3A_838 = arith.constant 144 : index
      %get3A_839 = tpu.vector_load %arg21[%get3A_838] {strides = array<i32>} : memref<208xf32, #tpu.memory_space<vmem>>, vector<16xf32>,
      %get3A_840 = arith.constant 160 : index
      %get3A_841 = tpu.vector_load %arg21[%get3A_840] {strides = array<i32>} : memref<208xf32, #tpu.memory_space<vmem>>, vector<16xf32>,
      %get3A_842 = arith.constant 176 : index
      %get3A_843 = tpu.vector_load %arg21[%get3A_842] {strides = array<i32>} : memref<208xf32, #tpu.memory_space<vmem>>, vector<16xf32>,
      %get3A_844 = arith.constant 192 : index
      %get3A_845 = tpu.vector_load %arg21[%get3A_844] {strides = array<i32>} : memref<208xf32, #tpu.memory_space<vmem>>, vector<16xf32>,
      %broadcast_in_dim3A_846 = vector.broadcast %add3A_808 : i32 to vector<16xi32>
      %scan3A_847 = arith.constant 0 : i32
      %scan3A_848 = arith.constant 128 : i32
      %scan3A_849 = arith.addi %scan3A_847, %scan3A_848 : i32
      %scan3A_850 = arith.constant 2 : i32
      %scan3A_851:13 = scf.for %scan3A_1135 = %scan3A_847 to %scan3A_849 step %scan3A_850 iter_args(%scan3A_1136 = %get3A_821, %scan3A_1137 = %get3A_823, %scan3A_1138 = %get3A_825, %scan3A_1139 = %get3A_827, %scan3A_1140 = %get3A_829, %scan3A_1141 = %get3A_831, %scan3A_1142 = %get3A_833, %scan3A_1143 = %get3A_835, %scan3A_1144 = %get3A_837, %scan3A_1145 = %get3A_839, %scan3A_1146 = %get3A_841, %scan3A_1147 = %get3A_843, %scan3A_1148 = %get3A_845) -> (vector<16xf32>, vector<16xf32>, vector<16xf32>, vector<16xf32>, vector<16xf32>, vector<16xf32>, vector<16xf32>, vector<16xf32>, vector<16xf32>, vector<16xf32>, vector<16xf32>, vector<16xf32>, vector<16xf32>)  : i32 {
        %broadcast_in_dim3A_1149 = vector.broadcast %scan3A_1135 : i32 to vector<16xi32>
        %add3A_1150 = arith.addi %broadcast_in_dim3A_1149, %iota3A : vector<16xi32>
        %and3A = arith.constant 127 : i32
        %and3A_1151 = vector.broadcast %and3A : i32 to vector<16xi32>
        %and3A_1152 = arith.andi %add3A_1150, %and3A_1151 : vector<16xi32>
        %gather3A = tpu.vector_load_idx %arg7[%broadcast_in_dim3A_846, %and3A_1152] : memref<128x128xf32, #tpu.memory_space<vmem>>[vector<16xi32>, vector<16xi32>], vector<16xf32>,
        %gather3A_1153 = tpu.vector_load_idx %arg17[%min3A_7, %and3A_1152] : memref<200x128xf32, #tpu.memory_space<vmem>>[vector<16xi32>, vector<16xi32>], vector<16xf32>,
        %mul3A_1154 = arith.mulf %gather3A_1153, %gather3A : vector<16xf32>
        %add3A_1155 = arith.addf %scan3A_1136, %mul3A_1154 : vector<16xf32>
        %gather3A_1156 = tpu.vector_load_idx %arg17[%min3A_13, %and3A_1152] : memref<200x128xf32, #tpu.memory_space<vmem>>[vector<16xi32>, vector<16xi32>], vector<16xf32>,
        %mul3A_1157 = arith.mulf %gather3A_1156, %gather3A : vector<16xf32>
        %add3A_1158 = arith.addf %scan3A_1137, %mul3A_1157 : vector<16xf32>
        %gather3A_1159 = tpu.vector_load_idx %arg17[%min3A_19, %and3A_1152] : memref<200x128xf32, #tpu.memory_space<vmem>>[vector<16xi32>, vector<16xi32>], vector<16xf32>,
        %mul3A_1160 = arith.mulf %gather3A_1159, %gather3A : vector<16xf32>
        %add3A_1161 = arith.addf %scan3A_1138, %mul3A_1160 : vector<16xf32>
        %gather3A_1162 = tpu.vector_load_idx %arg17[%min3A_25, %and3A_1152] : memref<200x128xf32, #tpu.memory_space<vmem>>[vector<16xi32>, vector<16xi32>], vector<16xf32>,
        %mul3A_1163 = arith.mulf %gather3A_1162, %gather3A : vector<16xf32>
        %add3A_1164 = arith.addf %scan3A_1139, %mul3A_1163 : vector<16xf32>
        %gather3A_1165 = tpu.vector_load_idx %arg17[%min3A_31, %and3A_1152] : memref<200x128xf32, #tpu.memory_space<vmem>>[vector<16xi32>, vector<16xi32>], vector<16xf32>,
        %mul3A_1166 = arith.mulf %gather3A_1165, %gather3A : vector<16xf32>
        %add3A_1167 = arith.addf %scan3A_1140, %mul3A_1166 : vector<16xf32>
        %gather3A_1168 = tpu.vector_load_idx %arg17[%min3A_37, %and3A_1152] : memref<200x128xf32, #tpu.memory_space<vmem>>[vector<16xi32>, vector<16xi32>], vector<16xf32>,
        %mul3A_1169 = arith.mulf %gather3A_1168, %gather3A : vector<16xf32>
        %add3A_1170 = arith.addf %scan3A_1141, %mul3A_1169 : vector<16xf32>
        %gather3A_1171 = tpu.vector_load_idx %arg17[%min3A_43, %and3A_1152] : memref<200x128xf32, #tpu.memory_space<vmem>>[vector<16xi32>, vector<16xi32>], vector<16xf32>,
        %mul3A_1172 = arith.mulf %gather3A_1171, %gather3A : vector<16xf32>
        %add3A_1173 = arith.addf %scan3A_1142, %mul3A_1172 : vector<16xf32>
        %gather3A_1174 = tpu.vector_load_idx %arg17[%min3A_49, %and3A_1152] : memref<200x128xf32, #tpu.memory_space<vmem>>[vector<16xi32>, vector<16xi32>], vector<16xf32>,
        %mul3A_1175 = arith.mulf %gather3A_1174, %gather3A : vector<16xf32>
        %add3A_1176 = arith.addf %scan3A_1143, %mul3A_1175 : vector<16xf32>
        %gather3A_1177 = tpu.vector_load_idx %arg17[%min3A_55, %and3A_1152] : memref<200x128xf32, #tpu.memory_space<vmem>>[vector<16xi32>, vector<16xi32>], vector<16xf32>,
        %mul3A_1178 = arith.mulf %gather3A_1177, %gather3A : vector<16xf32>
        %add3A_1179 = arith.addf %scan3A_1144, %mul3A_1178 : vector<16xf32>
        %gather3A_1180 = tpu.vector_load_idx %arg17[%min3A_61, %and3A_1152] : memref<200x128xf32, #tpu.memory_space<vmem>>[vector<16xi32>, vector<16xi32>], vector<16xf32>,
        %mul3A_1181 = arith.mulf %gather3A_1180, %gather3A : vector<16xf32>
        %add3A_1182 = arith.addf %scan3A_1145, %mul3A_1181 : vector<16xf32>
        %gather3A_1183 = tpu.vector_load_idx %arg17[%min3A_67, %and3A_1152] : memref<200x128xf32, #tpu.memory_space<vmem>>[vector<16xi32>, vector<16xi32>], vector<16xf32>,
        %mul3A_1184 = arith.mulf %gather3A_1183, %gather3A : vector<16xf32>
        %add3A_1185 = arith.addf %scan3A_1146, %mul3A_1184 : vector<16xf32>
        %gather3A_1186 = tpu.vector_load_idx %arg17[%min3A_73, %and3A_1152] : memref<200x128xf32, #tpu.memory_space<vmem>>[vector<16xi32>, vector<16xi32>], vector<16xf32>,
        %mul3A_1187 = arith.mulf %gather3A_1186, %gather3A : vector<16xf32>
        %add3A_1188 = arith.addf %scan3A_1147, %mul3A_1187 : vector<16xf32>
        %gather3A_1189 = tpu.vector_load_idx %arg17[%min3A_79, %and3A_1152] : memref<200x128xf32, #tpu.memory_space<vmem>>[vector<16xi32>, vector<16xi32>], vector<16xf32>,
        %mul3A_1190 = arith.mulf %gather3A_1189, %gather3A : vector<16xf32>
        %add3A_1191 = arith.addf %scan3A_1148, %mul3A_1190 : vector<16xf32>
        %scan3A_1192 = arith.constant 1 : i32
        %scan3A_1193 = arith.addi %scan3A_1135, %scan3A_1192 : i32
        %broadcast_in_dim3A_1194 = vector.broadcast %scan3A_1193 : i32 to vector<16xi32>
        %add3A_1195 = arith.addi %broadcast_in_dim3A_1194, %iota3A : vector<16xi32>
        %and3A_1196 = arith.constant 127 : i32
        %and3A_1197 = vector.broadcast %and3A_1196 : i32 to vector<16xi32>
        %and3A_1198 = arith.andi %add3A_1195, %and3A_1197 : vector<16xi32>
        %gather3A_1199 = tpu.vector_load_idx %arg7[%broadcast_in_dim3A_846, %and3A_1198] : memref<128x128xf32, #tpu.memory_space<vmem>>[vector<16xi32>, vector<16xi32>], vector<16xf32>,
        %gather3A_1200 = tpu.vector_load_idx %arg17[%min3A_7, %and3A_1198] : memref<200x128xf32, #tpu.memory_space<vmem>>[vector<16xi32>, vector<16xi32>], vector<16xf32>,
        %mul3A_1201 = arith.mulf %gather3A_1200, %gather3A_1199 : vector<16xf32>
        %add3A_1202 = arith.addf %add3A_1155, %mul3A_1201 : vector<16xf32>
        %gather3A_1203 = tpu.vector_load_idx %arg17[%min3A_13, %and3A_1198] : memref<200x128xf32, #tpu.memory_space<vmem>>[vector<16xi32>, vector<16xi32>], vector<16xf32>,
        %mul3A_1204 = arith.mulf %gather3A_1203, %gather3A_1199 : vector<16xf32>
        %add3A_1205 = arith.addf %add3A_1158, %mul3A_1204 : vector<16xf32>
        %gather3A_1206 = tpu.vector_load_idx %arg17[%min3A_19, %and3A_1198] : memref<200x128xf32, #tpu.memory_space<vmem>>[vector<16xi32>, vector<16xi32>], vector<16xf32>,
        %mul3A_1207 = arith.mulf %gather3A_1206, %gather3A_1199 : vector<16xf32>
        %add3A_1208 = arith.addf %add3A_1161, %mul3A_1207 : vector<16xf32>
        %gather3A_1209 = tpu.vector_load_idx %arg17[%min3A_25, %and3A_1198] : memref<200x128xf32, #tpu.memory_space<vmem>>[vector<16xi32>, vector<16xi32>], vector<16xf32>,
        %mul3A_1210 = arith.mulf %gather3A_1209, %gather3A_1199 : vector<16xf32>
        %add3A_1211 = arith.addf %add3A_1164, %mul3A_1210 : vector<16xf32>
        %gather3A_1212 = tpu.vector_load_idx %arg17[%min3A_31, %and3A_1198] : memref<200x128xf32, #tpu.memory_space<vmem>>[vector<16xi32>, vector<16xi32>], vector<16xf32>,
        %mul3A_1213 = arith.mulf %gather3A_1212, %gather3A_1199 : vector<16xf32>
        %add3A_1214 = arith.addf %add3A_1167, %mul3A_1213 : vector<16xf32>
        %gather3A_1215 = tpu.vector_load_idx %arg17[%min3A_37, %and3A_1198] : memref<200x128xf32, #tpu.memory_space<vmem>>[vector<16xi32>, vector<16xi32>], vector<16xf32>,
        %mul3A_1216 = arith.mulf %gather3A_1215, %gather3A_1199 : vector<16xf32>
        %add3A_1217 = arith.addf %add3A_1170, %mul3A_1216 : vector<16xf32>
        %gather3A_1218 = tpu.vector_load_idx %arg17[%min3A_43, %and3A_1198] : memref<200x128xf32, #tpu.memory_space<vmem>>[vector<16xi32>, vector<16xi32>], vector<16xf32>,
        %mul3A_1219 = arith.mulf %gather3A_1218, %gather3A_1199 : vector<16xf32>
        %add3A_1220 = arith.addf %add3A_1173, %mul3A_1219 : vector<16xf32>
        %gather3A_1221 = tpu.vector_load_idx %arg17[%min3A_49, %and3A_1198] : memref<200x128xf32, #tpu.memory_space<vmem>>[vector<16xi32>, vector<16xi32>], vector<16xf32>,
        %mul3A_1222 = arith.mulf %gather3A_1221, %gather3A_1199 : vector<16xf32>
        %add3A_1223 = arith.addf %add3A_1176, %mul3A_1222 : vector<16xf32>
        %gather3A_1224 = tpu.vector_load_idx %arg17[%min3A_55, %and3A_1198] : memref<200x128xf32, #tpu.memory_space<vmem>>[vector<16xi32>, vector<16xi32>], vector<16xf32>,
        %mul3A_1225 = arith.mulf %gather3A_1224, %gather3A_1199 : vector<16xf32>
        %add3A_1226 = arith.addf %add3A_1179, %mul3A_1225 : vector<16xf32>
        %gather3A_1227 = tpu.vector_load_idx %arg17[%min3A_61, %and3A_1198] : memref<200x128xf32, #tpu.memory_space<vmem>>[vector<16xi32>, vector<16xi32>], vector<16xf32>,
        %mul3A_1228 = arith.mulf %gather3A_1227, %gather3A_1199 : vector<16xf32>
        %add3A_1229 = arith.addf %add3A_1182, %mul3A_1228 : vector<16xf32>
        %gather3A_1230 = tpu.vector_load_idx %arg17[%min3A_67, %and3A_1198] : memref<200x128xf32, #tpu.memory_space<vmem>>[vector<16xi32>, vector<16xi32>], vector<16xf32>,
        %mul3A_1231 = arith.mulf %gather3A_1230, %gather3A_1199 : vector<16xf32>
        %add3A_1232 = arith.addf %add3A_1185, %mul3A_1231 : vector<16xf32>
        %gather3A_1233 = tpu.vector_load_idx %arg17[%min3A_73, %and3A_1198] : memref<200x128xf32, #tpu.memory_space<vmem>>[vector<16xi32>, vector<16xi32>], vector<16xf32>,
        %mul3A_1234 = arith.mulf %gather3A_1233, %gather3A_1199 : vector<16xf32>
        %add3A_1235 = arith.addf %add3A_1188, %mul3A_1234 : vector<16xf32>
        %gather3A_1236 = tpu.vector_load_idx %arg17[%min3A_79, %and3A_1198] : memref<200x128xf32, #tpu.memory_space<vmem>>[vector<16xi32>, vector<16xi32>], vector<16xf32>,
        %mul3A_1237 = arith.mulf %gather3A_1236, %gather3A_1199 : vector<16xf32>
        %add3A_1238 = arith.addf %add3A_1191, %mul3A_1237 : vector<16xf32>
        scf.yield %add3A_1202, %add3A_1205, %add3A_1208, %add3A_1211, %add3A_1214, %add3A_1217, %add3A_1220, %add3A_1223, %add3A_1226, %add3A_1229, %add3A_1232, %add3A_1235, %add3A_1238 : vector<16xf32>, vector<16xf32>, vector<16xf32>, vector<16xf32>, vector<16xf32>, vector<16xf32>, vector<16xf32>, vector<16xf32>, vector<16xf32>, vector<16xf32>, vector<16xf32>, vector<16xf32>, vector<16xf32>
      }
      %scan3A_852 = arith.constant 128 : i32
      %add3A_853 = arith.constant 8 : i32
      %add3A_854 = arith.addi %add3A_808, %add3A_853 : i32
      %min3A_855 = arith.constant 127 : i32
      %min3A_856 = arith.minsi %add3A_854, %min3A_855 : i32
      %add3A_857 = arith.addi %mul3A_2, %min3A_856 : i32
      %mul3A_858 = arith.constant 256 : i32
      %mul3A_859 = arith.muli %add3A_857, %mul3A_858 : i32
      %dma_start3A_860 = tpu.memref_slice %arg3[%mul3A_859] : memref<1048576xi32, #tpu.memory_space<hbm>> -> memref<256xi32, #tpu.memory_space<hbm>>
      %dma_start3A_861 = tpu.memref_slice %arg3[%mul3A_859] : memref<1048576xi32, #tpu.memory_space<hbm>> -> memref<256xi32, #tpu.memory_space<hbm>>
      tpu.enqueue_dma source(%dma_start3A_861 : memref<256xi32, #tpu.memory_space<hbm>>) target(%arg13 : memref<256xi32, #tpu.memory_space<vmem>>) target_semaphore(%arg31 : memref<!tpu.dma_semaphore, #tpu.memory_space<semaphore_mem>>)
      %dma_wait3A_862 = arith.constant 0 : i32
      %dma_wait3A_863 = tpu.memref_slice %arg3[%dma_wait3A_862] : memref<1048576xi32, #tpu.memory_space<hbm>> -> memref<256xi32, #tpu.memory_space<hbm>>
      %dma_wait3A_864 = arith.constant 0 : i32
      %dma_wait3A_865 = tpu.memref_slice %arg3[%dma_wait3A_864] : memref<1048576xi32, #tpu.memory_space<hbm>> -> memref<256xi32, #tpu.memory_space<hbm>>
      tpu.wait_dma2 semaphore(%arg26 : memref<!tpu.dma_semaphore, #tpu.memory_space<semaphore_mem>>) src(%dma_wait3A_865 : memref<256xi32, #tpu.memory_space<hbm>>) dst(%arg8 : memref<256xi32, #tpu.memory_space<vmem>>)
      %dma_start3A_866 = arith.constant 0 : i32
      %dma_start3A_867 = tpu.memref_slice %arg20[%dma_start3A_866] : memref<208xf32, #tpu.memory_space<vmem>> -> memref<200xf32, #tpu.memory_space<vmem>>
      %dma_start3A_868 = arith.constant 0 : i32
      %dma_start3A_869 = tpu.memref_slice %arg8[%dma_start3A_868] : memref<256xi32, #tpu.memory_space<vmem>> -> memref<200xi32, #tpu.memory_space<vmem>>
      %dma_start3A_870 = arith.constant 0 : i32
      %dma_start3A_871 = tpu.memref_slice %arg5[%dma_start3A_870] : memref<100000xf32, #tpu.memory_space<hbm>> -> memref<100000xf32, #tpu.memory_space<hbm>>
      tpu.enqueue_indirect_dma source(%dma_start3A_871 : memref<100000xf32, #tpu.memory_space<hbm>>) target(%dma_start3A_867 : memref<200xf32, #tpu.memory_space<vmem>>) offsets(%dma_start3A_869 : memref<200xi32, #tpu.memory_space<vmem>>) semaphore(%arg38 : memref<!tpu.dma_semaphore, #tpu.memory_space<semaphore_mem>>)
      %dma_start3A_872 = arith.constant 0 : i32
      %dma_start3A_873 = tpu.memref_slice %arg8[%dma_start3A_872] : memref<256xi32, #tpu.memory_space<vmem>> -> memref<200xi32, #tpu.memory_space<vmem>>
      %dma_start3A_874 = arith.constant 0 : i32
      %dma_start3A_875 = arith.constant 0 : i32
      %dma_start3A_876 = tpu.memref_slice %arg4[%dma_start3A_874, %dma_start3A_875] : memref<100000x128xf32, #tpu.memory_space<hbm>> -> memref<100000x128xf32, #tpu.memory_space<hbm>>
      tpu.enqueue_indirect_dma source(%dma_start3A_876 : memref<100000x128xf32, #tpu.memory_space<hbm>>) target(%arg16 : memref<200x128xf32, #tpu.memory_space<vmem>>) offsets(%dma_start3A_873 : memref<200xi32, #tpu.memory_space<vmem>>) semaphore(%arg34 : memref<!tpu.dma_semaphore, #tpu.memory_space<semaphore_mem>>)
      %gt3A_877 = arith.constant 0 : i32
      %gt3A_878 = arith.cmpi sgt, %add3A_260, %gt3A_877 : i32
      %convert_element_type3A_879 = arith.extui %gt3A_878 : i1 to i32
      %cond3A_880 = arith.constant 0 : i32
      %cond3A_881 = arith.cmpi ne, %convert_element_type3A_879, %cond3A_880 : i32
      scf.if %cond3A_881 {
        %dma_wait3A_1135 = arith.constant 0 : i32
        %dma_wait3A_1136 = tpu.memref_slice %arg6[%mul3A_2, %dma_wait3A_1135] : memref<4096x256xf32, #tpu.memory_space<hbm>> -> memref<1x256xf32, #tpu.memory_space<hbm>>
        %dma_wait3A_1137 = tpu.memref_squeeze %dma_wait3A_1136 : memref<1x256xf32, #tpu.memory_space<hbm>> -> memref<256xf32, #tpu.memory_space<hbm>>
        %dma_wait3A_1138 = arith.constant 0 : i32
        %dma_wait3A_1139 = tpu.memref_slice %arg6[%mul3A_2, %dma_wait3A_1138] : memref<4096x256xf32, #tpu.memory_space<hbm>> -> memref<1x256xf32, #tpu.memory_space<hbm>>
        %dma_wait3A_1140 = tpu.memref_squeeze %dma_wait3A_1139 : memref<1x256xf32, #tpu.memory_space<hbm>> -> memref<256xf32, #tpu.memory_space<hbm>>
        tpu.wait_dma2 semaphore(%arg43 : memref<!tpu.dma_semaphore, #tpu.memory_space<semaphore_mem>>) src(%arg25 : memref<256xf32, #tpu.memory_space<vmem>>) dst(%dma_wait3A_1140 : memref<256xf32, #tpu.memory_space<hbm>>)
      } else {
      }
      %swap3A_882 = arith.constant 0 : index
      %swap3A_883 = tpu.vector_load %arg25[%swap3A_882] {strides = array<i32>} : memref<256xf32, #tpu.memory_space<vmem>>, vector<16xf32>,
      tpu.vector_store %arg25[%swap3A_882], %scan3A_851#0 {strides = array<i32>} : memref<256xf32, #tpu.memory_space<vmem>>, vector<16xf32>,
      %swap3A_884 = arith.constant 16 : index
      %swap3A_885 = tpu.vector_load %arg25[%swap3A_884] {strides = array<i32>} : memref<256xf32, #tpu.memory_space<vmem>>, vector<16xf32>,
      tpu.vector_store %arg25[%swap3A_884], %scan3A_851#1 {strides = array<i32>} : memref<256xf32, #tpu.memory_space<vmem>>, vector<16xf32>,
      %swap3A_886 = arith.constant 32 : index
      %swap3A_887 = tpu.vector_load %arg25[%swap3A_886] {strides = array<i32>} : memref<256xf32, #tpu.memory_space<vmem>>, vector<16xf32>,
      tpu.vector_store %arg25[%swap3A_886], %scan3A_851#2 {strides = array<i32>} : memref<256xf32, #tpu.memory_space<vmem>>, vector<16xf32>,
      %swap3A_888 = arith.constant 48 : index
      %swap3A_889 = tpu.vector_load %arg25[%swap3A_888] {strides = array<i32>} : memref<256xf32, #tpu.memory_space<vmem>>, vector<16xf32>,
      tpu.vector_store %arg25[%swap3A_888], %scan3A_851#3 {strides = array<i32>} : memref<256xf32, #tpu.memory_space<vmem>>, vector<16xf32>,
      %swap3A_890 = arith.constant 64 : index
      %swap3A_891 = tpu.vector_load %arg25[%swap3A_890] {strides = array<i32>} : memref<256xf32, #tpu.memory_space<vmem>>, vector<16xf32>,
      tpu.vector_store %arg25[%swap3A_890], %scan3A_851#4 {strides = array<i32>} : memref<256xf32, #tpu.memory_space<vmem>>, vector<16xf32>,
      %swap3A_892 = arith.constant 80 : index
      %swap3A_893 = tpu.vector_load %arg25[%swap3A_892] {strides = array<i32>} : memref<256xf32, #tpu.memory_space<vmem>>, vector<16xf32>,
      tpu.vector_store %arg25[%swap3A_892], %scan3A_851#5 {strides = array<i32>} : memref<256xf32, #tpu.memory_space<vmem>>, vector<16xf32>,
      %swap3A_894 = arith.constant 96 : index
      %swap3A_895 = tpu.vector_load %arg25[%swap3A_894] {strides = array<i32>} : memref<256xf32, #tpu.memory_space<vmem>>, vector<16xf32>,
      tpu.vector_store %arg25[%swap3A_894], %scan3A_851#6 {strides = array<i32>} : memref<256xf32, #tpu.memory_space<vmem>>, vector<16xf32>,
      %swap3A_896 = arith.constant 112 : index
      %swap3A_897 = tpu.vector_load %arg25[%swap3A_896] {strides = array<i32>} : memref<256xf32, #tpu.memory_space<vmem>>, vector<16xf32>,
      tpu.vector_store %arg25[%swap3A_896], %scan3A_851#7 {strides = array<i32>} : memref<256xf32, #tpu.memory_space<vmem>>, vector<16xf32>,
      %swap3A_898 = arith.constant 128 : index
      %swap3A_899 = tpu.vector_load %arg25[%swap3A_898] {strides = array<i32>} : memref<256xf32, #tpu.memory_space<vmem>>, vector<16xf32>,
      tpu.vector_store %arg25[%swap3A_898], %scan3A_851#8 {strides = array<i32>} : memref<256xf32, #tpu.memory_space<vmem>>, vector<16xf32>,
      %swap3A_900 = arith.constant 144 : index
      %swap3A_901 = tpu.vector_load %arg25[%swap3A_900] {strides = array<i32>} : memref<256xf32, #tpu.memory_space<vmem>>, vector<16xf32>,
      tpu.vector_store %arg25[%swap3A_900], %scan3A_851#9 {strides = array<i32>} : memref<256xf32, #tpu.memory_space<vmem>>, vector<16xf32>,
      %swap3A_902 = arith.constant 160 : index
      %swap3A_903 = tpu.vector_load %arg25[%swap3A_902] {strides = array<i32>} : memref<256xf32, #tpu.memory_space<vmem>>, vector<16xf32>,
      tpu.vector_store %arg25[%swap3A_902], %scan3A_851#10 {strides = array<i32>} : memref<256xf32, #tpu.memory_space<vmem>>, vector<16xf32>,
      %swap3A_904 = arith.constant 176 : index
      %swap3A_905 = tpu.vector_load %arg25[%swap3A_904] {strides = array<i32>} : memref<256xf32, #tpu.memory_space<vmem>>, vector<16xf32>,
      tpu.vector_store %arg25[%swap3A_904], %scan3A_851#11 {strides = array<i32>} : memref<256xf32, #tpu.memory_space<vmem>>, vector<16xf32>,
      %swap3A_906 = arith.constant 192 : index
      %swap3A_907 = tpu.vector_load %arg25[%swap3A_906] {strides = array<i32>} : memref<256xf32, #tpu.memory_space<vmem>>, vector<16xf32>,
      tpu.vector_store %arg25[%swap3A_906], %scan3A_851#12 {strides = array<i32>} : memref<256xf32, #tpu.memory_space<vmem>>, vector<16xf32>,
      %add3A_908 = arith.addi %mul3A_2, %add3A_808 : i32
      %dma_start3A_909 = arith.constant 0 : i32
      %dma_start3A_910 = tpu.memref_slice %arg6[%add3A_908, %dma_start3A_909] : memref<4096x256xf32, #tpu.memory_space<hbm>> -> memref<1x256xf32, #tpu.memory_space<hbm>>
      %dma_start3A_911 = tpu.memref_squeeze %dma_start3A_910 : memref<1x256xf32, #tpu.memory_space<hbm>> -> memref<256xf32, #tpu.memory_space<hbm>>
      %dma_start3A_912 = arith.constant 0 : i32
      %dma_start3A_913 = tpu.memref_slice %arg6[%add3A_908, %dma_start3A_912] : memref<4096x256xf32, #tpu.memory_space<hbm>> -> memref<1x256xf32, #tpu.memory_space<hbm>>
      %dma_start3A_914 = tpu.memref_squeeze %dma_start3A_913 : memref<1x256xf32, #tpu.memory_space<hbm>> -> memref<256xf32, #tpu.memory_space<hbm>>
      tpu.enqueue_dma source(%arg25 : memref<256xf32, #tpu.memory_space<vmem>>) target(%dma_start3A_914 : memref<256xf32, #tpu.memory_space<hbm>>) target_semaphore(%arg43 : memref<!tpu.dma_semaphore, #tpu.memory_space<semaphore_mem>>)
      %mul3A_915 = arith.constant 8 : i32
      %mul3A_916 = arith.muli %mul3A_915, %add3A_260 : i32
      %add3A_917 = arith.constant 6 : i32
      %add3A_918 = arith.addi %mul3A_916, %add3A_917 : i32
      %dma_wait3A_919 = arith.constant 0 : i32
      %dma_wait3A_920 = tpu.memref_slice %arg8[%dma_wait3A_919] : memref<256xi32, #tpu.memory_space<vmem>> -> memref<200xi32, #tpu.memory_space<vmem>>
      %dma_wait3A_921 = arith.constant 0 : i32
      %dma_wait3A_922 = arith.constant 0 : i32
      %dma_wait3A_923 = tpu.memref_slice %arg4[%dma_wait3A_921, %dma_wait3A_922] : memref<100000x128xf32, #tpu.memory_space<hbm>> -> memref<100000x128xf32, #tpu.memory_space<hbm>>
      tpu.wait_indirect_dma semaphore(%arg36 : memref<!tpu.dma_semaphore, #tpu.memory_space<semaphore_mem>>) src(%dma_wait3A_923 : memref<100000x128xf32, #tpu.memory_space<hbm>>) dst(%arg18 : memref<200x128xf32, #tpu.memory_space<vmem>>)
      %dma_wait3A_924 = arith.constant 0 : i32
      %dma_wait3A_925 = tpu.memref_slice %arg22[%dma_wait3A_924] : memref<208xf32, #tpu.memory_space<vmem>> -> memref<200xf32, #tpu.memory_space<vmem>>
      %dma_wait3A_926 = arith.constant 0 : i32
      %dma_wait3A_927 = tpu.memref_slice %arg8[%dma_wait3A_926] : memref<256xi32, #tpu.memory_space<vmem>> -> memref<200xi32, #tpu.memory_space<vmem>>
      %dma_wait3A_928 = arith.constant 0 : i32
      %dma_wait3A_929 = tpu.memref_slice %arg5[%dma_wait3A_928] : memref<100000xf32, #tpu.memory_space<hbm>> -> memref<100000xf32, #tpu.memory_space<hbm>>
      tpu.wait_indirect_dma semaphore(%arg40 : memref<!tpu.dma_semaphore, #tpu.memory_space<semaphore_mem>>) src(%dma_wait3A_929 : memref<100000xf32, #tpu.memory_space<hbm>>) dst(%dma_wait3A_925 : memref<200xf32, #tpu.memory_space<vmem>>)
      %get3A_930 = arith.constant 0 : index
      %get3A_931 = tpu.vector_load %arg22[%get3A_930] {strides = array<i32>} : memref<208xf32, #tpu.memory_space<vmem>>, vector<16xf32>,
      %get3A_932 = arith.constant 16 : index
      %get3A_933 = tpu.vector_load %arg22[%get3A_932] {strides = array<i32>} : memref<208xf32, #tpu.memory_space<vmem>>, vector<16xf32>,
      %get3A_934 = arith.constant 32 : index
      %get3A_935 = tpu.vector_load %arg22[%get3A_934] {strides = array<i32>} : memref<208xf32, #tpu.memory_space<vmem>>, vector<16xf32>,
      %get3A_936 = arith.constant 48 : index
      %get3A_937 = tpu.vector_load %arg22[%get3A_936] {strides = array<i32>} : memref<208xf32, #tpu.memory_space<vmem>>, vector<16xf32>,
      %get3A_938 = arith.constant 64 : index
      %get3A_939 = tpu.vector_load %arg22[%get3A_938] {strides = array<i32>} : memref<208xf32, #tpu.memory_space<vmem>>, vector<16xf32>,
      %get3A_940 = arith.constant 80 : index
      %get3A_941 = tpu.vector_load %arg22[%get3A_940] {strides = array<i32>} : memref<208xf32, #tpu.memory_space<vmem>>, vector<16xf32>,
      %get3A_942 = arith.constant 96 : index
      %get3A_943 = tpu.vector_load %arg22[%get3A_942] {strides = array<i32>} : memref<208xf32, #tpu.memory_space<vmem>>, vector<16xf32>,
      %get3A_944 = arith.constant 112 : index
      %get3A_945 = tpu.vector_load %arg22[%get3A_944] {strides = array<i32>} : memref<208xf32, #tpu.memory_space<vmem>>, vector<16xf32>,
      %get3A_946 = arith.constant 128 : index
      %get3A_947 = tpu.vector_load %arg22[%get3A_946] {strides = array<i32>} : memref<208xf32, #tpu.memory_space<vmem>>, vector<16xf32>,
      %get3A_948 = arith.constant 144 : index
      %get3A_949 = tpu.vector_load %arg22[%get3A_948] {strides = array<i32>} : memref<208xf32, #tpu.memory_space<vmem>>, vector<16xf32>,
      %get3A_950 = arith.constant 160 : index
      %get3A_951 = tpu.vector_load %arg22[%get3A_950] {strides = array<i32>} : memref<208xf32, #tpu.memory_space<vmem>>, vector<16xf32>,
      %get3A_952 = arith.constant 176 : index
      %get3A_953 = tpu.vector_load %arg22[%get3A_952] {strides = array<i32>} : memref<208xf32, #tpu.memory_space<vmem>>, vector<16xf32>,
      %get3A_954 = arith.constant 192 : index
      %get3A_955 = tpu.vector_load %arg22[%get3A_954] {strides = array<i32>} : memref<208xf32, #tpu.memory_space<vmem>>, vector<16xf32>,
      %broadcast_in_dim3A_956 = vector.broadcast %add3A_918 : i32 to vector<16xi32>
      %scan3A_957 = arith.constant 0 : i32
      %scan3A_958 = arith.constant 128 : i32
      %scan3A_959 = arith.addi %scan3A_957, %scan3A_958 : i32
      %scan3A_960 = arith.constant 2 : i32
      %scan3A_961:13 = scf.for %scan3A_1135 = %scan3A_957 to %scan3A_959 step %scan3A_960 iter_args(%scan3A_1136 = %get3A_931, %scan3A_1137 = %get3A_933, %scan3A_1138 = %get3A_935, %scan3A_1139 = %get3A_937, %scan3A_1140 = %get3A_939, %scan3A_1141 = %get3A_941, %scan3A_1142 = %get3A_943, %scan3A_1143 = %get3A_945, %scan3A_1144 = %get3A_947, %scan3A_1145 = %get3A_949, %scan3A_1146 = %get3A_951, %scan3A_1147 = %get3A_953, %scan3A_1148 = %get3A_955) -> (vector<16xf32>, vector<16xf32>, vector<16xf32>, vector<16xf32>, vector<16xf32>, vector<16xf32>, vector<16xf32>, vector<16xf32>, vector<16xf32>, vector<16xf32>, vector<16xf32>, vector<16xf32>, vector<16xf32>)  : i32 {
        %broadcast_in_dim3A_1149 = vector.broadcast %scan3A_1135 : i32 to vector<16xi32>
        %add3A_1150 = arith.addi %broadcast_in_dim3A_1149, %iota3A : vector<16xi32>
        %and3A = arith.constant 127 : i32
        %and3A_1151 = vector.broadcast %and3A : i32 to vector<16xi32>
        %and3A_1152 = arith.andi %add3A_1150, %and3A_1151 : vector<16xi32>
        %gather3A = tpu.vector_load_idx %arg7[%broadcast_in_dim3A_956, %and3A_1152] : memref<128x128xf32, #tpu.memory_space<vmem>>[vector<16xi32>, vector<16xi32>], vector<16xf32>,
        %gather3A_1153 = tpu.vector_load_idx %arg18[%min3A_7, %and3A_1152] : memref<200x128xf32, #tpu.memory_space<vmem>>[vector<16xi32>, vector<16xi32>], vector<16xf32>,
        %mul3A_1154 = arith.mulf %gather3A_1153, %gather3A : vector<16xf32>
        %add3A_1155 = arith.addf %scan3A_1136, %mul3A_1154 : vector<16xf32>
        %gather3A_1156 = tpu.vector_load_idx %arg18[%min3A_13, %and3A_1152] : memref<200x128xf32, #tpu.memory_space<vmem>>[vector<16xi32>, vector<16xi32>], vector<16xf32>,
        %mul3A_1157 = arith.mulf %gather3A_1156, %gather3A : vector<16xf32>
        %add3A_1158 = arith.addf %scan3A_1137, %mul3A_1157 : vector<16xf32>
        %gather3A_1159 = tpu.vector_load_idx %arg18[%min3A_19, %and3A_1152] : memref<200x128xf32, #tpu.memory_space<vmem>>[vector<16xi32>, vector<16xi32>], vector<16xf32>,
        %mul3A_1160 = arith.mulf %gather3A_1159, %gather3A : vector<16xf32>
        %add3A_1161 = arith.addf %scan3A_1138, %mul3A_1160 : vector<16xf32>
        %gather3A_1162 = tpu.vector_load_idx %arg18[%min3A_25, %and3A_1152] : memref<200x128xf32, #tpu.memory_space<vmem>>[vector<16xi32>, vector<16xi32>], vector<16xf32>,
        %mul3A_1163 = arith.mulf %gather3A_1162, %gather3A : vector<16xf32>
        %add3A_1164 = arith.addf %scan3A_1139, %mul3A_1163 : vector<16xf32>
        %gather3A_1165 = tpu.vector_load_idx %arg18[%min3A_31, %and3A_1152] : memref<200x128xf32, #tpu.memory_space<vmem>>[vector<16xi32>, vector<16xi32>], vector<16xf32>,
        %mul3A_1166 = arith.mulf %gather3A_1165, %gather3A : vector<16xf32>
        %add3A_1167 = arith.addf %scan3A_1140, %mul3A_1166 : vector<16xf32>
        %gather3A_1168 = tpu.vector_load_idx %arg18[%min3A_37, %and3A_1152] : memref<200x128xf32, #tpu.memory_space<vmem>>[vector<16xi32>, vector<16xi32>], vector<16xf32>,
        %mul3A_1169 = arith.mulf %gather3A_1168, %gather3A : vector<16xf32>
        %add3A_1170 = arith.addf %scan3A_1141, %mul3A_1169 : vector<16xf32>
        %gather3A_1171 = tpu.vector_load_idx %arg18[%min3A_43, %and3A_1152] : memref<200x128xf32, #tpu.memory_space<vmem>>[vector<16xi32>, vector<16xi32>], vector<16xf32>,
        %mul3A_1172 = arith.mulf %gather3A_1171, %gather3A : vector<16xf32>
        %add3A_1173 = arith.addf %scan3A_1142, %mul3A_1172 : vector<16xf32>
        %gather3A_1174 = tpu.vector_load_idx %arg18[%min3A_49, %and3A_1152] : memref<200x128xf32, #tpu.memory_space<vmem>>[vector<16xi32>, vector<16xi32>], vector<16xf32>,
        %mul3A_1175 = arith.mulf %gather3A_1174, %gather3A : vector<16xf32>
        %add3A_1176 = arith.addf %scan3A_1143, %mul3A_1175 : vector<16xf32>
        %gather3A_1177 = tpu.vector_load_idx %arg18[%min3A_55, %and3A_1152] : memref<200x128xf32, #tpu.memory_space<vmem>>[vector<16xi32>, vector<16xi32>], vector<16xf32>,
        %mul3A_1178 = arith.mulf %gather3A_1177, %gather3A : vector<16xf32>
        %add3A_1179 = arith.addf %scan3A_1144, %mul3A_1178 : vector<16xf32>
        %gather3A_1180 = tpu.vector_load_idx %arg18[%min3A_61, %and3A_1152] : memref<200x128xf32, #tpu.memory_space<vmem>>[vector<16xi32>, vector<16xi32>], vector<16xf32>,
        %mul3A_1181 = arith.mulf %gather3A_1180, %gather3A : vector<16xf32>
        %add3A_1182 = arith.addf %scan3A_1145, %mul3A_1181 : vector<16xf32>
        %gather3A_1183 = tpu.vector_load_idx %arg18[%min3A_67, %and3A_1152] : memref<200x128xf32, #tpu.memory_space<vmem>>[vector<16xi32>, vector<16xi32>], vector<16xf32>,
        %mul3A_1184 = arith.mulf %gather3A_1183, %gather3A : vector<16xf32>
        %add3A_1185 = arith.addf %scan3A_1146, %mul3A_1184 : vector<16xf32>
        %gather3A_1186 = tpu.vector_load_idx %arg18[%min3A_73, %and3A_1152] : memref<200x128xf32, #tpu.memory_space<vmem>>[vector<16xi32>, vector<16xi32>], vector<16xf32>,
        %mul3A_1187 = arith.mulf %gather3A_1186, %gather3A : vector<16xf32>
        %add3A_1188 = arith.addf %scan3A_1147, %mul3A_1187 : vector<16xf32>
        %gather3A_1189 = tpu.vector_load_idx %arg18[%min3A_79, %and3A_1152] : memref<200x128xf32, #tpu.memory_space<vmem>>[vector<16xi32>, vector<16xi32>], vector<16xf32>,
        %mul3A_1190 = arith.mulf %gather3A_1189, %gather3A : vector<16xf32>
        %add3A_1191 = arith.addf %scan3A_1148, %mul3A_1190 : vector<16xf32>
        %scan3A_1192 = arith.constant 1 : i32
        %scan3A_1193 = arith.addi %scan3A_1135, %scan3A_1192 : i32
        %broadcast_in_dim3A_1194 = vector.broadcast %scan3A_1193 : i32 to vector<16xi32>
        %add3A_1195 = arith.addi %broadcast_in_dim3A_1194, %iota3A : vector<16xi32>
        %and3A_1196 = arith.constant 127 : i32
        %and3A_1197 = vector.broadcast %and3A_1196 : i32 to vector<16xi32>
        %and3A_1198 = arith.andi %add3A_1195, %and3A_1197 : vector<16xi32>
        %gather3A_1199 = tpu.vector_load_idx %arg7[%broadcast_in_dim3A_956, %and3A_1198] : memref<128x128xf32, #tpu.memory_space<vmem>>[vector<16xi32>, vector<16xi32>], vector<16xf32>,
        %gather3A_1200 = tpu.vector_load_idx %arg18[%min3A_7, %and3A_1198] : memref<200x128xf32, #tpu.memory_space<vmem>>[vector<16xi32>, vector<16xi32>], vector<16xf32>,
        %mul3A_1201 = arith.mulf %gather3A_1200, %gather3A_1199 : vector<16xf32>
        %add3A_1202 = arith.addf %add3A_1155, %mul3A_1201 : vector<16xf32>
        %gather3A_1203 = tpu.vector_load_idx %arg18[%min3A_13, %and3A_1198] : memref<200x128xf32, #tpu.memory_space<vmem>>[vector<16xi32>, vector<16xi32>], vector<16xf32>,
        %mul3A_1204 = arith.mulf %gather3A_1203, %gather3A_1199 : vector<16xf32>
        %add3A_1205 = arith.addf %add3A_1158, %mul3A_1204 : vector<16xf32>
        %gather3A_1206 = tpu.vector_load_idx %arg18[%min3A_19, %and3A_1198] : memref<200x128xf32, #tpu.memory_space<vmem>>[vector<16xi32>, vector<16xi32>], vector<16xf32>,
        %mul3A_1207 = arith.mulf %gather3A_1206, %gather3A_1199 : vector<16xf32>
        %add3A_1208 = arith.addf %add3A_1161, %mul3A_1207 : vector<16xf32>
        %gather3A_1209 = tpu.vector_load_idx %arg18[%min3A_25, %and3A_1198] : memref<200x128xf32, #tpu.memory_space<vmem>>[vector<16xi32>, vector<16xi32>], vector<16xf32>,
        %mul3A_1210 = arith.mulf %gather3A_1209, %gather3A_1199 : vector<16xf32>
        %add3A_1211 = arith.addf %add3A_1164, %mul3A_1210 : vector<16xf32>
        %gather3A_1212 = tpu.vector_load_idx %arg18[%min3A_31, %and3A_1198] : memref<200x128xf32, #tpu.memory_space<vmem>>[vector<16xi32>, vector<16xi32>], vector<16xf32>,
        %mul3A_1213 = arith.mulf %gather3A_1212, %gather3A_1199 : vector<16xf32>
        %add3A_1214 = arith.addf %add3A_1167, %mul3A_1213 : vector<16xf32>
        %gather3A_1215 = tpu.vector_load_idx %arg18[%min3A_37, %and3A_1198] : memref<200x128xf32, #tpu.memory_space<vmem>>[vector<16xi32>, vector<16xi32>], vector<16xf32>,
        %mul3A_1216 = arith.mulf %gather3A_1215, %gather3A_1199 : vector<16xf32>
        %add3A_1217 = arith.addf %add3A_1170, %mul3A_1216 : vector<16xf32>
        %gather3A_1218 = tpu.vector_load_idx %arg18[%min3A_43, %and3A_1198] : memref<200x128xf32, #tpu.memory_space<vmem>>[vector<16xi32>, vector<16xi32>], vector<16xf32>,
        %mul3A_1219 = arith.mulf %gather3A_1218, %gather3A_1199 : vector<16xf32>
        %add3A_1220 = arith.addf %add3A_1173, %mul3A_1219 : vector<16xf32>
        %gather3A_1221 = tpu.vector_load_idx %arg18[%min3A_49, %and3A_1198] : memref<200x128xf32, #tpu.memory_space<vmem>>[vector<16xi32>, vector<16xi32>], vector<16xf32>,
        %mul3A_1222 = arith.mulf %gather3A_1221, %gather3A_1199 : vector<16xf32>
        %add3A_1223 = arith.addf %add3A_1176, %mul3A_1222 : vector<16xf32>
        %gather3A_1224 = tpu.vector_load_idx %arg18[%min3A_55, %and3A_1198] : memref<200x128xf32, #tpu.memory_space<vmem>>[vector<16xi32>, vector<16xi32>], vector<16xf32>,
        %mul3A_1225 = arith.mulf %gather3A_1224, %gather3A_1199 : vector<16xf32>
        %add3A_1226 = arith.addf %add3A_1179, %mul3A_1225 : vector<16xf32>
        %gather3A_1227 = tpu.vector_load_idx %arg18[%min3A_61, %and3A_1198] : memref<200x128xf32, #tpu.memory_space<vmem>>[vector<16xi32>, vector<16xi32>], vector<16xf32>,
        %mul3A_1228 = arith.mulf %gather3A_1227, %gather3A_1199 : vector<16xf32>
        %add3A_1229 = arith.addf %add3A_1182, %mul3A_1228 : vector<16xf32>
        %gather3A_1230 = tpu.vector_load_idx %arg18[%min3A_67, %and3A_1198] : memref<200x128xf32, #tpu.memory_space<vmem>>[vector<16xi32>, vector<16xi32>], vector<16xf32>,
        %mul3A_1231 = arith.mulf %gather3A_1230, %gather3A_1199 : vector<16xf32>
        %add3A_1232 = arith.addf %add3A_1185, %mul3A_1231 : vector<16xf32>
        %gather3A_1233 = tpu.vector_load_idx %arg18[%min3A_73, %and3A_1198] : memref<200x128xf32, #tpu.memory_space<vmem>>[vector<16xi32>, vector<16xi32>], vector<16xf32>,
        %mul3A_1234 = arith.mulf %gather3A_1233, %gather3A_1199 : vector<16xf32>
        %add3A_1235 = arith.addf %add3A_1188, %mul3A_1234 : vector<16xf32>
        %gather3A_1236 = tpu.vector_load_idx %arg18[%min3A_79, %and3A_1198] : memref<200x128xf32, #tpu.memory_space<vmem>>[vector<16xi32>, vector<16xi32>], vector<16xf32>,
        %mul3A_1237 = arith.mulf %gather3A_1236, %gather3A_1199 : vector<16xf32>
        %add3A_1238 = arith.addf %add3A_1191, %mul3A_1237 : vector<16xf32>
        scf.yield %add3A_1202, %add3A_1205, %add3A_1208, %add3A_1211, %add3A_1214, %add3A_1217, %add3A_1220, %add3A_1223, %add3A_1226, %add3A_1229, %add3A_1232, %add3A_1235, %add3A_1238 : vector<16xf32>, vector<16xf32>, vector<16xf32>, vector<16xf32>, vector<16xf32>, vector<16xf32>, vector<16xf32>, vector<16xf32>, vector<16xf32>, vector<16xf32>, vector<16xf32>, vector<16xf32>, vector<16xf32>
      }
      %scan3A_962 = arith.constant 128 : i32
      %add3A_963 = arith.constant 8 : i32
      %add3A_964 = arith.addi %add3A_918, %add3A_963 : i32
      %min3A_965 = arith.constant 127 : i32
      %min3A_966 = arith.minsi %add3A_964, %min3A_965 : i32
      %add3A_967 = arith.addi %mul3A_2, %min3A_966 : i32
      %mul3A_968 = arith.constant 256 : i32
      %mul3A_969 = arith.muli %add3A_967, %mul3A_968 : i32
      %dma_start3A_970 = tpu.memref_slice %arg3[%mul3A_969] : memref<1048576xi32, #tpu.memory_space<hbm>> -> memref<256xi32, #tpu.memory_space<hbm>>
      %dma_start3A_971 = tpu.memref_slice %arg3[%mul3A_969] : memref<1048576xi32, #tpu.memory_space<hbm>> -> memref<256xi32, #tpu.memory_space<hbm>>
      tpu.enqueue_dma source(%dma_start3A_971 : memref<256xi32, #tpu.memory_space<hbm>>) target(%arg14 : memref<256xi32, #tpu.memory_space<vmem>>) target_semaphore(%arg32 : memref<!tpu.dma_semaphore, #tpu.memory_space<semaphore_mem>>)
      %dma_wait3A_972 = arith.constant 0 : i32
      %dma_wait3A_973 = tpu.memref_slice %arg3[%dma_wait3A_972] : memref<1048576xi32, #tpu.memory_space<hbm>> -> memref<256xi32, #tpu.memory_space<hbm>>
      %dma_wait3A_974 = arith.constant 0 : i32
      %dma_wait3A_975 = tpu.memref_slice %arg3[%dma_wait3A_974] : memref<1048576xi32, #tpu.memory_space<hbm>> -> memref<256xi32, #tpu.memory_space<hbm>>
      tpu.wait_dma2 semaphore(%arg27 : memref<!tpu.dma_semaphore, #tpu.memory_space<semaphore_mem>>) src(%dma_wait3A_975 : memref<256xi32, #tpu.memory_space<hbm>>) dst(%arg9 : memref<256xi32, #tpu.memory_space<vmem>>)
      %dma_start3A_976 = arith.constant 0 : i32
      %dma_start3A_977 = tpu.memref_slice %arg21[%dma_start3A_976] : memref<208xf32, #tpu.memory_space<vmem>> -> memref<200xf32, #tpu.memory_space<vmem>>
      %dma_start3A_978 = arith.constant 0 : i32
      %dma_start3A_979 = tpu.memref_slice %arg9[%dma_start3A_978] : memref<256xi32, #tpu.memory_space<vmem>> -> memref<200xi32, #tpu.memory_space<vmem>>
      %dma_start3A_980 = arith.constant 0 : i32
      %dma_start3A_981 = tpu.memref_slice %arg5[%dma_start3A_980] : memref<100000xf32, #tpu.memory_space<hbm>> -> memref<100000xf32, #tpu.memory_space<hbm>>
      tpu.enqueue_indirect_dma source(%dma_start3A_981 : memref<100000xf32, #tpu.memory_space<hbm>>) target(%dma_start3A_977 : memref<200xf32, #tpu.memory_space<vmem>>) offsets(%dma_start3A_979 : memref<200xi32, #tpu.memory_space<vmem>>) semaphore(%arg39 : memref<!tpu.dma_semaphore, #tpu.memory_space<semaphore_mem>>)
      %dma_start3A_982 = arith.constant 0 : i32
      %dma_start3A_983 = tpu.memref_slice %arg9[%dma_start3A_982] : memref<256xi32, #tpu.memory_space<vmem>> -> memref<200xi32, #tpu.memory_space<vmem>>
      %dma_start3A_984 = arith.constant 0 : i32
      %dma_start3A_985 = arith.constant 0 : i32
      %dma_start3A_986 = tpu.memref_slice %arg4[%dma_start3A_984, %dma_start3A_985] : memref<100000x128xf32, #tpu.memory_space<hbm>> -> memref<100000x128xf32, #tpu.memory_space<hbm>>
      tpu.enqueue_indirect_dma source(%dma_start3A_986 : memref<100000x128xf32, #tpu.memory_space<hbm>>) target(%arg17 : memref<200x128xf32, #tpu.memory_space<vmem>>) offsets(%dma_start3A_983 : memref<200xi32, #tpu.memory_space<vmem>>) semaphore(%arg35 : memref<!tpu.dma_semaphore, #tpu.memory_space<semaphore_mem>>)
      %gt3A_987 = arith.constant 0 : i32
      %gt3A_988 = arith.cmpi sgt, %add3A_260, %gt3A_987 : i32
      %convert_element_type3A_989 = arith.extui %gt3A_988 : i1 to i32
      %cond3A_990 = arith.constant 0 : i32
      %cond3A_991 = arith.cmpi ne, %convert_element_type3A_989, %cond3A_990 : i32
      scf.if %cond3A_991 {
        %dma_wait3A_1135 = arith.constant 0 : i32
        %dma_wait3A_1136 = tpu.memref_slice %arg6[%mul3A_2, %dma_wait3A_1135] : memref<4096x256xf32, #tpu.memory_space<hbm>> -> memref<1x256xf32, #tpu.memory_space<hbm>>
        %dma_wait3A_1137 = tpu.memref_squeeze %dma_wait3A_1136 : memref<1x256xf32, #tpu.memory_space<hbm>> -> memref<256xf32, #tpu.memory_space<hbm>>
        %dma_wait3A_1138 = arith.constant 0 : i32
        %dma_wait3A_1139 = tpu.memref_slice %arg6[%mul3A_2, %dma_wait3A_1138] : memref<4096x256xf32, #tpu.memory_space<hbm>> -> memref<1x256xf32, #tpu.memory_space<hbm>>
        %dma_wait3A_1140 = tpu.memref_squeeze %dma_wait3A_1139 : memref<1x256xf32, #tpu.memory_space<hbm>> -> memref<256xf32, #tpu.memory_space<hbm>>
        tpu.wait_dma2 semaphore(%arg42 : memref<!tpu.dma_semaphore, #tpu.memory_space<semaphore_mem>>) src(%arg24 : memref<256xf32, #tpu.memory_space<vmem>>) dst(%dma_wait3A_1140 : memref<256xf32, #tpu.memory_space<hbm>>)
      } else {
      }
      %swap3A_992 = arith.constant 0 : index
      %swap3A_993 = tpu.vector_load %arg24[%swap3A_992] {strides = array<i32>} : memref<256xf32, #tpu.memory_space<vmem>>, vector<16xf32>,
      tpu.vector_store %arg24[%swap3A_992], %scan3A_961#0 {strides = array<i32>} : memref<256xf32, #tpu.memory_space<vmem>>, vector<16xf32>,
      %swap3A_994 = arith.constant 16 : index
      %swap3A_995 = tpu.vector_load %arg24[%swap3A_994] {strides = array<i32>} : memref<256xf32, #tpu.memory_space<vmem>>, vector<16xf32>,
      tpu.vector_store %arg24[%swap3A_994], %scan3A_961#1 {strides = array<i32>} : memref<256xf32, #tpu.memory_space<vmem>>, vector<16xf32>,
      %swap3A_996 = arith.constant 32 : index
      %swap3A_997 = tpu.vector_load %arg24[%swap3A_996] {strides = array<i32>} : memref<256xf32, #tpu.memory_space<vmem>>, vector<16xf32>,
      tpu.vector_store %arg24[%swap3A_996], %scan3A_961#2 {strides = array<i32>} : memref<256xf32, #tpu.memory_space<vmem>>, vector<16xf32>,
      %swap3A_998 = arith.constant 48 : index
      %swap3A_999 = tpu.vector_load %arg24[%swap3A_998] {strides = array<i32>} : memref<256xf32, #tpu.memory_space<vmem>>, vector<16xf32>,
      tpu.vector_store %arg24[%swap3A_998], %scan3A_961#3 {strides = array<i32>} : memref<256xf32, #tpu.memory_space<vmem>>, vector<16xf32>,
      %swap3A_1000 = arith.constant 64 : index
      %swap3A_1001 = tpu.vector_load %arg24[%swap3A_1000] {strides = array<i32>} : memref<256xf32, #tpu.memory_space<vmem>>, vector<16xf32>,
      tpu.vector_store %arg24[%swap3A_1000], %scan3A_961#4 {strides = array<i32>} : memref<256xf32, #tpu.memory_space<vmem>>, vector<16xf32>,
      %swap3A_1002 = arith.constant 80 : index
      %swap3A_1003 = tpu.vector_load %arg24[%swap3A_1002] {strides = array<i32>} : memref<256xf32, #tpu.memory_space<vmem>>, vector<16xf32>,
      tpu.vector_store %arg24[%swap3A_1002], %scan3A_961#5 {strides = array<i32>} : memref<256xf32, #tpu.memory_space<vmem>>, vector<16xf32>,
      %swap3A_1004 = arith.constant 96 : index
      %swap3A_1005 = tpu.vector_load %arg24[%swap3A_1004] {strides = array<i32>} : memref<256xf32, #tpu.memory_space<vmem>>, vector<16xf32>,
      tpu.vector_store %arg24[%swap3A_1004], %scan3A_961#6 {strides = array<i32>} : memref<256xf32, #tpu.memory_space<vmem>>, vector<16xf32>,
      %swap3A_1006 = arith.constant 112 : index
      %swap3A_1007 = tpu.vector_load %arg24[%swap3A_1006] {strides = array<i32>} : memref<256xf32, #tpu.memory_space<vmem>>, vector<16xf32>,
      tpu.vector_store %arg24[%swap3A_1006], %scan3A_961#7 {strides = array<i32>} : memref<256xf32, #tpu.memory_space<vmem>>, vector<16xf32>,
      %swap3A_1008 = arith.constant 128 : index
      %swap3A_1009 = tpu.vector_load %arg24[%swap3A_1008] {strides = array<i32>} : memref<256xf32, #tpu.memory_space<vmem>>, vector<16xf32>,
      tpu.vector_store %arg24[%swap3A_1008], %scan3A_961#8 {strides = array<i32>} : memref<256xf32, #tpu.memory_space<vmem>>, vector<16xf32>,
      %swap3A_1010 = arith.constant 144 : index
      %swap3A_1011 = tpu.vector_load %arg24[%swap3A_1010] {strides = array<i32>} : memref<256xf32, #tpu.memory_space<vmem>>, vector<16xf32>,
      tpu.vector_store %arg24[%swap3A_1010], %scan3A_961#9 {strides = array<i32>} : memref<256xf32, #tpu.memory_space<vmem>>, vector<16xf32>,
      %swap3A_1012 = arith.constant 160 : index
      %swap3A_1013 = tpu.vector_load %arg24[%swap3A_1012] {strides = array<i32>} : memref<256xf32, #tpu.memory_space<vmem>>, vector<16xf32>,
      tpu.vector_store %arg24[%swap3A_1012], %scan3A_961#10 {strides = array<i32>} : memref<256xf32, #tpu.memory_space<vmem>>, vector<16xf32>,
      %swap3A_1014 = arith.constant 176 : index
      %swap3A_1015 = tpu.vector_load %arg24[%swap3A_1014] {strides = array<i32>} : memref<256xf32, #tpu.memory_space<vmem>>, vector<16xf32>,
      tpu.vector_store %arg24[%swap3A_1014], %scan3A_961#11 {strides = array<i32>} : memref<256xf32, #tpu.memory_space<vmem>>, vector<16xf32>,
      %swap3A_1016 = arith.constant 192 : index
      %swap3A_1017 = tpu.vector_load %arg24[%swap3A_1016] {strides = array<i32>} : memref<256xf32, #tpu.memory_space<vmem>>, vector<16xf32>,
      tpu.vector_store %arg24[%swap3A_1016], %scan3A_961#12 {strides = array<i32>} : memref<256xf32, #tpu.memory_space<vmem>>, vector<16xf32>,
      %add3A_1018 = arith.addi %mul3A_2, %add3A_918 : i32
      %dma_start3A_1019 = arith.constant 0 : i32
      %dma_start3A_1020 = tpu.memref_slice %arg6[%add3A_1018, %dma_start3A_1019] : memref<4096x256xf32, #tpu.memory_space<hbm>> -> memref<1x256xf32, #tpu.memory_space<hbm>>
      %dma_start3A_1021 = tpu.memref_squeeze %dma_start3A_1020 : memref<1x256xf32, #tpu.memory_space<hbm>> -> memref<256xf32, #tpu.memory_space<hbm>>
      %dma_start3A_1022 = arith.constant 0 : i32
      %dma_start3A_1023 = tpu.memref_slice %arg6[%add3A_1018, %dma_start3A_1022] : memref<4096x256xf32, #tpu.memory_space<hbm>> -> memref<1x256xf32, #tpu.memory_space<hbm>>
      %dma_start3A_1024 = tpu.memref_squeeze %dma_start3A_1023 : memref<1x256xf32, #tpu.memory_space<hbm>> -> memref<256xf32, #tpu.memory_space<hbm>>
      tpu.enqueue_dma source(%arg24 : memref<256xf32, #tpu.memory_space<vmem>>) target(%dma_start3A_1024 : memref<256xf32, #tpu.memory_space<hbm>>) target_semaphore(%arg42 : memref<!tpu.dma_semaphore, #tpu.memory_space<semaphore_mem>>)
      %mul3A_1025 = arith.constant 8 : i32
      %mul3A_1026 = arith.muli %mul3A_1025, %add3A_260 : i32
      %add3A_1027 = arith.constant 7 : i32
      %add3A_1028 = arith.addi %mul3A_1026, %add3A_1027 : i32
      %dma_wait3A_1029 = arith.constant 0 : i32
      %dma_wait3A_1030 = tpu.memref_slice %arg8[%dma_wait3A_1029] : memref<256xi32, #tpu.memory_space<vmem>> -> memref<200xi32, #tpu.memory_space<vmem>>
      %dma_wait3A_1031 = arith.constant 0 : i32
      %dma_wait3A_1032 = arith.constant 0 : i32
      %dma_wait3A_1033 = tpu.memref_slice %arg4[%dma_wait3A_1031, %dma_wait3A_1032] : memref<100000x128xf32, #tpu.memory_space<hbm>> -> memref<100000x128xf32, #tpu.memory_space<hbm>>
      tpu.wait_indirect_dma semaphore(%arg37 : memref<!tpu.dma_semaphore, #tpu.memory_space<semaphore_mem>>) src(%dma_wait3A_1033 : memref<100000x128xf32, #tpu.memory_space<hbm>>) dst(%arg19 : memref<200x128xf32, #tpu.memory_space<vmem>>)
      %dma_wait3A_1034 = arith.constant 0 : i32
      %dma_wait3A_1035 = tpu.memref_slice %arg23[%dma_wait3A_1034] : memref<208xf32, #tpu.memory_space<vmem>> -> memref<200xf32, #tpu.memory_space<vmem>>
      %dma_wait3A_1036 = arith.constant 0 : i32
      %dma_wait3A_1037 = tpu.memref_slice %arg8[%dma_wait3A_1036] : memref<256xi32, #tpu.memory_space<vmem>> -> memref<200xi32, #tpu.memory_space<vmem>>
      %dma_wait3A_1038 = arith.constant 0 : i32
      %dma_wait3A_1039 = tpu.memref_slice %arg5[%dma_wait3A_1038] : memref<100000xf32, #tpu.memory_space<hbm>> -> memref<100000xf32, #tpu.memory_space<hbm>>
      tpu.wait_indirect_dma semaphore(%arg41 : memref<!tpu.dma_semaphore, #tpu.memory_space<semaphore_mem>>) src(%dma_wait3A_1039 : memref<100000xf32, #tpu.memory_space<hbm>>) dst(%dma_wait3A_1035 : memref<200xf32, #tpu.memory_space<vmem>>)
      %get3A_1040 = arith.constant 0 : index
      %get3A_1041 = tpu.vector_load %arg23[%get3A_1040] {strides = array<i32>} : memref<208xf32, #tpu.memory_space<vmem>>, vector<16xf32>,
      %get3A_1042 = arith.constant 16 : index
      %get3A_1043 = tpu.vector_load %arg23[%get3A_1042] {strides = array<i32>} : memref<208xf32, #tpu.memory_space<vmem>>, vector<16xf32>,
      %get3A_1044 = arith.constant 32 : index
      %get3A_1045 = tpu.vector_load %arg23[%get3A_1044] {strides = array<i32>} : memref<208xf32, #tpu.memory_space<vmem>>, vector<16xf32>,
      %get3A_1046 = arith.constant 48 : index
      %get3A_1047 = tpu.vector_load %arg23[%get3A_1046] {strides = array<i32>} : memref<208xf32, #tpu.memory_space<vmem>>, vector<16xf32>,
      %get3A_1048 = arith.constant 64 : index
      %get3A_1049 = tpu.vector_load %arg23[%get3A_1048] {strides = array<i32>} : memref<208xf32, #tpu.memory_space<vmem>>, vector<16xf32>,
      %get3A_1050 = arith.constant 80 : index
      %get3A_1051 = tpu.vector_load %arg23[%get3A_1050] {strides = array<i32>} : memref<208xf32, #tpu.memory_space<vmem>>, vector<16xf32>,
      %get3A_1052 = arith.constant 96 : index
      %get3A_1053 = tpu.vector_load %arg23[%get3A_1052] {strides = array<i32>} : memref<208xf32, #tpu.memory_space<vmem>>, vector<16xf32>,
      %get3A_1054 = arith.constant 112 : index
      %get3A_1055 = tpu.vector_load %arg23[%get3A_1054] {strides = array<i32>} : memref<208xf32, #tpu.memory_space<vmem>>, vector<16xf32>,
      %get3A_1056 = arith.constant 128 : index
      %get3A_1057 = tpu.vector_load %arg23[%get3A_1056] {strides = array<i32>} : memref<208xf32, #tpu.memory_space<vmem>>, vector<16xf32>,
      %get3A_1058 = arith.constant 144 : index
      %get3A_1059 = tpu.vector_load %arg23[%get3A_1058] {strides = array<i32>} : memref<208xf32, #tpu.memory_space<vmem>>, vector<16xf32>,
      %get3A_1060 = arith.constant 160 : index
      %get3A_1061 = tpu.vector_load %arg23[%get3A_1060] {strides = array<i32>} : memref<208xf32, #tpu.memory_space<vmem>>, vector<16xf32>,
      %get3A_1062 = arith.constant 176 : index
      %get3A_1063 = tpu.vector_load %arg23[%get3A_1062] {strides = array<i32>} : memref<208xf32, #tpu.memory_space<vmem>>, vector<16xf32>,
      %get3A_1064 = arith.constant 192 : index
      %get3A_1065 = tpu.vector_load %arg23[%get3A_1064] {strides = array<i32>} : memref<208xf32, #tpu.memory_space<vmem>>, vector<16xf32>,
      %broadcast_in_dim3A_1066 = vector.broadcast %add3A_1028 : i32 to vector<16xi32>
      %scan3A_1067 = arith.constant 0 : i32
      %scan3A_1068 = arith.constant 128 : i32
      %scan3A_1069 = arith.addi %scan3A_1067, %scan3A_1068 : i32
      %scan3A_1070 = arith.constant 2 : i32
      %scan3A_1071:13 = scf.for %scan3A_1135 = %scan3A_1067 to %scan3A_1069 step %scan3A_1070 iter_args(%scan3A_1136 = %get3A_1041, %scan3A_1137 = %get3A_1043, %scan3A_1138 = %get3A_1045, %scan3A_1139 = %get3A_1047, %scan3A_1140 = %get3A_1049, %scan3A_1141 = %get3A_1051, %scan3A_1142 = %get3A_1053, %scan3A_1143 = %get3A_1055, %scan3A_1144 = %get3A_1057, %scan3A_1145 = %get3A_1059, %scan3A_1146 = %get3A_1061, %scan3A_1147 = %get3A_1063, %scan3A_1148 = %get3A_1065) -> (vector<16xf32>, vector<16xf32>, vector<16xf32>, vector<16xf32>, vector<16xf32>, vector<16xf32>, vector<16xf32>, vector<16xf32>, vector<16xf32>, vector<16xf32>, vector<16xf32>, vector<16xf32>, vector<16xf32>)  : i32 {
        %broadcast_in_dim3A_1149 = vector.broadcast %scan3A_1135 : i32 to vector<16xi32>
        %add3A_1150 = arith.addi %broadcast_in_dim3A_1149, %iota3A : vector<16xi32>
        %and3A = arith.constant 127 : i32
        %and3A_1151 = vector.broadcast %and3A : i32 to vector<16xi32>
        %and3A_1152 = arith.andi %add3A_1150, %and3A_1151 : vector<16xi32>
        %gather3A = tpu.vector_load_idx %arg7[%broadcast_in_dim3A_1066, %and3A_1152] : memref<128x128xf32, #tpu.memory_space<vmem>>[vector<16xi32>, vector<16xi32>], vector<16xf32>,
        %gather3A_1153 = tpu.vector_load_idx %arg19[%min3A_7, %and3A_1152] : memref<200x128xf32, #tpu.memory_space<vmem>>[vector<16xi32>, vector<16xi32>], vector<16xf32>,
        %mul3A_1154 = arith.mulf %gather3A_1153, %gather3A : vector<16xf32>
        %add3A_1155 = arith.addf %scan3A_1136, %mul3A_1154 : vector<16xf32>
        %gather3A_1156 = tpu.vector_load_idx %arg19[%min3A_13, %and3A_1152] : memref<200x128xf32, #tpu.memory_space<vmem>>[vector<16xi32>, vector<16xi32>], vector<16xf32>,
        %mul3A_1157 = arith.mulf %gather3A_1156, %gather3A : vector<16xf32>
        %add3A_1158 = arith.addf %scan3A_1137, %mul3A_1157 : vector<16xf32>
        %gather3A_1159 = tpu.vector_load_idx %arg19[%min3A_19, %and3A_1152] : memref<200x128xf32, #tpu.memory_space<vmem>>[vector<16xi32>, vector<16xi32>], vector<16xf32>,
        %mul3A_1160 = arith.mulf %gather3A_1159, %gather3A : vector<16xf32>
        %add3A_1161 = arith.addf %scan3A_1138, %mul3A_1160 : vector<16xf32>
        %gather3A_1162 = tpu.vector_load_idx %arg19[%min3A_25, %and3A_1152] : memref<200x128xf32, #tpu.memory_space<vmem>>[vector<16xi32>, vector<16xi32>], vector<16xf32>,
        %mul3A_1163 = arith.mulf %gather3A_1162, %gather3A : vector<16xf32>
        %add3A_1164 = arith.addf %scan3A_1139, %mul3A_1163 : vector<16xf32>
        %gather3A_1165 = tpu.vector_load_idx %arg19[%min3A_31, %and3A_1152] : memref<200x128xf32, #tpu.memory_space<vmem>>[vector<16xi32>, vector<16xi32>], vector<16xf32>,
        %mul3A_1166 = arith.mulf %gather3A_1165, %gather3A : vector<16xf32>
        %add3A_1167 = arith.addf %scan3A_1140, %mul3A_1166 : vector<16xf32>
        %gather3A_1168 = tpu.vector_load_idx %arg19[%min3A_37, %and3A_1152] : memref<200x128xf32, #tpu.memory_space<vmem>>[vector<16xi32>, vector<16xi32>], vector<16xf32>,
        %mul3A_1169 = arith.mulf %gather3A_1168, %gather3A : vector<16xf32>
        %add3A_1170 = arith.addf %scan3A_1141, %mul3A_1169 : vector<16xf32>
        %gather3A_1171 = tpu.vector_load_idx %arg19[%min3A_43, %and3A_1152] : memref<200x128xf32, #tpu.memory_space<vmem>>[vector<16xi32>, vector<16xi32>], vector<16xf32>,
        %mul3A_1172 = arith.mulf %gather3A_1171, %gather3A : vector<16xf32>
        %add3A_1173 = arith.addf %scan3A_1142, %mul3A_1172 : vector<16xf32>
        %gather3A_1174 = tpu.vector_load_idx %arg19[%min3A_49, %and3A_1152] : memref<200x128xf32, #tpu.memory_space<vmem>>[vector<16xi32>, vector<16xi32>], vector<16xf32>,
        %mul3A_1175 = arith.mulf %gather3A_1174, %gather3A : vector<16xf32>
        %add3A_1176 = arith.addf %scan3A_1143, %mul3A_1175 : vector<16xf32>
        %gather3A_1177 = tpu.vector_load_idx %arg19[%min3A_55, %and3A_1152] : memref<200x128xf32, #tpu.memory_space<vmem>>[vector<16xi32>, vector<16xi32>], vector<16xf32>,
        %mul3A_1178 = arith.mulf %gather3A_1177, %gather3A : vector<16xf32>
        %add3A_1179 = arith.addf %scan3A_1144, %mul3A_1178 : vector<16xf32>
        %gather3A_1180 = tpu.vector_load_idx %arg19[%min3A_61, %and3A_1152] : memref<200x128xf32, #tpu.memory_space<vmem>>[vector<16xi32>, vector<16xi32>], vector<16xf32>,
        %mul3A_1181 = arith.mulf %gather3A_1180, %gather3A : vector<16xf32>
        %add3A_1182 = arith.addf %scan3A_1145, %mul3A_1181 : vector<16xf32>
        %gather3A_1183 = tpu.vector_load_idx %arg19[%min3A_67, %and3A_1152] : memref<200x128xf32, #tpu.memory_space<vmem>>[vector<16xi32>, vector<16xi32>], vector<16xf32>,
        %mul3A_1184 = arith.mulf %gather3A_1183, %gather3A : vector<16xf32>
        %add3A_1185 = arith.addf %scan3A_1146, %mul3A_1184 : vector<16xf32>
        %gather3A_1186 = tpu.vector_load_idx %arg19[%min3A_73, %and3A_1152] : memref<200x128xf32, #tpu.memory_space<vmem>>[vector<16xi32>, vector<16xi32>], vector<16xf32>,
        %mul3A_1187 = arith.mulf %gather3A_1186, %gather3A : vector<16xf32>
        %add3A_1188 = arith.addf %scan3A_1147, %mul3A_1187 : vector<16xf32>
        %gather3A_1189 = tpu.vector_load_idx %arg19[%min3A_79, %and3A_1152] : memref<200x128xf32, #tpu.memory_space<vmem>>[vector<16xi32>, vector<16xi32>], vector<16xf32>,
        %mul3A_1190 = arith.mulf %gather3A_1189, %gather3A : vector<16xf32>
        %add3A_1191 = arith.addf %scan3A_1148, %mul3A_1190 : vector<16xf32>
        %scan3A_1192 = arith.constant 1 : i32
        %scan3A_1193 = arith.addi %scan3A_1135, %scan3A_1192 : i32
        %broadcast_in_dim3A_1194 = vector.broadcast %scan3A_1193 : i32 to vector<16xi32>
        %add3A_1195 = arith.addi %broadcast_in_dim3A_1194, %iota3A : vector<16xi32>
        %and3A_1196 = arith.constant 127 : i32
        %and3A_1197 = vector.broadcast %and3A_1196 : i32 to vector<16xi32>
        %and3A_1198 = arith.andi %add3A_1195, %and3A_1197 : vector<16xi32>
        %gather3A_1199 = tpu.vector_load_idx %arg7[%broadcast_in_dim3A_1066, %and3A_1198] : memref<128x128xf32, #tpu.memory_space<vmem>>[vector<16xi32>, vector<16xi32>], vector<16xf32>,
        %gather3A_1200 = tpu.vector_load_idx %arg19[%min3A_7, %and3A_1198] : memref<200x128xf32, #tpu.memory_space<vmem>>[vector<16xi32>, vector<16xi32>], vector<16xf32>,
        %mul3A_1201 = arith.mulf %gather3A_1200, %gather3A_1199 : vector<16xf32>
        %add3A_1202 = arith.addf %add3A_1155, %mul3A_1201 : vector<16xf32>
        %gather3A_1203 = tpu.vector_load_idx %arg19[%min3A_13, %and3A_1198] : memref<200x128xf32, #tpu.memory_space<vmem>>[vector<16xi32>, vector<16xi32>], vector<16xf32>,
        %mul3A_1204 = arith.mulf %gather3A_1203, %gather3A_1199 : vector<16xf32>
        %add3A_1205 = arith.addf %add3A_1158, %mul3A_1204 : vector<16xf32>
        %gather3A_1206 = tpu.vector_load_idx %arg19[%min3A_19, %and3A_1198] : memref<200x128xf32, #tpu.memory_space<vmem>>[vector<16xi32>, vector<16xi32>], vector<16xf32>,
        %mul3A_1207 = arith.mulf %gather3A_1206, %gather3A_1199 : vector<16xf32>
        %add3A_1208 = arith.addf %add3A_1161, %mul3A_1207 : vector<16xf32>
        %gather3A_1209 = tpu.vector_load_idx %arg19[%min3A_25, %and3A_1198] : memref<200x128xf32, #tpu.memory_space<vmem>>[vector<16xi32>, vector<16xi32>], vector<16xf32>,
        %mul3A_1210 = arith.mulf %gather3A_1209, %gather3A_1199 : vector<16xf32>
        %add3A_1211 = arith.addf %add3A_1164, %mul3A_1210 : vector<16xf32>
        %gather3A_1212 = tpu.vector_load_idx %arg19[%min3A_31, %and3A_1198] : memref<200x128xf32, #tpu.memory_space<vmem>>[vector<16xi32>, vector<16xi32>], vector<16xf32>,
        %mul3A_1213 = arith.mulf %gather3A_1212, %gather3A_1199 : vector<16xf32>
        %add3A_1214 = arith.addf %add3A_1167, %mul3A_1213 : vector<16xf32>
        %gather3A_1215 = tpu.vector_load_idx %arg19[%min3A_37, %and3A_1198] : memref<200x128xf32, #tpu.memory_space<vmem>>[vector<16xi32>, vector<16xi32>], vector<16xf32>,
        %mul3A_1216 = arith.mulf %gather3A_1215, %gather3A_1199 : vector<16xf32>
        %add3A_1217 = arith.addf %add3A_1170, %mul3A_1216 : vector<16xf32>
        %gather3A_1218 = tpu.vector_load_idx %arg19[%min3A_43, %and3A_1198] : memref<200x128xf32, #tpu.memory_space<vmem>>[vector<16xi32>, vector<16xi32>], vector<16xf32>,
        %mul3A_1219 = arith.mulf %gather3A_1218, %gather3A_1199 : vector<16xf32>
        %add3A_1220 = arith.addf %add3A_1173, %mul3A_1219 : vector<16xf32>
        %gather3A_1221 = tpu.vector_load_idx %arg19[%min3A_49, %and3A_1198] : memref<200x128xf32, #tpu.memory_space<vmem>>[vector<16xi32>, vector<16xi32>], vector<16xf32>,
        %mul3A_1222 = arith.mulf %gather3A_1221, %gather3A_1199 : vector<16xf32>
        %add3A_1223 = arith.addf %add3A_1176, %mul3A_1222 : vector<16xf32>
        %gather3A_1224 = tpu.vector_load_idx %arg19[%min3A_55, %and3A_1198] : memref<200x128xf32, #tpu.memory_space<vmem>>[vector<16xi32>, vector<16xi32>], vector<16xf32>,
        %mul3A_1225 = arith.mulf %gather3A_1224, %gather3A_1199 : vector<16xf32>
        %add3A_1226 = arith.addf %add3A_1179, %mul3A_1225 : vector<16xf32>
        %gather3A_1227 = tpu.vector_load_idx %arg19[%min3A_61, %and3A_1198] : memref<200x128xf32, #tpu.memory_space<vmem>>[vector<16xi32>, vector<16xi32>], vector<16xf32>,
        %mul3A_1228 = arith.mulf %gather3A_1227, %gather3A_1199 : vector<16xf32>
        %add3A_1229 = arith.addf %add3A_1182, %mul3A_1228 : vector<16xf32>
        %gather3A_1230 = tpu.vector_load_idx %arg19[%min3A_67, %and3A_1198] : memref<200x128xf32, #tpu.memory_space<vmem>>[vector<16xi32>, vector<16xi32>], vector<16xf32>,
        %mul3A_1231 = arith.mulf %gather3A_1230, %gather3A_1199 : vector<16xf32>
        %add3A_1232 = arith.addf %add3A_1185, %mul3A_1231 : vector<16xf32>
        %gather3A_1233 = tpu.vector_load_idx %arg19[%min3A_73, %and3A_1198] : memref<200x128xf32, #tpu.memory_space<vmem>>[vector<16xi32>, vector<16xi32>], vector<16xf32>,
        %mul3A_1234 = arith.mulf %gather3A_1233, %gather3A_1199 : vector<16xf32>
        %add3A_1235 = arith.addf %add3A_1188, %mul3A_1234 : vector<16xf32>
        %gather3A_1236 = tpu.vector_load_idx %arg19[%min3A_79, %and3A_1198] : memref<200x128xf32, #tpu.memory_space<vmem>>[vector<16xi32>, vector<16xi32>], vector<16xf32>,
        %mul3A_1237 = arith.mulf %gather3A_1236, %gather3A_1199 : vector<16xf32>
        %add3A_1238 = arith.addf %add3A_1191, %mul3A_1237 : vector<16xf32>
        scf.yield %add3A_1202, %add3A_1205, %add3A_1208, %add3A_1211, %add3A_1214, %add3A_1217, %add3A_1220, %add3A_1223, %add3A_1226, %add3A_1229, %add3A_1232, %add3A_1235, %add3A_1238 : vector<16xf32>, vector<16xf32>, vector<16xf32>, vector<16xf32>, vector<16xf32>, vector<16xf32>, vector<16xf32>, vector<16xf32>, vector<16xf32>, vector<16xf32>, vector<16xf32>, vector<16xf32>, vector<16xf32>
      }
      %scan3A_1072 = arith.constant 128 : i32
      %add3A_1073 = arith.constant 8 : i32
      %add3A_1074 = arith.addi %add3A_1028, %add3A_1073 : i32
      %min3A_1075 = arith.constant 127 : i32
      %min3A_1076 = arith.minsi %add3A_1074, %min3A_1075 : i32
      %add3A_1077 = arith.addi %mul3A_2, %min3A_1076 : i32
      %mul3A_1078 = arith.constant 256 : i32
      %mul3A_1079 = arith.muli %add3A_1077, %mul3A_1078 : i32
      %dma_start3A_1080 = tpu.memref_slice %arg3[%mul3A_1079] : memref<1048576xi32, #tpu.memory_space<hbm>> -> memref<256xi32, #tpu.memory_space<hbm>>
      %dma_start3A_1081 = tpu.memref_slice %arg3[%mul3A_1079] : memref<1048576xi32, #tpu.memory_space<hbm>> -> memref<256xi32, #tpu.memory_space<hbm>>
      tpu.enqueue_dma source(%dma_start3A_1081 : memref<256xi32, #tpu.memory_space<hbm>>) target(%arg15 : memref<256xi32, #tpu.memory_space<vmem>>) target_semaphore(%arg33 : memref<!tpu.dma_semaphore, #tpu.memory_space<semaphore_mem>>)
      %dma_wait3A_1082 = arith.constant 0 : i32
      %dma_wait3A_1083 = tpu.memref_slice %arg3[%dma_wait3A_1082] : memref<1048576xi32, #tpu.memory_space<hbm>> -> memref<256xi32, #tpu.memory_space<hbm>>
      %dma_wait3A_1084 = arith.constant 0 : i32
      %dma_wait3A_1085 = tpu.memref_slice %arg3[%dma_wait3A_1084] : memref<1048576xi32, #tpu.memory_space<hbm>> -> memref<256xi32, #tpu.memory_space<hbm>>
      tpu.wait_dma2 semaphore(%arg28 : memref<!tpu.dma_semaphore, #tpu.memory_space<semaphore_mem>>) src(%dma_wait3A_1085 : memref<256xi32, #tpu.memory_space<hbm>>) dst(%arg10 : memref<256xi32, #tpu.memory_space<vmem>>)
      %dma_start3A_1086 = arith.constant 0 : i32
      %dma_start3A_1087 = tpu.memref_slice %arg22[%dma_start3A_1086] : memref<208xf32, #tpu.memory_space<vmem>> -> memref<200xf32, #tpu.memory_space<vmem>>
      %dma_start3A_1088 = arith.constant 0 : i32
      %dma_start3A_1089 = tpu.memref_slice %arg10[%dma_start3A_1088] : memref<256xi32, #tpu.memory_space<vmem>> -> memref<200xi32, #tpu.memory_space<vmem>>
      %dma_start3A_1090 = arith.constant 0 : i32
      %dma_start3A_1091 = tpu.memref_slice %arg5[%dma_start3A_1090] : memref<100000xf32, #tpu.memory_space<hbm>> -> memref<100000xf32, #tpu.memory_space<hbm>>
      tpu.enqueue_indirect_dma source(%dma_start3A_1091 : memref<100000xf32, #tpu.memory_space<hbm>>) target(%dma_start3A_1087 : memref<200xf32, #tpu.memory_space<vmem>>) offsets(%dma_start3A_1089 : memref<200xi32, #tpu.memory_space<vmem>>) semaphore(%arg40 : memref<!tpu.dma_semaphore, #tpu.memory_space<semaphore_mem>>)
      %dma_start3A_1092 = arith.constant 0 : i32
      %dma_start3A_1093 = tpu.memref_slice %arg10[%dma_start3A_1092] : memref<256xi32, #tpu.memory_space<vmem>> -> memref<200xi32, #tpu.memory_space<vmem>>
      %dma_start3A_1094 = arith.constant 0 : i32
      %dma_start3A_1095 = arith.constant 0 : i32
      %dma_start3A_1096 = tpu.memref_slice %arg4[%dma_start3A_1094, %dma_start3A_1095] : memref<100000x128xf32, #tpu.memory_space<hbm>> -> memref<100000x128xf32, #tpu.memory_space<hbm>>
      tpu.enqueue_indirect_dma source(%dma_start3A_1096 : memref<100000x128xf32, #tpu.memory_space<hbm>>) target(%arg18 : memref<200x128xf32, #tpu.memory_space<vmem>>) offsets(%dma_start3A_1093 : memref<200xi32, #tpu.memory_space<vmem>>) semaphore(%arg36 : memref<!tpu.dma_semaphore, #tpu.memory_space<semaphore_mem>>)
      %gt3A_1097 = arith.constant 0 : i32
      %gt3A_1098 = arith.cmpi sgt, %add3A_260, %gt3A_1097 : i32
      %convert_element_type3A_1099 = arith.extui %gt3A_1098 : i1 to i32
      %cond3A_1100 = arith.constant 0 : i32
      %cond3A_1101 = arith.cmpi ne, %convert_element_type3A_1099, %cond3A_1100 : i32
      scf.if %cond3A_1101 {
        %dma_wait3A_1135 = arith.constant 0 : i32
        %dma_wait3A_1136 = tpu.memref_slice %arg6[%mul3A_2, %dma_wait3A_1135] : memref<4096x256xf32, #tpu.memory_space<hbm>> -> memref<1x256xf32, #tpu.memory_space<hbm>>
        %dma_wait3A_1137 = tpu.memref_squeeze %dma_wait3A_1136 : memref<1x256xf32, #tpu.memory_space<hbm>> -> memref<256xf32, #tpu.memory_space<hbm>>
        %dma_wait3A_1138 = arith.constant 0 : i32
        %dma_wait3A_1139 = tpu.memref_slice %arg6[%mul3A_2, %dma_wait3A_1138] : memref<4096x256xf32, #tpu.memory_space<hbm>> -> memref<1x256xf32, #tpu.memory_space<hbm>>
        %dma_wait3A_1140 = tpu.memref_squeeze %dma_wait3A_1139 : memref<1x256xf32, #tpu.memory_space<hbm>> -> memref<256xf32, #tpu.memory_space<hbm>>
        tpu.wait_dma2 semaphore(%arg43 : memref<!tpu.dma_semaphore, #tpu.memory_space<semaphore_mem>>) src(%arg25 : memref<256xf32, #tpu.memory_space<vmem>>) dst(%dma_wait3A_1140 : memref<256xf32, #tpu.memory_space<hbm>>)
      } else {
      }
      %swap3A_1102 = arith.constant 0 : index
      %swap3A_1103 = tpu.vector_load %arg25[%swap3A_1102] {strides = array<i32>} : memref<256xf32, #tpu.memory_space<vmem>>, vector<16xf32>,
      tpu.vector_store %arg25[%swap3A_1102], %scan3A_1071#0 {strides = array<i32>} : memref<256xf32, #tpu.memory_space<vmem>>, vector<16xf32>,
      %swap3A_1104 = arith.constant 16 : index
      %swap3A_1105 = tpu.vector_load %arg25[%swap3A_1104] {strides = array<i32>} : memref<256xf32, #tpu.memory_space<vmem>>, vector<16xf32>,
      tpu.vector_store %arg25[%swap3A_1104], %scan3A_1071#1 {strides = array<i32>} : memref<256xf32, #tpu.memory_space<vmem>>, vector<16xf32>,
      %swap3A_1106 = arith.constant 32 : index
      %swap3A_1107 = tpu.vector_load %arg25[%swap3A_1106] {strides = array<i32>} : memref<256xf32, #tpu.memory_space<vmem>>, vector<16xf32>,
      tpu.vector_store %arg25[%swap3A_1106], %scan3A_1071#2 {strides = array<i32>} : memref<256xf32, #tpu.memory_space<vmem>>, vector<16xf32>,
      %swap3A_1108 = arith.constant 48 : index
      %swap3A_1109 = tpu.vector_load %arg25[%swap3A_1108] {strides = array<i32>} : memref<256xf32, #tpu.memory_space<vmem>>, vector<16xf32>,
      tpu.vector_store %arg25[%swap3A_1108], %scan3A_1071#3 {strides = array<i32>} : memref<256xf32, #tpu.memory_space<vmem>>, vector<16xf32>,
      %swap3A_1110 = arith.constant 64 : index
      %swap3A_1111 = tpu.vector_load %arg25[%swap3A_1110] {strides = array<i32>} : memref<256xf32, #tpu.memory_space<vmem>>, vector<16xf32>,
      tpu.vector_store %arg25[%swap3A_1110], %scan3A_1071#4 {strides = array<i32>} : memref<256xf32, #tpu.memory_space<vmem>>, vector<16xf32>,
      %swap3A_1112 = arith.constant 80 : index
      %swap3A_1113 = tpu.vector_load %arg25[%swap3A_1112] {strides = array<i32>} : memref<256xf32, #tpu.memory_space<vmem>>, vector<16xf32>,
      tpu.vector_store %arg25[%swap3A_1112], %scan3A_1071#5 {strides = array<i32>} : memref<256xf32, #tpu.memory_space<vmem>>, vector<16xf32>,
      %swap3A_1114 = arith.constant 96 : index
      %swap3A_1115 = tpu.vector_load %arg25[%swap3A_1114] {strides = array<i32>} : memref<256xf32, #tpu.memory_space<vmem>>, vector<16xf32>,
      tpu.vector_store %arg25[%swap3A_1114], %scan3A_1071#6 {strides = array<i32>} : memref<256xf32, #tpu.memory_space<vmem>>, vector<16xf32>,
      %swap3A_1116 = arith.constant 112 : index
      %swap3A_1117 = tpu.vector_load %arg25[%swap3A_1116] {strides = array<i32>} : memref<256xf32, #tpu.memory_space<vmem>>, vector<16xf32>,
      tpu.vector_store %arg25[%swap3A_1116], %scan3A_1071#7 {strides = array<i32>} : memref<256xf32, #tpu.memory_space<vmem>>, vector<16xf32>,
      %swap3A_1118 = arith.constant 128 : index
      %swap3A_1119 = tpu.vector_load %arg25[%swap3A_1118] {strides = array<i32>} : memref<256xf32, #tpu.memory_space<vmem>>, vector<16xf32>,
      tpu.vector_store %arg25[%swap3A_1118], %scan3A_1071#8 {strides = array<i32>} : memref<256xf32, #tpu.memory_space<vmem>>, vector<16xf32>,
      %swap3A_1120 = arith.constant 144 : index
      %swap3A_1121 = tpu.vector_load %arg25[%swap3A_1120] {strides = array<i32>} : memref<256xf32, #tpu.memory_space<vmem>>, vector<16xf32>,
      tpu.vector_store %arg25[%swap3A_1120], %scan3A_1071#9 {strides = array<i32>} : memref<256xf32, #tpu.memory_space<vmem>>, vector<16xf32>,
      %swap3A_1122 = arith.constant 160 : index
      %swap3A_1123 = tpu.vector_load %arg25[%swap3A_1122] {strides = array<i32>} : memref<256xf32, #tpu.memory_space<vmem>>, vector<16xf32>,
      tpu.vector_store %arg25[%swap3A_1122], %scan3A_1071#10 {strides = array<i32>} : memref<256xf32, #tpu.memory_space<vmem>>, vector<16xf32>,
      %swap3A_1124 = arith.constant 176 : index
      %swap3A_1125 = tpu.vector_load %arg25[%swap3A_1124] {strides = array<i32>} : memref<256xf32, #tpu.memory_space<vmem>>, vector<16xf32>,
      tpu.vector_store %arg25[%swap3A_1124], %scan3A_1071#11 {strides = array<i32>} : memref<256xf32, #tpu.memory_space<vmem>>, vector<16xf32>,
      %swap3A_1126 = arith.constant 192 : index
      %swap3A_1127 = tpu.vector_load %arg25[%swap3A_1126] {strides = array<i32>} : memref<256xf32, #tpu.memory_space<vmem>>, vector<16xf32>,
      tpu.vector_store %arg25[%swap3A_1126], %scan3A_1071#12 {strides = array<i32>} : memref<256xf32, #tpu.memory_space<vmem>>, vector<16xf32>,
      %add3A_1128 = arith.addi %mul3A_2, %add3A_1028 : i32
      %dma_start3A_1129 = arith.constant 0 : i32
      %dma_start3A_1130 = tpu.memref_slice %arg6[%add3A_1128, %dma_start3A_1129] : memref<4096x256xf32, #tpu.memory_space<hbm>> -> memref<1x256xf32, #tpu.memory_space<hbm>>
      %dma_start3A_1131 = tpu.memref_squeeze %dma_start3A_1130 : memref<1x256xf32, #tpu.memory_space<hbm>> -> memref<256xf32, #tpu.memory_space<hbm>>
      %dma_start3A_1132 = arith.constant 0 : i32
      %dma_start3A_1133 = tpu.memref_slice %arg6[%add3A_1128, %dma_start3A_1132] : memref<4096x256xf32, #tpu.memory_space<hbm>> -> memref<1x256xf32, #tpu.memory_space<hbm>>
      %dma_start3A_1134 = tpu.memref_squeeze %dma_start3A_1133 : memref<1x256xf32, #tpu.memory_space<hbm>> -> memref<256xf32, #tpu.memory_space<hbm>>
      tpu.enqueue_dma source(%arg25 : memref<256xf32, #tpu.memory_space<vmem>>) target(%dma_start3A_1134 : memref<256xf32, #tpu.memory_space<hbm>>) target_semaphore(%arg43 : memref<!tpu.dma_semaphore, #tpu.memory_space<semaphore_mem>>)
    }
    %scan3A_190 = arith.constant 16 : i32
    %dma_wait3A_191 = arith.constant 0 : i32
    %dma_wait3A_192 = tpu.memref_slice %arg6[%mul3A_2, %dma_wait3A_191] : memref<4096x256xf32, #tpu.memory_space<hbm>> -> memref<1x256xf32, #tpu.memory_space<hbm>>
    %dma_wait3A_193 = tpu.memref_squeeze %dma_wait3A_192 : memref<1x256xf32, #tpu.memory_space<hbm>> -> memref<256xf32, #tpu.memory_space<hbm>>
    %dma_wait3A_194 = arith.constant 0 : i32
    %dma_wait3A_195 = tpu.memref_slice %arg6[%mul3A_2, %dma_wait3A_194] : memref<4096x256xf32, #tpu.memory_space<hbm>> -> memref<1x256xf32, #tpu.memory_space<hbm>>
    %dma_wait3A_196 = tpu.memref_squeeze %dma_wait3A_195 : memref<1x256xf32, #tpu.memory_space<hbm>> -> memref<256xf32, #tpu.memory_space<hbm>>
    tpu.wait_dma2 semaphore(%arg42 : memref<!tpu.dma_semaphore, #tpu.memory_space<semaphore_mem>>) src(%arg24 : memref<256xf32, #tpu.memory_space<vmem>>) dst(%dma_wait3A_196 : memref<256xf32, #tpu.memory_space<hbm>>)
    %dma_wait3A_197 = arith.constant 0 : i32
    %dma_wait3A_198 = tpu.memref_slice %arg6[%mul3A_2, %dma_wait3A_197] : memref<4096x256xf32, #tpu.memory_space<hbm>> -> memref<1x256xf32, #tpu.memory_space<hbm>>
    %dma_wait3A_199 = tpu.memref_squeeze %dma_wait3A_198 : memref<1x256xf32, #tpu.memory_space<hbm>> -> memref<256xf32, #tpu.memory_space<hbm>>
    %dma_wait3A_200 = arith.constant 0 : i32
    %dma_wait3A_201 = tpu.memref_slice %arg6[%mul3A_2, %dma_wait3A_200] : memref<4096x256xf32, #tpu.memory_space<hbm>> -> memref<1x256xf32, #tpu.memory_space<hbm>>
    %dma_wait3A_202 = tpu.memref_squeeze %dma_wait3A_201 : memref<1x256xf32, #tpu.memory_space<hbm>> -> memref<256xf32, #tpu.memory_space<hbm>>
    tpu.wait_dma2 semaphore(%arg43 : memref<!tpu.dma_semaphore, #tpu.memory_space<semaphore_mem>>) src(%arg25 : memref<256xf32, #tpu.memory_space<vmem>>) dst(%dma_wait3A_202 : memref<256xf32, #tpu.memory_space<hbm>>)
    %dma_wait3A_203 = arith.constant 0 : i32
    %dma_wait3A_204 = tpu.memref_slice %arg8[%dma_wait3A_203] : memref<256xi32, #tpu.memory_space<vmem>> -> memref<200xi32, #tpu.memory_space<vmem>>
    %dma_wait3A_205 = arith.constant 0 : i32
    %dma_wait3A_206 = arith.constant 0 : i32
    %dma_wait3A_207 = tpu.memref_slice %arg4[%dma_wait3A_205, %dma_wait3A_206] : memref<100000x128xf32, #tpu.memory_space<hbm>> -> memref<100000x128xf32, #tpu.memory_space<hbm>>
    tpu.wait_indirect_dma semaphore(%arg34 : memref<!tpu.dma_semaphore, #tpu.memory_space<semaphore_mem>>) src(%dma_wait3A_207 : memref<100000x128xf32, #tpu.memory_space<hbm>>) dst(%arg16 : memref<200x128xf32, #tpu.memory_space<vmem>>)
    %dma_wait3A_208 = arith.constant 0 : i32
    %dma_wait3A_209 = tpu.memref_slice %arg20[%dma_wait3A_208] : memref<208xf32, #tpu.memory_space<vmem>> -> memref<200xf32, #tpu.memory_space<vmem>>
    %dma_wait3A_210 = arith.constant 0 : i32
    %dma_wait3A_211 = tpu.memref_slice %arg8[%dma_wait3A_210] : memref<256xi32, #tpu.memory_space<vmem>> -> memref<200xi32, #tpu.memory_space<vmem>>
    %dma_wait3A_212 = arith.constant 0 : i32
    %dma_wait3A_213 = tpu.memref_slice %arg5[%dma_wait3A_212] : memref<100000xf32, #tpu.memory_space<hbm>> -> memref<100000xf32, #tpu.memory_space<hbm>>
    tpu.wait_indirect_dma semaphore(%arg38 : memref<!tpu.dma_semaphore, #tpu.memory_space<semaphore_mem>>) src(%dma_wait3A_213 : memref<100000xf32, #tpu.memory_space<hbm>>) dst(%dma_wait3A_209 : memref<200xf32, #tpu.memory_space<vmem>>)
    %dma_wait3A_214 = arith.constant 0 : i32
    %dma_wait3A_215 = tpu.memref_slice %arg8[%dma_wait3A_214] : memref<256xi32, #tpu.memory_space<vmem>> -> memref<200xi32, #tpu.memory_space<vmem>>
    %dma_wait3A_216 = arith.constant 0 : i32
    %dma_wait3A_217 = arith.constant 0 : i32
    %dma_wait3A_218 = tpu.memref_slice %arg4[%dma_wait3A_216, %dma_wait3A_217] : memref<100000x128xf32, #tpu.memory_space<hbm>> -> memref<100000x128xf32, #tpu.memory_space<hbm>>
    tpu.wait_indirect_dma semaphore(%arg35 : memref<!tpu.dma_semaphore, #tpu.memory_space<semaphore_mem>>) src(%dma_wait3A_218 : memref<100000x128xf32, #tpu.memory_space<hbm>>) dst(%arg17 : memref<200x128xf32, #tpu.memory_space<vmem>>)
    %dma_wait3A_219 = arith.constant 0 : i32
    %dma_wait3A_220 = tpu.memref_slice %arg21[%dma_wait3A_219] : memref<208xf32, #tpu.memory_space<vmem>> -> memref<200xf32, #tpu.memory_space<vmem>>
    %dma_wait3A_221 = arith.constant 0 : i32
    %dma_wait3A_222 = tpu.memref_slice %arg8[%dma_wait3A_221] : memref<256xi32, #tpu.memory_space<vmem>> -> memref<200xi32, #tpu.memory_space<vmem>>
    %dma_wait3A_223 = arith.constant 0 : i32
    %dma_wait3A_224 = tpu.memref_slice %arg5[%dma_wait3A_223] : memref<100000xf32, #tpu.memory_space<hbm>> -> memref<100000xf32, #tpu.memory_space<hbm>>
    tpu.wait_indirect_dma semaphore(%arg39 : memref<!tpu.dma_semaphore, #tpu.memory_space<semaphore_mem>>) src(%dma_wait3A_224 : memref<100000xf32, #tpu.memory_space<hbm>>) dst(%dma_wait3A_220 : memref<200xf32, #tpu.memory_space<vmem>>)
    %dma_wait3A_225 = arith.constant 0 : i32
    %dma_wait3A_226 = tpu.memref_slice %arg8[%dma_wait3A_225] : memref<256xi32, #tpu.memory_space<vmem>> -> memref<200xi32, #tpu.memory_space<vmem>>
    %dma_wait3A_227 = arith.constant 0 : i32
    %dma_wait3A_228 = arith.constant 0 : i32
    %dma_wait3A_229 = tpu.memref_slice %arg4[%dma_wait3A_227, %dma_wait3A_228] : memref<100000x128xf32, #tpu.memory_space<hbm>> -> memref<100000x128xf32, #tpu.memory_space<hbm>>
    tpu.wait_indirect_dma semaphore(%arg36 : memref<!tpu.dma_semaphore, #tpu.memory_space<semaphore_mem>>) src(%dma_wait3A_229 : memref<100000x128xf32, #tpu.memory_space<hbm>>) dst(%arg18 : memref<200x128xf32, #tpu.memory_space<vmem>>)
    %dma_wait3A_230 = arith.constant 0 : i32
    %dma_wait3A_231 = tpu.memref_slice %arg22[%dma_wait3A_230] : memref<208xf32, #tpu.memory_space<vmem>> -> memref<200xf32, #tpu.memory_space<vmem>>
    %dma_wait3A_232 = arith.constant 0 : i32
    %dma_wait3A_233 = tpu.memref_slice %arg8[%dma_wait3A_232] : memref<256xi32, #tpu.memory_space<vmem>> -> memref<200xi32, #tpu.memory_space<vmem>>
    %dma_wait3A_234 = arith.constant 0 : i32
    %dma_wait3A_235 = tpu.memref_slice %arg5[%dma_wait3A_234] : memref<100000xf32, #tpu.memory_space<hbm>> -> memref<100000xf32, #tpu.memory_space<hbm>>
    tpu.wait_indirect_dma semaphore(%arg40 : memref<!tpu.dma_semaphore, #tpu.memory_space<semaphore_mem>>) src(%dma_wait3A_235 : memref<100000xf32, #tpu.memory_space<hbm>>) dst(%dma_wait3A_231 : memref<200xf32, #tpu.memory_space<vmem>>)
    %dma_wait3A_236 = arith.constant 0 : i32
    %dma_wait3A_237 = tpu.memref_slice %arg3[%dma_wait3A_236] : memref<1048576xi32, #tpu.memory_space<hbm>> -> memref<256xi32, #tpu.memory_space<hbm>>
    %dma_wait3A_238 = arith.constant 0 : i32
    %dma_wait3A_239 = tpu.memref_slice %arg3[%dma_wait3A_238] : memref<1048576xi32, #tpu.memory_space<hbm>> -> memref<256xi32, #tpu.memory_space<hbm>>
    tpu.wait_dma2 semaphore(%arg29 : memref<!tpu.dma_semaphore, #tpu.memory_space<semaphore_mem>>) src(%dma_wait3A_239 : memref<256xi32, #tpu.memory_space<hbm>>) dst(%arg11 : memref<256xi32, #tpu.memory_space<vmem>>)
    %dma_wait3A_240 = arith.constant 0 : i32
    %dma_wait3A_241 = tpu.memref_slice %arg3[%dma_wait3A_240] : memref<1048576xi32, #tpu.memory_space<hbm>> -> memref<256xi32, #tpu.memory_space<hbm>>
    %dma_wait3A_242 = arith.constant 0 : i32
    %dma_wait3A_243 = tpu.memref_slice %arg3[%dma_wait3A_242] : memref<1048576xi32, #tpu.memory_space<hbm>> -> memref<256xi32, #tpu.memory_space<hbm>>
    tpu.wait_dma2 semaphore(%arg30 : memref<!tpu.dma_semaphore, #tpu.memory_space<semaphore_mem>>) src(%dma_wait3A_243 : memref<256xi32, #tpu.memory_space<hbm>>) dst(%arg12 : memref<256xi32, #tpu.memory_space<vmem>>)
    %dma_wait3A_244 = arith.constant 0 : i32
    %dma_wait3A_245 = tpu.memref_slice %arg3[%dma_wait3A_244] : memref<1048576xi32, #tpu.memory_space<hbm>> -> memref<256xi32, #tpu.memory_space<hbm>>
    %dma_wait3A_246 = arith.constant 0 : i32
    %dma_wait3A_247 = tpu.memref_slice %arg3[%dma_wait3A_246] : memref<1048576xi32, #tpu.memory_space<hbm>> -> memref<256xi32, #tpu.memory_space<hbm>>
    tpu.wait_dma2 semaphore(%arg31 : memref<!tpu.dma_semaphore, #tpu.memory_space<semaphore_mem>>) src(%dma_wait3A_247 : memref<256xi32, #tpu.memory_space<hbm>>) dst(%arg13 : memref<256xi32, #tpu.memory_space<vmem>>)
    %dma_wait3A_248 = arith.constant 0 : i32
    %dma_wait3A_249 = tpu.memref_slice %arg3[%dma_wait3A_248] : memref<1048576xi32, #tpu.memory_space<hbm>> -> memref<256xi32, #tpu.memory_space<hbm>>
    %dma_wait3A_250 = arith.constant 0 : i32
    %dma_wait3A_251 = tpu.memref_slice %arg3[%dma_wait3A_250] : memref<1048576xi32, #tpu.memory_space<hbm>> -> memref<256xi32, #tpu.memory_space<hbm>>
    tpu.wait_dma2 semaphore(%arg32 : memref<!tpu.dma_semaphore, #tpu.memory_space<semaphore_mem>>) src(%dma_wait3A_251 : memref<256xi32, #tpu.memory_space<hbm>>) dst(%arg14 : memref<256xi32, #tpu.memory_space<vmem>>)
    %dma_wait3A_252 = arith.constant 0 : i32
    %dma_wait3A_253 = tpu.memref_slice %arg3[%dma_wait3A_252] : memref<1048576xi32, #tpu.memory_space<hbm>> -> memref<256xi32, #tpu.memory_space<hbm>>
    %dma_wait3A_254 = arith.constant 0 : i32
    %dma_wait3A_255 = tpu.memref_slice %arg3[%dma_wait3A_254] : memref<1048576xi32, #tpu.memory_space<hbm>> -> memref<256xi32, #tpu.memory_space<hbm>>
    tpu.wait_dma2 semaphore(%arg33 : memref<!tpu.dma_semaphore, #tpu.memory_space<semaphore_mem>>) src(%dma_wait3A_255 : memref<256xi32, #tpu.memory_space<hbm>>) dst(%arg15 : memref<256xi32, #tpu.memory_space<vmem>>)
    return
  }
}

</mosaic_0001>

<sc_bundles>
// kernel: kernel.3.cloned.1.call-start
scs
__scs_entry_jumppad:
0x0: {  	(pc) =	sbr.rel $0x88, $3  }
0x1: {  	(tag) =	ssettag $0x0;
	lr =	simm.s32 $0x1  }
0x2: {  	[smem:$0x3F9D] =	sst lr;
	_ =	strace $0xD0000000  }
0x3: {  	_ = 	snop  }
0x4: {  	_ = 	snop  }
0x5: {  	_ = 	snop  }
0x6: {  	_ = 	snop  }
0x7: {  	_ = 	snop  }
__scs_overlays_trampoline_lowered:
0x8: {  	[smem:$0x3FAC] =	sst s0  }
0x9: {  	[smem:$0x3FAD] =	sst s1  }
0xa: {  	[smem:$0x3FAE] =	sst s2  }
0xb: {  	[smem:$0x3FAF] =	sst s3  }
0xc: {  	[smem:$0x3FB0] =	sst s4  }
0xd: {  	[smem:$0x3FB1] =	sst s5  }
0xe: {  	[smem:$0x3FB2] =	sst s6  }
0xf: {  	[smem:$0x3FB3] =	sst s7  }
0x10: {  	[smem:$0x3FB4] =	sst s8  }
0x11: {  	[smem:$0x3FB5] =	sst s9;
	s0 =	simm.s32 @!p0 $0x0  }
0x12: {  	s1 =	sld [smem:$0x3F9B];
	s0 =	simm.s32 @p0 $0x1  }
0x13: {  	[smem:$0x3FB6] =	sst s0;
	s0 =	simm.s32 @!p1 $0x0  }
0x14: {  	s2 =	sld [smem:$0x3F9A];
	s0 =	simm.s32 @p1 $0x1  }
0x15: {  	[smem:$0x3FB7] =	sst s0;
	s0 =	simm.s32 @!p2 $0x0  }
0x16: {  	s3 =	sld [smem:$0x3FDB];
	s0 =	simm.s32 @p2 $0x1  }
0x17: {  	s4 =	simm.s32 $0x1BF5;
	[smem:$0x3FB9] =	sst s0  }
0x18: {  	s0 =	sld [smem:$0x3F9C];
	_ =	swait.ge [sflag:s4], $0x0  }
0x19: {  	s7 =	sld [smem:$0x3F9D]  }
0x1a: {  	s8 =	sadd.s32 $0xFFFFE003, lr  }
0x1b: {  	s9 =	sadd.s32 $0xFFFFFEF7, lr;
	s5 =	simm.s32 $0xFFFFFFFF;
	p2 =	slt.u32 s8, $0xFFFFF086  }
0x1c: {  	p1 =	slt.u32 s9, $0xF7A;
	s5 =	simm.s32 @!p2 $0x0  }
0x1d: {  	s5 =	simm.s32 @p1 $0x1;
	p0 =	seq.s32 s7, s2  }
0x1e: {  	s7 =	smul.u32 @!p0 $0xF7A, s2;
	p2 =	seq.s32 @!p0 s5, $0x0  }
0x1f: {  	s9 =	smul.u32 $0xF7A, s1;
	s8 =	simm.s32 @!p0 $0x1BF5;
	p2 =	por !p2, p0  }
0x20: {  	[sflag:s8] =	ssyncset.s32 @!p0 $0xFFFFF086;
	s6 =	sadd.s32 @!p0 s3, s7;
	s7 =	simm.s32 @!p0 $0x108  }
0x21: {  	s3 =	sadd.s32 s3, s9;
	s6 =	sadd.s32 @!p0 $0x88, s6;
	s7 =	simm.s32 @p2 $0x1082  }
0x22: {  	[simem:s7], [sflag:s8] =	dma.local @!p0 [hbm:s6], $0xF7A  }
0x23: {  	s9 =	sor.u32 $0xD0000000, s2;
	s6 =	simm.s32 $0x108;
	_ =	swait.ge @!p0 [sflag:s8], $0x0  }
0x24: {  	s3 =	sadd.s32 $0x88, s3;
	s6 =	simm.s32 @!p1 $0x1082;
	[sflag:s4] =	ssyncset.s32 $0xFFFFF086  }
0x25: {  	[simem:s6], [sflag:s4] =	dma.local [hbm:s3], $0xF7A  }
0x26: {  	[smem:$0x3F9D] =	sst s1;
	(tag) =	ssettag s2;
	_ =	strace s9  }
0x27: {  	s1 =	sld [smem:$0x3FAD]  }
0x28: {  	s2 =	sld [smem:$0x3FAE]  }
0x29: {  	s4 =	sld [smem:$0x3FB0]  }
0x2a: {  	p0 =	seq.s32 s5, $0x0;
	s5 =	sld [smem:$0x3FB1]  }
0x2b: {  	s6 =	sld [smem:$0x3FB2]  }
0x2c: {  	s7 =	sld [smem:$0x3FB3]  }
0x2d: {  	s3 =	simm.s32 $0x108;
	s8 =	sld [smem:$0x3FB4]  }
0x2e: {  	s3 =	simm.s32 @!p0 $0x1082;
	s9 =	sld [smem:$0x3FB5]  }
0x2f: {  	lr =	sadd.s32 s0, s3;
	s0 =	sld [smem:$0x3FAC]  }
0x30: {  	s3 =	sld [smem:$0x3FAF]  }
0x31: {  	[smem:$0x3FB8] =	sst s10  }
0x32: {  	s10 =	sld [smem:$0x3FB6];
	_ =	sdelay $0x3  }
0x33: {  	p0 =	seq.s32 s10, $0x1;
	s10 =	sld [smem:$0x3FB8];
	_ =	sdelay $0x3  }
0x34: {  	[smem:$0x3FB8] =	sst s10  }
0x35: {  	s10 =	sld [smem:$0x3FB7];
	_ =	sdelay $0x3  }
0x36: {  	p1 =	seq.s32 s10, $0x1;
	s10 =	sld [smem:$0x3FB8];
	_ =	sdelay $0x3  }
0x37: {  	[smem:$0x3FB8] =	sst s10  }
0x38: {  	s10 =	sld [smem:$0x3FB9]  }
0x39: {  	_ = 	snop;
	(pc) =	sbr.ind lr, $3  }
0x3a: {  	_ = 	snop  }
0x3b: {  	_ = 	snop  }
0x3c: {  	p2 =	seq.s32 s10, $0x1;
	s10 =	sld [smem:$0x3FB8]  }
0x3d: {  	_ =	shalt  }
0x3e: {  	_ =	shalt  }
0x3f: {  	_ =	shalt  }
0x40: {  	_ =	shalt  }
0x41: {  	_ =	shalt  }
0x42: {  	_ =	shalt  }
0x43: {  	_ =	shalt  }
0x44: {  	_ =	shalt  }
0x45: {  	_ =	shalt  }
0x46: {  	_ =	shalt  }
0x47: {  	_ =	shalt  }
0x48: {  	_ =	shalt  }
0x49: {  	_ =	shalt  }
0x4a: {  	_ =	shalt  }
0x4b: {  	_ =	shalt  }
0x4c: {  	_ =	shalt  }
0x4d: {  	_ =	shalt  }
0x4e: {  	_ =	shalt  }
0x4f: {  	_ =	shalt  }
0x50: {  	_ =	shalt  }
0x51: {  	_ =	shalt  }
0x52: {  	_ =	shalt  }
0x53: {  	_ =	shalt  }
0x54: {  	_ =	shalt  }
0x55: {  	_ =	shalt  }
0x56: {  	_ =	shalt  }
0x57: {  	_ =	shalt  }
0x58: {  	_ =	shalt  }
0x59: {  	_ =	shalt  }
0x5a: {  	_ =	shalt  }
0x5b: {  	_ =	shalt  }
0x5c: {  	_ =	shalt  }
0x5d: {  	_ =	shalt  }
0x5e: {  	_ =	shalt  }
0x5f: {  	_ =	shalt  }
0x60: {  	_ =	shalt  }
0x61: {  	_ =	shalt  }
0x62: {  	_ =	shalt  }
0x63: {  	_ =	shalt  }
0x64: {  	_ =	shalt  }
0x65: {  	_ =	shalt  }
0x66: {  	_ =	shalt  }
0x67: {  	_ =	shalt  }
0x68: {  	_ =	shalt  }
0x69: {  	_ =	shalt  }
0x6a: {  	_ =	shalt  }
0x6b: {  	_ =	shalt  }
0x6c: {  	_ =	shalt  }
0x6d: {  	_ =	shalt  }
0x6e: {  	_ =	shalt  }
0x6f: {  	_ =	shalt  }
0x70: {  	_ =	shalt  }
0x71: {  	_ =	shalt  }
0x72: {  	_ =	shalt  }
0x73: {  	_ =	shalt  }
0x74: {  	_ =	shalt  }
0x75: {  	_ =	shalt  }
0x76: {  	_ =	shalt  }
0x77: {  	_ =	shalt  }
0x78: {  	_ =	shalt  }
0x79: {  	_ =	shalt  }
0x7a: {  	_ =	shalt  }
0x7b: {  	_ =	shalt  }
0x7c: {  	_ =	shalt  }
0x7d: {  	_ =	shalt  }
0x7e: {  	_ =	shalt  }
0x7f: {  	_ =	shalt  }
0x80: {  	_ =	shalt  }
0x81: {  	_ =	shalt  }
0x82: {  	_ =	shalt  }
0x83: {  	_ =	shalt  }
0x84: {  	_ =	shalt  }
0x85: {  	_ =	shalt  }
0x86: {  	_ =	shalt  }
0x87: {  	_ =	shalt  }
.Lfunc_end0:
.L_simem_size_0:
called_computation_lowered:
.L_overlay_start_0:
0x88: {  	s2 =	sld [smem:$0x3FD9]  }
0x89: {  	s3 =	sld [smem:$0x3FFE];
	_ =	sdelay $0x1  }
0x8a: {  	s1 =	srdreg.scid  }
0x8b: {  	s0 =	sand.u32 $0x1, s1  }
0x8c: {  	s17 =	sshll.u32 s0, $0xA;
	s2 =	sadd.s32 s3, s2  }
0x8d: {  	s2 =	sadd.s32 s2, s17  }
0x8e: {  	[smem:$0x3FC4] =	sst s2  }
0x8f: {  	_ = 	snop  }
0x90: {  	s2 =	sld [smem:$0x3FC9]  }
0x91: {  	s18 =	sld [smem:$0x3FC7]  }
0x92: {  	s4 =	sld [smem:$0x3FD0];
	(tm) =	ssettm $0x1  }
0x93: {  	s5 =	sld [smem:$0x3FFB];
	_ =	sdelay $0x3  }
0x94: {  	_ =	strace s5  }
0x95: {  	s5 =	sld [smem:$0x3FFC];
	_ =	sdelay $0x3  }
0x96: {  	_ =	strace s5  }
0x97: {  	s5 =	sld [smem:$0x3FFD];
	_ =	sdelay $0x3  }
0x98: {  	_ =	strace s5  }
0x99: {  	_ =	strace $0x8FFFFFFF  }
0x9a: {  	s19 =	sld [smem:$0x3FDB];
	_ =	sdelay $0x1  }
0x9b: {  	s6 =	simm.s32 $_scs_section_size  }
0x9c: {  	s7 =	simm.s32 $_size__tile_overlayer_lowered;
	s8 =	simm.s32 $_tile_overlayer_lowered  }
0x9d: {  	s22 =	simm.s32 $0x1BFF;
	s21 =	sshll.u32 s8, $0x1;
	s5 =	sadd.s32 s6, s19  }
0x9e: {  	s9 =	simm.s32 $0x0;
	s20 =	sshll.u32 s7, $0x1;
	s7 =	sadd.s32 s21, s5  }
0x9f: {  	[timem:s9], [sflag:s22] =	dma.local [hbm:s7], s20  }
0xa0: {  	_ =	swait.ge [sflag:s22], s20  }
0xa1: {  	s6 =	ssub.s32 $0x0, s20;
	[sflag:s22] =	ssyncset.done $0x0  }
0xa2: {  	[sflag:s22] =	ssyncadd.s32 s6;
	_ =	sdelay $0x1  }
0xa3: {  	s23 =	simm.s32 $0x1B8B  }
0xa4: {  	_ =	swait.ge [sflag:s23], $0x1  }
0xa5: {  	[sflag:s23] =	ssyncset.done $0x0  }
0xa6: {  	s25 =	simm.s32 $0x1B8E;
	s24 =	sld [smem:$0x3FFE];
	[sflag:s23] =	ssyncadd.s32 $0xFFFFFFFF  }
0xa7: {  	s26 =	simm.s32 $execute0_lowered;
	[smem:$0x3FD2] =	sst s25  }
0xa8: {  	s7 =	sshll.u32 s26, $0x1;
	_ =	strace $0x80000046;
	[dreg:$0x1] =	wrdreg $0xFFFFFFFF  }
0xa9: {  	s28 =	simm.s32 $_size_execute0_lowered;
	s5 =	sadd.s32 s5, s7;
	[dreg:$0x0] =	wrdreg $0x0  }
0xaa: {  	s7 =	sshll.u32 s28, $0x1;
	[dreg:$0x2] =	wrdreg s5  }
0xab: {  	[dreg:$0x3] =	wrdreg s7  }
0xac: {  	[dreg:$0x4] =	wrdreg $0xC0  }
0xad: {  	_ =	task [dreg:s9], $0x5FFFF  }
0xae: {  	[dreg:$0x1] =	wrdreg $0xFFFFFFFF  }
0xaf: {  	[dreg:$0x0] =	wrdreg $0x60  }
0xb0: {  	[dreg:$0x2] =	wrdreg s2  }
0xb1: {  	[dreg:$0x3] =	wrdreg s24  }
0xb2: {  	[dreg:$0x4] =	wrdreg s18  }
0xb3: {  	[dreg:$0x5] =	wrdreg s4  }
0xb4: {  	[dreg:$0x6] =	wrdreg $0x9  }
0xb5: {  	_ =	task.clear_ibuf [dreg:s9], $0x7FFFF;
	_ =	strace $0x90000046  }
0xb6: {  	s29 =	simm.s32 $0x9;
	_ =	strace $0x80000048  }
0xb7: {  	_ =	swait.ge [sflag:s29], $0x1  }
0xb8: {  	[sflag:s29] =	ssyncadd.s32 $0xFFFFFFFF  }
0xb9: {  	_ =	strace $0x90000048  }
0xba: {  	_ =	sfence  }
0xbb: {  	s30 =	sld [smem:$0x0];
	_ =	sdelay $0x2  }
0xbc: {  	s31 =	sshll.u32 s1, $0xD;
	s1 =	sshrl.u32 s1, $0x2  }
0xbd: {  	s3 =	sand.u32 $0x4000, s31;
	s1 =	sadd.s32 s1, s30  }
0xbe: {  	s0 =	sor.u32 s3, s0;
	s1 =	sshll.u32 s1, $0x11  }
0xbf: {  	s0 =	sor.u32 s1, s0  }
0xc0: {  	s0 =	sadd.s32 $0x8F2B, s0  }
0xc1: {  	[sflag:s0] =	ssyncadd.remote.s32 $0x1  }
0xc2: {  	_ =	sfence.sel $0xFFFF  }
0xc3: {  	[dreg:$0x0] =	wrdreg $0xFFFFFFFF;
	(pc) =	sbr.abs _section_cstart, $3  }
0xc4: {  	[dreg:$0x1] =	wrdreg $0xFFFFFFFF  }
0xc5: {  	_ =	task.clear_ibuf [dreg:s9], $0x2FFFF;
	_ =	strace $0x9FFFFFFF  }
0xc6: {  	(tm) =	ssettm $0x7FFFFFFF  }
0xc7: {  	_ =	shalt  }
tec
execute0_lowered:
.L_overlay_start_1:
0x0: {  	(tag) =	ssettag $0x1  }
0x1: {  	s0 =	rddreg [dreg:$0x0]  }
0x2: {  	s3 =	rddreg [dreg:$0x1]  }
0x3: {  	s1 =	rddreg [dreg:$0x2]  }
0x4: {  	s2 =	rddreg [dreg:$0x3];
	s4 =	simm.s32 $0x0  }
0x5: {  	[smem:$0x7FF] =	sst s4;
	s21 =	sadd.s32 $0x20200, s3  }
0x6: {  	s13 =	sadd.s32 $0x20210, s3;
	_ =	strace $0x80000047;
	[dreg:$0x5] =	wrdreg s21  }
0x7: {  	s14 =	sadd.s32 $0x20220, s3;
	[dreg:$0x11] =	wrdreg s13  }
0x8: {  	s5 =	srdreg.scid;
	s15 =	sadd.s32 $0x20230, s3;
	[dreg:$0x12] =	wrdreg s14  }
0x9: {  	s7 =	stileid.u32;
	s16 =	sadd.s32 $0x20240, s3;
	[dreg:$0x13] =	wrdreg s15  }
0xa: {  	s30 =	simm.s32 $0x17400;
	s17 =	sadd.s32 $0x20250, s3;
	[dreg:$0x14] =	wrdreg s16  }
0xb: {  	s6 =	sand.u32 $0x1, s5;
	s18 =	sadd.s32 $0x20260, s3;
	[dreg:$0x15] =	wrdreg s17  }
0xc: {  	s7 =	sshll.u32 s7, $0x1;
	s19 =	sadd.s32 $0x20270, s3;
	[dreg:$0x16] =	wrdreg s18  }
0xd: {  	s8 =	ssub.s32 $0x2, s6;
	s6 =	sor.u32 s6, s7;
	[dreg:$0x17] =	wrdreg s19  }
0xe: {  	s9 =	sshll.u32 s6, $0xC;
	s23 =	sshll.u32 s6, $0xB;
	s6 =	sshll.u32 s6, $0x7  }
0xf: {  	s5 =	sadd.s32 $0x200, s3;
	s0 =	sadd.s32 s0, s23;
	[dreg:$0x7] =	wrdreg s6  }
0x10: {  	s31 =	simm.s32 $0x400;
	s9 =	sadd.s32 s5, s9;
	[dreg:$0x8] =	wrdreg s0  }
0x11: {  	s29 =	simm.s32 $0xE;
	s12 =	sor.u32 $0x8, s6;
	[dreg:$0x6] =	wrdreg s9  }
0x12: {  	s22 =	sshrl.u32 s8, $0x1;
	s21 =	sor.u32 $0x9, s6;
	[dreg:$0x10] =	wrdreg s12  }
0x13: {  	s7 =	ssub.s32 s8, s22;
	s22 =	sor.u32 $0xA, s6;
	[dreg:$0x19] =	wrdreg s21  }
0x14: {  	v0 =	vlaneseq.u32;
	s3 =	simm.s32 $0xA;
	s23 =	sor.u32 $0xB, s6;
	[dreg:$0x1a] =	wrdreg s22  }
0x15: {  	v5 =	vmul.u32 $0x80, v0;
	s19 =	simm.s32 $0x4600;
	s24 =	sadd.s32 $0x20, s9;
	[dreg:$0x1b] =	wrdreg s23  }
0x16: {  	s15 =	simm.s32 $0x4700;
	s25 =	sadd.s32 $0x40, s9;
	[dreg:$0x9] =	wrdreg s24  }
0x17: {  	v6 =	vimm.s32 $0x6380;
	vm0 =	vcmask $0x300;
	s17 =	simm.s32 $0x4800;
	v1 =	vor.u32 $0x1000, v5;
	s26 =	sadd.s32 $0x60, s9;
	[dreg:$0xa] =	wrdreg s25  }
0x18: {  	vm10 =	vcmask $0x704;
	v7 =	vsel vm0, $0x6000, v6;
	s13 =	simm.s32 $0xF;
	v4 =	vor.u32 $0x4000, v5;
	[tilespmem:$0x1FF70] =	vst v1;
	s28 =	sadd.s32 $0x80, s9;
	[dreg:$0xb] =	wrdreg s26  }
0x19: {  	v8 =	vsel vm10, $0x6080, v7;
	s16 =	simm.s32 $0x10;
	v7 =	vor.u32 $0x5000, v5;
	[tilespmem:$0x1FF80] =	vst v4;
	s8 =	sadd.s32 $0xA0, s9;
	[dreg:$0xc] =	wrdreg s28  }
0x1a: {  	v6 =	vor.u32 $0x3000, v5;
	[tilespmem:$0x1FFA0] =	vst v7;
	s10 =	sadd.s32 $0xC0, s9;
	s11 =	sadd.s32 $0xE0, s9;
	[dreg:$0xd] =	wrdreg s8  }
0x1b: {  	vm11 =	vcmask $0xB08;
	v12 =	vor.u32 $0x3800, v5;
	[tilespmem:$0x1FFC0] =	vst v6;
	s20 =	smax.u32 s7, $0x1;
	s0 =	simm.s32 $0x4500;
	[dreg:$0xe] =	wrdreg s10  }
0x1c: {  	vm12 =	vcmask $0xF0C;
	v2 =	vor.u32 $0x1800, v5;
	v9 =	vsel vm11, $0x6100, v8;
	[tilespmem:$0x1FFD0] =	vst v12;
	s9 =	simm.s32 $0xC8;
	s23 =	simm.s32 $0x11000;
	[dreg:$0xf] =	wrdreg s11  }
0x1d: {  	vm13 =	vcmask $0x1310;
	v3 =	vor.u32 $0x2000, v5;
	v10 =	vsel vm12, $0x6180, v9;
	[tilespmem:$0x1FFE0] =	vst v2;
	s22 =	simm.s32 $0xB;
	[dreg:$0x18] =	wrdreg s20;
	s24 =	sor.u32 $0xC, s6  }
0x1e: {  	vm14 =	vcmask $0x1714;
	v9 =	vor.u32 $0x4800, v5;
	[tilespmem:$0x1FFF0] =	vst v3;
	v11 =	vsel vm13, $0x6200, v10;
	s25 =	sor.u32 $0xD, s6;
	s26 =	sor.u32 $0xE, s6;
	[dreg:$0x1c] =	wrdreg s24  }
0x1f: {  	vm15 =	vcmask $0x1B18;
	v10 =	vor.u32 $0x5800, v5;
	[tilespmem:$0x1FF60] =	vst v9;
	s28 =	sor.u32 $0xF, s6;
	s20 =	simm.s32 $0xAC00;
	v13 =	vsel vm14, $0x6280, v11;
	[dreg:$0x1d] =	wrdreg s25  }
0x20: {  	s8 =	simm.s32 $0x80;
	s10 =	simm.s32 $0x0;
	[tilespmem:$0x1FFB0] =	vst v10;
	[dreg:$0x1e] =	wrdreg s26;
	v8 =	vsel vm15, $0x6300, v13  }
0x21: {  	v0 =	vor.u32 $0x800, v5;
	v60 =	vor.u32 $0x2800, v5;
	[dreg:$0x1f] =	wrdreg s28;
	s24 =	simm.s32 $0x9;
	s26 =	simm.s32 $0xD;
	[tilespmem:$0x1FF90] =	vst v8  }
.LBB2_1:
0x22: {  	[smem:$0x7FD] =	sst s10  }
0x23: {  	s6 =	rddreg [dreg:$0x8];
	s21 =	simm.s32 $0x13  }
0x24: {  	[tilespmem:s4], [sflag:$0x13] =	stream.linear.gather [hbm4b:s6+s4], $0x4000, $0x38;
	[tilespmem:$0x1DE00] =	vst v63  }
0x25: {  	_ =	swait.ge [sflag:s21], $0x4000  }
0x26: {  	[sflag:s21] =	ssyncset.done $0x0  }
0x27: {  	s7 =	simm.s32 $0x4000;
	s25 =	rddreg [dreg:$0x6];
	[sflag:s21] =	ssyncadd.s32 $0xFFFFC000  }
0x28: {  	[tilespmem:s7], [sflag:$0x1] =	stream.linear.gather [hbm4b:s25+s4], $0x100, $0x38;
	[tilespmem:$0x1DE00] =	vst v63  }
0x29: {  	s11 =	simm.s32 $0x4100;
	s28 =	rddreg [dreg:$0x9]  }
0x2a: {  	[tilespmem:s11], [sflag:$0x2] =	stream.linear.gather [hbm4b:s28+s4], $0x100, $0x38;
	[tilespmem:$0x1DE00] =	vst v63  }
0x2b: {  	s12 =	simm.s32 $0x4200;
	s10 =	rddreg [dreg:$0xa]  }
0x2c: {  	[tilespmem:s12], [sflag:$0x3] =	stream.linear.gather [hbm4b:s10+s4], $0x100, $0x38;
	[tilespmem:$0x1DE00] =	vst v63  }
0x2d: {  	s18 =	simm.s32 $0x4300;
	s14 =	rddreg [dreg:$0xb]  }
0x2e: {  	[tilespmem:s18], [sflag:$0x4] =	stream.linear.gather [hbm4b:s14+s4], $0x100, $0x38;
	[tilespmem:$0x1DE00] =	vst v63  }
0x2f: {  	s21 =	rddreg [dreg:$0xc];
	s25 =	simm.s32 $0x4400  }
0x30: {  	[tilespmem:s25], [sflag:$0x5] =	stream.linear.gather [hbm4b:s21+s4], $0x100, $0x38;
	[tilespmem:$0x1DE00] =	vst v63  }
0x31: {  	s28 =	rddreg [dreg:$0xd]  }
0x32: {  	[tilespmem:s0], [sflag:$0x6] =	stream.linear.gather [hbm4b:s28+s4], $0x100, $0x38;
	[tilespmem:$0x1DE00] =	vst v63  }
0x33: {  	s0 =	rddreg [dreg:$0xe]  }
0x34: {  	[tilespmem:s19], [sflag:$0x7] =	stream.linear.gather [hbm4b:s0+s4], $0x100, $0x38;
	[tilespmem:$0x1DE00] =	vst v63  }
0x35: {  	s10 =	rddreg [dreg:$0xf];
	s14 =	simm.s32 $0x1  }
0x36: {  	[tilespmem:s15], [sflag:$0x8] =	stream.linear.gather [hbm4b:s10+s4], $0x100, $0x38;
	[tilespmem:$0x1DE00] =	vst v63  }
0x37: {  	_ =	swait.ge [sflag:s14], $0x100  }
0x38: {  	[sflag:s14] =	ssyncset.done $0x0  }
0x39: {  	s15 =	simm.s32 $0x1D800;
	[sflag:s14] =	ssyncadd.s32 $0xFFFFFF00  }
0x3a: {  	[tilespmem:s15], [sflag:$0xD] =	stream.indirect.gather [hbm4b:s2+s9], $0x1, s7, s9, $0xb8;
	[tilespmem:$0x1DE00] =	vst v63  }
0x3b: {  	s18 =	simm.s32 $0x2  }
0x3c: {  	[tilespmem:s17], [sflag:$0x9] =	stream.indirect.gather [hbm4b:s1+s9], $0x80, s7, s9, $0xb8;
	[tilespmem:$0x1DE00] =	vst v63  }
0x3d: {  	_ =	swait.ge [sflag:s18], $0x100  }
0x3e: {  	[sflag:s18] =	ssyncset.done $0x0  }
0x3f: {  	s19 =	simm.s32 $0x1D900;
	[sflag:s18] =	ssyncadd.s32 $0xFFFFFF00  }
0x40: {  	[tilespmem:s19], [sflag:$0xE] =	stream.indirect.gather [hbm4b:s2+s9], $0x1, s11, s9, $0xb8;
	[tilespmem:$0x1DE00] =	vst v63  }
0x41: {  	s21 =	simm.s32 $0x3  }
0x42: {  	[tilespmem:s20], [sflag:$0xA] =	stream.indirect.gather [hbm4b:s1+s9], $0x80, s11, s9, $0xb8;
	[tilespmem:$0x1DE00] =	vst v63  }
0x43: {  	_ =	swait.ge [sflag:s21], $0x100  }
0x44: {  	[sflag:s21] =	ssyncset.done $0x0  }
0x45: {  	s25 =	simm.s32 $0x4100;
	s28 =	simm.s32 $0x1DA00;
	[sflag:s21] =	ssyncadd.s32 $0xFFFFFF00  }
0x46: {  	[tilespmem:s28], [sflag:$0xF] =	stream.indirect.gather [hbm4b:s2+s9], $0x1, s12, s9, $0xb8;
	[tilespmem:$0x1DE00] =	vst v63  }
0x47: {  	s10 =	simm.s32 $0x4200;
	s14 =	simm.s32 $0x4000;
	s11 =	simm.s32 $0x0  }
0x48: {  	v11 =	vlaneseq.u32;
	[tilespmem:s23], [sflag:$0xB] =	stream.indirect.gather [hbm4b:s1+s9], $0x80, s12, s9, $0xb8;
	[tilespmem:$0x1DE00] =	vst v63  }
.LBB2_2:
0x49: {  	_ =	swait.ge [sflag:s24], $0x6400  }
0x4a: {  	[sflag:s24] =	ssyncset.done $0x0  }
0x4b: {  	[sflag:s24] =	ssyncadd.s32 $0xFFFF9C00  }
0x4c: {  	_ =	swait.ge [sflag:s26], $0xC8  }
0x4d: {  	[sflag:s26] =	ssyncset.done $0x0  }
0x4e: {  	[sflag:s26] =	ssyncadd.s32 $0xFFFFFF38  }
0x4f: {  	v22 =	vld [tilespmem:$0x1D800]  }
0x50: {  	v19 =	vld [tilespmem:$0x1D810]  }
0x51: {  	v26 =	vld [tilespmem:$0x1D820]  }
0x52: {  	v25 =	vld [tilespmem:$0x1D830]  }
0x53: {  	v18 =	vld [tilespmem:$0x1D840]  }
0x54: {  	s7 =	simm.s32 $0x1;
	v21 =	vld [tilespmem:$0x1D850]  }
0x55: {  	s12 =	sshll.u32 s11, $0xA;
	v14 =	vadd.s32 s7, v11;
	v17 =	vld [tilespmem:$0x1D860]  }
0x56: {  	v28 =	vmov s12;
	v29 =	vand.u32 $0x7F, v14;
	v20 =	vld [tilespmem:$0x1D870]  }
0x57: {  	v24 =	vor.u32 v28, v29;
	v34 =	vld [tilespmem:$0x1D880]  }
0x58: {  	v27 =	vor.u32 v8, v29;
	v16 =	vld [tilespmem:$0x1D890]  }
0x59: {  	v30 =	vor.u32 v9, v29;
	v23 =	vld [tilespmem:$0x1D8A0]  }
0x5a: {  	v31 =	vor.u32 v3, v29;
	v14 =	vld [tilespmem:$0x1D8B0]  }
0x5b: {  	s28 =	simm.s32 $0x0;
	v32 =	vor.u32 v12, v29;
	v15 =	vld [tilespmem:$0x1D8C0]  }
0x5c: {  	v35 =	vadd.s32 s28, v11;
	v33 =	vor.u32 v10, v29;
	v24 =	vld.idx.msk [tilespmem:v24+s4+$0x0], $0xffff  }
0x5d: {  	v37 =	vand.u32 $0x7F, v35;
	v36 =	vor.u32 v2, v29;
	v27 =	vld.idx.msk [tilespmem:v27+s17+$0x0], $0xffff  }
0x5e: {  	v35 =	vor.u32 v28, v37;
	v30 =	vld.idx.msk [tilespmem:v30+s17+$0x0], $0xffff  }
0x5f: {  	v38 =	vor.u32 v5, v29;
	v57 =	vld.idx.msk [tilespmem:v31+s17+$0x0], $0xffff  }
0x60: {  	v62 =	vor.u32 v1, v37;
	v58 =	vld.idx.msk [tilespmem:v32+s17+$0x0], $0xffff  }
0x61: {  	v39 =	vor.u32 v5, v37;
	v33 =	vld.idx.msk [tilespmem:v33+s17+$0x0], $0xffff  }
0x62: {  	v63 =	vor.u32 v8, v37;
	v41 =	vld.idx.msk [tilespmem:v36+s17+$0x0], $0xffff  }
0x63: {  	v45 =	vor.u32 v9, v37;
	v35 =	vld.idx.msk [tilespmem:v35+s4+$0x0], $0xffff  }
0x64: {  	v47 =	vor.u32 v0, v37;
	v40 =	vld.idx.msk [tilespmem:v38+s17+$0x0], $0xffff  }
0x65: {  	v49 =	vor.u32 v1, v29;
	v43 =	vld.idx.msk [tilespmem:v62+s17+$0x0], $0xffff  }
0x66: {  	v31 =	vor.u32 v2, v37;
	v51 =	vld.idx.msk [tilespmem:v39+s17+$0x0], $0xffff  }
0x67: {  	v59 =	vor.u32 v4, v37;
	v53 =	vld.idx.msk [tilespmem:v63+s17+$0x0], $0xffff  }
0x68: {  	v42 =	vor.u32 v3, v37;
	v52 =	vor.u32 v7, v37;
	v55 =	vor.u32 v0, v29;
	v36 =	vld.idx.msk [tilespmem:v45+s17+$0x0], $0xffff  }
0x69: {  	v46 =	vor.u32 v12, v37;
	v44 =	vor.u32 v10, v37;
	v48 =	vor.u32 v7, v29;
	v45 =	vld.idx.msk [tilespmem:v47+s17+$0x0], $0xffff  }
0x6a: {  	v54 =	vor.u32 v60, v29;
	v56 =	vor.u32 v60, v37;
	v39 =	vor.u32 v6, v37;
	v50 =	vld.idx.msk [tilespmem:v49+s17+$0x0], $0xffff  }
0x6b: {  	v47 =	vor.u32 v6, v29;
	v38 =	vld.idx.msk [tilespmem:v31+s17+$0x0], $0xffff;
	v31 =	vmul.f32 v27, v24;
	v32 =	vmul.f32 v30, v24  }
0x6c: {  	s12 =	sshll.u32 s11, $0x3;
	s7 =	simm.s32 $0x2;
	v10 =	vmovc v60;
	v12 =	vlaneseq.u32;
	v49 =	vld.idx.msk [tilespmem:v59+s17+$0x0], $0xffff;
	v6 =	vmovc v0;
	v30 =	vmul.f32 v57, v24;
	v27 =	vmul.f32 v58, v24  }
.LBB2_3:
0x6d: {  	v55 =	vld.idx.msk [tilespmem:v55+s17+$0x0], $0xffff  }
0x6e: {  	v2 =	vld [tilespmem:$0x1FF80]  }
0x6f: {  	v42 =	vld.idx.msk [tilespmem:v42+s17+$0x0], $0xffff  }
0x70: {  	v1 =	vld [tilespmem:$0x1FFE0]  }
0x71: {  	v8 =	vld [tilespmem:$0x1FFF0]  }
0x72: {  	v56 =	vld.idx.msk [tilespmem:v56+s17+$0x0], $0xffff  }
0x73: {  	v9 =	vld [tilespmem:$0x1FFD0]  }
0x74: {  	v13 =	vld [tilespmem:$0x1FF90]  }
0x75: {  	v46 =	vld.idx.msk [tilespmem:v46+s17+$0x0], $0xffff  }
0x76: {  	s18 =	sadd.s32 $0x1, s7;
	v37 =	vmul.f32 v33, v24;
	v58 =	vmovc v24;
	v7 =	vld [tilespmem:$0x1FFB0];
	v41 =	vmul.f32 v41, v24;
	v59 =	vmov v35  }
0x77: {  	v0 =	vld.idx.msk [tilespmem:v44+s17+$0x0], $0xffff;
	v24 =	vadd.s32 s18, v12;
	v50 =	vmul.f32 v50, v58;
	v33 =	vmul.f32 v51, v59  }
0x78: {  	v3 =	vld [tilespmem:$0x1FF60];
	v57 =	vor.u32 v2, v29;
	v51 =	vmul.f32 v53, v59;
	v43 =	vmul.f32 v43, v59  }
0x79: {  	v48 =	vld.idx.msk [tilespmem:v48+s17+$0x0], $0xffff;
	v29 =	vand.u32 $0x7F, v24;
	v24 =	vmul.f32 v40, v58;
	v44 =	vmul.f32 v55, v58  }
0x7a: {  	v4 =	vld [tilespmem:$0x1FF70];
	v55 =	vmul.f32 v36, v59;
	v45 =	vmul.f32 v45, v59  }
0x7b: {  	v36 =	vld.idx.msk [tilespmem:v54+s17+$0x0], $0xffff;
	v49 =	vmul.f32 v49, v59;
	v54 =	vmul.f32 v42, v59  }
0x7c: {  	v11 =	vld [tilespmem:$0x1FFA0];
	v0 =	vmul.f32 v0, v59;
	v40 =	vor.u32 v5, v29;
	v60 =	vor.u32 v28, v29  }
0x7d: {  	v35 =	vld.idx.msk [tilespmem:v52+s17+$0x0], $0xffff;
	v53 =	vor.u32 v1, v29;
	v52 =	vor.u32 v8, v29;
	v62 =	vor.u32 v13, v29  }
0x7e: {  	v61 =	vor.u32 v9, v29;
	v22 =	vadd.f32 v33, v22;
	v33 =	vmul.f32 v38, v59;
	v38 =	vld.idx.msk [tilespmem:v39+s17+$0x0], $0xffff  }
0x7f: {  	v63 =	vor.u32 v7, v29;
	v15 =	vadd.f32 v51, v15;
	v26 =	vadd.f32 v43, v26;
	v43 =	vld.idx.msk [tilespmem:v47+s17+$0x0], $0xffff  }
0x80: {  	v39 =	vor.u32 v3, v29;
	v16 =	vadd.f32 v55, v16;
	v19 =	vadd.f32 v45, v19;
	v45 =	vld.idx.msk [tilespmem:v57+s17+$0x0], $0xffff  }
0x81: {  	v51 =	vmul.f32 v56, v59;
	v34 =	vadd.f32 v49, v34;
	v22 =	vadd.f32 v24, v22;
	v24 =	vld.idx.msk [tilespmem:v60+s4+$0x0], $0xffff  }
0x82: {  	s21 =	smov.u32 s7;
	v55 =	vmul.f32 v46, v59;
	v18 =	vadd.f32 v54, v18;
	v15 =	vadd.f32 v31, v15;
	v31 =	vld.idx.msk [tilespmem:v62+s17+$0x0], $0xffff  }
0x83: {  	v54 =	vor.u32 v10, v29;
	v0 =	vadd.f32 v0, v14;
	v62 =	vadd.s32 s21, v12;
	v60 =	vld.idx.msk [tilespmem:v52+s17+$0x0], $0xffff  }
0x84: {  	v25 =	vadd.f32 v33, v25;
	v16 =	vadd.f32 v32, v16;
	v61 =	vld.idx.msk [tilespmem:v61+s17+$0x0], $0xffff;
	v49 =	vand.u32 $0x7F, v62  }
0x85: {  	v42 =	vmul.f32 v35, v59;
	v19 =	vadd.f32 v44, v19;
	v33 =	vld.idx.msk [tilespmem:v63+s17+$0x0], $0xffff;
	v35 =	vor.u32 v28, v49  }
0x86: {  	v26 =	vadd.f32 v50, v26;
	v25 =	vadd.f32 v41, v25;
	v41 =	vld.idx.msk [tilespmem:v53+s17+$0x0], $0xffff;
	v62 =	vor.u32 v1, v49  }
0x87: {  	v21 =	vadd.f32 v51, v21;
	v20 =	vadd.f32 v55, v20;
	v40 =	vld.idx.msk [tilespmem:v40+s17+$0x0], $0xffff;
	v57 =	vor.u32 v4, v49  }
0x88: {  	v23 =	vadd.f32 v42, v23;
	v32 =	vld.idx.msk [tilespmem:v39+s17+$0x0], $0xffff;
	v47 =	vor.u32 v5, v49;
	v42 =	vor.u32 v8, v49  }
0x89: {  	v8 =	vld [tilespmem:$0x1FFC0];
	v63 =	vor.u32 v3, v49;
	v3 =	vmul.f32 v36, v58;
	v36 =	vor.u32 v13, v49  }
0x8a: {  	v55 =	vor.u32 v6, v29;
	v18 =	vadd.f32 v30, v18;
	v14 =	vadd.f32 v37, v0;
	v35 =	vld.idx.msk [tilespmem:v35+s4+$0x0], $0xffff  }
0x8b: {  	v20 =	vadd.f32 v27, v20;
	v56 =	vor.u32 v6, v49;
	v1 =	vmul.f32 v38, v59;
	v38 =	vld.idx.msk [tilespmem:v62+s17+$0x0], $0xffff  }
0x8c: {  	v50 =	vmul.f32 v43, v58;
	v2 =	vor.u32 v2, v49;
	v52 =	vor.u32 v11, v49;
	v43 =	vld.idx.msk [tilespmem:v57+s17+$0x0], $0xffff  }
0x8d: {  	p0 =	slt.u32 s7, $0x7E;
	v46 =	vor.u32 v9, v49;
	v44 =	vor.u32 v7, v49;
	v57 =	vor.u32 v4, v29;
	v51 =	vld.idx.msk [tilespmem:v47+s17+$0x0], $0xffff  }
.Ltmp0:
0x8e: {  	v1 =	vadd.f32 v1, v17;
	v31 =	vmul.f32 v31, v24;
	v30 =	vmul.f32 v60, v24;
	v53 =	vld.idx.msk [tilespmem:v36+s17+$0x0], $0xffff;
	(pc) =	sbr.rel @p0 .LBB2_3-.Ltmp0, $4  }
0x8f: {  	v21 =	vadd.f32 v3, v21;
	v27 =	vmul.f32 v61, v24;
	v32 =	vmul.f32 v32, v24;
	v36 =	vld.idx.msk [tilespmem:v63+s17+$0x0], $0xffff  }
0x90: {  	v17 =	vadd.f32 v50, v1;
	v62 =	vmul.f32 v45, v58;
	v58 =	vmul.f32 v48, v58;
	v45 =	vld.idx.msk [tilespmem:v56+s17+$0x0], $0xffff  }
0x91: {  	v39 =	vor.u32 v8, v49;
	v48 =	vor.u32 v11, v29;
	v56 =	vor.u32 v10, v49;
	v49 =	vld.idx.msk [tilespmem:v2+s17+$0x0], $0xffff  }
0x92: {  	s7 =	sadd.s32 $0x2, s7;
	v47 =	vor.u32 v8, v29;
	v23 =	vadd.f32 v58, v23;
	v34 =	vadd.f32 v62, v34;
	v50 =	vld.idx.msk [tilespmem:v57+s17+$0x0], $0xffff  }
0x93: {  	_ =	sdelay $0x3  }
0x94: {  	v0 =	vld.idx.msk [tilespmem:v55+s17+$0x0], $0xffff  }
0x95: {  	v13 =	vld [tilespmem:$0x1FF80]  }
0x96: {  	v1 =	vld.idx.msk [tilespmem:v52+s17+$0x0], $0xffff  }
0x97: {  	v2 =	vld.idx.msk [tilespmem:v42+s17+$0x0], $0xffff  }
0x98: {  	v3 =	vld.idx.msk [tilespmem:v56+s17+$0x0], $0xffff  }
0x99: {  	v28 =	vld.idx.msk [tilespmem:v46+s17+$0x0], $0xffff  }
0x9a: {  	v37 =	vld.idx.msk [tilespmem:v44+s17+$0x0], $0xffff;
	v29 =	vor.u32 v13, v29  }
0x9b: {  	v39 =	vld.idx.msk [tilespmem:v39+s17+$0x0], $0xffff;
	s7 =	smin.u32 s12, $0x77;
	s6 =	rddreg [dreg:$0x10]  }
0x9c: {  	v57 =	vld.idx.msk [tilespmem:v54+s17+$0x0], $0xffff;
	s7 =	sadd.s32 s7, s6  }
0x9d: {  	v58 =	vld.idx.msk [tilespmem:v48+s17+$0x0], $0xffff;
	s7 =	sshll.u32 s7, $0x5  }
0x9e: {  	v59 =	vld.idx.msk [tilespmem:v47+s17+$0x0], $0xffff;
	s0 =	simm.s32 $0x4;
	s7 =	sadd.s32 s5, s7  }
0x9f: {  	v29 =	vld.idx.msk [tilespmem:v29+s17+$0x0], $0xffff;
	[tilespmem:s14], [sflag:$0x1] =	stream.linear.gather [hbm4b:s7+s4], $0x100, $0x38  }
0xa0: {  	_ =	swait.ge [sflag:s0], $0x100  }
0xa1: {  	s21 =	simm.s32 $0x4300;
	[sflag:s0] =	ssyncset.done $0x0  }
0xa2: {  	v41 =	vmul.f32 v41, v24;
	s28 =	simm.s32 $0x1DB00;
	v60 =	vmul.f32 v51, v35;
	p0 =	seq.s32 s11, $0x0;
	[sflag:s0] =	ssyncadd.s32 $0xFFFFFF00  }
0xa3: {  	v43 =	vmul.f32 v43, v35;
	v38 =	vmul.f32 v38, v35;
	[tilespmem:s28], [sflag:$0x10] =	stream.indirect.gather [hbm4b:s2+s9], $0x1, s21, s9, $0xb8;
	[tilespmem:$0x1DE00] =	vst v63  }
0xa4: {  	v61 =	vmul.f32 v53, v35;
	v22 =	vadd.f32 v60, v22;
	v45 =	vmul.f32 v45, v35;
	s7 =	simm.s32 @!p0 $0x11  }
0xa5: {  	v40 =	vmul.f32 v40, v24;
	v25 =	vadd.f32 v38, v25;
	v26 =	vadd.f32 v43, v26;
	[tilespmem:s30], [sflag:$0xC] =	stream.indirect.gather [hbm4b:s1+s9], $0x80, s21, s9, $0xb8;
	[tilespmem:$0x1DE00] =	vst v63  }
0xa6: {  	v15 =	vadd.f32 v61, v15;
	v19 =	vadd.f32 v45, v19;
	v0 =	vmul.f32 v0, v24;
	_ =	swait.ge @!p0 [sflag:s7], $0x100  }
0xa7: {  	v62 =	vmul.f32 v50, v24;
	v22 =	vadd.f32 v40, v22;
	v2 =	vmul.f32 v2, v35;
	[sflag:s7] =	ssyncset.done @!p0 $0x0  }
0xa8: {  	v63 =	vmul.f32 v49, v35;
	v50 =	vadd.f32 v31, v15;
	v0 =	vadd.f32 v0, v19;
	[sflag:s7] =	ssyncadd.s32 @!p0 $0xFFFFFF00  }
0xa9: {  	v26 =	vadd.f32 v62, v26;
	v19 =	vmul.f32 v39, v35;
	v2 =	vadd.f32 v2, v18;
	[tilespmem:$0x1DC00] =	vst v22  }
0xaa: {  	v3 =	vmul.f32 v3, v35;
	v28 =	vmul.f32 v28, v35;
	v18 =	vadd.f32 v41, v25;
	[tilespmem:$0x1DC10] =	vst v0  }
0xab: {  	v46 =	vmul.f32 v59, v24;
	v17 =	vadd.f32 v19, v17;
	v2 =	vadd.f32 v30, v2;
	[tilespmem:$0x1DC20] =	vst v26  }
0xac: {  	v34 =	vadd.f32 v63, v34;
	v20 =	vadd.f32 v28, v20;
	v19 =	vmul.f32 v36, v35;
	[tilespmem:$0x1DC30] =	vst v18  }
0xad: {  	v3 =	vadd.f32 v3, v21;
	v22 =	vmul.f32 v57, v24;
	v0 =	vadd.f32 v46, v17;
	[tilespmem:$0x1DC40] =	vst v2  }
0xae: {  	v47 =	vadd.f32 v19, v16;
	v16 =	vmul.f32 v37, v35;
	v17 =	vadd.f32 v27, v20;
	[tilespmem:$0x1DCC0] =	vst v50  }
0xaf: {  	v1 =	vmul.f32 v1, v35;
	v18 =	vmul.f32 v29, v24;
	v3 =	vadd.f32 v22, v3;
	[tilespmem:$0x1DC60] =	vst v0  }
0xb0: {  	v49 =	vmul.f32 v33, v24;
	v14 =	vadd.f32 v16, v14;
	v2 =	vadd.f32 v32, v47;
	[tilespmem:$0x1DC70] =	vst v17  }
0xb1: {  	v1 =	vadd.f32 v1, v23;
	v18 =	vadd.f32 v18, v34;
	[tilespmem:$0x1DC50] =	vst v3;
	v3 =	vmul.f32 v58, v24  }
0xb2: {  	s0 =	rddreg [dreg:$0x7];
	v0 =	vadd.f32 v49, v14;
	[tilespmem:$0x1DC90] =	vst v2  }
0xb3: {  	s6 =	sadd.s32 s0, s12;
	[tilespmem:$0x1DC80] =	vst v18;
	v1 =	vadd.f32 v3, v1  }
0xb4: {  	s14 =	rddreg [dreg:$0x5];
	s7 =	sshll.u32 s6, $0x5;
	[tilespmem:$0x1DCB0] =	vst v0  }
0xb5: {  	s15 =	simm.s32 $0x1DC00;
	s18 =	sadd.s32 s14, s7;
	[tilespmem:$0x1DCA0] =	vst v1  }
0xb6: {  	[hbm4b:s18+s8] =	stream.strided.scatter [tilespmem:s15], [sflag:$0x11], $0x100, s31, s8, $0x38;
	[tilespmem:$0x1DE00] =	vst v63  }
0xb7: {  	_ =	swait.ge [sflag:s3], $0x6400  }
0xb8: {  	[sflag:s3] =	ssyncset.done $0x0  }
0xb9: {  	[sflag:s3] =	ssyncadd.s32 $0xFFFF9C00  }
0xba: {  	_ =	swait.ge [sflag:s29], $0xC8  }
0xbb: {  	v52 =	vld [tilespmem:$0x1FF90]  }
0xbc: {  	v54 =	vld [tilespmem:$0x1FF60]  }
0xbd: {  	v8 =	vld [tilespmem:$0x1FFF0]  }
0xbe: {  	v9 =	vld [tilespmem:$0x1FFD0]  }
0xbf: {  	[sflag:s29] =	ssyncset.done $0x0;
	v7 =	vld [tilespmem:$0x1FFB0]  }
0xc0: {  	v4 =	vld [tilespmem:$0x1FFE0];
	[sflag:s29] =	ssyncadd.s32 $0xFFFFFF38  }
0xc1: {  	v22 =	vld [tilespmem:$0x1D900]  }
0xc2: {  	v19 =	vld [tilespmem:$0x1D910]  }
0xc3: {  	v26 =	vld [tilespmem:$0x1D920]  }
0xc4: {  	s21 =	simm.s32 $0x1;
	s18 =	sshll.u32 s12, $0x7;
	v25 =	vld [tilespmem:$0x1D930]  }
0xc5: {  	v51 =	vadd.s32 s21, v12;
	s19 =	sor.u32 $0x80, s18;
	v18 =	vld [tilespmem:$0x1D940]  }
0xc6: {  	v29 =	vand.u32 $0x7F, v51;
	v28 =	vmov s19;
	v21 =	vld [tilespmem:$0x1D950]  }
0xc7: {  	v0 =	vor.u32 v28, v29;
	v17 =	vld [tilespmem:$0x1D960]  }
0xc8: {  	v20 =	vld [tilespmem:$0x1D970]  }
0xc9: {  	v34 =	vld [tilespmem:$0x1D980]  }
0xca: {  	s28 =	simm.s32 $0x0;
	v58 =	vor.u32 v5, v29;
	v16 =	vld [tilespmem:$0x1D990]  }
0xcb: {  	v56 =	vadd.s32 s28, v12;
	v23 =	vld [tilespmem:$0x1D9A0]  }
0xcc: {  	v24 =	vld.idx.msk [tilespmem:v0+s4+$0x0], $0xffff;
	v0 =	vand.u32 $0x7F, v56  }
0xcd: {  	v14 =	vld [tilespmem:$0x1D9B0];
	v57 =	vor.u32 v28, v0  }
0xce: {  	v15 =	vld [tilespmem:$0x1D9C0];
	v62 =	vor.u32 v6, v0  }
0xcf: {  	v40 =	vld.idx.msk [tilespmem:v58+s20+$0x0], $0xffff;
	v53 =	vor.u32 v52, v29  }
0xd0: {  	v55 =	vor.u32 v54, v29;
	v31 =	vor.u32 v4, v29;
	v59 =	vor.u32 v4, v0;
	v4 =	vld [tilespmem:$0x1FF70]  }
0xd1: {  	v3 =	vor.u32 v8, v29;
	v42 =	vor.u32 v8, v0;
	v8 =	vld [tilespmem:$0x1FFC0]  }
0xd2: {  	v27 =	vor.u32 v9, v29;
	v35 =	vld.idx.msk [tilespmem:v57+s4+$0x0], $0xffff  }
0xd3: {  	v30 =	vor.u32 v7, v29;
	v45 =	vld.idx.msk [tilespmem:v62+s20+$0x0], $0xffff  }
0xd4: {  	v1 =	vld.idx.msk [tilespmem:v53+s20+$0x0], $0xffff  }
0xd5: {  	v2 =	vld.idx.msk [tilespmem:v55+s20+$0x0], $0xffff  }
0xd6: {  	v3 =	vld.idx.msk [tilespmem:v3+s20+$0x0], $0xffff  }
0xd7: {  	v61 =	vor.u32 v54, v0;
	v27 =	vld.idx.msk [tilespmem:v27+s20+$0x0], $0xffff  }
0xd8: {  	v57 =	vor.u32 v13, v0;
	v33 =	vld.idx.msk [tilespmem:v30+s20+$0x0], $0xffff  }
0xd9: {  	v60 =	vor.u32 v4, v0;
	v41 =	vld.idx.msk [tilespmem:v31+s20+$0x0], $0xffff  }
0xda: {  	v30 =	vor.u32 v5, v0;
	v38 =	vld.idx.msk [tilespmem:v59+s20+$0x0], $0xffff  }
0xdb: {  	v31 =	vor.u32 v52, v0;
	v63 =	vor.u32 v4, v29;
	v4 =	vld [tilespmem:$0x1FFA0]  }
0xdc: {  	v37 =	vld.idx.msk [tilespmem:v61+s20+$0x0], $0xffff  }
0xdd: {  	v56 =	vor.u32 v10, v0;
	v49 =	vld.idx.msk [tilespmem:v57+s20+$0x0], $0xffff  }
0xde: {  	v46 =	vor.u32 v9, v0;
	v44 =	vor.u32 v7, v0;
	v54 =	vor.u32 v10, v29;
	v43 =	vld.idx.msk [tilespmem:v60+s20+$0x0], $0xffff  }
0xdf: {  	v39 =	vor.u32 v8, v0;
	v55 =	vor.u32 v6, v29;
	v47 =	vor.u32 v8, v29;
	v52 =	vld.idx.msk [tilespmem:v30+s20+$0x0], $0xffff  }
0xe0: {  	v53 =	vld.idx.msk [tilespmem:v31+s20+$0x0], $0xffff;
	v50 =	vor.u32 v4, v0;
	v31 =	vmul.f32 v1, v24;
	v32 =	vmul.f32 v2, v24  }
0xe1: {  	s21 =	simm.s32 $0x2;
	v48 =	vor.u32 v4, v29;
	v51 =	vld.idx.msk [tilespmem:v63+s20+$0x0], $0xffff;
	v30 =	vmul.f32 v3, v24;
	v27 =	vmul.f32 v27, v24  }
.LBB2_5:
0xe2: {  	_ =	sdelay $0x2  }
0xe3: {  	v0 =	vld.idx.msk [tilespmem:v55+s20+$0x0], $0xffff  }
0xe4: {  	v63 =	vld [tilespmem:$0x1FF80]  }
0xe5: {  	v57 =	vmov v35;
	v35 =	vld.idx.msk [tilespmem:v50+s20+$0x0], $0xffff  }
0xe6: {  	v42 =	vld.idx.msk [tilespmem:v42+s20+$0x0], $0xffff  }
0xe7: {  	v7 =	vld [tilespmem:$0x1FFE0]  }
0xe8: {  	v9 =	vld [tilespmem:$0x1FFF0]  }
0xe9: {  	v12 =	vld [tilespmem:$0x1FFD0]  }
0xea: {  	v11 =	vld [tilespmem:$0x1FF90]  }
0xeb: {  	v46 =	vld.idx.msk [tilespmem:v46+s20+$0x0], $0xffff  }
0xec: {  	v8 =	vld [tilespmem:$0x1FFB0];
	v36 =	vmul.f32 v33, v24;
	v1 =	vmul.f32 v41, v24  }
0xed: {  	v60 =	vld.idx.msk [tilespmem:v44+s20+$0x0], $0xffff;
	v61 =	vmul.f32 v52, v57;
	v41 =	vmul.f32 v53, v57  }
0xee: {  	s28 =	sadd.s32 $0x1, s21;
	v3 =	vmovc v24;
	v13 =	vlaneseq.u32;
	v4 =	vld [tilespmem:$0x1FF60];
	v43 =	vmul.f32 v43, v57;
	v33 =	vmul.f32 v38, v57  }
0xef: {  	v48 =	vld.idx.msk [tilespmem:v48+s20+$0x0], $0xffff;
	v24 =	vadd.s32 s28, v13;
	v44 =	vmul.f32 v51, v3;
	v62 =	vmul.f32 v37, v57  }
0xf0: {  	v53 =	vld.idx.msk [tilespmem:v56+s20+$0x0], $0xffff;
	v2 =	vor.u32 v63, v29;
	v29 =	vand.u32 $0x7F, v24;
	v24 =	vmul.f32 v40, v3  }
0xf1: {  	v38 =	vld.idx.msk [tilespmem:v39+s20+$0x0], $0xffff;
	v51 =	vmul.f32 v42, v57;
	v42 =	vmul.f32 v35, v57;
	v55 =	vor.u32 v28, v29  }
0xf2: {  	v37 =	vld.idx.msk [tilespmem:v54+s20+$0x0], $0xffff;
	v52 =	vor.u32 v7, v29;
	v50 =	vor.u32 v9, v29;
	v58 =	vor.u32 v11, v29  }
0xf3: {  	s6 =	smov.u32 s21;
	v56 =	vor.u32 v12, v29;
	v39 =	vor.u32 v4, v29;
	v26 =	vadd.f32 v43, v26;
	v43 =	vld.idx.msk [tilespmem:v47+s20+$0x0], $0xffff  }
0xf4: {  	v22 =	vadd.f32 v61, v22;
	v16 =	vadd.f32 v62, v16;
	v62 =	vadd.s32 s6, v13;
	v13 =	vld [tilespmem:$0x1FF70]  }
0xf5: {  	v59 =	vor.u32 v8, v29;
	v15 =	vadd.f32 v41, v15;
	v25 =	vadd.f32 v33, v25;
	v2 =	vld.idx.msk [tilespmem:v2+s20+$0x0], $0xffff  }
0xf6: {  	v61 =	vmul.f32 v49, v57;
	v23 =	vadd.f32 v42, v23;
	v22 =	vadd.f32 v24, v22;
	v24 =	vld.idx.msk [tilespmem:v55+s4+$0x0], $0xffff  }
0xf7: {  	v41 =	vmul.f32 v45, v57;
	v18 =	vadd.f32 v51, v18;
	v15 =	vadd.f32 v31, v15;
	v31 =	vld.idx.msk [tilespmem:v58+s20+$0x0], $0xffff  }
0xf8: {  	v40 =	vor.u32 v5, v29;
	v34 =	vadd.f32 v61, v34;
	v16 =	vadd.f32 v32, v16;
	v32 =	vld.idx.msk [tilespmem:v39+s20+$0x0], $0xffff  }
0xf9: {  	v0 =	vmul.f32 v0, v3;
	v25 =	vadd.f32 v1, v25;
	v19 =	vadd.f32 v41, v19;
	v61 =	vld.idx.msk [tilespmem:v50+s20+$0x0], $0xffff  }
0xfa: {  	v26 =	vadd.f32 v44, v26;
	v49 =	vmul.f32 v53, v57;
	v58 =	vand.u32 $0x7F, v62;
	v62 =	vld.idx.msk [tilespmem:v56+s20+$0x0], $0xffff  }
0xfb: {  	v53 =	vmul.f32 v46, v57;
	v18 =	vadd.f32 v30, v18;
	v33 =	vld.idx.msk [tilespmem:v59+s20+$0x0], $0xffff;
	v1 =	vor.u32 v28, v58  }
0xfc: {  	v19 =	vadd.f32 v0, v19;
	v56 =	vmul.f32 v38, v57;
	v41 =	vld.idx.msk [tilespmem:v52+s20+$0x0], $0xffff;
	v55 =	vor.u32 v7, v58  }
0xfd: {  	v59 =	vmul.f32 v37, v3;
	v40 =	vld.idx.msk [tilespmem:v40+s20+$0x0], $0xffff;
	v21 =	vadd.f32 v49, v21;
	v54 =	vor.u32 v13, v58  }
0xfe: {  	v49 =	vmul.f32 v43, v3;
	v45 =	vor.u32 v5, v58;
	v42 =	vor.u32 v9, v58;
	v9 =	vld [tilespmem:$0x1FFC0]  }
0xff: {  	v20 =	vadd.f32 v53, v20;
	v57 =	vmul.f32 v60, v57;
	v0 =	vor.u32 v4, v58;
	v7 =	vld [tilespmem:$0x1FFA0]  }
0x100: {  	v47 =	vor.u32 v6, v58;
	v63 =	vor.u32 v63, v58;
	v46 =	vor.u32 v12, v58;
	v35 =	vld.idx.msk [tilespmem:v1+s4+$0x0], $0xffff  }
0x101: {  	v44 =	vor.u32 v8, v58;
	v4 =	vor.u32 v13, v29;
	v17 =	vadd.f32 v56, v17;
	v38 =	vld.idx.msk [tilespmem:v55+s20+$0x0], $0xffff  }
0x102: {  	v60 =	vadd.f32 v57, v14;
	v21 =	vadd.f32 v59, v21;
	v56 =	vor.u32 v10, v58;
	v43 =	vld.idx.msk [tilespmem:v54+s20+$0x0], $0xffff  }
0x103: {  	p1 =	slt.u32 s21, $0x7E;
	v20 =	vadd.f32 v27, v20;
	v2 =	vmul.f32 v2, v3;
	v1 =	vor.u32 v11, v58;
	v52 =	vld.idx.msk [tilespmem:v45+s20+$0x0], $0xffff  }
.Ltmp1:
0x104: {  	v3 =	vmul.f32 v48, v3;
	v17 =	vadd.f32 v49, v17;
	v31 =	vmul.f32 v31, v24;
	v37 =	vld.idx.msk [tilespmem:v0+s20+$0x0], $0xffff;
	(pc) =	sbr.rel @p1 .LBB2_5-.Ltmp1, $4  }
0x105: {  	v14 =	vadd.f32 v36, v60;
	v32 =	vmul.f32 v32, v24;
	v30 =	vmul.f32 v61, v24;
	v45 =	vld.idx.msk [tilespmem:v47+s20+$0x0], $0xffff  }
0x106: {  	v27 =	vmul.f32 v62, v24;
	v39 =	vor.u32 v9, v58;
	v50 =	vor.u32 v7, v58;
	v51 =	vld.idx.msk [tilespmem:v4+s20+$0x0], $0xffff  }
0x107: {  	v55 =	vor.u32 v6, v29;
	v48 =	vor.u32 v7, v29;
	v23 =	vadd.f32 v3, v23;
	v49 =	vld.idx.msk [tilespmem:v63+s20+$0x0], $0xffff  }
0x108: {  	s21 =	sadd.s32 $0x2, s21;
	v54 =	vor.u32 v10, v29;
	v47 =	vor.u32 v9, v29;
	v34 =	vadd.f32 v2, v34;
	v53 =	vld.idx.msk [tilespmem:v1+s20+$0x0], $0xffff  }
0x109: {  	_ =	sdelay $0x3  }
0x10a: {  	v1 =	vld.idx.msk [tilespmem:v50+s20+$0x0], $0xffff  }
0x10b: {  	v50 =	vld [tilespmem:$0x1FF80]  }
0x10c: {  	v0 =	vld.idx.msk [tilespmem:v55+s20+$0x0], $0xffff  }
0x10d: {  	v2 =	vld.idx.msk [tilespmem:v42+s20+$0x0], $0xffff  }
0x10e: {  	v3 =	vld.idx.msk [tilespmem:v56+s20+$0x0], $0xffff  }
0x10f: {  	v4 =	vld.idx.msk [tilespmem:v46+s20+$0x0], $0xffff  }
0x110: {  	v36 =	vld.idx.msk [tilespmem:v39+s20+$0x0], $0xffff;
	v28 =	vor.u32 v50, v29  }
0x111: {  	v57 =	vld.idx.msk [tilespmem:v54+s20+$0x0], $0xffff;
	s6 =	smin.u32 s12, $0x76;
	s21 =	rddreg [dreg:$0x19]  }
0x112: {  	v58 =	vld.idx.msk [tilespmem:v48+s20+$0x0], $0xffff;
	s6 =	sadd.s32 s6, s21  }
0x113: {  	v59 =	vld.idx.msk [tilespmem:v47+s20+$0x0], $0xffff;
	s6 =	sshll.u32 s6, $0x5  }
0x114: {  	s0 =	simm.s32 $0x5;
	s6 =	sadd.s32 s5, s6;
	v29 =	vld.idx.msk [tilespmem:v44+s20+$0x0], $0xffff  }
0x115: {  	v28 =	vld.idx.msk [tilespmem:v28+s20+$0x0], $0xffff;
	[tilespmem:s25], [sflag:$0x2] =	stream.linear.gather [hbm4b:s6+s4], $0x100, $0x38  }
0x116: {  	_ =	swait.ge [sflag:s0], $0x100  }
0x117: {  	v41 =	vmul.f32 v41, v24;
	[sflag:s0] =	ssyncset.done $0x0  }
0x118: {  	v60 =	vmul.f32 v52, v35;
	s28 =	simm.s32 $0x4400;
	s14 =	simm.s32 $0x1D800;
	v43 =	vmul.f32 v43, v35;
	[sflag:s0] =	ssyncadd.s32 $0xFFFFFF00  }
0x119: {  	v38 =	vmul.f32 v38, v35;
	v40 =	vmul.f32 v40, v24;
	[tilespmem:s14], [sflag:$0xD] =	stream.indirect.gather [hbm4b:s2+s9], $0x1, s28, s9, $0xb8;
	[tilespmem:$0x1DE00] =	vst v63  }
0x11a: {  	v45 =	vmul.f32 v45, v35;
	v22 =	vadd.f32 v60, v22;
	v62 =	vmul.f32 v51, v24;
	s6 =	simm.s32 @!p0 $0x12  }
0x11b: {  	v25 =	vadd.f32 v38, v25;
	v26 =	vadd.f32 v43, v26;
	v51 =	vmul.f32 v33, v24;
	[tilespmem:s17], [sflag:$0x9] =	stream.indirect.gather [hbm4b:s1+s9], $0x80, s28, s9, $0xb8;
	[tilespmem:$0x1DE00] =	vst v63  }
0x11c: {  	v63 =	vmul.f32 v49, v35;
	v19 =	vadd.f32 v45, v19;
	v0 =	vmul.f32 v0, v24;
	_ =	swait.ge @!p0 [sflag:s6], $0x100  }
0x11d: {  	v22 =	vadd.f32 v40, v22;
	v26 =	vadd.f32 v62, v26;
	v2 =	vmul.f32 v2, v35;
	[sflag:s6] =	ssyncset.done @!p0 $0x0  }
0x11e: {  	v4 =	vmul.f32 v4, v35;
	v0 =	vadd.f32 v0, v19;
	v19 =	vmul.f32 v36, v35;
	[sflag:s6] =	ssyncadd.s32 @!p0 $0xFFFFFF00  }
0x11f: {  	v3 =	vmul.f32 v3, v35;
	v2 =	vadd.f32 v2, v18;
	v18 =	vadd.f32 v41, v25;
	[tilespmem:$0x1DD00] =	vst v22  }
0x120: {  	v4 =	vadd.f32 v4, v20;
	v17 =	vadd.f32 v19, v17;
	v19 =	vmul.f32 v37, v35;
	[tilespmem:$0x1DD10] =	vst v0  }
0x121: {  	v48 =	vmul.f32 v59, v24;
	v3 =	vadd.f32 v3, v21;
	v2 =	vadd.f32 v30, v2;
	[tilespmem:$0x1DD20] =	vst v26  }
0x122: {  	v61 =	vmul.f32 v53, v35;
	v4 =	vadd.f32 v27, v4;
	v49 =	vadd.f32 v19, v16;
	[tilespmem:$0x1DD30] =	vst v18  }
0x123: {  	v16 =	vmul.f32 v29, v35;
	v22 =	vmul.f32 v57, v24;
	v0 =	vadd.f32 v48, v17;
	[tilespmem:$0x1DD40] =	vst v2  }
0x124: {  	v34 =	vadd.f32 v63, v34;
	v18 =	vmul.f32 v28, v24;
	v2 =	vadd.f32 v32, v49;
	[tilespmem:$0x1DD70] =	vst v4  }
0x125: {  	v1 =	vmul.f32 v1, v35;
	v14 =	vadd.f32 v16, v14;
	v3 =	vadd.f32 v22, v3;
	[tilespmem:$0x1DD60] =	vst v0  }
0x126: {  	v4 =	vadd.f32 v61, v15;
	v17 =	vadd.f32 v18, v34;
	[tilespmem:$0x1DD90] =	vst v2  }
0x127: {  	v1 =	vadd.f32 v1, v23;
	v0 =	vadd.f32 v51, v14;
	[tilespmem:$0x1DD50] =	vst v3;
	v3 =	vmul.f32 v58, v24  }
0x128: {  	v52 =	vadd.f32 v31, v4;
	[tilespmem:$0x1DD80] =	vst v17  }
0x129: {  	[tilespmem:$0x1DDB0] =	vst v0;
	v1 =	vadd.f32 v3, v1  }
0x12a: {  	s15 =	rddreg [dreg:$0x11];
	[tilespmem:$0x1DDC0] =	vst v52  }
0x12b: {  	s19 =	simm.s32 $0x1DD00;
	s6 =	sadd.s32 s7, s15;
	[tilespmem:$0x1DDA0] =	vst v1  }
0x12c: {  	[hbm4b:s6+s8] =	stream.strided.scatter [tilespmem:s19], [sflag:$0x12], $0x100, s31, s8, $0x38;
	[tilespmem:$0x1DE00] =	vst v63  }
0x12d: {  	_ =	swait.ge [sflag:s22], $0x6400  }
0x12e: {  	[sflag:s22] =	ssyncset.done $0x0  }
0x12f: {  	[sflag:s22] =	ssyncadd.s32 $0xFFFF9C00  }
0x130: {  	_ =	swait.ge [sflag:s13], $0xC8  }
0x131: {  	v11 =	vld [tilespmem:$0x1FF90]  }
0x132: {  	v55 =	vld [tilespmem:$0x1FF60]  }
0x133: {  	v9 =	vld [tilespmem:$0x1FFF0]  }
0x134: {  	v12 =	vld [tilespmem:$0x1FFD0]  }
0x135: {  	v7 =	vlaneseq.u32;
	s21 =	simm.s32 $0x1;
	s28 =	simm.s32 $0x0;
	v8 =	vld [tilespmem:$0x1FFB0]  }
0x136: {  	v53 =	vadd.s32 s21, v7;
	v57 =	vadd.s32 s28, v7;
	[sflag:s13] =	ssyncset.done $0x0;
	v7 =	vld [tilespmem:$0x1FFE0]  }
0x137: {  	v13 =	vld [tilespmem:$0x1FF70];
	[sflag:s13] =	ssyncadd.s32 $0xFFFFFF38  }
0x138: {  	v22 =	vld [tilespmem:$0x1DA00]  }
0x139: {  	v19 =	vld [tilespmem:$0x1DA10]  }
0x13a: {  	v26 =	vld [tilespmem:$0x1DA20]  }
0x13b: {  	v25 =	vld [tilespmem:$0x1DA30]  }
0x13c: {  	s25 =	sor.u32 $0x100, s18;
	v18 =	vld [tilespmem:$0x1DA40]  }
0x13d: {  	v29 =	vand.u32 $0x7F, v53;
	v28 =	vmov s25;
	v21 =	vld [tilespmem:$0x1DA50]  }
0x13e: {  	v0 =	vor.u32 v28, v29;
	v17 =	vld [tilespmem:$0x1DA60]  }
0x13f: {  	v20 =	vld [tilespmem:$0x1DA70]  }
0x140: {  	v34 =	vld [tilespmem:$0x1DA80]  }
0x141: {  	v58 =	vor.u32 v5, v29;
	v16 =	vld [tilespmem:$0x1DA90]  }
0x142: {  	v23 =	vld [tilespmem:$0x1DAA0]  }
0x143: {  	v24 =	vld.idx.msk [tilespmem:v0+s4+$0x0], $0xffff;
	v0 =	vand.u32 $0x7F, v57  }
0x144: {  	v14 =	vld [tilespmem:$0x1DAB0];
	v31 =	vor.u32 v28, v0  }
0x145: {  	v15 =	vld [tilespmem:$0x1DAC0];
	v61 =	vor.u32 v6, v0  }
0x146: {  	v40 =	vld.idx.msk [tilespmem:v58+s23+$0x0], $0xffff;
	v63 =	vor.u32 v50, v0  }
0x147: {  	v54 =	vor.u32 v11, v29;
	v3 =	vor.u32 v9, v29;
	v42 =	vor.u32 v9, v0;
	v9 =	vld [tilespmem:$0x1FFC0]  }
0x148: {  	v56 =	vor.u32 v55, v29;
	v30 =	vor.u32 v7, v29;
	v59 =	vor.u32 v7, v0;
	v7 =	vld [tilespmem:$0x1FFA0]  }
0x149: {  	v35 =	vld.idx.msk [tilespmem:v31+s4+$0x0], $0xffff  }
0x14a: {  	v4 =	vor.u32 v12, v29;
	v45 =	vld.idx.msk [tilespmem:v61+s23+$0x0], $0xffff  }
0x14b: {  	v27 =	vor.u32 v8, v29;
	v49 =	vld.idx.msk [tilespmem:v63+s23+$0x0], $0xffff  }
0x14c: {  	v1 =	vld.idx.msk [tilespmem:v54+s23+$0x0], $0xffff  }
0x14d: {  	v2 =	vld.idx.msk [tilespmem:v56+s23+$0x0], $0xffff  }
0x14e: {  	v60 =	vor.u32 v13, v0;
	v3 =	vld.idx.msk [tilespmem:v3+s23+$0x0], $0xffff  }
0x14f: {  	v62 =	vor.u32 v13, v29;
	v4 =	vld.idx.msk [tilespmem:v4+s23+$0x0], $0xffff  }
0x150: {  	v31 =	vor.u32 v55, v0;
	v33 =	vld.idx.msk [tilespmem:v27+s23+$0x0], $0xffff  }
0x151: {  	v27 =	vor.u32 v5, v0;
	v41 =	vld.idx.msk [tilespmem:v30+s23+$0x0], $0xffff  }
0x152: {  	v30 =	vor.u32 v11, v0;
	v38 =	vld.idx.msk [tilespmem:v59+s23+$0x0], $0xffff  }
0x153: {  	v46 =	vor.u32 v12, v0;
	v43 =	vld.idx.msk [tilespmem:v60+s23+$0x0], $0xffff  }
0x154: {  	v44 =	vor.u32 v8, v0;
	v55 =	vor.u32 v6, v29;
	v39 =	vor.u32 v9, v0;
	v51 =	vld.idx.msk [tilespmem:v62+s23+$0x0], $0xffff  }
0x155: {  	v50 =	vor.u32 v7, v0;
	v48 =	vor.u32 v7, v29;
	v54 =	vor.u32 v10, v29;
	v37 =	vld.idx.msk [tilespmem:v31+s23+$0x0], $0xffff  }
0x156: {  	v47 =	vor.u32 v9, v29;
	v52 =	vld.idx.msk [tilespmem:v27+s23+$0x0], $0xffff;
	v31 =	vmul.f32 v1, v24;
	v32 =	vmul.f32 v2, v24  }
0x157: {  	s21 =	simm.s32 $0x2;
	v56 =	vor.u32 v10, v0;
	v53 =	vld.idx.msk [tilespmem:v30+s23+$0x0], $0xffff;
	v30 =	vmul.f32 v3, v24;
	v27 =	vmul.f32 v4, v24  }
.LBB2_7:
0x158: {  	_ =	sdelay $0x1  }
0x159: {  	v0 =	vld.idx.msk [tilespmem:v55+s23+$0x0], $0xffff  }
0x15a: {  	v62 =	vld [tilespmem:$0x1FF80]  }
0x15b: {  	v4 =	vmov v35;
	v35 =	vld.idx.msk [tilespmem:v50+s23+$0x0], $0xffff  }
0x15c: {  	v42 =	vld.idx.msk [tilespmem:v42+s23+$0x0], $0xffff  }
0x15d: {  	v7 =	vld [tilespmem:$0x1FFE0]  }
0x15e: {  	v9 =	vld [tilespmem:$0x1FFF0]  }
0x15f: {  	v12 =	vld [tilespmem:$0x1FFD0]  }
0x160: {  	v11 =	vld [tilespmem:$0x1FF90]  }
0x161: {  	v46 =	vld.idx.msk [tilespmem:v46+s23+$0x0], $0xffff  }
0x162: {  	v8 =	vld [tilespmem:$0x1FFB0];
	v36 =	vmul.f32 v33, v24;
	v61 =	vmul.f32 v37, v4  }
0x163: {  	v59 =	vld.idx.msk [tilespmem:v44+s23+$0x0], $0xffff;
	v1 =	vmul.f32 v41, v24;
	v63 =	vmul.f32 v52, v4  }
0x164: {  	s6 =	sadd.s32 $0x1, s21;
	v3 =	vmovc v24;
	v13 =	vlaneseq.u32;
	v48 =	vld.idx.msk [tilespmem:v48+s23+$0x0], $0xffff;
	v60 =	vmul.f32 v53, v4;
	v43 =	vmul.f32 v43, v4  }
0x165: {  	v37 =	vld.idx.msk [tilespmem:v54+s23+$0x0], $0xffff;
	v24 =	vadd.s32 s6, v13;
	v33 =	vmul.f32 v38, v4;
	v44 =	vmul.f32 v51, v3  }
0x166: {  	s28 =	smov.u32 s21;
	v53 =	vld.idx.msk [tilespmem:v56+s23+$0x0], $0xffff;
	v41 =	vmul.f32 v45, v4;
	v2 =	vor.u32 v62, v29;
	v29 =	vand.u32 $0x7F, v24  }
0x167: {  	v38 =	vld.idx.msk [tilespmem:v39+s23+$0x0], $0xffff;
	v16 =	vadd.f32 v61, v16;
	v61 =	vadd.s32 s28, v13;
	v55 =	vor.u32 v28, v29  }
0x168: {  	v13 =	vld [tilespmem:$0x1FF70];
	v24 =	vmul.f32 v40, v3;
	v51 =	vmul.f32 v42, v4;
	v57 =	vor.u32 v11, v29  }
0x169: {  	v42 =	vmul.f32 v35, v4;
	v50 =	vor.u32 v9, v29;
	v22 =	vadd.f32 v63, v22;
	v63 =	vld [tilespmem:$0x1FF60]  }
0x16a: {  	v52 =	vor.u32 v7, v29;
	v56 =	vor.u32 v12, v29;
	v26 =	vadd.f32 v43, v26;
	v43 =	vld.idx.msk [tilespmem:v47+s23+$0x0], $0xffff  }
0x16b: {  	v58 =	vor.u32 v8, v29;
	v15 =	vadd.f32 v60, v15;
	v25 =	vadd.f32 v33, v25;
	v2 =	vld.idx.msk [tilespmem:v2+s23+$0x0], $0xffff  }
0x16c: {  	v60 =	vmul.f32 v49, v4;
	v16 =	vadd.f32 v32, v16;
	v22 =	vadd.f32 v24, v22;
	v24 =	vld.idx.msk [tilespmem:v55+s4+$0x0], $0xffff  }
0x16d: {  	v40 =	vor.u32 v5, v29;
	v19 =	vadd.f32 v41, v19;
	v15 =	vadd.f32 v31, v15;
	v31 =	vld.idx.msk [tilespmem:v57+s23+$0x0], $0xffff  }
0x16e: {  	v0 =	vmul.f32 v0, v3;
	v23 =	vadd.f32 v42, v23;
	v34 =	vadd.f32 v60, v34;
	v60 =	vld.idx.msk [tilespmem:v50+s23+$0x0], $0xffff  }
0x16f: {  	v18 =	vadd.f32 v51, v18;
	v25 =	vadd.f32 v1, v25;
	v57 =	vand.u32 $0x7F, v61;
	v61 =	vld.idx.msk [tilespmem:v56+s23+$0x0], $0xffff  }
0x170: {  	v19 =	vadd.f32 v0, v19;
	v26 =	vadd.f32 v44, v26;
	v39 =	vor.u32 v63, v29;
	v33 =	vld.idx.msk [tilespmem:v58+s23+$0x0], $0xffff  }
0x171: {  	v49 =	vmul.f32 v53, v4;
	v53 =	vmul.f32 v46, v4;
	v41 =	vld.idx.msk [tilespmem:v52+s23+$0x0], $0xffff;
	v1 =	vor.u32 v28, v57  }
0x172: {  	v18 =	vadd.f32 v30, v18;
	v56 =	vmul.f32 v38, v4;
	v40 =	vld.idx.msk [tilespmem:v40+s23+$0x0], $0xffff;
	v55 =	vor.u32 v7, v57  }
0x173: {  	v58 =	vmul.f32 v37, v3;
	v54 =	vor.u32 v13, v57;
	v42 =	vor.u32 v9, v57;
	v9 =	vld [tilespmem:$0x1FFC0]  }
0x174: {  	v21 =	vadd.f32 v49, v21;
	v49 =	vmul.f32 v43, v3;
	v45 =	vor.u32 v5, v57;
	v7 =	vld [tilespmem:$0x1FFA0]  }
0x175: {  	v20 =	vadd.f32 v53, v20;
	v4 =	vmul.f32 v59, v4;
	v0 =	vor.u32 v63, v57;
	v32 =	vld.idx.msk [tilespmem:v39+s23+$0x0], $0xffff  }
0x176: {  	v47 =	vor.u32 v6, v57;
	v62 =	vor.u32 v62, v57;
	v46 =	vor.u32 v12, v57;
	v35 =	vld.idx.msk [tilespmem:v1+s4+$0x0], $0xffff  }
0x177: {  	v44 =	vor.u32 v8, v57;
	v63 =	vor.u32 v13, v29;
	v17 =	vadd.f32 v56, v17;
	v38 =	vld.idx.msk [tilespmem:v55+s23+$0x0], $0xffff  }
0x178: {  	v21 =	vadd.f32 v58, v21;
	v56 =	vor.u32 v10, v57;
	v20 =	vadd.f32 v27, v20;
	v43 =	vld.idx.msk [tilespmem:v54+s23+$0x0], $0xffff  }
0x179: {  	p1 =	slt.u32 s21, $0x7E;
	v2 =	vmul.f32 v2, v3;
	v3 =	vmul.f32 v48, v3;
	v1 =	vor.u32 v11, v57;
	v52 =	vld.idx.msk [tilespmem:v45+s23+$0x0], $0xffff  }
.Ltmp2:
0x17a: {  	v17 =	vadd.f32 v49, v17;
	v31 =	vmul.f32 v31, v24;
	v30 =	vmul.f32 v60, v24;
	v37 =	vld.idx.msk [tilespmem:v0+s23+$0x0], $0xffff;
	(pc) =	sbr.rel @p1 .LBB2_7-.Ltmp2, $4  }
0x17b: {  	v27 =	vmul.f32 v61, v24;
	v39 =	vor.u32 v9, v57;
	v50 =	vor.u32 v7, v57;
	v45 =	vld.idx.msk [tilespmem:v47+s23+$0x0], $0xffff  }
0x17c: {  	v55 =	vor.u32 v6, v29;
	v48 =	vor.u32 v7, v29;
	v0 =	vadd.f32 v4, v14;
	v51 =	vld.idx.msk [tilespmem:v63+s23+$0x0], $0xffff  }
0x17d: {  	v23 =	vadd.f32 v3, v23;
	v54 =	vor.u32 v10, v29;
	v47 =	vor.u32 v9, v29;
	v49 =	vld.idx.msk [tilespmem:v62+s23+$0x0], $0xffff  }
0x17e: {  	s21 =	sadd.s32 $0x2, s21;
	v34 =	vadd.f32 v2, v34;
	v14 =	vadd.f32 v36, v0;
	v32 =	vmul.f32 v32, v24;
	v53 =	vld.idx.msk [tilespmem:v1+s23+$0x0], $0xffff  }
0x17f: {  	_ =	sdelay $0x3  }
0x180: {  	v1 =	vld.idx.msk [tilespmem:v50+s23+$0x0], $0xffff  }
0x181: {  	v50 =	vld [tilespmem:$0x1FF80]  }
0x182: {  	v0 =	vld.idx.msk [tilespmem:v55+s23+$0x0], $0xffff  }
0x183: {  	v2 =	vld.idx.msk [tilespmem:v42+s23+$0x0], $0xffff  }
0x184: {  	v3 =	vld.idx.msk [tilespmem:v56+s23+$0x0], $0xffff  }
0x185: {  	v4 =	vld.idx.msk [tilespmem:v46+s23+$0x0], $0xffff  }
0x186: {  	v36 =	vld.idx.msk [tilespmem:v39+s23+$0x0], $0xffff;
	v28 =	vor.u32 v50, v29  }
0x187: {  	v57 =	vld.idx.msk [tilespmem:v54+s23+$0x0], $0xffff;
	s6 =	smin.u32 s12, $0x75;
	s21 =	rddreg [dreg:$0x1a]  }
0x188: {  	v58 =	vld.idx.msk [tilespmem:v48+s23+$0x0], $0xffff;
	s6 =	sadd.s32 s6, s21  }
0x189: {  	v59 =	vld.idx.msk [tilespmem:v47+s23+$0x0], $0xffff;
	s6 =	sshll.u32 s6, $0x5  }
0x18a: {  	s0 =	simm.s32 $0x6;
	s6 =	sadd.s32 s5, s6;
	v29 =	vld.idx.msk [tilespmem:v44+s23+$0x0], $0xffff  }
0x18b: {  	v28 =	vld.idx.msk [tilespmem:v28+s23+$0x0], $0xffff;
	[tilespmem:s10], [sflag:$0x3] =	stream.linear.gather [hbm4b:s6+s4], $0x100, $0x38  }
0x18c: {  	_ =	swait.ge [sflag:s0], $0x100  }
0x18d: {  	v41 =	vmul.f32 v41, v24;
	[sflag:s0] =	ssyncset.done $0x0  }
0x18e: {  	v60 =	vmul.f32 v52, v35;
	s28 =	simm.s32 $0x4500;
	v43 =	vmul.f32 v43, v35;
	s10 =	simm.s32 $0x1D900;
	[sflag:s0] =	ssyncadd.s32 $0xFFFFFF00  }
0x18f: {  	v38 =	vmul.f32 v38, v35;
	v40 =	vmul.f32 v40, v24;
	[tilespmem:s10], [sflag:$0xE] =	stream.indirect.gather [hbm4b:s2+s9], $0x1, s28, s9, $0xb8;
	[tilespmem:$0x1DE00] =	vst v63  }
0x190: {  	v45 =	vmul.f32 v45, v35;
	v22 =	vadd.f32 v60, v22;
	v62 =	vmul.f32 v51, v24;
	s6 =	simm.s32 @!p0 $0x11  }
0x191: {  	v25 =	vadd.f32 v38, v25;
	v26 =	vadd.f32 v43, v26;
	v51 =	vmul.f32 v33, v24;
	[tilespmem:s20], [sflag:$0xA] =	stream.indirect.gather [hbm4b:s1+s9], $0x80, s28, s9, $0xb8;
	[tilespmem:$0x1DE00] =	vst v63  }
0x192: {  	v63 =	vmul.f32 v49, v35;
	v19 =	vadd.f32 v45, v19;
	v0 =	vmul.f32 v0, v24;
	_ =	swait.ge @!p0 [sflag:s6], $0x100  }
0x193: {  	v22 =	vadd.f32 v40, v22;
	v26 =	vadd.f32 v62, v26;
	v2 =	vmul.f32 v2, v35;
	[sflag:s6] =	ssyncset.done @!p0 $0x0  }
0x194: {  	v4 =	vmul.f32 v4, v35;
	v0 =	vadd.f32 v0, v19;
	v19 =	vmul.f32 v36, v35;
	[sflag:s6] =	ssyncadd.s32 @!p0 $0xFFFFFF00  }
0x195: {  	v3 =	vmul.f32 v3, v35;
	v2 =	vadd.f32 v2, v18;
	v18 =	vadd.f32 v41, v25;
	[tilespmem:$0x1DC00] =	vst v22  }
0x196: {  	v4 =	vadd.f32 v4, v20;
	v17 =	vadd.f32 v19, v17;
	v19 =	vmul.f32 v37, v35;
	[tilespmem:$0x1DC10] =	vst v0  }
0x197: {  	v48 =	vmul.f32 v59, v24;
	v3 =	vadd.f32 v3, v21;
	v2 =	vadd.f32 v30, v2;
	[tilespmem:$0x1DC20] =	vst v26  }
0x198: {  	v61 =	vmul.f32 v53, v35;
	v4 =	vadd.f32 v27, v4;
	v49 =	vadd.f32 v19, v16;
	[tilespmem:$0x1DC30] =	vst v18  }
0x199: {  	v16 =	vmul.f32 v29, v35;
	v22 =	vmul.f32 v57, v24;
	v0 =	vadd.f32 v48, v17;
	[tilespmem:$0x1DC40] =	vst v2  }
0x19a: {  	v34 =	vadd.f32 v63, v34;
	v18 =	vmul.f32 v28, v24;
	v2 =	vadd.f32 v32, v49;
	[tilespmem:$0x1DC70] =	vst v4  }
0x19b: {  	v1 =	vmul.f32 v1, v35;
	v14 =	vadd.f32 v16, v14;
	v3 =	vadd.f32 v22, v3;
	[tilespmem:$0x1DC60] =	vst v0  }
0x19c: {  	v4 =	vadd.f32 v61, v15;
	v17 =	vadd.f32 v18, v34;
	[tilespmem:$0x1DC90] =	vst v2  }
0x19d: {  	v1 =	vadd.f32 v1, v23;
	v0 =	vadd.f32 v51, v14;
	[tilespmem:$0x1DC50] =	vst v3;
	v3 =	vmul.f32 v58, v24  }
0x19e: {  	v52 =	vadd.f32 v31, v4;
	[tilespmem:$0x1DC80] =	vst v17  }
0x19f: {  	[tilespmem:$0x1DCB0] =	vst v0;
	v1 =	vadd.f32 v3, v1  }
0x1a0: {  	s14 =	rddreg [dreg:$0x12];
	[tilespmem:$0x1DCC0] =	vst v52  }
0x1a1: {  	s15 =	simm.s32 $0x1DC00;
	s19 =	simm.s32 $0xC;
	s6 =	sadd.s32 s7, s14;
	[tilespmem:$0x1DCA0] =	vst v1  }
0x1a2: {  	[hbm4b:s6+s8] =	stream.strided.scatter [tilespmem:s15], [sflag:$0x11], $0x100, s31, s8, $0x38;
	[tilespmem:$0x1DE00] =	vst v63  }
0x1a3: {  	_ =	swait.ge [sflag:s19], $0x6400  }
0x1a4: {  	[sflag:s19] =	ssyncset.done $0x0  }
0x1a5: {  	[sflag:s19] =	ssyncadd.s32 $0xFFFF9C00  }
0x1a6: {  	_ =	swait.ge [sflag:s16], $0xC8  }
0x1a7: {  	v11 =	vld [tilespmem:$0x1FF90]  }
0x1a8: {  	v55 =	vld [tilespmem:$0x1FF60]  }
0x1a9: {  	v9 =	vld [tilespmem:$0x1FFF0]  }
0x1aa: {  	v12 =	vld [tilespmem:$0x1FFD0]  }
0x1ab: {  	v7 =	vlaneseq.u32;
	s21 =	simm.s32 $0x1;
	s28 =	simm.s32 $0x0;
	v8 =	vld [tilespmem:$0x1FFB0]  }
0x1ac: {  	v53 =	vadd.s32 s21, v7;
	v57 =	vadd.s32 s28, v7;
	[sflag:s16] =	ssyncset.done $0x0;
	v7 =	vld [tilespmem:$0x1FFE0]  }
0x1ad: {  	v13 =	vld [tilespmem:$0x1FF70];
	[sflag:s16] =	ssyncadd.s32 $0xFFFFFF38  }
0x1ae: {  	v22 =	vld [tilespmem:$0x1DB00]  }
0x1af: {  	v19 =	vld [tilespmem:$0x1DB10]  }
0x1b0: {  	v26 =	vld [tilespmem:$0x1DB20]  }
0x1b1: {  	v25 =	vld [tilespmem:$0x1DB30]  }
0x1b2: {  	s25 =	sor.u32 $0x180, s18;
	v18 =	vld [tilespmem:$0x1DB40]  }
0x1b3: {  	v29 =	vand.u32 $0x7F, v53;
	v28 =	vmov s25;
	v21 =	vld [tilespmem:$0x1DB50]  }
0x1b4: {  	v0 =	vor.u32 v28, v29;
	v17 =	vld [tilespmem:$0x1DB60]  }
0x1b5: {  	v20 =	vld [tilespmem:$0x1DB70]  }
0x1b6: {  	v34 =	vld [tilespmem:$0x1DB80]  }
0x1b7: {  	v58 =	vor.u32 v5, v29;
	v16 =	vld [tilespmem:$0x1DB90]  }
0x1b8: {  	v23 =	vld [tilespmem:$0x1DBA0]  }
0x1b9: {  	v24 =	vld.idx.msk [tilespmem:v0+s4+$0x0], $0xffff;
	v0 =	vand.u32 $0x7F, v57  }
0x1ba: {  	v14 =	vld [tilespmem:$0x1DBB0];
	v31 =	vor.u32 v28, v0  }
0x1bb: {  	v15 =	vld [tilespmem:$0x1DBC0];
	v61 =	vor.u32 v6, v0  }
0x1bc: {  	v40 =	vld.idx.msk [tilespmem:v58+s30+$0x0], $0xffff;
	v63 =	vor.u32 v50, v0  }
0x1bd: {  	v54 =	vor.u32 v11, v29;
	v3 =	vor.u32 v9, v29;
	v42 =	vor.u32 v9, v0;
	v9 =	vld [tilespmem:$0x1FFC0]  }
0x1be: {  	v56 =	vor.u32 v55, v29;
	v30 =	vor.u32 v7, v29;
	v59 =	vor.u32 v7, v0;
	v7 =	vld [tilespmem:$0x1FFA0]  }
0x1bf: {  	v35 =	vld.idx.msk [tilespmem:v31+s4+$0x0], $0xffff  }
0x1c0: {  	v4 =	vor.u32 v12, v29;
	v45 =	vld.idx.msk [tilespmem:v61+s30+$0x0], $0xffff  }
0x1c1: {  	v27 =	vor.u32 v8, v29;
	v49 =	vld.idx.msk [tilespmem:v63+s30+$0x0], $0xffff  }
0x1c2: {  	v1 =	vld.idx.msk [tilespmem:v54+s30+$0x0], $0xffff  }
0x1c3: {  	v2 =	vld.idx.msk [tilespmem:v56+s30+$0x0], $0xffff  }
0x1c4: {  	v60 =	vor.u32 v13, v0;
	v3 =	vld.idx.msk [tilespmem:v3+s30+$0x0], $0xffff  }
0x1c5: {  	v62 =	vor.u32 v13, v29;
	v4 =	vld.idx.msk [tilespmem:v4+s30+$0x0], $0xffff  }
0x1c6: {  	v31 =	vor.u32 v55, v0;
	v33 =	vld.idx.msk [tilespmem:v27+s30+$0x0], $0xffff  }
0x1c7: {  	v27 =	vor.u32 v5, v0;
	v41 =	vld.idx.msk [tilespmem:v30+s30+$0x0], $0xffff  }
0x1c8: {  	v30 =	vor.u32 v11, v0;
	v38 =	vld.idx.msk [tilespmem:v59+s30+$0x0], $0xffff  }
0x1c9: {  	v46 =	vor.u32 v12, v0;
	v43 =	vld.idx.msk [tilespmem:v60+s30+$0x0], $0xffff  }
0x1ca: {  	v44 =	vor.u32 v8, v0;
	v55 =	vor.u32 v6, v29;
	v39 =	vor.u32 v9, v0;
	v51 =	vld.idx.msk [tilespmem:v62+s30+$0x0], $0xffff  }
0x1cb: {  	v50 =	vor.u32 v7, v0;
	v48 =	vor.u32 v7, v29;
	v54 =	vor.u32 v10, v29;
	v37 =	vld.idx.msk [tilespmem:v31+s30+$0x0], $0xffff  }
0x1cc: {  	v47 =	vor.u32 v9, v29;
	v52 =	vld.idx.msk [tilespmem:v27+s30+$0x0], $0xffff;
	v31 =	vmul.f32 v1, v24;
	v32 =	vmul.f32 v2, v24  }
0x1cd: {  	s21 =	simm.s32 $0x2;
	s0 =	simm.s32 $0x4500;
	v56 =	vor.u32 v10, v0;
	v53 =	vld.idx.msk [tilespmem:v30+s30+$0x0], $0xffff;
	v30 =	vmul.f32 v3, v24;
	v27 =	vmul.f32 v4, v24  }
.LBB2_9:
0x1ce: {  	_ =	sdelay $0x1  }
0x1cf: {  	v0 =	vld.idx.msk [tilespmem:v55+s30+$0x0], $0xffff  }
0x1d0: {  	v62 =	vld [tilespmem:$0x1FF80]  }
0x1d1: {  	v4 =	vmov v35;
	v35 =	vld.idx.msk [tilespmem:v50+s30+$0x0], $0xffff  }
0x1d2: {  	v42 =	vld.idx.msk [tilespmem:v42+s30+$0x0], $0xffff  }
0x1d3: {  	v7 =	vld [tilespmem:$0x1FFE0]  }
0x1d4: {  	v9 =	vld [tilespmem:$0x1FFF0]  }
0x1d5: {  	v12 =	vld [tilespmem:$0x1FFD0]  }
0x1d6: {  	v11 =	vld [tilespmem:$0x1FF90]  }
0x1d7: {  	v46 =	vld.idx.msk [tilespmem:v46+s30+$0x0], $0xffff  }
0x1d8: {  	v8 =	vld [tilespmem:$0x1FFB0];
	v36 =	vmul.f32 v33, v24;
	v61 =	vmul.f32 v37, v4  }
0x1d9: {  	v59 =	vld.idx.msk [tilespmem:v44+s30+$0x0], $0xffff;
	v1 =	vmul.f32 v41, v24;
	v63 =	vmul.f32 v52, v4  }
0x1da: {  	s6 =	sadd.s32 $0x1, s21;
	v3 =	vmovc v24;
	v13 =	vlaneseq.u32;
	v48 =	vld.idx.msk [tilespmem:v48+s30+$0x0], $0xffff;
	v60 =	vmul.f32 v53, v4;
	v43 =	vmul.f32 v43, v4  }
0x1db: {  	v37 =	vld.idx.msk [tilespmem:v54+s30+$0x0], $0xffff;
	v24 =	vadd.s32 s6, v13;
	v33 =	vmul.f32 v38, v4;
	v44 =	vmul.f32 v51, v3  }
0x1dc: {  	s28 =	smov.u32 s21;
	v53 =	vld.idx.msk [tilespmem:v56+s30+$0x0], $0xffff;
	v41 =	vmul.f32 v45, v4;
	v2 =	vor.u32 v62, v29;
	v29 =	vand.u32 $0x7F, v24  }
0x1dd: {  	v38 =	vld.idx.msk [tilespmem:v39+s30+$0x0], $0xffff;
	v16 =	vadd.f32 v61, v16;
	v61 =	vadd.s32 s28, v13;
	v55 =	vor.u32 v28, v29  }
0x1de: {  	v13 =	vld [tilespmem:$0x1FF70];
	v24 =	vmul.f32 v40, v3;
	v51 =	vmul.f32 v42, v4;
	v57 =	vor.u32 v11, v29  }
0x1df: {  	v42 =	vmul.f32 v35, v4;
	v50 =	vor.u32 v9, v29;
	v22 =	vadd.f32 v63, v22;
	v63 =	vld [tilespmem:$0x1FF60]  }
0x1e0: {  	v52 =	vor.u32 v7, v29;
	v56 =	vor.u32 v12, v29;
	v26 =	vadd.f32 v43, v26;
	v43 =	vld.idx.msk [tilespmem:v47+s30+$0x0], $0xffff  }
0x1e1: {  	v58 =	vor.u32 v8, v29;
	v15 =	vadd.f32 v60, v15;
	v25 =	vadd.f32 v33, v25;
	v2 =	vld.idx.msk [tilespmem:v2+s30+$0x0], $0xffff  }
0x1e2: {  	v60 =	vmul.f32 v49, v4;
	v16 =	vadd.f32 v32, v16;
	v22 =	vadd.f32 v24, v22;
	v24 =	vld.idx.msk [tilespmem:v55+s4+$0x0], $0xffff  }
0x1e3: {  	v40 =	vor.u32 v5, v29;
	v19 =	vadd.f32 v41, v19;
	v15 =	vadd.f32 v31, v15;
	v31 =	vld.idx.msk [tilespmem:v57+s30+$0x0], $0xffff  }
0x1e4: {  	v0 =	vmul.f32 v0, v3;
	v23 =	vadd.f32 v42, v23;
	v34 =	vadd.f32 v60, v34;
	v60 =	vld.idx.msk [tilespmem:v50+s30+$0x0], $0xffff  }
0x1e5: {  	v18 =	vadd.f32 v51, v18;
	v25 =	vadd.f32 v1, v25;
	v57 =	vand.u32 $0x7F, v61;
	v61 =	vld.idx.msk [tilespmem:v56+s30+$0x0], $0xffff  }
0x1e6: {  	v19 =	vadd.f32 v0, v19;
	v26 =	vadd.f32 v44, v26;
	v39 =	vor.u32 v63, v29;
	v33 =	vld.idx.msk [tilespmem:v58+s30+$0x0], $0xffff  }
0x1e7: {  	v49 =	vmul.f32 v53, v4;
	v53 =	vmul.f32 v46, v4;
	v41 =	vld.idx.msk [tilespmem:v52+s30+$0x0], $0xffff;
	v1 =	vor.u32 v28, v57  }
0x1e8: {  	v18 =	vadd.f32 v30, v18;
	v56 =	vmul.f32 v38, v4;
	v40 =	vld.idx.msk [tilespmem:v40+s30+$0x0], $0xffff;
	v55 =	vor.u32 v7, v57  }
0x1e9: {  	v58 =	vmul.f32 v37, v3;
	v54 =	vor.u32 v13, v57;
	v42 =	vor.u32 v9, v57;
	v9 =	vld [tilespmem:$0x1FFC0]  }
0x1ea: {  	v21 =	vadd.f32 v49, v21;
	v49 =	vmul.f32 v43, v3;
	v45 =	vor.u32 v5, v57;
	v7 =	vld [tilespmem:$0x1FFA0]  }
0x1eb: {  	v20 =	vadd.f32 v53, v20;
	v4 =	vmul.f32 v59, v4;
	v0 =	vor.u32 v63, v57;
	v32 =	vld.idx.msk [tilespmem:v39+s30+$0x0], $0xffff  }
0x1ec: {  	v47 =	vor.u32 v6, v57;
	v62 =	vor.u32 v62, v57;
	v46 =	vor.u32 v12, v57;
	v35 =	vld.idx.msk [tilespmem:v1+s4+$0x0], $0xffff  }
0x1ed: {  	v44 =	vor.u32 v8, v57;
	v63 =	vor.u32 v13, v29;
	v17 =	vadd.f32 v56, v17;
	v38 =	vld.idx.msk [tilespmem:v55+s30+$0x0], $0xffff  }
0x1ee: {  	v21 =	vadd.f32 v58, v21;
	v56 =	vor.u32 v10, v57;
	v20 =	vadd.f32 v27, v20;
	v43 =	vld.idx.msk [tilespmem:v54+s30+$0x0], $0xffff  }
0x1ef: {  	p1 =	slt.u32 s21, $0x7E;
	v2 =	vmul.f32 v2, v3;
	v3 =	vmul.f32 v48, v3;
	v1 =	vor.u32 v11, v57;
	v52 =	vld.idx.msk [tilespmem:v45+s30+$0x0], $0xffff  }
.Ltmp3:
0x1f0: {  	v17 =	vadd.f32 v49, v17;
	v31 =	vmul.f32 v31, v24;
	v30 =	vmul.f32 v60, v24;
	v37 =	vld.idx.msk [tilespmem:v0+s30+$0x0], $0xffff;
	(pc) =	sbr.rel @p1 .LBB2_9-.Ltmp3, $4  }
0x1f1: {  	v27 =	vmul.f32 v61, v24;
	v39 =	vor.u32 v9, v57;
	v50 =	vor.u32 v7, v57;
	v45 =	vld.idx.msk [tilespmem:v47+s30+$0x0], $0xffff  }
0x1f2: {  	v55 =	vor.u32 v6, v29;
	v48 =	vor.u32 v7, v29;
	v0 =	vadd.f32 v4, v14;
	v51 =	vld.idx.msk [tilespmem:v63+s30+$0x0], $0xffff  }
0x1f3: {  	v23 =	vadd.f32 v3, v23;
	v54 =	vor.u32 v10, v29;
	v47 =	vor.u32 v9, v29;
	v49 =	vld.idx.msk [tilespmem:v62+s30+$0x0], $0xffff  }
0x1f4: {  	s21 =	sadd.s32 $0x2, s21;
	v34 =	vadd.f32 v2, v34;
	v14 =	vadd.f32 v36, v0;
	v32 =	vmul.f32 v32, v24;
	v53 =	vld.idx.msk [tilespmem:v1+s30+$0x0], $0xffff  }
0x1f5: {  	_ =	sdelay $0x3  }
0x1f6: {  	v1 =	vld.idx.msk [tilespmem:v50+s30+$0x0], $0xffff  }
0x1f7: {  	v50 =	vld [tilespmem:$0x1FF80]  }
0x1f8: {  	v0 =	vld.idx.msk [tilespmem:v55+s30+$0x0], $0xffff  }
0x1f9: {  	v2 =	vld.idx.msk [tilespmem:v42+s30+$0x0], $0xffff  }
0x1fa: {  	v3 =	vld.idx.msk [tilespmem:v56+s30+$0x0], $0xffff  }
0x1fb: {  	v4 =	vld.idx.msk [tilespmem:v46+s30+$0x0], $0xffff  }
0x1fc: {  	v36 =	vld.idx.msk [tilespmem:v39+s30+$0x0], $0xffff;
	v28 =	vor.u32 v50, v29  }
0x1fd: {  	v57 =	vld.idx.msk [tilespmem:v54+s30+$0x0], $0xffff;
	s6 =	smin.u32 s12, $0x74;
	s21 =	rddreg [dreg:$0x1b]  }
0x1fe: {  	v58 =	vld.idx.msk [tilespmem:v48+s30+$0x0], $0xffff;
	s6 =	sadd.s32 s6, s21  }
0x1ff: {  	v59 =	vld.idx.msk [tilespmem:v47+s30+$0x0], $0xffff;
	s6 =	sshll.u32 s6, $0x5  }
0x200: {  	s10 =	simm.s32 $0x4300;
	s21 =	simm.s32 $0x7;
	s6 =	sadd.s32 s5, s6;
	v29 =	vld.idx.msk [tilespmem:v44+s30+$0x0], $0xffff  }
0x201: {  	v28 =	vld.idx.msk [tilespmem:v28+s30+$0x0], $0xffff;
	[tilespmem:s10], [sflag:$0x4] =	stream.linear.gather [hbm4b:s6+s4], $0x100, $0x38  }
0x202: {  	_ =	swait.ge [sflag:s21], $0x100  }
0x203: {  	v41 =	vmul.f32 v41, v24;
	[sflag:s21] =	ssyncset.done $0x0  }
0x204: {  	v60 =	vmul.f32 v52, v35;
	s25 =	simm.s32 $0x4600;
	s28 =	simm.s32 $0x1DA00;
	v43 =	vmul.f32 v43, v35;
	[sflag:s21] =	ssyncadd.s32 $0xFFFFFF00  }
0x205: {  	v38 =	vmul.f32 v38, v35;
	v40 =	vmul.f32 v40, v24;
	[tilespmem:s28], [sflag:$0xF] =	stream.indirect.gather [hbm4b:s2+s9], $0x1, s25, s9, $0xb8;
	[tilespmem:$0x1DE00] =	vst v63  }
0x206: {  	v45 =	vmul.f32 v45, v35;
	v22 =	vadd.f32 v60, v22;
	v62 =	vmul.f32 v51, v24;
	s6 =	simm.s32 @!p0 $0x12  }
0x207: {  	v25 =	vadd.f32 v38, v25;
	v26 =	vadd.f32 v43, v26;
	v51 =	vmul.f32 v33, v24;
	[tilespmem:s23], [sflag:$0xB] =	stream.indirect.gather [hbm4b:s1+s9], $0x80, s25, s9, $0xb8;
	[tilespmem:$0x1DE00] =	vst v63  }
0x208: {  	v63 =	vmul.f32 v49, v35;
	v19 =	vadd.f32 v45, v19;
	v0 =	vmul.f32 v0, v24;
	_ =	swait.ge @!p0 [sflag:s6], $0x100  }
0x209: {  	v22 =	vadd.f32 v40, v22;
	v26 =	vadd.f32 v62, v26;
	v2 =	vmul.f32 v2, v35;
	[sflag:s6] =	ssyncset.done @!p0 $0x0  }
0x20a: {  	v4 =	vmul.f32 v4, v35;
	v0 =	vadd.f32 v0, v19;
	v19 =	vmul.f32 v36, v35;
	[sflag:s6] =	ssyncadd.s32 @!p0 $0xFFFFFF00  }
0x20b: {  	v3 =	vmul.f32 v3, v35;
	v2 =	vadd.f32 v2, v18;
	v18 =	vadd.f32 v41, v25;
	[tilespmem:$0x1DD00] =	vst v22  }
0x20c: {  	v4 =	vadd.f32 v4, v20;
	v17 =	vadd.f32 v19, v17;
	v19 =	vmul.f32 v37, v35;
	[tilespmem:$0x1DD10] =	vst v0  }
0x20d: {  	v48 =	vmul.f32 v59, v24;
	v3 =	vadd.f32 v3, v21;
	v2 =	vadd.f32 v30, v2;
	[tilespmem:$0x1DD20] =	vst v26  }
0x20e: {  	v61 =	vmul.f32 v53, v35;
	v4 =	vadd.f32 v27, v4;
	v49 =	vadd.f32 v19, v16;
	[tilespmem:$0x1DD30] =	vst v18  }
0x20f: {  	v16 =	vmul.f32 v29, v35;
	v22 =	vmul.f32 v57, v24;
	v0 =	vadd.f32 v48, v17;
	[tilespmem:$0x1DD40] =	vst v2  }
0x210: {  	v34 =	vadd.f32 v63, v34;
	v18 =	vmul.f32 v28, v24;
	v2 =	vadd.f32 v32, v49;
	[tilespmem:$0x1DD70] =	vst v4  }
0x211: {  	v1 =	vmul.f32 v1, v35;
	v14 =	vadd.f32 v16, v14;
	v3 =	vadd.f32 v22, v3;
	[tilespmem:$0x1DD60] =	vst v0  }
0x212: {  	v4 =	vadd.f32 v61, v15;
	v17 =	vadd.f32 v18, v34;
	[tilespmem:$0x1DD90] =	vst v2  }
0x213: {  	v1 =	vadd.f32 v1, v23;
	v0 =	vadd.f32 v51, v14;
	[tilespmem:$0x1DD50] =	vst v3;
	v3 =	vmul.f32 v58, v24  }
0x214: {  	v52 =	vadd.f32 v31, v4;
	[tilespmem:$0x1DD80] =	vst v17  }
0x215: {  	[tilespmem:$0x1DDB0] =	vst v0;
	v1 =	vadd.f32 v3, v1  }
0x216: {  	s14 =	rddreg [dreg:$0x13];
	[tilespmem:$0x1DDC0] =	vst v52  }
0x217: {  	s15 =	simm.s32 $0x1DD00;
	s6 =	sadd.s32 s7, s14;
	[tilespmem:$0x1DDA0] =	vst v1  }
0x218: {  	[hbm4b:s6+s8] =	stream.strided.scatter [tilespmem:s15], [sflag:$0x12], $0x100, s31, s8, $0x38;
	[tilespmem:$0x1DE00] =	vst v63  }
0x219: {  	_ =	swait.ge [sflag:s24], $0x6400  }
0x21a: {  	[sflag:s24] =	ssyncset.done $0x0  }
0x21b: {  	[sflag:s24] =	ssyncadd.s32 $0xFFFF9C00  }
0x21c: {  	_ =	swait.ge [sflag:s26], $0xC8  }
0x21d: {  	v11 =	vld [tilespmem:$0x1FF90]  }
0x21e: {  	v55 =	vld [tilespmem:$0x1FF60]  }
0x21f: {  	v9 =	vld [tilespmem:$0x1FFF0]  }
0x220: {  	v12 =	vld [tilespmem:$0x1FFD0]  }
0x221: {  	v7 =	vlaneseq.u32;
	s21 =	simm.s32 $0x1;
	s28 =	simm.s32 $0x0;
	v8 =	vld [tilespmem:$0x1FFB0]  }
0x222: {  	v53 =	vadd.s32 s21, v7;
	v57 =	vadd.s32 s28, v7;
	[sflag:s26] =	ssyncset.done $0x0;
	v7 =	vld [tilespmem:$0x1FFE0]  }
0x223: {  	v13 =	vld [tilespmem:$0x1FF70];
	[sflag:s26] =	ssyncadd.s32 $0xFFFFFF38  }
0x224: {  	v22 =	vld [tilespmem:$0x1D800]  }
0x225: {  	v19 =	vld [tilespmem:$0x1D810]  }
0x226: {  	v26 =	vld [tilespmem:$0x1D820]  }
0x227: {  	v25 =	vld [tilespmem:$0x1D830]  }
0x228: {  	s25 =	sor.u32 $0x200, s18;
	v18 =	vld [tilespmem:$0x1D840]  }
0x229: {  	v29 =	vand.u32 $0x7F, v53;
	v28 =	vmov s25;
	v21 =	vld [tilespmem:$0x1D850]  }
0x22a: {  	v0 =	vor.u32 v28, v29;
	v17 =	vld [tilespmem:$0x1D860]  }
0x22b: {  	v20 =	vld [tilespmem:$0x1D870]  }
0x22c: {  	v34 =	vld [tilespmem:$0x1D880]  }
0x22d: {  	v58 =	vor.u32 v5, v29;
	v16 =	vld [tilespmem:$0x1D890]  }
0x22e: {  	v23 =	vld [tilespmem:$0x1D8A0]  }
0x22f: {  	v24 =	vld.idx.msk [tilespmem:v0+s4+$0x0], $0xffff;
	v0 =	vand.u32 $0x7F, v57  }
0x230: {  	v14 =	vld [tilespmem:$0x1D8B0];
	v31 =	vor.u32 v28, v0  }
0x231: {  	v15 =	vld [tilespmem:$0x1D8C0];
	v61 =	vor.u32 v6, v0  }
0x232: {  	v40 =	vld.idx.msk [tilespmem:v58+s17+$0x0], $0xffff;
	v63 =	vor.u32 v50, v0  }
0x233: {  	v54 =	vor.u32 v11, v29;
	v3 =	vor.u32 v9, v29;
	v42 =	vor.u32 v9, v0;
	v9 =	vld [tilespmem:$0x1FFC0]  }
0x234: {  	v56 =	vor.u32 v55, v29;
	v30 =	vor.u32 v7, v29;
	v59 =	vor.u32 v7, v0;
	v7 =	vld [tilespmem:$0x1FFA0]  }
0x235: {  	v35 =	vld.idx.msk [tilespmem:v31+s4+$0x0], $0xffff  }
0x236: {  	v4 =	vor.u32 v12, v29;
	v45 =	vld.idx.msk [tilespmem:v61+s17+$0x0], $0xffff  }
0x237: {  	v27 =	vor.u32 v8, v29;
	v49 =	vld.idx.msk [tilespmem:v63+s17+$0x0], $0xffff  }
0x238: {  	v1 =	vld.idx.msk [tilespmem:v54+s17+$0x0], $0xffff  }
0x239: {  	v2 =	vld.idx.msk [tilespmem:v56+s17+$0x0], $0xffff  }
0x23a: {  	v60 =	vor.u32 v13, v0;
	v3 =	vld.idx.msk [tilespmem:v3+s17+$0x0], $0xffff  }
0x23b: {  	v62 =	vor.u32 v13, v29;
	v4 =	vld.idx.msk [tilespmem:v4+s17+$0x0], $0xffff  }
0x23c: {  	v31 =	vor.u32 v55, v0;
	v33 =	vld.idx.msk [tilespmem:v27+s17+$0x0], $0xffff  }
0x23d: {  	v27 =	vor.u32 v5, v0;
	v41 =	vld.idx.msk [tilespmem:v30+s17+$0x0], $0xffff  }
0x23e: {  	v30 =	vor.u32 v11, v0;
	v38 =	vld.idx.msk [tilespmem:v59+s17+$0x0], $0xffff  }
0x23f: {  	v46 =	vor.u32 v12, v0;
	v43 =	vld.idx.msk [tilespmem:v60+s17+$0x0], $0xffff  }
0x240: {  	v44 =	vor.u32 v8, v0;
	v55 =	vor.u32 v6, v29;
	v39 =	vor.u32 v9, v0;
	v51 =	vld.idx.msk [tilespmem:v62+s17+$0x0], $0xffff  }
0x241: {  	v50 =	vor.u32 v7, v0;
	v48 =	vor.u32 v7, v29;
	v54 =	vor.u32 v10, v29;
	v37 =	vld.idx.msk [tilespmem:v31+s17+$0x0], $0xffff  }
0x242: {  	v47 =	vor.u32 v9, v29;
	v52 =	vld.idx.msk [tilespmem:v27+s17+$0x0], $0xffff;
	v31 =	vmul.f32 v1, v24;
	v32 =	vmul.f32 v2, v24  }
0x243: {  	s19 =	simm.s32 $0x4600;
	s21 =	simm.s32 $0x2;
	v56 =	vor.u32 v10, v0;
	v53 =	vld.idx.msk [tilespmem:v30+s17+$0x0], $0xffff;
	v30 =	vmul.f32 v3, v24;
	v27 =	vmul.f32 v4, v24  }
.LBB2_11:
0x244: {  	_ =	sdelay $0x1  }
0x245: {  	v0 =	vld.idx.msk [tilespmem:v55+s17+$0x0], $0xffff  }
0x246: {  	v62 =	vld [tilespmem:$0x1FF80]  }
0x247: {  	v4 =	vmov v35;
	v35 =	vld.idx.msk [tilespmem:v50+s17+$0x0], $0xffff  }
0x248: {  	v42 =	vld.idx.msk [tilespmem:v42+s17+$0x0], $0xffff  }
0x249: {  	v7 =	vld [tilespmem:$0x1FFE0]  }
0x24a: {  	v9 =	vld [tilespmem:$0x1FFF0]  }
0x24b: {  	v12 =	vld [tilespmem:$0x1FFD0]  }
0x24c: {  	v11 =	vld [tilespmem:$0x1FF90]  }
0x24d: {  	v46 =	vld.idx.msk [tilespmem:v46+s17+$0x0], $0xffff  }
0x24e: {  	v8 =	vld [tilespmem:$0x1FFB0];
	v36 =	vmul.f32 v33, v24;
	v61 =	vmul.f32 v37, v4  }
0x24f: {  	v59 =	vld.idx.msk [tilespmem:v44+s17+$0x0], $0xffff;
	v1 =	vmul.f32 v41, v24;
	v63 =	vmul.f32 v52, v4  }
0x250: {  	s6 =	sadd.s32 $0x1, s21;
	v3 =	vmovc v24;
	v13 =	vlaneseq.u32;
	v48 =	vld.idx.msk [tilespmem:v48+s17+$0x0], $0xffff;
	v60 =	vmul.f32 v53, v4;
	v43 =	vmul.f32 v43, v4  }
0x251: {  	v37 =	vld.idx.msk [tilespmem:v54+s17+$0x0], $0xffff;
	v24 =	vadd.s32 s6, v13;
	v33 =	vmul.f32 v38, v4;
	v44 =	vmul.f32 v51, v3  }
0x252: {  	s28 =	smov.u32 s21;
	v53 =	vld.idx.msk [tilespmem:v56+s17+$0x0], $0xffff;
	v41 =	vmul.f32 v45, v4;
	v2 =	vor.u32 v62, v29;
	v29 =	vand.u32 $0x7F, v24  }
0x253: {  	v38 =	vld.idx.msk [tilespmem:v39+s17+$0x0], $0xffff;
	v16 =	vadd.f32 v61, v16;
	v61 =	vadd.s32 s28, v13;
	v55 =	vor.u32 v28, v29  }
0x254: {  	v13 =	vld [tilespmem:$0x1FF70];
	v24 =	vmul.f32 v40, v3;
	v51 =	vmul.f32 v42, v4;
	v57 =	vor.u32 v11, v29  }
0x255: {  	v42 =	vmul.f32 v35, v4;
	v50 =	vor.u32 v9, v29;
	v22 =	vadd.f32 v63, v22;
	v63 =	vld [tilespmem:$0x1FF60]  }
0x256: {  	v52 =	vor.u32 v7, v29;
	v56 =	vor.u32 v12, v29;
	v26 =	vadd.f32 v43, v26;
	v43 =	vld.idx.msk [tilespmem:v47+s17+$0x0], $0xffff  }
0x257: {  	v58 =	vor.u32 v8, v29;
	v15 =	vadd.f32 v60, v15;
	v25 =	vadd.f32 v33, v25;
	v2 =	vld.idx.msk [tilespmem:v2+s17+$0x0], $0xffff  }
0x258: {  	v60 =	vmul.f32 v49, v4;
	v16 =	vadd.f32 v32, v16;
	v22 =	vadd.f32 v24, v22;
	v24 =	vld.idx.msk [tilespmem:v55+s4+$0x0], $0xffff  }
0x259: {  	v40 =	vor.u32 v5, v29;
	v19 =	vadd.f32 v41, v19;
	v15 =	vadd.f32 v31, v15;
	v31 =	vld.idx.msk [tilespmem:v57+s17+$0x0], $0xffff  }
0x25a: {  	v0 =	vmul.f32 v0, v3;
	v23 =	vadd.f32 v42, v23;
	v34 =	vadd.f32 v60, v34;
	v60 =	vld.idx.msk [tilespmem:v50+s17+$0x0], $0xffff  }
0x25b: {  	v18 =	vadd.f32 v51, v18;
	v25 =	vadd.f32 v1, v25;
	v57 =	vand.u32 $0x7F, v61;
	v61 =	vld.idx.msk [tilespmem:v56+s17+$0x0], $0xffff  }
0x25c: {  	v19 =	vadd.f32 v0, v19;
	v26 =	vadd.f32 v44, v26;
	v39 =	vor.u32 v63, v29;
	v33 =	vld.idx.msk [tilespmem:v58+s17+$0x0], $0xffff  }
0x25d: {  	v49 =	vmul.f32 v53, v4;
	v53 =	vmul.f32 v46, v4;
	v41 =	vld.idx.msk [tilespmem:v52+s17+$0x0], $0xffff;
	v1 =	vor.u32 v28, v57  }
0x25e: {  	v18 =	vadd.f32 v30, v18;
	v56 =	vmul.f32 v38, v4;
	v40 =	vld.idx.msk [tilespmem:v40+s17+$0x0], $0xffff;
	v55 =	vor.u32 v7, v57  }
0x25f: {  	v58 =	vmul.f32 v37, v3;
	v54 =	vor.u32 v13, v57;
	v42 =	vor.u32 v9, v57;
	v9 =	vld [tilespmem:$0x1FFC0]  }
0x260: {  	v21 =	vadd.f32 v49, v21;
	v49 =	vmul.f32 v43, v3;
	v45 =	vor.u32 v5, v57;
	v7 =	vld [tilespmem:$0x1FFA0]  }
0x261: {  	v20 =	vadd.f32 v53, v20;
	v4 =	vmul.f32 v59, v4;
	v0 =	vor.u32 v63, v57;
	v32 =	vld.idx.msk [tilespmem:v39+s17+$0x0], $0xffff  }
0x262: {  	v47 =	vor.u32 v6, v57;
	v62 =	vor.u32 v62, v57;
	v46 =	vor.u32 v12, v57;
	v35 =	vld.idx.msk [tilespmem:v1+s4+$0x0], $0xffff  }
0x263: {  	v44 =	vor.u32 v8, v57;
	v63 =	vor.u32 v13, v29;
	v17 =	vadd.f32 v56, v17;
	v38 =	vld.idx.msk [tilespmem:v55+s17+$0x0], $0xffff  }
0x264: {  	v21 =	vadd.f32 v58, v21;
	v56 =	vor.u32 v10, v57;
	v20 =	vadd.f32 v27, v20;
	v43 =	vld.idx.msk [tilespmem:v54+s17+$0x0], $0xffff  }
0x265: {  	p1 =	slt.u32 s21, $0x7E;
	v2 =	vmul.f32 v2, v3;
	v3 =	vmul.f32 v48, v3;
	v1 =	vor.u32 v11, v57;
	v52 =	vld.idx.msk [tilespmem:v45+s17+$0x0], $0xffff  }
.Ltmp4:
0x266: {  	v17 =	vadd.f32 v49, v17;
	v31 =	vmul.f32 v31, v24;
	v30 =	vmul.f32 v60, v24;
	v37 =	vld.idx.msk [tilespmem:v0+s17+$0x0], $0xffff;
	(pc) =	sbr.rel @p1 .LBB2_11-.Ltmp4, $4  }
0x267: {  	v27 =	vmul.f32 v61, v24;
	v39 =	vor.u32 v9, v57;
	v50 =	vor.u32 v7, v57;
	v45 =	vld.idx.msk [tilespmem:v47+s17+$0x0], $0xffff  }
0x268: {  	v55 =	vor.u32 v6, v29;
	v48 =	vor.u32 v7, v29;
	v0 =	vadd.f32 v4, v14;
	v51 =	vld.idx.msk [tilespmem:v63+s17+$0x0], $0xffff  }
0x269: {  	v23 =	vadd.f32 v3, v23;
	v54 =	vor.u32 v10, v29;
	v47 =	vor.u32 v9, v29;
	v49 =	vld.idx.msk [tilespmem:v62+s17+$0x0], $0xffff  }
0x26a: {  	s21 =	sadd.s32 $0x2, s21;
	v34 =	vadd.f32 v2, v34;
	v14 =	vadd.f32 v36, v0;
	v32 =	vmul.f32 v32, v24;
	v53 =	vld.idx.msk [tilespmem:v1+s17+$0x0], $0xffff  }
0x26b: {  	_ =	sdelay $0x3  }
0x26c: {  	v1 =	vld.idx.msk [tilespmem:v50+s17+$0x0], $0xffff  }
0x26d: {  	v50 =	vld [tilespmem:$0x1FF80]  }
0x26e: {  	v0 =	vld.idx.msk [tilespmem:v55+s17+$0x0], $0xffff  }
0x26f: {  	v2 =	vld.idx.msk [tilespmem:v42+s17+$0x0], $0xffff  }
0x270: {  	v3 =	vld.idx.msk [tilespmem:v56+s17+$0x0], $0xffff  }
0x271: {  	v4 =	vld.idx.msk [tilespmem:v46+s17+$0x0], $0xffff  }
0x272: {  	v36 =	vld.idx.msk [tilespmem:v39+s17+$0x0], $0xffff;
	v28 =	vor.u32 v50, v29  }
0x273: {  	v57 =	vld.idx.msk [tilespmem:v54+s17+$0x0], $0xffff;
	s6 =	smin.u32 s12, $0x73;
	s21 =	rddreg [dreg:$0x1c]  }
0x274: {  	v58 =	vld.idx.msk [tilespmem:v48+s17+$0x0], $0xffff;
	s6 =	sadd.s32 s6, s21  }
0x275: {  	v59 =	vld.idx.msk [tilespmem:v47+s17+$0x0], $0xffff;
	s6 =	sshll.u32 s6, $0x5  }
0x276: {  	s10 =	simm.s32 $0x4400;
	s21 =	simm.s32 $0x8;
	s6 =	sadd.s32 s5, s6;
	v29 =	vld.idx.msk [tilespmem:v44+s17+$0x0], $0xffff  }
0x277: {  	v28 =	vld.idx.msk [tilespmem:v28+s17+$0x0], $0xffff;
	[tilespmem:s10], [sflag:$0x5] =	stream.linear.gather [hbm4b:s6+s4], $0x100, $0x38  }
0x278: {  	_ =	swait.ge [sflag:s21], $0x100  }
0x279: {  	v41 =	vmul.f32 v41, v24;
	[sflag:s21] =	ssyncset.done $0x0  }
0x27a: {  	v60 =	vmul.f32 v52, v35;
	s25 =	simm.s32 $0x4700;
	s28 =	simm.s32 $0x1DB00;
	v43 =	vmul.f32 v43, v35;
	[sflag:s21] =	ssyncadd.s32 $0xFFFFFF00  }
0x27b: {  	v38 =	vmul.f32 v38, v35;
	v40 =	vmul.f32 v40, v24;
	[tilespmem:s28], [sflag:$0x10] =	stream.indirect.gather [hbm4b:s2+s9], $0x1, s25, s9, $0xb8;
	[tilespmem:$0x1DE00] =	vst v63  }
0x27c: {  	v45 =	vmul.f32 v45, v35;
	v22 =	vadd.f32 v60, v22;
	v62 =	vmul.f32 v51, v24;
	s6 =	simm.s32 @!p0 $0x11  }
0x27d: {  	v25 =	vadd.f32 v38, v25;
	v26 =	vadd.f32 v43, v26;
	v51 =	vmul.f32 v33, v24;
	[tilespmem:s30], [sflag:$0xC] =	stream.indirect.gather [hbm4b:s1+s9], $0x80, s25, s9, $0xb8;
	[tilespmem:$0x1DE00] =	vst v63  }
0x27e: {  	v63 =	vmul.f32 v49, v35;
	v19 =	vadd.f32 v45, v19;
	v0 =	vmul.f32 v0, v24;
	_ =	swait.ge @!p0 [sflag:s6], $0x100  }
0x27f: {  	v22 =	vadd.f32 v40, v22;
	v26 =	vadd.f32 v62, v26;
	v2 =	vmul.f32 v2, v35;
	[sflag:s6] =	ssyncset.done @!p0 $0x0  }
0x280: {  	v4 =	vmul.f32 v4, v35;
	v0 =	vadd.f32 v0, v19;
	v19 =	vmul.f32 v36, v35;
	[sflag:s6] =	ssyncadd.s32 @!p0 $0xFFFFFF00  }
0x281: {  	v3 =	vmul.f32 v3, v35;
	v2 =	vadd.f32 v2, v18;
	v18 =	vadd.f32 v41, v25;
	[tilespmem:$0x1DC00] =	vst v22  }
0x282: {  	v4 =	vadd.f32 v4, v20;
	v17 =	vadd.f32 v19, v17;
	v19 =	vmul.f32 v37, v35;
	[tilespmem:$0x1DC10] =	vst v0  }
0x283: {  	v48 =	vmul.f32 v59, v24;
	v3 =	vadd.f32 v3, v21;
	v2 =	vadd.f32 v30, v2;
	[tilespmem:$0x1DC20] =	vst v26  }
0x284: {  	v61 =	vmul.f32 v53, v35;
	v4 =	vadd.f32 v27, v4;
	v49 =	vadd.f32 v19, v16;
	[tilespmem:$0x1DC30] =	vst v18  }
0x285: {  	v16 =	vmul.f32 v29, v35;
	v22 =	vmul.f32 v57, v24;
	v0 =	vadd.f32 v48, v17;
	[tilespmem:$0x1DC40] =	vst v2  }
0x286: {  	v34 =	vadd.f32 v63, v34;
	v18 =	vmul.f32 v28, v24;
	v2 =	vadd.f32 v32, v49;
	[tilespmem:$0x1DC70] =	vst v4  }
0x287: {  	v1 =	vmul.f32 v1, v35;
	v14 =	vadd.f32 v16, v14;
	v3 =	vadd.f32 v22, v3;
	[tilespmem:$0x1DC60] =	vst v0  }
0x288: {  	v4 =	vadd.f32 v61, v15;
	v17 =	vadd.f32 v18, v34;
	[tilespmem:$0x1DC90] =	vst v2  }
0x289: {  	v1 =	vadd.f32 v1, v23;
	v0 =	vadd.f32 v51, v14;
	[tilespmem:$0x1DC50] =	vst v3;
	v3 =	vmul.f32 v58, v24  }
0x28a: {  	v52 =	vadd.f32 v31, v4;
	[tilespmem:$0x1DC80] =	vst v17  }
0x28b: {  	[tilespmem:$0x1DCB0] =	vst v0;
	v1 =	vadd.f32 v3, v1  }
0x28c: {  	s10 =	rddreg [dreg:$0x14];
	[tilespmem:$0x1DCC0] =	vst v52  }
0x28d: {  	s14 =	simm.s32 $0x1DC00;
	s6 =	sadd.s32 s7, s10;
	[tilespmem:$0x1DCA0] =	vst v1  }
0x28e: {  	[hbm4b:s6+s8] =	stream.strided.scatter [tilespmem:s14], [sflag:$0x11], $0x100, s31, s8, $0x38;
	[tilespmem:$0x1DE00] =	vst v63  }
0x28f: {  	_ =	swait.ge [sflag:s3], $0x6400  }
0x290: {  	[sflag:s3] =	ssyncset.done $0x0  }
0x291: {  	[sflag:s3] =	ssyncadd.s32 $0xFFFF9C00  }
0x292: {  	_ =	swait.ge [sflag:s29], $0xC8  }
0x293: {  	v11 =	vld [tilespmem:$0x1FF90]  }
0x294: {  	v55 =	vld [tilespmem:$0x1FF60]  }
0x295: {  	v9 =	vld [tilespmem:$0x1FFF0]  }
0x296: {  	v12 =	vld [tilespmem:$0x1FFD0]  }
0x297: {  	v7 =	vlaneseq.u32;
	s21 =	simm.s32 $0x1;
	s28 =	simm.s32 $0x0;
	v8 =	vld [tilespmem:$0x1FFB0]  }
0x298: {  	v53 =	vadd.s32 s21, v7;
	v57 =	vadd.s32 s28, v7;
	[sflag:s29] =	ssyncset.done $0x0;
	v7 =	vld [tilespmem:$0x1FFE0]  }
0x299: {  	v13 =	vld [tilespmem:$0x1FF70];
	[sflag:s29] =	ssyncadd.s32 $0xFFFFFF38  }
0x29a: {  	v22 =	vld [tilespmem:$0x1D900]  }
0x29b: {  	v19 =	vld [tilespmem:$0x1D910]  }
0x29c: {  	v26 =	vld [tilespmem:$0x1D920]  }
0x29d: {  	v25 =	vld [tilespmem:$0x1D930]  }
0x29e: {  	s25 =	sor.u32 $0x280, s18;
	v18 =	vld [tilespmem:$0x1D940]  }
0x29f: {  	v29 =	vand.u32 $0x7F, v53;
	v28 =	vmov s25;
	v21 =	vld [tilespmem:$0x1D950]  }
0x2a0: {  	v0 =	vor.u32 v28, v29;
	v17 =	vld [tilespmem:$0x1D960]  }
0x2a1: {  	v20 =	vld [tilespmem:$0x1D970]  }
0x2a2: {  	v34 =	vld [tilespmem:$0x1D980]  }
0x2a3: {  	v58 =	vor.u32 v5, v29;
	v16 =	vld [tilespmem:$0x1D990]  }
0x2a4: {  	v23 =	vld [tilespmem:$0x1D9A0]  }
0x2a5: {  	v24 =	vld.idx.msk [tilespmem:v0+s4+$0x0], $0xffff;
	v0 =	vand.u32 $0x7F, v57  }
0x2a6: {  	v14 =	vld [tilespmem:$0x1D9B0];
	v31 =	vor.u32 v28, v0  }
0x2a7: {  	v15 =	vld [tilespmem:$0x1D9C0];
	v61 =	vor.u32 v6, v0  }
0x2a8: {  	v40 =	vld.idx.msk [tilespmem:v58+s20+$0x0], $0xffff;
	v63 =	vor.u32 v50, v0  }
0x2a9: {  	v54 =	vor.u32 v11, v29;
	v3 =	vor.u32 v9, v29;
	v42 =	vor.u32 v9, v0;
	v9 =	vld [tilespmem:$0x1FFC0]  }
0x2aa: {  	v56 =	vor.u32 v55, v29;
	v30 =	vor.u32 v7, v29;
	v59 =	vor.u32 v7, v0;
	v7 =	vld [tilespmem:$0x1FFA0]  }
0x2ab: {  	v35 =	vld.idx.msk [tilespmem:v31+s4+$0x0], $0xffff  }
0x2ac: {  	v4 =	vor.u32 v12, v29;
	v45 =	vld.idx.msk [tilespmem:v61+s20+$0x0], $0xffff  }
0x2ad: {  	v27 =	vor.u32 v8, v29;
	v49 =	vld.idx.msk [tilespmem:v63+s20+$0x0], $0xffff  }
0x2ae: {  	v1 =	vld.idx.msk [tilespmem:v54+s20+$0x0], $0xffff  }
0x2af: {  	v2 =	vld.idx.msk [tilespmem:v56+s20+$0x0], $0xffff  }
0x2b0: {  	v60 =	vor.u32 v13, v0;
	v3 =	vld.idx.msk [tilespmem:v3+s20+$0x0], $0xffff  }
0x2b1: {  	v62 =	vor.u32 v13, v29;
	v4 =	vld.idx.msk [tilespmem:v4+s20+$0x0], $0xffff  }
0x2b2: {  	v31 =	vor.u32 v55, v0;
	v33 =	vld.idx.msk [tilespmem:v27+s20+$0x0], $0xffff  }
0x2b3: {  	v27 =	vor.u32 v5, v0;
	v41 =	vld.idx.msk [tilespmem:v30+s20+$0x0], $0xffff  }
0x2b4: {  	v30 =	vor.u32 v11, v0;
	v38 =	vld.idx.msk [tilespmem:v59+s20+$0x0], $0xffff  }
0x2b5: {  	v46 =	vor.u32 v12, v0;
	v43 =	vld.idx.msk [tilespmem:v60+s20+$0x0], $0xffff  }
0x2b6: {  	v44 =	vor.u32 v8, v0;
	v55 =	vor.u32 v6, v29;
	v39 =	vor.u32 v9, v0;
	v51 =	vld.idx.msk [tilespmem:v62+s20+$0x0], $0xffff  }
0x2b7: {  	v50 =	vor.u32 v7, v0;
	v48 =	vor.u32 v7, v29;
	v54 =	vor.u32 v10, v29;
	v37 =	vld.idx.msk [tilespmem:v31+s20+$0x0], $0xffff  }
0x2b8: {  	v47 =	vor.u32 v9, v29;
	v52 =	vld.idx.msk [tilespmem:v27+s20+$0x0], $0xffff;
	v31 =	vmul.f32 v1, v24;
	v32 =	vmul.f32 v2, v24  }
0x2b9: {  	s15 =	simm.s32 $0x4700;
	s21 =	simm.s32 $0x2;
	v56 =	vor.u32 v10, v0;
	v53 =	vld.idx.msk [tilespmem:v30+s20+$0x0], $0xffff;
	v30 =	vmul.f32 v3, v24;
	v27 =	vmul.f32 v4, v24  }
.LBB2_13:
0x2ba: {  	_ =	sdelay $0x1  }
0x2bb: {  	v0 =	vld.idx.msk [tilespmem:v55+s20+$0x0], $0xffff  }
0x2bc: {  	v62 =	vld [tilespmem:$0x1FF80]  }
0x2bd: {  	v4 =	vmov v35;
	v35 =	vld.idx.msk [tilespmem:v50+s20+$0x0], $0xffff  }
0x2be: {  	v42 =	vld.idx.msk [tilespmem:v42+s20+$0x0], $0xffff  }
0x2bf: {  	v7 =	vld [tilespmem:$0x1FFE0]  }
0x2c0: {  	v9 =	vld [tilespmem:$0x1FFF0]  }
0x2c1: {  	v12 =	vld [tilespmem:$0x1FFD0]  }
0x2c2: {  	v11 =	vld [tilespmem:$0x1FF90]  }
0x2c3: {  	v46 =	vld.idx.msk [tilespmem:v46+s20+$0x0], $0xffff  }
0x2c4: {  	v8 =	vld [tilespmem:$0x1FFB0];
	v36 =	vmul.f32 v33, v24;
	v61 =	vmul.f32 v37, v4  }
0x2c5: {  	v59 =	vld.idx.msk [tilespmem:v44+s20+$0x0], $0xffff;
	v1 =	vmul.f32 v41, v24;
	v63 =	vmul.f32 v52, v4  }
0x2c6: {  	s6 =	sadd.s32 $0x1, s21;
	v3 =	vmovc v24;
	v13 =	vlaneseq.u32;
	v48 =	vld.idx.msk [tilespmem:v48+s20+$0x0], $0xffff;
	v60 =	vmul.f32 v53, v4;
	v43 =	vmul.f32 v43, v4  }
0x2c7: {  	v37 =	vld.idx.msk [tilespmem:v54+s20+$0x0], $0xffff;
	v24 =	vadd.s32 s6, v13;
	v33 =	vmul.f32 v38, v4;
	v44 =	vmul.f32 v51, v3  }
0x2c8: {  	s28 =	smov.u32 s21;
	v53 =	vld.idx.msk [tilespmem:v56+s20+$0x0], $0xffff;
	v41 =	vmul.f32 v45, v4;
	v2 =	vor.u32 v62, v29;
	v29 =	vand.u32 $0x7F, v24  }
0x2c9: {  	v38 =	vld.idx.msk [tilespmem:v39+s20+$0x0], $0xffff;
	v16 =	vadd.f32 v61, v16;
	v61 =	vadd.s32 s28, v13;
	v55 =	vor.u32 v28, v29  }
0x2ca: {  	v13 =	vld [tilespmem:$0x1FF70];
	v24 =	vmul.f32 v40, v3;
	v51 =	vmul.f32 v42, v4;
	v57 =	vor.u32 v11, v29  }
0x2cb: {  	v42 =	vmul.f32 v35, v4;
	v50 =	vor.u32 v9, v29;
	v22 =	vadd.f32 v63, v22;
	v63 =	vld [tilespmem:$0x1FF60]  }
0x2cc: {  	v52 =	vor.u32 v7, v29;
	v56 =	vor.u32 v12, v29;
	v26 =	vadd.f32 v43, v26;
	v43 =	vld.idx.msk [tilespmem:v47+s20+$0x0], $0xffff  }
0x2cd: {  	v58 =	vor.u32 v8, v29;
	v15 =	vadd.f32 v60, v15;
	v25 =	vadd.f32 v33, v25;
	v2 =	vld.idx.msk [tilespmem:v2+s20+$0x0], $0xffff  }
0x2ce: {  	v60 =	vmul.f32 v49, v4;
	v16 =	vadd.f32 v32, v16;
	v22 =	vadd.f32 v24, v22;
	v24 =	vld.idx.msk [tilespmem:v55+s4+$0x0], $0xffff  }
0x2cf: {  	v40 =	vor.u32 v5, v29;
	v19 =	vadd.f32 v41, v19;
	v15 =	vadd.f32 v31, v15;
	v31 =	vld.idx.msk [tilespmem:v57+s20+$0x0], $0xffff  }
0x2d0: {  	v0 =	vmul.f32 v0, v3;
	v23 =	vadd.f32 v42, v23;
	v34 =	vadd.f32 v60, v34;
	v60 =	vld.idx.msk [tilespmem:v50+s20+$0x0], $0xffff  }
0x2d1: {  	v18 =	vadd.f32 v51, v18;
	v25 =	vadd.f32 v1, v25;
	v57 =	vand.u32 $0x7F, v61;
	v61 =	vld.idx.msk [tilespmem:v56+s20+$0x0], $0xffff  }
0x2d2: {  	v19 =	vadd.f32 v0, v19;
	v26 =	vadd.f32 v44, v26;
	v39 =	vor.u32 v63, v29;
	v33 =	vld.idx.msk [tilespmem:v58+s20+$0x0], $0xffff  }
0x2d3: {  	v49 =	vmul.f32 v53, v4;
	v53 =	vmul.f32 v46, v4;
	v41 =	vld.idx.msk [tilespmem:v52+s20+$0x0], $0xffff;
	v1 =	vor.u32 v28, v57  }
0x2d4: {  	v18 =	vadd.f32 v30, v18;
	v56 =	vmul.f32 v38, v4;
	v40 =	vld.idx.msk [tilespmem:v40+s20+$0x0], $0xffff;
	v55 =	vor.u32 v7, v57  }
0x2d5: {  	v58 =	vmul.f32 v37, v3;
	v54 =	vor.u32 v13, v57;
	v42 =	vor.u32 v9, v57;
	v9 =	vld [tilespmem:$0x1FFC0]  }
0x2d6: {  	v21 =	vadd.f32 v49, v21;
	v49 =	vmul.f32 v43, v3;
	v45 =	vor.u32 v5, v57;
	v7 =	vld [tilespmem:$0x1FFA0]  }
0x2d7: {  	v20 =	vadd.f32 v53, v20;
	v4 =	vmul.f32 v59, v4;
	v0 =	vor.u32 v63, v57;
	v32 =	vld.idx.msk [tilespmem:v39+s20+$0x0], $0xffff  }
0x2d8: {  	v47 =	vor.u32 v6, v57;
	v62 =	vor.u32 v62, v57;
	v46 =	vor.u32 v12, v57;
	v35 =	vld.idx.msk [tilespmem:v1+s4+$0x0], $0xffff  }
0x2d9: {  	v44 =	vor.u32 v8, v57;
	v63 =	vor.u32 v13, v29;
	v17 =	vadd.f32 v56, v17;
	v38 =	vld.idx.msk [tilespmem:v55+s20+$0x0], $0xffff  }
0x2da: {  	v21 =	vadd.f32 v58, v21;
	v56 =	vor.u32 v10, v57;
	v20 =	vadd.f32 v27, v20;
	v43 =	vld.idx.msk [tilespmem:v54+s20+$0x0], $0xffff  }
0x2db: {  	p1 =	slt.u32 s21, $0x7E;
	v2 =	vmul.f32 v2, v3;
	v3 =	vmul.f32 v48, v3;
	v1 =	vor.u32 v11, v57;
	v52 =	vld.idx.msk [tilespmem:v45+s20+$0x0], $0xffff  }
.Ltmp5:
0x2dc: {  	v17 =	vadd.f32 v49, v17;
	v31 =	vmul.f32 v31, v24;
	v30 =	vmul.f32 v60, v24;
	v37 =	vld.idx.msk [tilespmem:v0+s20+$0x0], $0xffff;
	(pc) =	sbr.rel @p1 .LBB2_13-.Ltmp5, $4  }
0x2dd: {  	v27 =	vmul.f32 v61, v24;
	v39 =	vor.u32 v9, v57;
	v50 =	vor.u32 v7, v57;
	v45 =	vld.idx.msk [tilespmem:v47+s20+$0x0], $0xffff  }
0x2de: {  	v55 =	vor.u32 v6, v29;
	v48 =	vor.u32 v7, v29;
	v0 =	vadd.f32 v4, v14;
	v51 =	vld.idx.msk [tilespmem:v63+s20+$0x0], $0xffff  }
0x2df: {  	v23 =	vadd.f32 v3, v23;
	v54 =	vor.u32 v10, v29;
	v47 =	vor.u32 v9, v29;
	v49 =	vld.idx.msk [tilespmem:v62+s20+$0x0], $0xffff  }
0x2e0: {  	s21 =	sadd.s32 $0x2, s21;
	v34 =	vadd.f32 v2, v34;
	v14 =	vadd.f32 v36, v0;
	v32 =	vmul.f32 v32, v24;
	v53 =	vld.idx.msk [tilespmem:v1+s20+$0x0], $0xffff  }
0x2e1: {  	_ =	sdelay $0x3  }
0x2e2: {  	v1 =	vld.idx.msk [tilespmem:v50+s20+$0x0], $0xffff  }
0x2e3: {  	v50 =	vld [tilespmem:$0x1FF80]  }
0x2e4: {  	v0 =	vld.idx.msk [tilespmem:v55+s20+$0x0], $0xffff  }
0x2e5: {  	v2 =	vld.idx.msk [tilespmem:v42+s20+$0x0], $0xffff  }
0x2e6: {  	v3 =	vld.idx.msk [tilespmem:v56+s20+$0x0], $0xffff  }
0x2e7: {  	v4 =	vld.idx.msk [tilespmem:v46+s20+$0x0], $0xffff  }
0x2e8: {  	v36 =	vld.idx.msk [tilespmem:v39+s20+$0x0], $0xffff;
	v28 =	vor.u32 v50, v29  }
0x2e9: {  	v57 =	vld.idx.msk [tilespmem:v54+s20+$0x0], $0xffff;
	s6 =	smin.u32 s12, $0x72;
	s21 =	rddreg [dreg:$0x1d]  }
0x2ea: {  	v58 =	vld.idx.msk [tilespmem:v48+s20+$0x0], $0xffff;
	s6 =	sadd.s32 s6, s21  }
0x2eb: {  	v59 =	vld.idx.msk [tilespmem:v47+s20+$0x0], $0xffff;
	s6 =	sshll.u32 s6, $0x5  }
0x2ec: {  	s14 =	simm.s32 $0x1;
	s6 =	sadd.s32 s5, s6;
	v29 =	vld.idx.msk [tilespmem:v44+s20+$0x0], $0xffff  }
0x2ed: {  	v28 =	vld.idx.msk [tilespmem:v28+s20+$0x0], $0xffff;
	[tilespmem:s0], [sflag:$0x6] =	stream.linear.gather [hbm4b:s6+s4], $0x100, $0x38  }
0x2ee: {  	_ =	swait.ge [sflag:s14], $0x100  }
0x2ef: {  	v41 =	vmul.f32 v41, v24;
	[sflag:s14] =	ssyncset.done $0x0  }
0x2f0: {  	v60 =	vmul.f32 v52, v35;
	s10 =	simm.s32 $0x1D800;
	v43 =	vmul.f32 v43, v35;
	s21 =	simm.s32 $0x4000;
	[sflag:s14] =	ssyncadd.s32 $0xFFFFFF00  }
0x2f1: {  	v38 =	vmul.f32 v38, v35;
	v40 =	vmul.f32 v40, v24;
	[tilespmem:s10], [sflag:$0xD] =	stream.indirect.gather [hbm4b:s2+s9], $0x1, s21, s9, $0xb8;
	[tilespmem:$0x1DE00] =	vst v63  }
0x2f2: {  	v45 =	vmul.f32 v45, v35;
	v22 =	vadd.f32 v60, v22;
	v62 =	vmul.f32 v51, v24;
	s6 =	simm.s32 @!p0 $0x12  }
0x2f3: {  	v25 =	vadd.f32 v38, v25;
	v26 =	vadd.f32 v43, v26;
	v51 =	vmul.f32 v33, v24;
	[tilespmem:s17], [sflag:$0x9] =	stream.indirect.gather [hbm4b:s1+s9], $0x80, s21, s9, $0xb8;
	[tilespmem:$0x1DE00] =	vst v63  }
0x2f4: {  	v63 =	vmul.f32 v49, v35;
	v19 =	vadd.f32 v45, v19;
	v0 =	vmul.f32 v0, v24;
	_ =	swait.ge @!p0 [sflag:s6], $0x100  }
0x2f5: {  	v22 =	vadd.f32 v40, v22;
	v26 =	vadd.f32 v62, v26;
	v2 =	vmul.f32 v2, v35;
	[sflag:s6] =	ssyncset.done @!p0 $0x0  }
0x2f6: {  	v4 =	vmul.f32 v4, v35;
	v0 =	vadd.f32 v0, v19;
	v19 =	vmul.f32 v36, v35;
	[sflag:s6] =	ssyncadd.s32 @!p0 $0xFFFFFF00  }
0x2f7: {  	v3 =	vmul.f32 v3, v35;
	v2 =	vadd.f32 v2, v18;
	v18 =	vadd.f32 v41, v25;
	[tilespmem:$0x1DD00] =	vst v22  }
0x2f8: {  	v4 =	vadd.f32 v4, v20;
	v17 =	vadd.f32 v19, v17;
	v19 =	vmul.f32 v37, v35;
	[tilespmem:$0x1DD10] =	vst v0  }
0x2f9: {  	v48 =	vmul.f32 v59, v24;
	v3 =	vadd.f32 v3, v21;
	v2 =	vadd.f32 v30, v2;
	[tilespmem:$0x1DD20] =	vst v26  }
0x2fa: {  	v61 =	vmul.f32 v53, v35;
	v4 =	vadd.f32 v27, v4;
	v49 =	vadd.f32 v19, v16;
	[tilespmem:$0x1DD30] =	vst v18  }
0x2fb: {  	v16 =	vmul.f32 v29, v35;
	v22 =	vmul.f32 v57, v24;
	v0 =	vadd.f32 v48, v17;
	[tilespmem:$0x1DD40] =	vst v2  }
0x2fc: {  	v34 =	vadd.f32 v63, v34;
	v18 =	vmul.f32 v28, v24;
	v2 =	vadd.f32 v32, v49;
	[tilespmem:$0x1DD70] =	vst v4  }
0x2fd: {  	v1 =	vmul.f32 v1, v35;
	v14 =	vadd.f32 v16, v14;
	v3 =	vadd.f32 v22, v3;
	[tilespmem:$0x1DD60] =	vst v0  }
0x2fe: {  	v4 =	vadd.f32 v61, v15;
	v17 =	vadd.f32 v18, v34;
	[tilespmem:$0x1DD90] =	vst v2  }
0x2ff: {  	v1 =	vadd.f32 v1, v23;
	v0 =	vadd.f32 v51, v14;
	[tilespmem:$0x1DD50] =	vst v3;
	v3 =	vmul.f32 v58, v24  }
0x300: {  	v52 =	vadd.f32 v31, v4;
	[tilespmem:$0x1DD80] =	vst v17  }
0x301: {  	[tilespmem:$0x1DDB0] =	vst v0;
	v1 =	vadd.f32 v3, v1  }
0x302: {  	s25 =	rddreg [dreg:$0x15];
	[tilespmem:$0x1DDC0] =	vst v52  }
0x303: {  	s28 =	simm.s32 $0x1DD00;
	s6 =	sadd.s32 s7, s25;
	[tilespmem:$0x1DDA0] =	vst v1  }
0x304: {  	[hbm4b:s6+s8] =	stream.strided.scatter [tilespmem:s28], [sflag:$0x12], $0x100, s31, s8, $0x38;
	[tilespmem:$0x1DE00] =	vst v63  }
0x305: {  	_ =	swait.ge [sflag:s22], $0x6400  }
0x306: {  	[sflag:s22] =	ssyncset.done $0x0  }
0x307: {  	[sflag:s22] =	ssyncadd.s32 $0xFFFF9C00  }
0x308: {  	_ =	swait.ge [sflag:s13], $0xC8  }
0x309: {  	v11 =	vld [tilespmem:$0x1FF90]  }
0x30a: {  	v55 =	vld [tilespmem:$0x1FF60]  }
0x30b: {  	v9 =	vld [tilespmem:$0x1FFF0]  }
0x30c: {  	v12 =	vld [tilespmem:$0x1FFD0]  }
0x30d: {  	v7 =	vlaneseq.u32;
	s21 =	simm.s32 $0x1;
	s28 =	simm.s32 $0x0;
	v8 =	vld [tilespmem:$0x1FFB0]  }
0x30e: {  	v53 =	vadd.s32 s21, v7;
	v57 =	vadd.s32 s28, v7;
	[sflag:s13] =	ssyncset.done $0x0;
	v7 =	vld [tilespmem:$0x1FFE0]  }
0x30f: {  	v13 =	vld [tilespmem:$0x1FF70];
	[sflag:s13] =	ssyncadd.s32 $0xFFFFFF38  }
0x310: {  	v22 =	vld [tilespmem:$0x1DA00]  }
0x311: {  	v19 =	vld [tilespmem:$0x1DA10]  }
0x312: {  	v26 =	vld [tilespmem:$0x1DA20]  }
0x313: {  	v25 =	vld [tilespmem:$0x1DA30]  }
0x314: {  	s25 =	sor.u32 $0x300, s18;
	v18 =	vld [tilespmem:$0x1DA40]  }
0x315: {  	v29 =	vand.u32 $0x7F, v53;
	v28 =	vmov s25;
	v21 =	vld [tilespmem:$0x1DA50]  }
0x316: {  	v0 =	vor.u32 v28, v29;
	v17 =	vld [tilespmem:$0x1DA60]  }
0x317: {  	v20 =	vld [tilespmem:$0x1DA70]  }
0x318: {  	v34 =	vld [tilespmem:$0x1DA80]  }
0x319: {  	v58 =	vor.u32 v5, v29;
	v16 =	vld [tilespmem:$0x1DA90]  }
0x31a: {  	v23 =	vld [tilespmem:$0x1DAA0]  }
0x31b: {  	v24 =	vld.idx.msk [tilespmem:v0+s4+$0x0], $0xffff;
	v0 =	vand.u32 $0x7F, v57  }
0x31c: {  	v14 =	vld [tilespmem:$0x1DAB0];
	v31 =	vor.u32 v28, v0  }
0x31d: {  	v15 =	vld [tilespmem:$0x1DAC0];
	v61 =	vor.u32 v6, v0  }
0x31e: {  	v40 =	vld.idx.msk [tilespmem:v58+s23+$0x0], $0xffff;
	v63 =	vor.u32 v50, v0  }
0x31f: {  	v54 =	vor.u32 v11, v29;
	v3 =	vor.u32 v9, v29;
	v42 =	vor.u32 v9, v0;
	v9 =	vld [tilespmem:$0x1FFC0]  }
0x320: {  	v56 =	vor.u32 v55, v29;
	v30 =	vor.u32 v7, v29;
	v59 =	vor.u32 v7, v0;
	v7 =	vld [tilespmem:$0x1FFA0]  }
0x321: {  	v35 =	vld.idx.msk [tilespmem:v31+s4+$0x0], $0xffff  }
0x322: {  	v4 =	vor.u32 v12, v29;
	v45 =	vld.idx.msk [tilespmem:v61+s23+$0x0], $0xffff  }
0x323: {  	v27 =	vor.u32 v8, v29;
	v49 =	vld.idx.msk [tilespmem:v63+s23+$0x0], $0xffff  }
0x324: {  	v1 =	vld.idx.msk [tilespmem:v54+s23+$0x0], $0xffff  }
0x325: {  	v2 =	vld.idx.msk [tilespmem:v56+s23+$0x0], $0xffff  }
0x326: {  	v60 =	vor.u32 v13, v0;
	v3 =	vld.idx.msk [tilespmem:v3+s23+$0x0], $0xffff  }
0x327: {  	v62 =	vor.u32 v13, v29;
	v4 =	vld.idx.msk [tilespmem:v4+s23+$0x0], $0xffff  }
0x328: {  	v31 =	vor.u32 v55, v0;
	v33 =	vld.idx.msk [tilespmem:v27+s23+$0x0], $0xffff  }
0x329: {  	v27 =	vor.u32 v5, v0;
	v41 =	vld.idx.msk [tilespmem:v30+s23+$0x0], $0xffff  }
0x32a: {  	v30 =	vor.u32 v11, v0;
	v38 =	vld.idx.msk [tilespmem:v59+s23+$0x0], $0xffff  }
0x32b: {  	v46 =	vor.u32 v12, v0;
	v43 =	vld.idx.msk [tilespmem:v60+s23+$0x0], $0xffff  }
0x32c: {  	v44 =	vor.u32 v8, v0;
	v55 =	vor.u32 v6, v29;
	v39 =	vor.u32 v9, v0;
	v51 =	vld.idx.msk [tilespmem:v62+s23+$0x0], $0xffff  }
0x32d: {  	v50 =	vor.u32 v7, v0;
	v48 =	vor.u32 v7, v29;
	v54 =	vor.u32 v10, v29;
	v37 =	vld.idx.msk [tilespmem:v31+s23+$0x0], $0xffff  }
0x32e: {  	v47 =	vor.u32 v9, v29;
	v52 =	vld.idx.msk [tilespmem:v27+s23+$0x0], $0xffff;
	v31 =	vmul.f32 v1, v24;
	v32 =	vmul.f32 v2, v24  }
0x32f: {  	s14 =	simm.s32 $0x4000;
	s21 =	simm.s32 $0x2;
	v56 =	vor.u32 v10, v0;
	v53 =	vld.idx.msk [tilespmem:v30+s23+$0x0], $0xffff;
	v30 =	vmul.f32 v3, v24;
	v27 =	vmul.f32 v4, v24  }
.LBB2_15:
0x330: {  	_ =	sdelay $0x1  }
0x331: {  	v0 =	vld.idx.msk [tilespmem:v55+s23+$0x0], $0xffff  }
0x332: {  	v62 =	vld [tilespmem:$0x1FF80]  }
0x333: {  	v4 =	vmov v35;
	v35 =	vld.idx.msk [tilespmem:v50+s23+$0x0], $0xffff  }
0x334: {  	v42 =	vld.idx.msk [tilespmem:v42+s23+$0x0], $0xffff  }
0x335: {  	v7 =	vld [tilespmem:$0x1FFE0]  }
0x336: {  	v9 =	vld [tilespmem:$0x1FFF0]  }
0x337: {  	v12 =	vld [tilespmem:$0x1FFD0]  }
0x338: {  	v11 =	vld [tilespmem:$0x1FF90]  }
0x339: {  	v46 =	vld.idx.msk [tilespmem:v46+s23+$0x0], $0xffff  }
0x33a: {  	v8 =	vld [tilespmem:$0x1FFB0];
	v36 =	vmul.f32 v33, v24;
	v61 =	vmul.f32 v37, v4  }
0x33b: {  	v59 =	vld.idx.msk [tilespmem:v44+s23+$0x0], $0xffff;
	v1 =	vmul.f32 v41, v24;
	v63 =	vmul.f32 v52, v4  }
0x33c: {  	s6 =	sadd.s32 $0x1, s21;
	v3 =	vmovc v24;
	v13 =	vlaneseq.u32;
	v48 =	vld.idx.msk [tilespmem:v48+s23+$0x0], $0xffff;
	v60 =	vmul.f32 v53, v4;
	v43 =	vmul.f32 v43, v4  }
0x33d: {  	v37 =	vld.idx.msk [tilespmem:v54+s23+$0x0], $0xffff;
	v24 =	vadd.s32 s6, v13;
	v33 =	vmul.f32 v38, v4;
	v44 =	vmul.f32 v51, v3  }
0x33e: {  	s28 =	smov.u32 s21;
	v53 =	vld.idx.msk [tilespmem:v56+s23+$0x0], $0xffff;
	v41 =	vmul.f32 v45, v4;
	v2 =	vor.u32 v62, v29;
	v29 =	vand.u32 $0x7F, v24  }
0x33f: {  	v38 =	vld.idx.msk [tilespmem:v39+s23+$0x0], $0xffff;
	v16 =	vadd.f32 v61, v16;
	v61 =	vadd.s32 s28, v13;
	v55 =	vor.u32 v28, v29  }
0x340: {  	v13 =	vld [tilespmem:$0x1FF70];
	v24 =	vmul.f32 v40, v3;
	v51 =	vmul.f32 v42, v4;
	v57 =	vor.u32 v11, v29  }
0x341: {  	v42 =	vmul.f32 v35, v4;
	v50 =	vor.u32 v9, v29;
	v22 =	vadd.f32 v63, v22;
	v63 =	vld [tilespmem:$0x1FF60]  }
0x342: {  	v52 =	vor.u32 v7, v29;
	v56 =	vor.u32 v12, v29;
	v26 =	vadd.f32 v43, v26;
	v43 =	vld.idx.msk [tilespmem:v47+s23+$0x0], $0xffff  }
0x343: {  	v58 =	vor.u32 v8, v29;
	v15 =	vadd.f32 v60, v15;
	v25 =	vadd.f32 v33, v25;
	v2 =	vld.idx.msk [tilespmem:v2+s23+$0x0], $0xffff  }
0x344: {  	v60 =	vmul.f32 v49, v4;
	v16 =	vadd.f32 v32, v16;
	v22 =	vadd.f32 v24, v22;
	v24 =	vld.idx.msk [tilespmem:v55+s4+$0x0], $0xffff  }
0x345: {  	v40 =	vor.u32 v5, v29;
	v19 =	vadd.f32 v41, v19;
	v15 =	vadd.f32 v31, v15;
	v31 =	vld.idx.msk [tilespmem:v57+s23+$0x0], $0xffff  }
0x346: {  	v0 =	vmul.f32 v0, v3;
	v23 =	vadd.f32 v42, v23;
	v34 =	vadd.f32 v60, v34;
	v60 =	vld.idx.msk [tilespmem:v50+s23+$0x0], $0xffff  }
0x347: {  	v18 =	vadd.f32 v51, v18;
	v25 =	vadd.f32 v1, v25;
	v57 =	vand.u32 $0x7F, v61;
	v61 =	vld.idx.msk [tilespmem:v56+s23+$0x0], $0xffff  }
0x348: {  	v19 =	vadd.f32 v0, v19;
	v26 =	vadd.f32 v44, v26;
	v39 =	vor.u32 v63, v29;
	v33 =	vld.idx.msk [tilespmem:v58+s23+$0x0], $0xffff  }
0x349: {  	v49 =	vmul.f32 v53, v4;
	v53 =	vmul.f32 v46, v4;
	v41 =	vld.idx.msk [tilespmem:v52+s23+$0x0], $0xffff;
	v1 =	vor.u32 v28, v57  }
0x34a: {  	v18 =	vadd.f32 v30, v18;
	v56 =	vmul.f32 v38, v4;
	v40 =	vld.idx.msk [tilespmem:v40+s23+$0x0], $0xffff;
	v55 =	vor.u32 v7, v57  }
0x34b: {  	v58 =	vmul.f32 v37, v3;
	v54 =	vor.u32 v13, v57;
	v42 =	vor.u32 v9, v57;
	v9 =	vld [tilespmem:$0x1FFC0]  }
0x34c: {  	v21 =	vadd.f32 v49, v21;
	v49 =	vmul.f32 v43, v3;
	v45 =	vor.u32 v5, v57;
	v7 =	vld [tilespmem:$0x1FFA0]  }
0x34d: {  	v20 =	vadd.f32 v53, v20;
	v4 =	vmul.f32 v59, v4;
	v0 =	vor.u32 v63, v57;
	v32 =	vld.idx.msk [tilespmem:v39+s23+$0x0], $0xffff  }
0x34e: {  	v47 =	vor.u32 v6, v57;
	v62 =	vor.u32 v62, v57;
	v46 =	vor.u32 v12, v57;
	v35 =	vld.idx.msk [tilespmem:v1+s4+$0x0], $0xffff  }
0x34f: {  	v44 =	vor.u32 v8, v57;
	v63 =	vor.u32 v13, v29;
	v17 =	vadd.f32 v56, v17;
	v38 =	vld.idx.msk [tilespmem:v55+s23+$0x0], $0xffff  }
0x350: {  	v21 =	vadd.f32 v58, v21;
	v56 =	vor.u32 v10, v57;
	v20 =	vadd.f32 v27, v20;
	v43 =	vld.idx.msk [tilespmem:v54+s23+$0x0], $0xffff  }
0x351: {  	p1 =	slt.u32 s21, $0x7E;
	v2 =	vmul.f32 v2, v3;
	v3 =	vmul.f32 v48, v3;
	v1 =	vor.u32 v11, v57;
	v52 =	vld.idx.msk [tilespmem:v45+s23+$0x0], $0xffff  }
.Ltmp6:
0x352: {  	v17 =	vadd.f32 v49, v17;
	v31 =	vmul.f32 v31, v24;
	v30 =	vmul.f32 v60, v24;
	v37 =	vld.idx.msk [tilespmem:v0+s23+$0x0], $0xffff;
	(pc) =	sbr.rel @p1 .LBB2_15-.Ltmp6, $4  }
0x353: {  	v27 =	vmul.f32 v61, v24;
	v39 =	vor.u32 v9, v57;
	v50 =	vor.u32 v7, v57;
	v45 =	vld.idx.msk [tilespmem:v47+s23+$0x0], $0xffff  }
0x354: {  	v55 =	vor.u32 v6, v29;
	v48 =	vor.u32 v7, v29;
	v0 =	vadd.f32 v4, v14;
	v51 =	vld.idx.msk [tilespmem:v63+s23+$0x0], $0xffff  }
0x355: {  	v23 =	vadd.f32 v3, v23;
	v54 =	vor.u32 v10, v29;
	v47 =	vor.u32 v9, v29;
	v49 =	vld.idx.msk [tilespmem:v62+s23+$0x0], $0xffff  }
0x356: {  	s21 =	sadd.s32 $0x2, s21;
	v34 =	vadd.f32 v2, v34;
	v14 =	vadd.f32 v36, v0;
	v32 =	vmul.f32 v32, v24;
	v53 =	vld.idx.msk [tilespmem:v1+s23+$0x0], $0xffff  }
0x357: {  	_ =	sdelay $0x3  }
0x358: {  	v1 =	vld.idx.msk [tilespmem:v50+s23+$0x0], $0xffff  }
0x359: {  	v50 =	vld [tilespmem:$0x1FF80]  }
0x35a: {  	v0 =	vld.idx.msk [tilespmem:v55+s23+$0x0], $0xffff  }
0x35b: {  	v2 =	vld.idx.msk [tilespmem:v42+s23+$0x0], $0xffff  }
0x35c: {  	v3 =	vld.idx.msk [tilespmem:v56+s23+$0x0], $0xffff  }
0x35d: {  	v4 =	vld.idx.msk [tilespmem:v46+s23+$0x0], $0xffff  }
0x35e: {  	v36 =	vld.idx.msk [tilespmem:v39+s23+$0x0], $0xffff;
	v28 =	vor.u32 v50, v29  }
0x35f: {  	v57 =	vld.idx.msk [tilespmem:v54+s23+$0x0], $0xffff;
	s6 =	smin.u32 s12, $0x71;
	s21 =	rddreg [dreg:$0x1e]  }
0x360: {  	v58 =	vld.idx.msk [tilespmem:v48+s23+$0x0], $0xffff;
	s6 =	sadd.s32 s6, s21  }
0x361: {  	v59 =	vld.idx.msk [tilespmem:v47+s23+$0x0], $0xffff;
	s6 =	sshll.u32 s6, $0x5  }
0x362: {  	s25 =	simm.s32 $0x2;
	s6 =	sadd.s32 s5, s6;
	v29 =	vld.idx.msk [tilespmem:v44+s23+$0x0], $0xffff  }
0x363: {  	v28 =	vld.idx.msk [tilespmem:v28+s23+$0x0], $0xffff;
	[tilespmem:s19], [sflag:$0x7] =	stream.linear.gather [hbm4b:s6+s4], $0x100, $0x38  }
0x364: {  	_ =	swait.ge [sflag:s25], $0x100  }
0x365: {  	v41 =	vmul.f32 v41, v24;
	[sflag:s25] =	ssyncset.done $0x0  }
0x366: {  	v60 =	vmul.f32 v52, v35;
	s28 =	simm.s32 $0x4100;
	s10 =	simm.s32 $0x1D900;
	v43 =	vmul.f32 v43, v35;
	[sflag:s25] =	ssyncadd.s32 $0xFFFFFF00  }
0x367: {  	v38 =	vmul.f32 v38, v35;
	v40 =	vmul.f32 v40, v24;
	[tilespmem:s10], [sflag:$0xE] =	stream.indirect.gather [hbm4b:s2+s9], $0x1, s28, s9, $0xb8;
	[tilespmem:$0x1DE00] =	vst v63  }
0x368: {  	v45 =	vmul.f32 v45, v35;
	v22 =	vadd.f32 v60, v22;
	v62 =	vmul.f32 v51, v24;
	s6 =	simm.s32 @!p0 $0x11  }
0x369: {  	v25 =	vadd.f32 v38, v25;
	v26 =	vadd.f32 v43, v26;
	v51 =	vmul.f32 v33, v24;
	[tilespmem:s20], [sflag:$0xA] =	stream.indirect.gather [hbm4b:s1+s9], $0x80, s28, s9, $0xb8;
	[tilespmem:$0x1DE00] =	vst v63  }
0x36a: {  	v63 =	vmul.f32 v49, v35;
	v19 =	vadd.f32 v45, v19;
	v0 =	vmul.f32 v0, v24;
	_ =	swait.ge @!p0 [sflag:s6], $0x100  }
0x36b: {  	v22 =	vadd.f32 v40, v22;
	v26 =	vadd.f32 v62, v26;
	v2 =	vmul.f32 v2, v35;
	[sflag:s6] =	ssyncset.done @!p0 $0x0  }
0x36c: {  	v4 =	vmul.f32 v4, v35;
	v0 =	vadd.f32 v0, v19;
	v19 =	vmul.f32 v36, v35;
	[sflag:s6] =	ssyncadd.s32 @!p0 $0xFFFFFF00  }
0x36d: {  	v3 =	vmul.f32 v3, v35;
	v2 =	vadd.f32 v2, v18;
	v18 =	vadd.f32 v41, v25;
	[tilespmem:$0x1DC00] =	vst v22  }
0x36e: {  	v4 =	vadd.f32 v4, v20;
	v17 =	vadd.f32 v19, v17;
	v19 =	vmul.f32 v37, v35;
	[tilespmem:$0x1DC10] =	vst v0  }
0x36f: {  	v48 =	vmul.f32 v59, v24;
	v3 =	vadd.f32 v3, v21;
	v2 =	vadd.f32 v30, v2;
	[tilespmem:$0x1DC20] =	vst v26  }
0x370: {  	v61 =	vmul.f32 v53, v35;
	v4 =	vadd.f32 v27, v4;
	v49 =	vadd.f32 v19, v16;
	[tilespmem:$0x1DC30] =	vst v18  }
0x371: {  	v16 =	vmul.f32 v29, v35;
	v22 =	vmul.f32 v57, v24;
	v0 =	vadd.f32 v48, v17;
	[tilespmem:$0x1DC40] =	vst v2  }
0x372: {  	v34 =	vadd.f32 v63, v34;
	v18 =	vmul.f32 v28, v24;
	v2 =	vadd.f32 v32, v49;
	[tilespmem:$0x1DC70] =	vst v4  }
0x373: {  	v1 =	vmul.f32 v1, v35;
	v14 =	vadd.f32 v16, v14;
	v3 =	vadd.f32 v22, v3;
	[tilespmem:$0x1DC60] =	vst v0  }
0x374: {  	v4 =	vadd.f32 v61, v15;
	v17 =	vadd.f32 v18, v34;
	[tilespmem:$0x1DC90] =	vst v2  }
0x375: {  	v1 =	vadd.f32 v1, v23;
	v0 =	vadd.f32 v51, v14;
	[tilespmem:$0x1DC50] =	vst v3;
	v3 =	vmul.f32 v58, v24  }
0x376: {  	v52 =	vadd.f32 v31, v4;
	[tilespmem:$0x1DC80] =	vst v17  }
0x377: {  	[tilespmem:$0x1DCB0] =	vst v0;
	v1 =	vadd.f32 v3, v1  }
0x378: {  	s21 =	rddreg [dreg:$0x16];
	[tilespmem:$0x1DCC0] =	vst v52  }
0x379: {  	s10 =	simm.s32 $0xC;
	s28 =	simm.s32 $0x1DC00;
	s6 =	sadd.s32 s7, s21;
	[tilespmem:$0x1DCA0] =	vst v1  }
0x37a: {  	[hbm4b:s6+s8] =	stream.strided.scatter [tilespmem:s28], [sflag:$0x11], $0x100, s31, s8, $0x38;
	[tilespmem:$0x1DE00] =	vst v63  }
0x37b: {  	_ =	swait.ge [sflag:s10], $0x6400  }
0x37c: {  	[sflag:s10] =	ssyncset.done $0x0  }
0x37d: {  	[sflag:s10] =	ssyncadd.s32 $0xFFFF9C00  }
0x37e: {  	_ =	swait.ge [sflag:s16], $0xC8  }
0x37f: {  	v11 =	vld [tilespmem:$0x1FF90]  }
0x380: {  	v55 =	vld [tilespmem:$0x1FF60]  }
0x381: {  	v9 =	vld [tilespmem:$0x1FFF0]  }
0x382: {  	v12 =	vld [tilespmem:$0x1FFD0]  }
0x383: {  	v7 =	vlaneseq.u32;
	s21 =	simm.s32 $0x1;
	s28 =	simm.s32 $0x0;
	v8 =	vld [tilespmem:$0x1FFB0]  }
0x384: {  	v53 =	vadd.s32 s21, v7;
	v57 =	vadd.s32 s28, v7;
	[sflag:s16] =	ssyncset.done $0x0;
	v7 =	vld [tilespmem:$0x1FFE0]  }
0x385: {  	v13 =	vld [tilespmem:$0x1FF70];
	[sflag:s16] =	ssyncadd.s32 $0xFFFFFF38  }
0x386: {  	v22 =	vld [tilespmem:$0x1DB00]  }
0x387: {  	v19 =	vld [tilespmem:$0x1DB10]  }
0x388: {  	v26 =	vld [tilespmem:$0x1DB20]  }
0x389: {  	v25 =	vld [tilespmem:$0x1DB30]  }
0x38a: {  	s18 =	sor.u32 $0x380, s18;
	v18 =	vld [tilespmem:$0x1DB40]  }
0x38b: {  	v28 =	vmov s18;
	v29 =	vand.u32 $0x7F, v53;
	v21 =	vld [tilespmem:$0x1DB50]  }
0x38c: {  	v0 =	vor.u32 v28, v29;
	v17 =	vld [tilespmem:$0x1DB60]  }
0x38d: {  	v20 =	vld [tilespmem:$0x1DB70]  }
0x38e: {  	v34 =	vld [tilespmem:$0x1DB80]  }
0x38f: {  	v58 =	vor.u32 v5, v29;
	v16 =	vld [tilespmem:$0x1DB90]  }
0x390: {  	v23 =	vld [tilespmem:$0x1DBA0]  }
0x391: {  	v24 =	vld.idx.msk [tilespmem:v0+s4+$0x0], $0xffff;
	v0 =	vand.u32 $0x7F, v57  }
0x392: {  	v14 =	vld [tilespmem:$0x1DBB0];
	v31 =	vor.u32 v28, v0  }
0x393: {  	v15 =	vld [tilespmem:$0x1DBC0];
	v61 =	vor.u32 v6, v0  }
0x394: {  	v40 =	vld.idx.msk [tilespmem:v58+s30+$0x0], $0xffff;
	v63 =	vor.u32 v50, v0  }
0x395: {  	v54 =	vor.u32 v11, v29;
	v3 =	vor.u32 v9, v29;
	v42 =	vor.u32 v9, v0;
	v9 =	vld [tilespmem:$0x1FFC0]  }
0x396: {  	v56 =	vor.u32 v55, v29;
	v30 =	vor.u32 v7, v29;
	v59 =	vor.u32 v7, v0;
	v7 =	vld [tilespmem:$0x1FFA0]  }
0x397: {  	v35 =	vld.idx.msk [tilespmem:v31+s4+$0x0], $0xffff  }
0x398: {  	v4 =	vor.u32 v12, v29;
	v45 =	vld.idx.msk [tilespmem:v61+s30+$0x0], $0xffff  }
0x399: {  	v27 =	vor.u32 v8, v29;
	v49 =	vld.idx.msk [tilespmem:v63+s30+$0x0], $0xffff  }
0x39a: {  	v1 =	vld.idx.msk [tilespmem:v54+s30+$0x0], $0xffff  }
0x39b: {  	v2 =	vld.idx.msk [tilespmem:v56+s30+$0x0], $0xffff  }
0x39c: {  	v60 =	vor.u32 v13, v0;
	v3 =	vld.idx.msk [tilespmem:v3+s30+$0x0], $0xffff  }
0x39d: {  	v62 =	vor.u32 v13, v29;
	v4 =	vld.idx.msk [tilespmem:v4+s30+$0x0], $0xffff  }
0x39e: {  	v31 =	vor.u32 v55, v0;
	v33 =	vld.idx.msk [tilespmem:v27+s30+$0x0], $0xffff  }
0x39f: {  	v27 =	vor.u32 v5, v0;
	v41 =	vld.idx.msk [tilespmem:v30+s30+$0x0], $0xffff  }
0x3a0: {  	v30 =	vor.u32 v11, v0;
	v38 =	vld.idx.msk [tilespmem:v59+s30+$0x0], $0xffff  }
0x3a1: {  	v46 =	vor.u32 v12, v0;
	v43 =	vld.idx.msk [tilespmem:v60+s30+$0x0], $0xffff  }
0x3a2: {  	v44 =	vor.u32 v8, v0;
	v55 =	vor.u32 v6, v29;
	v39 =	vor.u32 v9, v0;
	v51 =	vld.idx.msk [tilespmem:v62+s30+$0x0], $0xffff  }
0x3a3: {  	v50 =	vor.u32 v7, v0;
	v48 =	vor.u32 v7, v29;
	v54 =	vor.u32 v10, v29;
	v37 =	vld.idx.msk [tilespmem:v31+s30+$0x0], $0xffff  }
0x3a4: {  	v47 =	vor.u32 v9, v29;
	v52 =	vld.idx.msk [tilespmem:v27+s30+$0x0], $0xffff;
	v31 =	vmul.f32 v1, v24;
	v32 =	vmul.f32 v2, v24  }
0x3a5: {  	s25 =	simm.s32 $0x4100;
	s18 =	simm.s32 $0x2;
	v56 =	vor.u32 v10, v0;
	v53 =	vld.idx.msk [tilespmem:v30+s30+$0x0], $0xffff;
	v30 =	vmul.f32 v3, v24;
	v27 =	vmul.f32 v4, v24  }
.LBB2_17:
0x3a6: {  	_ =	sdelay $0x1  }
0x3a7: {  	v0 =	vld.idx.msk [tilespmem:v55+s30+$0x0], $0xffff  }
0x3a8: {  	v62 =	vld [tilespmem:$0x1FF80]  }
0x3a9: {  	v4 =	vmov v35;
	v35 =	vld.idx.msk [tilespmem:v50+s30+$0x0], $0xffff  }
0x3aa: {  	v42 =	vld.idx.msk [tilespmem:v42+s30+$0x0], $0xffff  }
0x3ab: {  	v7 =	vld [tilespmem:$0x1FFE0]  }
0x3ac: {  	v9 =	vld [tilespmem:$0x1FFF0]  }
0x3ad: {  	v12 =	vld [tilespmem:$0x1FFD0]  }
0x3ae: {  	v11 =	vld [tilespmem:$0x1FF90]  }
0x3af: {  	v46 =	vld.idx.msk [tilespmem:v46+s30+$0x0], $0xffff  }
0x3b0: {  	v8 =	vld [tilespmem:$0x1FFB0];
	v36 =	vmul.f32 v33, v24;
	v61 =	vmul.f32 v37, v4  }
0x3b1: {  	v59 =	vld.idx.msk [tilespmem:v44+s30+$0x0], $0xffff;
	v1 =	vmul.f32 v41, v24;
	v63 =	vmul.f32 v52, v4  }
0x3b2: {  	s6 =	sadd.s32 $0x1, s18;
	v3 =	vmovc v24;
	v13 =	vlaneseq.u32;
	v48 =	vld.idx.msk [tilespmem:v48+s30+$0x0], $0xffff;
	v60 =	vmul.f32 v53, v4;
	v43 =	vmul.f32 v43, v4  }
0x3b3: {  	v37 =	vld.idx.msk [tilespmem:v54+s30+$0x0], $0xffff;
	v24 =	vadd.s32 s6, v13;
	v33 =	vmul.f32 v38, v4;
	v44 =	vmul.f32 v51, v3  }
0x3b4: {  	s21 =	smov.u32 s18;
	v53 =	vld.idx.msk [tilespmem:v56+s30+$0x0], $0xffff;
	v41 =	vmul.f32 v45, v4;
	v2 =	vor.u32 v62, v29;
	v29 =	vand.u32 $0x7F, v24  }
0x3b5: {  	v38 =	vld.idx.msk [tilespmem:v39+s30+$0x0], $0xffff;
	v16 =	vadd.f32 v61, v16;
	v61 =	vadd.s32 s21, v13;
	v55 =	vor.u32 v28, v29  }
0x3b6: {  	v13 =	vld [tilespmem:$0x1FF70];
	v24 =	vmul.f32 v40, v3;
	v51 =	vmul.f32 v42, v4;
	v57 =	vor.u32 v11, v29  }
0x3b7: {  	v42 =	vmul.f32 v35, v4;
	v50 =	vor.u32 v9, v29;
	v22 =	vadd.f32 v63, v22;
	v63 =	vld [tilespmem:$0x1FF60]  }
0x3b8: {  	v52 =	vor.u32 v7, v29;
	v56 =	vor.u32 v12, v29;
	v26 =	vadd.f32 v43, v26;
	v43 =	vld.idx.msk [tilespmem:v47+s30+$0x0], $0xffff  }
0x3b9: {  	v58 =	vor.u32 v8, v29;
	v15 =	vadd.f32 v60, v15;
	v25 =	vadd.f32 v33, v25;
	v2 =	vld.idx.msk [tilespmem:v2+s30+$0x0], $0xffff  }
0x3ba: {  	v60 =	vmul.f32 v49, v4;
	v16 =	vadd.f32 v32, v16;
	v22 =	vadd.f32 v24, v22;
	v24 =	vld.idx.msk [tilespmem:v55+s4+$0x0], $0xffff  }
0x3bb: {  	v40 =	vor.u32 v5, v29;
	v19 =	vadd.f32 v41, v19;
	v15 =	vadd.f32 v31, v15;
	v31 =	vld.idx.msk [tilespmem:v57+s30+$0x0], $0xffff  }
0x3bc: {  	v0 =	vmul.f32 v0, v3;
	v23 =	vadd.f32 v42, v23;
	v34 =	vadd.f32 v60, v34;
	v60 =	vld.idx.msk [tilespmem:v50+s30+$0x0], $0xffff  }
0x3bd: {  	v18 =	vadd.f32 v51, v18;
	v25 =	vadd.f32 v1, v25;
	v57 =	vand.u32 $0x7F, v61;
	v61 =	vld.idx.msk [tilespmem:v56+s30+$0x0], $0xffff  }
0x3be: {  	v19 =	vadd.f32 v0, v19;
	v26 =	vadd.f32 v44, v26;
	v39 =	vor.u32 v63, v29;
	v33 =	vld.idx.msk [tilespmem:v58+s30+$0x0], $0xffff  }
0x3bf: {  	v49 =	vmul.f32 v53, v4;
	v53 =	vmul.f32 v46, v4;
	v41 =	vld.idx.msk [tilespmem:v52+s30+$0x0], $0xffff;
	v1 =	vor.u32 v28, v57  }
0x3c0: {  	v18 =	vadd.f32 v30, v18;
	v56 =	vmul.f32 v38, v4;
	v40 =	vld.idx.msk [tilespmem:v40+s30+$0x0], $0xffff;
	v55 =	vor.u32 v7, v57  }
0x3c1: {  	v58 =	vmul.f32 v37, v3;
	v54 =	vor.u32 v13, v57;
	v42 =	vor.u32 v9, v57;
	v9 =	vld [tilespmem:$0x1FFC0]  }
0x3c2: {  	v21 =	vadd.f32 v49, v21;
	v49 =	vmul.f32 v43, v3;
	v45 =	vor.u32 v5, v57;
	v7 =	vld [tilespmem:$0x1FFA0]  }
0x3c3: {  	v20 =	vadd.f32 v53, v20;
	v4 =	vmul.f32 v59, v4;
	v0 =	vor.u32 v63, v57;
	v32 =	vld.idx.msk [tilespmem:v39+s30+$0x0], $0xffff  }
0x3c4: {  	v47 =	vor.u32 v6, v57;
	v62 =	vor.u32 v62, v57;
	v46 =	vor.u32 v12, v57;
	v35 =	vld.idx.msk [tilespmem:v1+s4+$0x0], $0xffff  }
0x3c5: {  	v44 =	vor.u32 v8, v57;
	v63 =	vor.u32 v13, v29;
	v17 =	vadd.f32 v56, v17;
	v38 =	vld.idx.msk [tilespmem:v55+s30+$0x0], $0xffff  }
0x3c6: {  	v21 =	vadd.f32 v58, v21;
	v56 =	vor.u32 v10, v57;
	v20 =	vadd.f32 v27, v20;
	v43 =	vld.idx.msk [tilespmem:v54+s30+$0x0], $0xffff  }
0x3c7: {  	p1 =	slt.u32 s18, $0x7E;
	v2 =	vmul.f32 v2, v3;
	v3 =	vmul.f32 v48, v3;
	v1 =	vor.u32 v11, v57;
	v52 =	vld.idx.msk [tilespmem:v45+s30+$0x0], $0xffff  }
.Ltmp7:
0x3c8: {  	v17 =	vadd.f32 v49, v17;
	v31 =	vmul.f32 v31, v24;
	v30 =	vmul.f32 v60, v24;
	v37 =	vld.idx.msk [tilespmem:v0+s30+$0x0], $0xffff;
	(pc) =	sbr.rel @p1 .LBB2_17-.Ltmp7, $4  }
0x3c9: {  	v27 =	vmul.f32 v61, v24;
	v39 =	vor.u32 v9, v57;
	v50 =	vor.u32 v7, v57;
	v45 =	vld.idx.msk [tilespmem:v47+s30+$0x0], $0xffff  }
0x3ca: {  	v55 =	vor.u32 v6, v29;
	v48 =	vor.u32 v7, v29;
	v0 =	vadd.f32 v4, v14;
	v51 =	vld.idx.msk [tilespmem:v63+s30+$0x0], $0xffff  }
0x3cb: {  	v23 =	vadd.f32 v3, v23;
	v54 =	vor.u32 v10, v29;
	v47 =	vor.u32 v9, v29;
	v49 =	vld.idx.msk [tilespmem:v62+s30+$0x0], $0xffff  }
0x3cc: {  	s18 =	sadd.s32 $0x2, s18;
	v34 =	vadd.f32 v2, v34;
	v14 =	vadd.f32 v36, v0;
	v32 =	vmul.f32 v32, v24;
	v53 =	vld.idx.msk [tilespmem:v1+s30+$0x0], $0xffff  }
0x3cd: {  	_ =	sdelay $0x3  }
0x3ce: {  	v0 =	vld.idx.msk [tilespmem:v55+s30+$0x0], $0xffff  }
0x3cf: {  	v13 =	vld [tilespmem:$0x1FF80]  }
0x3d0: {  	v1 =	vld.idx.msk [tilespmem:v50+s30+$0x0], $0xffff  }
0x3d1: {  	v2 =	vld.idx.msk [tilespmem:v42+s30+$0x0], $0xffff  }
0x3d2: {  	v3 =	vld.idx.msk [tilespmem:v56+s30+$0x0], $0xffff  }
0x3d3: {  	v4 =	vld.idx.msk [tilespmem:v46+s30+$0x0], $0xffff  }
0x3d4: {  	v62 =	vld.idx.msk [tilespmem:v44+s30+$0x0], $0xffff;
	v28 =	vor.u32 v13, v29  }
0x3d5: {  	v36 =	vld.idx.msk [tilespmem:v39+s30+$0x0], $0xffff;
	s6 =	smin.u32 s12, $0x70;
	s10 =	rddreg [dreg:$0x1f]  }
0x3d6: {  	v63 =	vld.idx.msk [tilespmem:v54+s30+$0x0], $0xffff;
	s6 =	sadd.s32 s6, s10  }
0x3d7: {  	v48 =	vld.idx.msk [tilespmem:v48+s30+$0x0], $0xffff;
	s6 =	sshll.u32 s6, $0x5  }
0x3d8: {  	v50 =	vld.idx.msk [tilespmem:v47+s30+$0x0], $0xffff;
	s12 =	simm.s32 $0x3;
	s6 =	sadd.s32 s5, s6  }
0x3d9: {  	v28 =	vld.idx.msk [tilespmem:v28+s30+$0x0], $0xffff;
	[tilespmem:s15], [sflag:$0x8] =	stream.linear.gather [hbm4b:s6+s4], $0x100, $0x38  }
0x3da: {  	_ =	swait.ge [sflag:s12], $0x100  }
0x3db: {  	v41 =	vmul.f32 v41, v24;
	v52 =	vmul.f32 v52, v35;
	[sflag:s12] =	ssyncset.done $0x0  }
0x3dc: {  	s18 =	simm.s32 $0x4200;
	v43 =	vmul.f32 v43, v35;
	v38 =	vmul.f32 v38, v35;
	s10 =	simm.s32 $0x1DA00;
	[sflag:s12] =	ssyncadd.s32 $0xFFFFFF00  }
0x3dd: {  	v40 =	vmul.f32 v40, v24;
	v60 =	vmul.f32 v37, v35;
	[tilespmem:s10], [sflag:$0xF] =	stream.indirect.gather [hbm4b:s2+s9], $0x1, s18, s9, $0xb8;
	[tilespmem:$0x1DE00] =	vst v63  }
0x3de: {  	v45 =	vmul.f32 v45, v35;
	v22 =	vadd.f32 v52, v22;
	v55 =	vmul.f32 v51, v24;
	s6 =	simm.s32 @!p0 $0x12  }
0x3df: {  	v25 =	vadd.f32 v38, v25;
	v26 =	vadd.f32 v43, v26;
	v56 =	vmul.f32 v49, v35;
	[tilespmem:s23], [sflag:$0xB] =	stream.indirect.gather [hbm4b:s1+s9], $0x80, s18, s9, $0xb8;
	[tilespmem:$0x1DE00] =	vst v63  }
0x3e0: {  	v19 =	vadd.f32 v45, v19;
	v22 =	vadd.f32 v40, v22;
	v0 =	vmul.f32 v0, v24;
	_ =	swait.ge @!p0 [sflag:s6], $0x100  }
0x3e1: {  	v26 =	vadd.f32 v55, v26;
	v58 =	vadd.f32 v41, v25;
	v2 =	vmul.f32 v2, v35;
	[sflag:s6] =	ssyncset.done @!p0 $0x0  }
0x3e2: {  	v3 =	vmul.f32 v3, v35;
	v4 =	vmul.f32 v4, v35;
	v0 =	vadd.f32 v0, v19;
	[sflag:s6] =	ssyncadd.s32 @!p0 $0xFFFFFF00  }
0x3e3: {  	v34 =	vadd.f32 v56, v34;
	v57 =	vmul.f32 v36, v35;
	v2 =	vadd.f32 v2, v18;
	[tilespmem:$0x1DD00] =	vst v22  }
0x3e4: {  	v59 =	vmul.f32 v63, v24;
	v1 =	vmul.f32 v1, v35;
	v3 =	vadd.f32 v3, v21;
	[tilespmem:$0x1DD10] =	vst v0  }
0x3e5: {  	v62 =	vmul.f32 v62, v35;
	v4 =	vadd.f32 v4, v20;
	v2 =	vadd.f32 v30, v2;
	[tilespmem:$0x1DD20] =	vst v26  }
0x3e6: {  	v17 =	vadd.f32 v57, v17;
	v3 =	vadd.f32 v59, v3;
	v0 =	vmul.f32 v50, v24;
	[tilespmem:$0x1DD30] =	vst v58  }
0x3e7: {  	v1 =	vadd.f32 v1, v23;
	v4 =	vadd.f32 v27, v4;
	v61 =	vmul.f32 v28, v24;
	[tilespmem:$0x1DD40] =	vst v2  }
0x3e8: {  	v54 =	vmul.f32 v53, v35;
	v12 =	vld [tilespmem:$0x1FFD0];
	v2 =	vadd.f32 v60, v16;
	[tilespmem:$0x1DD50] =	vst v3;
	v0 =	vadd.f32 v0, v17  }
0x3e9: {  	v14 =	vadd.f32 v62, v14;
	v63 =	vadd.f32 v61, v34;
	v9 =	vld [tilespmem:$0x1FF60];
	v3 =	vmul.f32 v48, v24;
	[tilespmem:$0x1DD70] =	vst v4  }
0x3ea: {  	s11 =	sadd.s32 $0x1, s11;
	v7 =	vld [tilespmem:$0x1FFA0];
	v4 =	vadd.f32 v54, v15;
	v2 =	vadd.f32 v32, v2;
	[tilespmem:$0x1DD60] =	vst v0;
	v0 =	vmul.f32 v33, v24  }
0x3eb: {  	v8 =	vld [tilespmem:$0x1FF90];
	p0 =	sne.s32 s11, $0x10;
	[tilespmem:$0x1DD80] =	vst v63;
	v1 =	vadd.f32 v3, v1  }
.Ltmp8:
0x3ec: {  	v60 =	vmov v10;
	v10 =	vld [tilespmem:$0x1FFB0];
	[tilespmem:$0x1DD90] =	vst v2;
	v2 =	vadd.f32 v31, v4;
	v0 =	vadd.f32 v0, v14;
	(pc) =	sbr.rel @p0 .LBB2_2-.Ltmp8, $4  }
0x3ed: {  	v3 =	vld [tilespmem:$0x1FFF0];
	[tilespmem:$0x1DDA0] =	vst v1  }
0x3ee: {  	s21 =	rddreg [dreg:$0x17];
	v1 =	vld [tilespmem:$0x1FF70];
	[tilespmem:$0x1DDC0] =	vst v2  }
0x3ef: {  	s28 =	simm.s32 $0x1DD00;
	s10 =	simm.s32 $0x4200;
	s6 =	sadd.s32 s7, s21;
	v2 =	vld [tilespmem:$0x1FFE0];
	[tilespmem:$0x1DDB0] =	vst v0  }
0x3f0: {  	v11 =	vlaneseq.u32;
	v4 =	vmov v13;
	[hbm4b:s6+s8] =	stream.strided.scatter [tilespmem:s28], [sflag:$0x12], $0x100, s31, s8, $0x38;
	v0 =	vmov v6;
	v6 =	vld [tilespmem:$0x1FFC0]  }
0x3f1: {  	s6 =	simm.s32 $0x11  }
0x3f2: {  	_ =	swait.ge [sflag:s6], $0x100  }
0x3f3: {  	[sflag:s6] =	ssyncset.done $0x0  }
0x3f4: {  	s12 =	simm.s32 $0x12;
	[sflag:s6] =	ssyncadd.s32 $0xFFFFFF00  }
0x3f5: {  	_ =	swait.ge [sflag:s12], $0x100  }
0x3f6: {  	[sflag:s12] =	ssyncset.done $0x0  }
0x3f7: {  	[sflag:s12] =	ssyncadd.s32 $0xFFFFFF00  }
0x3f8: {  	_ =	swait.ge [sflag:s24], $0x6400  }
0x3f9: {  	[sflag:s24] =	ssyncset.done $0x0  }
0x3fa: {  	[sflag:s24] =	ssyncadd.s32 $0xFFFF9C00  }
0x3fb: {  	_ =	swait.ge [sflag:s26], $0xC8  }
0x3fc: {  	[sflag:s26] =	ssyncset.done $0x0  }
0x3fd: {  	[sflag:s26] =	ssyncadd.s32 $0xFFFFFF38  }
0x3fe: {  	_ =	swait.ge [sflag:s3], $0x6400  }
0x3ff: {  	[sflag:s3] =	ssyncset.done $0x0  }
0x400: {  	[sflag:s3] =	ssyncadd.s32 $0xFFFF9C00  }
0x401: {  	_ =	swait.ge [sflag:s29], $0xC8  }
0x402: {  	[sflag:s29] =	ssyncset.done $0x0  }
0x403: {  	[sflag:s29] =	ssyncadd.s32 $0xFFFFFF38  }
0x404: {  	_ =	swait.ge [sflag:s22], $0x6400  }
0x405: {  	[sflag:s22] =	ssyncset.done $0x0  }
0x406: {  	[sflag:s22] =	ssyncadd.s32 $0xFFFF9C00  }
0x407: {  	_ =	swait.ge [sflag:s13], $0xC8  }
0x408: {  	[sflag:s13] =	ssyncset.done $0x0  }
0x409: {  	s14 =	simm.s32 $0x4;
	[sflag:s13] =	ssyncadd.s32 $0xFFFFFF38  }
0x40a: {  	_ =	swait.ge [sflag:s14], $0x100  }
0x40b: {  	[sflag:s14] =	ssyncset.done $0x0  }
0x40c: {  	s18 =	simm.s32 $0x5;
	[sflag:s14] =	ssyncadd.s32 $0xFFFFFF00  }
0x40d: {  	_ =	swait.ge [sflag:s18], $0x100  }
0x40e: {  	[sflag:s18] =	ssyncset.done $0x0  }
0x40f: {  	s21 =	simm.s32 $0x6;
	[sflag:s18] =	ssyncadd.s32 $0xFFFFFF00  }
0x410: {  	_ =	swait.ge [sflag:s21], $0x100  }
0x411: {  	[sflag:s21] =	ssyncset.done $0x0  }
0x412: {  	s25 =	simm.s32 $0x7;
	[sflag:s21] =	ssyncadd.s32 $0xFFFFFF00  }
0x413: {  	_ =	swait.ge [sflag:s25], $0x100  }
0x414: {  	[sflag:s25] =	ssyncset.done $0x0  }
0x415: {  	s7 =	simm.s32 $0x8;
	[sflag:s25] =	ssyncadd.s32 $0xFFFFFF00  }
0x416: {  	_ =	swait.ge [sflag:s7], $0x100  }
0x417: {  	s10 =	sld [smem:$0x7FD];
	_ =	sdelay $0x2  }
0x418: {  	s28 =	rddreg [dreg:$0x18];
	s10 =	sadd.s32 $0x1, s10  }
0x419: {  	p0 =	sne.s32 s10, s28  }
.Ltmp9:
0x41a: {  	_ = 	snop;
	(pc) =	sbr.rel @p0 .LBB2_1-.Ltmp9, $3  }
0x41b: {  	_ =	sdelay $0x1  }
0x41c: {  	[sflag:s7] =	ssyncset.done $0x0  }
0x41d: {  	[sflag:s7] =	ssyncadd.s32 $0xFFFFFF00  }
0x41e: {  	_ =	sfence.sel $0x180000  }
0x41f: {  	[bflag:$0x0] =	sbarrier.arrive $0xFFFF  }
0x420: {  	_ =	strace $0x90000047  }
0x421: {  	s0 =	stileid.u32;
	[bflag:$0x2] =	sbarrier.arrive $0xFFFF  }
0x422: {  	p0 =	sne.s32 s0, $0x0;
	s0 =	rddreg [dreg:$0x4]  }
0x423: {  	s0 =	sadd.s32 @!p0 $0x100000, s0  }
0x424: {  	[sflag:s0] =	ssyncadd.tile.s32 @!p0 $0x1;
	_ =	shalt  }
.Lfunc_end2:
_tile_overlayer_lowered:
.L_overlay_start_2:
0x425: {  	(tag) =	ssettag $0x2  }
0x426: {  	s0 =	rddreg [dreg:$0x0];
	s2 =	stileid.u32  }
0x427: {  	s1 =	rddreg [dreg:$0x1];
	p0 =	sne.s32 s2, $0x0  }
0x428: {  	s3 =	rddreg [dreg:$0x2];
	[bflag:$0x3] =	sbarrier.arrive $0xFFFF;
	s2 =	simm.s32 @!p0 $0x1C13  }
0x429: {  	[timem:s3], [sflag:s2] =	dma.local @!p0 [hbm:s0], s1  }
0x42a: {  	s0 =	simm.s32 @!p0 $0x13  }
0x42b: {  	_ =	swait.ge @!p0 [sflag:s0], s1  }
0x42c: {  	s1 =	ssub.s32 @!p0 $0x0, s1;
	[sflag:s0] =	ssyncset.done @!p0 $0x0  }
0x42d: {  	[sflag:s0] =	ssyncadd.s32 @!p0 s1  }
0x42e: {  	[bflag:$0x3] =	sbarrier.arrive $0xFFFF  }
0x42f: {  	_ =	shalt  }

</sc_bundles>
